<compile_context>
chip_gen: v7x
topology: tpu7x:2x2x1
jax: 0.10.2.dev20260603
libtpu: 0.0.44.dev20260713+nightly
codegen_flags: <defaults>
</compile_context>

<pallas_src>
import functools

import numpy as np

import jax
import jax.numpy as jnp
from jax import lax
from jax.experimental import pallas as pl
from jax.experimental.pallas import tpu as pltpu
from jax.experimental.pallas import tpu_sc as plsc

_NBINS = 256
_C = 96
_N = 512 * 512
_J = 2
_KEYBITS = 11
_NB = 1 << _KEYBITS
_NLANE = 16
_NARR = 2
_TBL = _NARR * _NLANE * _NB
_TASKS = _J * _C
_NWORK = 32
_TPW = _TASKS // _NWORK
_CH = 8192
_NCHUNK = _N // _CH


def _width_table():
    keys = np.arange(_NB + 1, dtype=np.uint64)
    b = (keys << (32 - _KEYBITS)).astype(np.uint32)
    neg = (b & np.uint32(0x80000000)) == 0
    mag = np.where(neg, ~b, b & np.uint32(0x7FFFFFFF)).astype(np.uint32)
    expo = (mag >> np.uint32(23)) & np.uint32(0xFF)
    mag = np.where(expo >= 255, np.uint32(0x7F000000), mag).astype(np.uint32)
    v = mag.view(np.float32)
    bnd = np.where(neg, -np.abs(v), np.abs(v))
    return np.abs(bnd[1:] - bnd[:-1]).astype(np.float32)


_WIDTH = _width_table()


def _sc_body(in_hbm, masks_hbm, th_hbm, tmn_hbm, tmx_hbm, wid_hbm, out_hbm,
             tbl, inbuf, mbuf, red, cc, csum, thbuf, tmnbuf, tmxbuf, widbuf,
             outbuf, isem0, isem1, msem0, msem1):
    wid = lax.axis_index("s") * 2 + lax.axis_index("c")
    laneoff = lax.iota(jnp.int32, 16) * _NB
    lane = lax.iota(jnp.int32, 16)
    ones = jnp.ones((16,), jnp.float32)
    zeros = jnp.zeros((16,), jnp.float32)
    signbit = jnp.int32(-2147483648)
    isems = (isem0, isem1)
    msems = (msem0, msem1)

    pltpu.sync_copy(wid_hbm, widbuf)

    @pl.loop(0, _TPW)
    def _task(t):
        task = wid * _TPW + t
        j = jnp.where(task >= _C, 1, 0)
        c = task - j * _C

        pltpu.sync_copy(th_hbm.at[task], thbuf)
        pltpu.sync_copy(tmn_hbm.at[task], tmnbuf)
        pltpu.sync_copy(tmx_hbm.at[task], tmxbuf)

        @plsc.parallel_loop(0, _TBL // 16, 1, unroll=8)
        def _zero(i):
            tbl[pl.ds(i * 16, 16)] = zeros

        def issue(s, b):
            pltpu.async_copy(in_hbm.at[c, pl.ds(s * _CH, _CH)],
                             inbuf.at[b], isems[b])
            pltpu.async_copy(masks_hbm.at[j, pl.ds(s * _CH, _CH)],
                             mbuf.at[b], msems[b])

        def wait(s, b):
            pltpu.make_async_copy(in_hbm.at[c, pl.ds(s * _CH, _CH)],
                                  inbuf.at[b], isems[b]).wait()
            pltpu.make_async_copy(masks_hbm.at[j, pl.ds(s * _CH, _CH)],
                                  mbuf.at[b], msems[b]).wait()

        def compute(b, carry):
            def one(base, acc):
                v = inbuf[b, pl.ds(base, 16)]
                m = mbuf[b, pl.ds(base, 16)]
                x = m * v
                bi = lax.bitcast_convert_type(x, jnp.int32)
                sgn = jnp.right_shift(bi, 31)
                key = jnp.bitwise_xor(bi, jnp.bitwise_or(sgn, signbit))
                bkt = lax.shift_right_logical(key, 32 - _KEYBITS)
                idx = laneoff + bkt
                plsc.addupdate_scatter(tbl, [idx], ones)
                plsc.addupdate_scatter(tbl, [idx + _NLANE * _NB], x)
                return acc + x * x

            @plsc.parallel_loop(0, _CH // 64, 1, carry=carry)
            def _vec(i, acc):
                a0, a1, a2, a3 = acc
                base = i * 64
                a0 = one(base, a0)
                a1 = one(base + 16, a1)
                a2 = one(base + 32, a2)
                a3 = one(base + 48, a3)
                return (a0, a1, a2, a3)

            return _vec

        acc = (zeros, zeros, zeros, zeros)
        issue(0, 0)

        @pl.loop(0, _NCHUNK // 2, init_carry=acc)
        def _pair(p, acc):
            s0 = 2 * p
            issue(s0 + 1, 1)
            wait(s0, 0)
            acc = compute(0, acc)

            @pl.when(s0 + 2 < _NCHUNK)
            def _():
                issue(s0 + 2, 0)

            wait(s0 + 1, 1)
            return compute(1, acc)

        a0, a1, a2, a3 = _pair
        sq_acc = (a0 + a1) + (a2 + a3)

        for a in range(_NARR):
            @plsc.parallel_loop(0, _NB // 16, 1)
            def _red(i):
                acc = tbl[pl.ds(a * _NLANE * _NB + i * 16, 16)]
                for l in range(1, _NLANE):
                    acc += tbl[pl.ds(a * _NLANE * _NB + l * _NB + i * 16, 16)]
                red[pl.ds(a * _NB + i * 16, 16)] = acc

        def _cs_body(i, carry):
            cc_c, cs_c = carry
            cv = red[pl.ds(i * 16, 16)]
            sv = red[pl.ds(_NB + i * 16, 16)]
            cc[pl.ds(i * 16, 16)] = plsc.cumsum(cv) + cc_c
            csum[pl.ds(i * 16, 16)] = plsc.cumsum(sv) + cs_c
            return (cc_c + jnp.sum(cv), cs_c + jnp.sum(sv))

        lax.fori_loop(0, _NB // 16, _cs_body, (zeros, zeros))

        def _th_body(g, carry):
            hv = thbuf[pl.ds(g * 16, 16)]
            thbuf[pl.ds(g * 16, 16)] = plsc.cumsum(hv) + carry
            return carry + jnp.sum(hv)

        total = lax.fori_loop(0, _NBINS // 16, _th_body, zeros)
        total = jnp.maximum(total, 1e-12)

        tmn = tmnbuf[pl.ds(0, 16)]
        tmx = tmxbuf[pl.ds(0, 16)]
        scale = (tmx - tmn) / jnp.float32(_NBINS - 1)
        nf = jnp.float32(_N)

        cross_acc = zeros
        st2_acc = zeros
        for g in range(_NBINS // 16):
            cdfv = thbuf[pl.ds(g * 16, 16)]
            cdfs = cdfv / total * nf
            r = jnp.clip(cdfs.astype(jnp.int32).astype(jnp.float32), 0.0, nf)
            b_idx = lane + g * 16
            r = jnp.where(b_idx == _NBINS - 1, nf, r)

            base = jnp.zeros((16,), jnp.int32)
            for bit in (1024, 512, 256, 128, 64, 32, 16, 8, 4, 2, 1):
                mid = base + (bit - 1)
                v = plsc.load_gather(cc, [mid])
                base = jnp.where(v < r, base + bit, base)
            k = base
            km1 = jnp.maximum(k - 1, 0)
            zerok = k == 0
            ccm = jnp.where(zerok, 0.0, plsc.load_gather(cc, [km1]))
            csm = jnp.where(zerok, 0.0, plsc.load_gather(csum, [km1]))
            cnt_at = plsc.load_gather(red, [k])
            sum_at = plsc.load_gather(red, [k + _NB])
            wk = plsc.load_gather(widbuf, [k])

            m = r - ccm
            ac = jnp.maximum(cnt_at, 1.0)
            mu = sum_at / ac
            s = csm + m * mu - 0.5 * wk * m * (1.0 - m / ac)

            bf = b_idx.astype(jnp.float32)
            tv = bf * scale + tmn
            lastm = b_idx == _NBINS - 1
            tnext = jnp.where(lastm, 0.0, (bf + 1.0) * scale + tmn)
            tnext2 = jnp.where(lastm, 0.0, tnext * tnext)
            cross_acc = cross_acc + s * (tv - tnext)
            st2_acc = st2_acc + r * (tv * tv - tnext2)

        outbuf[pl.ds(0, 16)] = sq_acc - 2.0 * cross_acc + st2_acc
        pltpu.sync_copy(outbuf, out_hbm.at[task])


@functools.cache
def _sc_kernel():
    return pl.kernel(
        _sc_body,
        out_type=jax.ShapeDtypeStruct((_TASKS, 16), jnp.float32),
        mesh=plsc.VectorSubcoreMesh(core_axis_name="c", subcore_axis_name="s"),
        scratch_types=[
            pltpu.VMEM((_TBL,), jnp.float32),
            pltpu.VMEM((2, _CH), jnp.float32),
            pltpu.VMEM((2, _CH), jnp.float32),
            pltpu.VMEM((_NARR * _NB,), jnp.float32),
            pltpu.VMEM((_NB,), jnp.float32),
            pltpu.VMEM((_NB,), jnp.float32),
            pltpu.VMEM((_NBINS,), jnp.float32),
            pltpu.VMEM((16,), jnp.float32),
            pltpu.VMEM((16,), jnp.float32),
            pltpu.VMEM((_NB,), jnp.float32),
            pltpu.VMEM((16,), jnp.float32),
            pltpu.SemaphoreType.DMA,
            pltpu.SemaphoreType.DMA,
            pltpu.SemaphoreType.DMA,
            pltpu.SemaphoreType.DMA,
        ],
        compiler_params=pltpu.CompilerParams(needs_layout_passes=False),
    )


def kernel(input, masks, target_hists, target_mins, target_maxs):
    inp2 = input.reshape(_C, _N)
    m2 = masks.reshape(_J, _N)
    th2 = target_hists.reshape(_TASKS, _NBINS)
    tmn = jnp.broadcast_to(target_mins.reshape(_TASKS, 1), (_TASKS, 16))
    tmx = jnp.broadcast_to(target_maxs.reshape(_TASKS, 1), (_TASKS, 16))
    wtab = jnp.asarray(_WIDTH)
    parts = _sc_kernel()(inp2, m2, th2, tmn, tmx, wtab)
    return (0.01 / (_C * _N)) * jnp.sum(parts)

# --- scband reference (transcript-rebuilt; emitter-appended) ---
"""Pipeline reference for scband-hist-loss-72464688218854 (READ-ONLY COPY).

The authoritative reference and input builder live on the scoring server;
editing this copy changes nothing except your own understanding.
"""

import jax, jax.numpy as jnp
import numpy as np

NBINS = 256
STRENGTH = 1.0
C, H, W, J = 96, 512, 512, 2


def compute_histogram(x, nbins=NBINS):
    # x: [C, H, W] -> per-channel histogram [C, nbins] (cpp.computeHistogram)
    c = x.shape[0]
    xf = x.reshape(c, -1)
    mn = xf.min(axis=1, keepdims=True)
    mx = xf.max(axis=1, keepdims=True)
    scale = jnp.where(mx > mn, mx - mn, 1.0)
    idx = jnp.clip(jnp.floor((xf - mn) / scale * (nbins - 1)), 0, nbins - 1).astype(jnp.int32)
    ones = jnp.ones_like(xf, dtype=jnp.float32)
    hist = jax.vmap(lambda i, o: jnp.zeros((nbins,), jnp.float32).at[i].add(o))(idx, ones)
    return hist


def match_histogram(x, target_hist, nbins=NBINS):
    # x: [C, H, W]; target_hist: [C, nbins] -> matched values in [0,1] (cpp.matchHistogram)
    c, h, w = x.shape
    n = h * w
    xf = x.reshape(c, n)
    order = jnp.argsort(xf, axis=1)
    cdf = jnp.cumsum(target_hist, axis=1)
    total = jnp.maximum(cdf[:, -1:], 1e-12)
    cdf_scaled = cdf / total * n
    ranks = jnp.arange(1, n + 1, dtype=jnp.float32)
    bins = jax.vmap(lambda cc: jnp.searchsorted(cc, ranks, side='left'))(cdf_scaled)
    vals = jnp.clip(bins, 0, nbins - 1).astype(jnp.float32) / (nbins - 1)
    matched = jax.vmap(lambda o, v: jnp.zeros((n,), jnp.float32).at[o].set(v))(order, vals)
    return matched.reshape(c, h, w)


def setup_inputs(seed: int = 0) -> dict:
    key = jax.random.key(seed)
    k1, k2, k3, k4, k5 = jax.random.split(key, 5)
    inp = jax.random.normal(k1, (1, C, H, W), dtype=jnp.float32)
    masks = jax.random.uniform(k2, (J, H, W), dtype=jnp.float32)
    target_hists = jax.random.uniform(k3, (J, C, NBINS), dtype=jnp.float32) * 100.0
    target_mins = jax.random.uniform(k4, (J, C), dtype=jnp.float32) - 2.0  # in [-2,-1)
    target_maxs = jax.random.uniform(k5, (J, C), dtype=jnp.float32) + 1.0  # in [1,2)
    return {"input": inp, "masks": masks, "target_hists": target_hists,
            "target_mins": target_mins, "target_maxs": target_maxs}


def reference(input, masks, target_hists, target_mins, target_maxs):
    # HistLoss.forward in 'loss' mode: for each style j, mask the feature map,
    # histogram-match the target (detached, like .data in torch), then MSE.
    loss = jnp.float32(0.0)
    for j in range(J):
        l_mask = masks[j][None, None, :, :]  # expand to input size [1,C,H,W]
        masked = l_mask * input
        mf = masked[0]
        _hist = compute_histogram(mf)  # computed in original loss path but unused
        matched = match_histogram(mf, target_hists[j])
        tmin = target_mins[j][:, None, None]
        tmax = target_maxs[j][:, None, None]
        target = matched * (tmax - tmin) + tmin
        target = jax.lax.stop_gradient(target)[None]  # res.data in torch
        loss = loss + 0.01 * STRENGTH * jnp.mean((masked - target) ** 2)
    return loss

if __name__ == "__main__":
    import jax
    _d = setup_inputs()
    print(jax.jit(kernel)(*tuple(_d.values())))

</pallas_src>

<mosaic_0001>
#map = affine_map<(d0, d1) -> (0, 0)>
#map1 = affine_map<(d0, d1) -> (0)>
module attributes {stable_mosaic.version = 14 : i64} {
  func.func @_sc_body(%arg0: i32, %arg1: i32, %arg2: memref<96x262144xf32, #tpu.memory_space<hbm>>, %arg3: memref<2x262144xf32, #tpu.memory_space<hbm>>, %arg4: memref<192x256xf32, #tpu.memory_space<hbm>>, %arg5: memref<192x16xf32, #tpu.memory_space<hbm>>, %arg6: memref<192x16xf32, #tpu.memory_space<hbm>>, %arg7: memref<2048xf32, #tpu.memory_space<hbm>>, %arg8: memref<192x16xf32, #tpu.memory_space<hbm>>, %arg9: memref<65536xf32, #tpu.memory_space<vmem>>, %arg10: memref<2x8192xf32, #tpu.memory_space<vmem>>, %arg11: memref<2x8192xf32, #tpu.memory_space<vmem>>, %arg12: memref<4096xf32, #tpu.memory_space<vmem>>, %arg13: memref<2048xf32, #tpu.memory_space<vmem>>, %arg14: memref<2048xf32, #tpu.memory_space<vmem>>, %arg15: memref<256xf32, #tpu.memory_space<vmem>>, %arg16: memref<16xf32, #tpu.memory_space<vmem>>, %arg17: memref<16xf32, #tpu.memory_space<vmem>>, %arg18: memref<2048xf32, #tpu.memory_space<vmem>>, %arg19: memref<16xf32, #tpu.memory_space<vmem>>, %arg20: memref<!tpu.dma_semaphore, #tpu.memory_space<semaphore_mem>>, %arg21: memref<!tpu.dma_semaphore, #tpu.memory_space<semaphore_mem>>, %arg22: memref<!tpu.dma_semaphore, #tpu.memory_space<semaphore_mem>>, %arg23: memref<!tpu.dma_semaphore, #tpu.memory_space<semaphore_mem>>) attributes {dimension_semantics = [#tpu.dimension_semantics<core_parallel>, #tpu.dimension_semantics<subcore_parallel>], iteration_bounds = array<i64: 2, 16>, scalar_prefetch = 0 : i64, scratch_operands = 15 : i64, tpu.core_type = #tpu.core_type<sc_vector_subcore>, window_params = [{transform_indices = #map}, {transform_indices = #map}, {transform_indices = #map}, {transform_indices = #map}, {transform_indices = #map}, {transform_indices = #map1}, {transform_indices = #map}]} {
    %mul3A = arith.constant 2 : i32
    %mul3A_0 = arith.muli %arg1, %mul3A : i32
    %add3A = arith.addi %mul3A_0, %arg0 : i32
    %iota3A = tpu.iota {dimensions = array<i32: 0>} : vector<16xi32>
    %mul3A_1 = arith.constant 2048 : i32
    %mul3A_2 = vector.broadcast %mul3A_1 : i32 to vector<16xi32>
    %mul3A_3 = arith.muli %iota3A, %mul3A_2 : vector<16xi32>
    %iota3A_4 = tpu.iota {dimensions = array<i32: 0>} : vector<16xi32>
    %broadcast_in_dim3A = arith.constant 1.000000e+00 : f32
    %broadcast_in_dim3A_5 = vector.broadcast %broadcast_in_dim3A : f32 to vector<16xf32>
    %broadcast_in_dim3A_6 = arith.constant 0.000000e+00 : f32
    %broadcast_in_dim3A_7 = vector.broadcast %broadcast_in_dim3A_6 : f32 to vector<16xf32>
    "tpu.region"() ({
      %run_scoped3A = tpu.sem_alloc : memref<!tpu.dma_semaphore, #tpu.memory_space<semaphore_mem>>
      tpu.enqueue_dma source(%arg7 : memref<2048xf32, #tpu.memory_space<hbm>>) target(%arg18 : memref<2048xf32, #tpu.memory_space<vmem>>) target_semaphore(%run_scoped3A : memref<!tpu.dma_semaphore, #tpu.memory_space<semaphore_mem>>)
      tpu.wait_dma2 semaphore(%run_scoped3A : memref<!tpu.dma_semaphore, #tpu.memory_space<semaphore_mem>>) src(%arg7 : memref<2048xf32, #tpu.memory_space<hbm>>) dst(%arg18 : memref<2048xf32, #tpu.memory_space<vmem>>)
      tpu.yield
    }) : () -> ()
    %scan3A = arith.constant -2147483648 : i32
    %scan3A_8 = arith.constant 0 : i32
    %scan3A_9 = arith.constant 6 : i32
    %scan3A_10 = arith.addi %scan3A_8, %scan3A_9 : i32
    %scan3A_11 = arith.constant 1 : i32
    scf.for %scan3A_13 = %scan3A_8 to %scan3A_10 step %scan3A_11  : i32 {
      %mul3A_14 = arith.constant 1 : i32
      %mul3A_15 = arith.muli %scan3A_13, %mul3A_14 : i32
      %add3A_16 = arith.constant 0 : i32
      %add3A_17 = arith.addi %add3A_16, %mul3A_15 : i32
      %mul3A_18 = arith.constant 6 : i32
      %mul3A_19 = arith.muli %add3A, %mul3A_18 : i32
      %add3A_20 = arith.addi %mul3A_19, %add3A_17 : i32
      %ge3A = arith.constant 96 : i32
      %ge3A_21 = arith.cmpi sge, %add3A_20, %ge3A : i32
      %jit3A = arith.constant 1 : i32
      %jit3A_22 = arith.constant 0 : i32
      %select_n3A = arith.select %ge3A_21, %jit3A, %jit3A_22 : i32
      %mul3A_23 = arith.constant 96 : i32
      %mul3A_24 = arith.muli %select_n3A, %mul3A_23 : i32
      %sub3A = arith.subi %add3A_20, %mul3A_24 : i32
      "tpu.region"() ({
        %run_scoped3A = tpu.sem_alloc : memref<!tpu.dma_semaphore, #tpu.memory_space<semaphore_mem>>
        %dma_start3A_3112 = arith.constant 0 : i32
        %dma_start3A_3113 = tpu.memref_slice %arg4[%add3A_20, %dma_start3A_3112] : memref<192x256xf32, #tpu.memory_space<hbm>> -> memref<1x256xf32, #tpu.memory_space<hbm>>
        %dma_start3A_3114 = tpu.memref_squeeze %dma_start3A_3113 : memref<1x256xf32, #tpu.memory_space<hbm>> -> memref<256xf32, #tpu.memory_space<hbm>>
        %dma_start3A_3115 = arith.constant 0 : i32
        %dma_start3A_3116 = tpu.memref_slice %arg4[%add3A_20, %dma_start3A_3115] : memref<192x256xf32, #tpu.memory_space<hbm>> -> memref<1x256xf32, #tpu.memory_space<hbm>>
        %dma_start3A_3117 = tpu.memref_squeeze %dma_start3A_3116 : memref<1x256xf32, #tpu.memory_space<hbm>> -> memref<256xf32, #tpu.memory_space<hbm>>
        tpu.enqueue_dma source(%dma_start3A_3117 : memref<256xf32, #tpu.memory_space<hbm>>) target(%arg15 : memref<256xf32, #tpu.memory_space<vmem>>) target_semaphore(%run_scoped3A : memref<!tpu.dma_semaphore, #tpu.memory_space<semaphore_mem>>)
        %dma_wait3A = arith.constant 0 : i32
        %dma_wait3A_3118 = tpu.memref_slice %arg4[%add3A_20, %dma_wait3A] : memref<192x256xf32, #tpu.memory_space<hbm>> -> memref<1x256xf32, #tpu.memory_space<hbm>>
        %dma_wait3A_3119 = tpu.memref_squeeze %dma_wait3A_3118 : memref<1x256xf32, #tpu.memory_space<hbm>> -> memref<256xf32, #tpu.memory_space<hbm>>
        %dma_wait3A_3120 = arith.constant 0 : i32
        %dma_wait3A_3121 = tpu.memref_slice %arg4[%add3A_20, %dma_wait3A_3120] : memref<192x256xf32, #tpu.memory_space<hbm>> -> memref<1x256xf32, #tpu.memory_space<hbm>>
        %dma_wait3A_3122 = tpu.memref_squeeze %dma_wait3A_3121 : memref<1x256xf32, #tpu.memory_space<hbm>> -> memref<256xf32, #tpu.memory_space<hbm>>
        tpu.wait_dma2 semaphore(%run_scoped3A : memref<!tpu.dma_semaphore, #tpu.memory_space<semaphore_mem>>) src(%dma_wait3A_3122 : memref<256xf32, #tpu.memory_space<hbm>>) dst(%arg15 : memref<256xf32, #tpu.memory_space<vmem>>)
        tpu.yield
      }) : () -> ()
      "tpu.region"() ({
        %run_scoped3A = tpu.sem_alloc : memref<!tpu.dma_semaphore, #tpu.memory_space<semaphore_mem>>
        %dma_start3A_3112 = arith.constant 0 : i32
        %dma_start3A_3113 = tpu.memref_slice %arg5[%add3A_20, %dma_start3A_3112] : memref<192x16xf32, #tpu.memory_space<hbm>> -> memref<1x16xf32, #tpu.memory_space<hbm>>
        %dma_start3A_3114 = tpu.memref_squeeze %dma_start3A_3113 : memref<1x16xf32, #tpu.memory_space<hbm>> -> memref<16xf32, #tpu.memory_space<hbm>>
        %dma_start3A_3115 = arith.constant 0 : i32
        %dma_start3A_3116 = tpu.memref_slice %arg5[%add3A_20, %dma_start3A_3115] : memref<192x16xf32, #tpu.memory_space<hbm>> -> memref<1x16xf32, #tpu.memory_space<hbm>>
        %dma_start3A_3117 = tpu.memref_squeeze %dma_start3A_3116 : memref<1x16xf32, #tpu.memory_space<hbm>> -> memref<16xf32, #tpu.memory_space<hbm>>
        tpu.enqueue_dma source(%dma_start3A_3117 : memref<16xf32, #tpu.memory_space<hbm>>) target(%arg16 : memref<16xf32, #tpu.memory_space<vmem>>) target_semaphore(%run_scoped3A : memref<!tpu.dma_semaphore, #tpu.memory_space<semaphore_mem>>)
        %dma_wait3A = arith.constant 0 : i32
        %dma_wait3A_3118 = tpu.memref_slice %arg5[%add3A_20, %dma_wait3A] : memref<192x16xf32, #tpu.memory_space<hbm>> -> memref<1x16xf32, #tpu.memory_space<hbm>>
        %dma_wait3A_3119 = tpu.memref_squeeze %dma_wait3A_3118 : memref<1x16xf32, #tpu.memory_space<hbm>> -> memref<16xf32, #tpu.memory_space<hbm>>
        %dma_wait3A_3120 = arith.constant 0 : i32
        %dma_wait3A_3121 = tpu.memref_slice %arg5[%add3A_20, %dma_wait3A_3120] : memref<192x16xf32, #tpu.memory_space<hbm>> -> memref<1x16xf32, #tpu.memory_space<hbm>>
        %dma_wait3A_3122 = tpu.memref_squeeze %dma_wait3A_3121 : memref<1x16xf32, #tpu.memory_space<hbm>> -> memref<16xf32, #tpu.memory_space<hbm>>
        tpu.wait_dma2 semaphore(%run_scoped3A : memref<!tpu.dma_semaphore, #tpu.memory_space<semaphore_mem>>) src(%dma_wait3A_3122 : memref<16xf32, #tpu.memory_space<hbm>>) dst(%arg16 : memref<16xf32, #tpu.memory_space<vmem>>)
        tpu.yield
      }) : () -> ()
      "tpu.region"() ({
        %run_scoped3A = tpu.sem_alloc : memref<!tpu.dma_semaphore, #tpu.memory_space<semaphore_mem>>
        %dma_start3A_3112 = arith.constant 0 : i32
        %dma_start3A_3113 = tpu.memref_slice %arg6[%add3A_20, %dma_start3A_3112] : memref<192x16xf32, #tpu.memory_space<hbm>> -> memref<1x16xf32, #tpu.memory_space<hbm>>
        %dma_start3A_3114 = tpu.memref_squeeze %dma_start3A_3113 : memref<1x16xf32, #tpu.memory_space<hbm>> -> memref<16xf32, #tpu.memory_space<hbm>>
        %dma_start3A_3115 = arith.constant 0 : i32
        %dma_start3A_3116 = tpu.memref_slice %arg6[%add3A_20, %dma_start3A_3115] : memref<192x16xf32, #tpu.memory_space<hbm>> -> memref<1x16xf32, #tpu.memory_space<hbm>>
        %dma_start3A_3117 = tpu.memref_squeeze %dma_start3A_3116 : memref<1x16xf32, #tpu.memory_space<hbm>> -> memref<16xf32, #tpu.memory_space<hbm>>
        tpu.enqueue_dma source(%dma_start3A_3117 : memref<16xf32, #tpu.memory_space<hbm>>) target(%arg17 : memref<16xf32, #tpu.memory_space<vmem>>) target_semaphore(%run_scoped3A : memref<!tpu.dma_semaphore, #tpu.memory_space<semaphore_mem>>)
        %dma_wait3A = arith.constant 0 : i32
        %dma_wait3A_3118 = tpu.memref_slice %arg6[%add3A_20, %dma_wait3A] : memref<192x16xf32, #tpu.memory_space<hbm>> -> memref<1x16xf32, #tpu.memory_space<hbm>>
        %dma_wait3A_3119 = tpu.memref_squeeze %dma_wait3A_3118 : memref<1x16xf32, #tpu.memory_space<hbm>> -> memref<16xf32, #tpu.memory_space<hbm>>
        %dma_wait3A_3120 = arith.constant 0 : i32
        %dma_wait3A_3121 = tpu.memref_slice %arg6[%add3A_20, %dma_wait3A_3120] : memref<192x16xf32, #tpu.memory_space<hbm>> -> memref<1x16xf32, #tpu.memory_space<hbm>>
        %dma_wait3A_3122 = tpu.memref_squeeze %dma_wait3A_3121 : memref<1x16xf32, #tpu.memory_space<hbm>> -> memref<16xf32, #tpu.memory_space<hbm>>
        tpu.wait_dma2 semaphore(%run_scoped3A : memref<!tpu.dma_semaphore, #tpu.memory_space<semaphore_mem>>) src(%dma_wait3A_3122 : memref<16xf32, #tpu.memory_space<hbm>>) dst(%arg17 : memref<16xf32, #tpu.memory_space<vmem>>)
        tpu.yield
      }) : () -> ()
      %parallel_loop3A = arith.constant 0 : i32
      %parallel_loop3A_25 = arith.constant 4096 : i32
      %parallel_loop3A_26 = arith.constant 1 : i32
      scf.for %parallel_loop3A_3112 = %parallel_loop3A to %parallel_loop3A_25 step %parallel_loop3A_26  : i32 {
        %parallel_loop3A_3113 = arith.constant 16 : i32
        %parallel_loop3A_3114 = arith.muli %parallel_loop3A_3112, %parallel_loop3A_3113 : i32
        %parallel_loop3A_3115 = arith.index_cast %parallel_loop3A_3114 : i32 to index
        %parallel_loop3A_3116 = tpu.vector_load %arg9[%parallel_loop3A_3115] {strides = array<i32>} : memref<65536xf32, #tpu.memory_space<vmem>>, vector<16xf32>,
        tpu.vector_store %arg9[%parallel_loop3A_3115], %broadcast_in_dim3A_7 {strides = array<i32>} : memref<65536xf32, #tpu.memory_space<vmem>>, vector<16xf32>,
      } {sc.loop_unroll_factor = 8 : i64, sc.parallel_access}
      %dma_start3A = arith.constant 0 : i32
      %dma_start3A_27 = arith.constant 0 : i32
      %dma_start3A_28 = tpu.memref_slice %arg10[%dma_start3A, %dma_start3A_27] : memref<2x8192xf32, #tpu.memory_space<vmem>> -> memref<1x8192xf32, #tpu.memory_space<vmem>>
      %dma_start3A_29 = tpu.memref_squeeze %dma_start3A_28 : memref<1x8192xf32, #tpu.memory_space<vmem>> -> memref<8192xf32, #tpu.memory_space<vmem>>
      %dma_start3A_30 = arith.constant 0 : i32
      %dma_start3A_31 = tpu.memref_slice %arg2[%sub3A, %dma_start3A_30] : memref<96x262144xf32, #tpu.memory_space<hbm>> -> memref<1x8192xf32, #tpu.memory_space<hbm>>
      %dma_start3A_32 = tpu.memref_squeeze %dma_start3A_31 : memref<1x8192xf32, #tpu.memory_space<hbm>> -> memref<8192xf32, #tpu.memory_space<hbm>>
      %dma_start3A_33 = arith.constant 0 : i32
      %dma_start3A_34 = tpu.memref_slice %arg10[%dma_start3A, %dma_start3A_33] : memref<2x8192xf32, #tpu.memory_space<vmem>> -> memref<1x8192xf32, #tpu.memory_space<vmem>>
      %dma_start3A_35 = tpu.memref_squeeze %dma_start3A_34 : memref<1x8192xf32, #tpu.memory_space<vmem>> -> memref<8192xf32, #tpu.memory_space<vmem>>
      %dma_start3A_36 = arith.constant 0 : i32
      %dma_start3A_37 = tpu.memref_slice %arg2[%sub3A, %dma_start3A_36] : memref<96x262144xf32, #tpu.memory_space<hbm>> -> memref<1x8192xf32, #tpu.memory_space<hbm>>
      %dma_start3A_38 = tpu.memref_squeeze %dma_start3A_37 : memref<1x8192xf32, #tpu.memory_space<hbm>> -> memref<8192xf32, #tpu.memory_space<hbm>>
      tpu.enqueue_dma source(%dma_start3A_38 : memref<8192xf32, #tpu.memory_space<hbm>>) target(%dma_start3A_35 : memref<8192xf32, #tpu.memory_space<vmem>>) target_semaphore(%arg20 : memref<!tpu.dma_semaphore, #tpu.memory_space<semaphore_mem>>)
      %dma_start3A_39 = arith.constant 0 : i32
      %dma_start3A_40 = arith.constant 0 : i32
      %dma_start3A_41 = tpu.memref_slice %arg11[%dma_start3A_39, %dma_start3A_40] : memref<2x8192xf32, #tpu.memory_space<vmem>> -> memref<1x8192xf32, #tpu.memory_space<vmem>>
      %dma_start3A_42 = tpu.memref_squeeze %dma_start3A_41 : memref<1x8192xf32, #tpu.memory_space<vmem>> -> memref<8192xf32, #tpu.memory_space<vmem>>
      %dma_start3A_43 = arith.constant 0 : i32
      %dma_start3A_44 = tpu.memref_slice %arg3[%select_n3A, %dma_start3A_43] : memref<2x262144xf32, #tpu.memory_space<hbm>> -> memref<1x8192xf32, #tpu.memory_space<hbm>>
      %dma_start3A_45 = tpu.memref_squeeze %dma_start3A_44 : memref<1x8192xf32, #tpu.memory_space<hbm>> -> memref<8192xf32, #tpu.memory_space<hbm>>
      %dma_start3A_46 = arith.constant 0 : i32
      %dma_start3A_47 = tpu.memref_slice %arg11[%dma_start3A_39, %dma_start3A_46] : memref<2x8192xf32, #tpu.memory_space<vmem>> -> memref<1x8192xf32, #tpu.memory_space<vmem>>
      %dma_start3A_48 = tpu.memref_squeeze %dma_start3A_47 : memref<1x8192xf32, #tpu.memory_space<vmem>> -> memref<8192xf32, #tpu.memory_space<vmem>>
      %dma_start3A_49 = arith.constant 0 : i32
      %dma_start3A_50 = tpu.memref_slice %arg3[%select_n3A, %dma_start3A_49] : memref<2x262144xf32, #tpu.memory_space<hbm>> -> memref<1x8192xf32, #tpu.memory_space<hbm>>
      %dma_start3A_51 = tpu.memref_squeeze %dma_start3A_50 : memref<1x8192xf32, #tpu.memory_space<hbm>> -> memref<8192xf32, #tpu.memory_space<hbm>>
      tpu.enqueue_dma source(%dma_start3A_51 : memref<8192xf32, #tpu.memory_space<hbm>>) target(%dma_start3A_48 : memref<8192xf32, #tpu.memory_space<vmem>>) target_semaphore(%arg22 : memref<!tpu.dma_semaphore, #tpu.memory_space<semaphore_mem>>)
      %scan3A_52 = arith.constant 0 : i32
      %scan3A_53 = arith.constant 16 : i32
      %scan3A_54 = arith.addi %scan3A_52, %scan3A_53 : i32
      %scan3A_55 = arith.constant 1 : i32
      %scan3A_56:4 = scf.for %scan3A_3112 = %scan3A_52 to %scan3A_54 step %scan3A_55 iter_args(%scan3A_3113 = %broadcast_in_dim3A_7, %scan3A_3114 = %broadcast_in_dim3A_7, %scan3A_3115 = %broadcast_in_dim3A_7, %scan3A_3116 = %broadcast_in_dim3A_7) -> (vector<16xf32>, vector<16xf32>, vector<16xf32>, vector<16xf32>)  : i32 {
        %mul3A_3117 = arith.constant 1 : i32
        %mul3A_3118 = arith.muli %scan3A_3112, %mul3A_3117 : i32
        %add3A_3119 = arith.constant 0 : i32
        %add3A_3120 = arith.addi %add3A_3119, %mul3A_3118 : i32
        %mul3A_3121 = arith.constant 2 : i32
        %mul3A_3122 = arith.muli %mul3A_3121, %add3A_3120 : i32
        %add3A_3123 = arith.constant 1 : i32
        %add3A_3124 = arith.addi %mul3A_3122, %add3A_3123 : i32
        %mul3A_3125 = arith.constant 8192 : i32
        %mul3A_3126 = arith.muli %add3A_3124, %mul3A_3125 : i32
        %dma_start3A_3127 = arith.constant 1 : i32
        %dma_start3A_3128 = arith.constant 0 : i32
        %dma_start3A_3129 = tpu.memref_slice %arg10[%dma_start3A_3127, %dma_start3A_3128] : memref<2x8192xf32, #tpu.memory_space<vmem>> -> memref<1x8192xf32, #tpu.memory_space<vmem>>
        %dma_start3A_3130 = tpu.memref_squeeze %dma_start3A_3129 : memref<1x8192xf32, #tpu.memory_space<vmem>> -> memref<8192xf32, #tpu.memory_space<vmem>>
        %dma_start3A_3131 = tpu.memref_slice %arg2[%sub3A, %mul3A_3126] : memref<96x262144xf32, #tpu.memory_space<hbm>> -> memref<1x8192xf32, #tpu.memory_space<hbm>>
        %dma_start3A_3132 = tpu.memref_squeeze %dma_start3A_3131 : memref<1x8192xf32, #tpu.memory_space<hbm>> -> memref<8192xf32, #tpu.memory_space<hbm>>
        %dma_start3A_3133 = arith.constant 0 : i32
        %dma_start3A_3134 = tpu.memref_slice %arg10[%dma_start3A_3127, %dma_start3A_3133] : memref<2x8192xf32, #tpu.memory_space<vmem>> -> memref<1x8192xf32, #tpu.memory_space<vmem>>
        %dma_start3A_3135 = tpu.memref_squeeze %dma_start3A_3134 : memref<1x8192xf32, #tpu.memory_space<vmem>> -> memref<8192xf32, #tpu.memory_space<vmem>>
        %dma_start3A_3136 = tpu.memref_slice %arg2[%sub3A, %mul3A_3126] : memref<96x262144xf32, #tpu.memory_space<hbm>> -> memref<1x8192xf32, #tpu.memory_space<hbm>>
        %dma_start3A_3137 = tpu.memref_squeeze %dma_start3A_3136 : memref<1x8192xf32, #tpu.memory_space<hbm>> -> memref<8192xf32, #tpu.memory_space<hbm>>
        tpu.enqueue_dma source(%dma_start3A_3137 : memref<8192xf32, #tpu.memory_space<hbm>>) target(%dma_start3A_3135 : memref<8192xf32, #tpu.memory_space<vmem>>) target_semaphore(%arg21 : memref<!tpu.dma_semaphore, #tpu.memory_space<semaphore_mem>>)
        %mul3A_3138 = arith.constant 8192 : i32
        %mul3A_3139 = arith.muli %add3A_3124, %mul3A_3138 : i32
        %dma_start3A_3140 = arith.constant 1 : i32
        %dma_start3A_3141 = arith.constant 0 : i32
        %dma_start3A_3142 = tpu.memref_slice %arg11[%dma_start3A_3140, %dma_start3A_3141] : memref<2x8192xf32, #tpu.memory_space<vmem>> -> memref<1x8192xf32, #tpu.memory_space<vmem>>
        %dma_start3A_3143 = tpu.memref_squeeze %dma_start3A_3142 : memref<1x8192xf32, #tpu.memory_space<vmem>> -> memref<8192xf32, #tpu.memory_space<vmem>>
        %dma_start3A_3144 = tpu.memref_slice %arg3[%select_n3A, %mul3A_3139] : memref<2x262144xf32, #tpu.memory_space<hbm>> -> memref<1x8192xf32, #tpu.memory_space<hbm>>
        %dma_start3A_3145 = tpu.memref_squeeze %dma_start3A_3144 : memref<1x8192xf32, #tpu.memory_space<hbm>> -> memref<8192xf32, #tpu.memory_space<hbm>>
        %dma_start3A_3146 = arith.constant 0 : i32
        %dma_start3A_3147 = tpu.memref_slice %arg11[%dma_start3A_3140, %dma_start3A_3146] : memref<2x8192xf32, #tpu.memory_space<vmem>> -> memref<1x8192xf32, #tpu.memory_space<vmem>>
        %dma_start3A_3148 = tpu.memref_squeeze %dma_start3A_3147 : memref<1x8192xf32, #tpu.memory_space<vmem>> -> memref<8192xf32, #tpu.memory_space<vmem>>
        %dma_start3A_3149 = tpu.memref_slice %arg3[%select_n3A, %mul3A_3139] : memref<2x262144xf32, #tpu.memory_space<hbm>> -> memref<1x8192xf32, #tpu.memory_space<hbm>>
        %dma_start3A_3150 = tpu.memref_squeeze %dma_start3A_3149 : memref<1x8192xf32, #tpu.memory_space<hbm>> -> memref<8192xf32, #tpu.memory_space<hbm>>
        tpu.enqueue_dma source(%dma_start3A_3150 : memref<8192xf32, #tpu.memory_space<hbm>>) target(%dma_start3A_3148 : memref<8192xf32, #tpu.memory_space<vmem>>) target_semaphore(%arg23 : memref<!tpu.dma_semaphore, #tpu.memory_space<semaphore_mem>>)
        %mul3A_3151 = arith.constant 8192 : i32
        %mul3A_3152 = arith.muli %mul3A_3122, %mul3A_3151 : i32
        %dma_wait3A = arith.constant 0 : i32
        %dma_wait3A_3153 = arith.constant 0 : i32
        %dma_wait3A_3154 = tpu.memref_slice %arg10[%dma_wait3A, %dma_wait3A_3153] : memref<2x8192xf32, #tpu.memory_space<vmem>> -> memref<1x8192xf32, #tpu.memory_space<vmem>>
        %dma_wait3A_3155 = tpu.memref_squeeze %dma_wait3A_3154 : memref<1x8192xf32, #tpu.memory_space<vmem>> -> memref<8192xf32, #tpu.memory_space<vmem>>
        %dma_wait3A_3156 = tpu.memref_slice %arg2[%sub3A, %mul3A_3152] : memref<96x262144xf32, #tpu.memory_space<hbm>> -> memref<1x8192xf32, #tpu.memory_space<hbm>>
        %dma_wait3A_3157 = tpu.memref_squeeze %dma_wait3A_3156 : memref<1x8192xf32, #tpu.memory_space<hbm>> -> memref<8192xf32, #tpu.memory_space<hbm>>
        %dma_wait3A_3158 = arith.constant 0 : i32
        %dma_wait3A_3159 = tpu.memref_slice %arg10[%dma_wait3A, %dma_wait3A_3158] : memref<2x8192xf32, #tpu.memory_space<vmem>> -> memref<1x8192xf32, #tpu.memory_space<vmem>>
        %dma_wait3A_3160 = tpu.memref_squeeze %dma_wait3A_3159 : memref<1x8192xf32, #tpu.memory_space<vmem>> -> memref<8192xf32, #tpu.memory_space<vmem>>
        %dma_wait3A_3161 = tpu.memref_slice %arg2[%sub3A, %mul3A_3152] : memref<96x262144xf32, #tpu.memory_space<hbm>> -> memref<1x8192xf32, #tpu.memory_space<hbm>>
        %dma_wait3A_3162 = tpu.memref_squeeze %dma_wait3A_3161 : memref<1x8192xf32, #tpu.memory_space<hbm>> -> memref<8192xf32, #tpu.memory_space<hbm>>
        tpu.wait_dma2 semaphore(%arg20 : memref<!tpu.dma_semaphore, #tpu.memory_space<semaphore_mem>>) src(%dma_wait3A_3162 : memref<8192xf32, #tpu.memory_space<hbm>>) dst(%dma_wait3A_3160 : memref<8192xf32, #tpu.memory_space<vmem>>)
        %mul3A_3163 = arith.constant 8192 : i32
        %mul3A_3164 = arith.muli %mul3A_3122, %mul3A_3163 : i32
        %dma_wait3A_3165 = arith.constant 0 : i32
        %dma_wait3A_3166 = arith.constant 0 : i32
        %dma_wait3A_3167 = tpu.memref_slice %arg11[%dma_wait3A_3165, %dma_wait3A_3166] : memref<2x8192xf32, #tpu.memory_space<vmem>> -> memref<1x8192xf32, #tpu.memory_space<vmem>>
        %dma_wait3A_3168 = tpu.memref_squeeze %dma_wait3A_3167 : memref<1x8192xf32, #tpu.memory_space<vmem>> -> memref<8192xf32, #tpu.memory_space<vmem>>
        %dma_wait3A_3169 = tpu.memref_slice %arg3[%select_n3A, %mul3A_3164] : memref<2x262144xf32, #tpu.memory_space<hbm>> -> memref<1x8192xf32, #tpu.memory_space<hbm>>
        %dma_wait3A_3170 = tpu.memref_squeeze %dma_wait3A_3169 : memref<1x8192xf32, #tpu.memory_space<hbm>> -> memref<8192xf32, #tpu.memory_space<hbm>>
        %dma_wait3A_3171 = arith.constant 0 : i32
        %dma_wait3A_3172 = tpu.memref_slice %arg11[%dma_wait3A_3165, %dma_wait3A_3171] : memref<2x8192xf32, #tpu.memory_space<vmem>> -> memref<1x8192xf32, #tpu.memory_space<vmem>>
        %dma_wait3A_3173 = tpu.memref_squeeze %dma_wait3A_3172 : memref<1x8192xf32, #tpu.memory_space<vmem>> -> memref<8192xf32, #tpu.memory_space<vmem>>
        %dma_wait3A_3174 = tpu.memref_slice %arg3[%select_n3A, %mul3A_3164] : memref<2x262144xf32, #tpu.memory_space<hbm>> -> memref<1x8192xf32, #tpu.memory_space<hbm>>
        %dma_wait3A_3175 = tpu.memref_squeeze %dma_wait3A_3174 : memref<1x8192xf32, #tpu.memory_space<hbm>> -> memref<8192xf32, #tpu.memory_space<hbm>>
        tpu.wait_dma2 semaphore(%arg22 : memref<!tpu.dma_semaphore, #tpu.memory_space<semaphore_mem>>) src(%dma_wait3A_3175 : memref<8192xf32, #tpu.memory_space<hbm>>) dst(%dma_wait3A_3173 : memref<8192xf32, #tpu.memory_space<vmem>>)
        %parallel_loop3A_3176 = arith.constant 0 : i32
        %parallel_loop3A_3177 = arith.constant 128 : i32
        %parallel_loop3A_3178 = arith.constant 1 : i32
        %parallel_loop3A_3179:4 = scf.for %parallel_loop3A_3218 = %parallel_loop3A_3176 to %parallel_loop3A_3177 step %parallel_loop3A_3178 iter_args(%parallel_loop3A_3219 = %scan3A_3113, %parallel_loop3A_3220 = %scan3A_3114, %parallel_loop3A_3221 = %scan3A_3115, %parallel_loop3A_3222 = %scan3A_3116) -> (vector<16xf32>, vector<16xf32>, vector<16xf32>, vector<16xf32>)  : i32 {
          %parallel_loop3A_3223 = arith.constant 64 : i32
          %parallel_loop3A_3224 = arith.muli %parallel_loop3A_3218, %parallel_loop3A_3223 : i32
          %parallel_loop3A_3225 = arith.constant 0 : i32
          %parallel_loop3A_3226 = arith.index_cast %parallel_loop3A_3225 : i32 to index
          %parallel_loop3A_3227 = arith.index_cast %parallel_loop3A_3224 : i32 to index
          %parallel_loop3A_3228 = tpu.vector_load %arg10[%parallel_loop3A_3226, %parallel_loop3A_3227] {strides = array<i32>} : memref<2x8192xf32, #tpu.memory_space<vmem>>, vector<16xf32>,
          %parallel_loop3A_3229 = arith.constant 0 : i32
          %parallel_loop3A_3230 = arith.index_cast %parallel_loop3A_3229 : i32 to index
          %parallel_loop3A_3231 = arith.index_cast %parallel_loop3A_3224 : i32 to index
          %parallel_loop3A_3232 = tpu.vector_load %arg11[%parallel_loop3A_3230, %parallel_loop3A_3231] {strides = array<i32>} : memref<2x8192xf32, #tpu.memory_space<vmem>>, vector<16xf32>,
          %parallel_loop3A_3233 = arith.mulf %parallel_loop3A_3232, %parallel_loop3A_3228 : vector<16xf32>
          %parallel_loop3A_3234 = tpu.bitcast %parallel_loop3A_3233 : vector<16xf32> -> vector<16xi32>
          %parallel_loop3A_3235 = arith.constant 31 : i32
          %parallel_loop3A_3236 = vector.broadcast %parallel_loop3A_3235 : i32 to vector<16xi32>
          %parallel_loop3A_3237 = arith.shrsi %parallel_loop3A_3234, %parallel_loop3A_3236 : vector<16xi32>
          %parallel_loop3A_3238 = vector.broadcast %scan3A : i32 to vector<16xi32>
          %parallel_loop3A_3239 = arith.ori %parallel_loop3A_3237, %parallel_loop3A_3238 : vector<16xi32>
          %parallel_loop3A_3240 = arith.xori %parallel_loop3A_3234, %parallel_loop3A_3239 : vector<16xi32>
          %parallel_loop3A_3241 = arith.constant 21 : i32
          %parallel_loop3A_3242 = vector.broadcast %parallel_loop3A_3241 : i32 to vector<16xi32>
          %parallel_loop3A_3243 = arith.shrui %parallel_loop3A_3240, %parallel_loop3A_3242 : vector<16xi32>
          %parallel_loop3A_3244 = arith.addi %mul3A_3, %parallel_loop3A_3243 : vector<16xi32>
          tpu.vector_store_idx %arg9[%parallel_loop3A_3244], %broadcast_in_dim3A_5 {add = true} : memref<65536xf32, #tpu.memory_space<vmem>>[vector<16xi32>], vector<16xf32>,
          %parallel_loop3A_3245 = arith.constant 32768 : i32
          %parallel_loop3A_3246 = vector.broadcast %parallel_loop3A_3245 : i32 to vector<16xi32>
          %parallel_loop3A_3247 = arith.addi %parallel_loop3A_3244, %parallel_loop3A_3246 : vector<16xi32>
          tpu.vector_store_idx %arg9[%parallel_loop3A_3247], %parallel_loop3A_3233 {add = true} : memref<65536xf32, #tpu.memory_space<vmem>>[vector<16xi32>], vector<16xf32>,
          %parallel_loop3A_3248 = arith.mulf %parallel_loop3A_3233, %parallel_loop3A_3233 : vector<16xf32>
          %parallel_loop3A_3249 = arith.addf %parallel_loop3A_3219, %parallel_loop3A_3248 : vector<16xf32>
          %parallel_loop3A_3250 = arith.constant 16 : i32
          %parallel_loop3A_3251 = arith.addi %parallel_loop3A_3224, %parallel_loop3A_3250 : i32
          %parallel_loop3A_3252 = arith.constant 0 : i32
          %parallel_loop3A_3253 = arith.index_cast %parallel_loop3A_3252 : i32 to index
          %parallel_loop3A_3254 = arith.index_cast %parallel_loop3A_3251 : i32 to index
          %parallel_loop3A_3255 = tpu.vector_load %arg10[%parallel_loop3A_3253, %parallel_loop3A_3254] {strides = array<i32>} : memref<2x8192xf32, #tpu.memory_space<vmem>>, vector<16xf32>,
          %parallel_loop3A_3256 = arith.constant 0 : i32
          %parallel_loop3A_3257 = arith.index_cast %parallel_loop3A_3256 : i32 to index
          %parallel_loop3A_3258 = arith.index_cast %parallel_loop3A_3251 : i32 to index
          %parallel_loop3A_3259 = tpu.vector_load %arg11[%parallel_loop3A_3257, %parallel_loop3A_3258] {strides = array<i32>} : memref<2x8192xf32, #tpu.memory_space<vmem>>, vector<16xf32>,
          %parallel_loop3A_3260 = arith.mulf %parallel_loop3A_3259, %parallel_loop3A_3255 : vector<16xf32>
          %parallel_loop3A_3261 = tpu.bitcast %parallel_loop3A_3260 : vector<16xf32> -> vector<16xi32>
          %parallel_loop3A_3262 = arith.constant 31 : i32
          %parallel_loop3A_3263 = vector.broadcast %parallel_loop3A_3262 : i32 to vector<16xi32>
          %parallel_loop3A_3264 = arith.shrsi %parallel_loop3A_3261, %parallel_loop3A_3263 : vector<16xi32>
          %parallel_loop3A_3265 = vector.broadcast %scan3A : i32 to vector<16xi32>
          %parallel_loop3A_3266 = arith.ori %parallel_loop3A_3264, %parallel_loop3A_3265 : vector<16xi32>
          %parallel_loop3A_3267 = arith.xori %parallel_loop3A_3261, %parallel_loop3A_3266 : vector<16xi32>
          %parallel_loop3A_3268 = arith.constant 21 : i32
          %parallel_loop3A_3269 = vector.broadcast %parallel_loop3A_3268 : i32 to vector<16xi32>
          %parallel_loop3A_3270 = arith.shrui %parallel_loop3A_3267, %parallel_loop3A_3269 : vector<16xi32>
          %parallel_loop3A_3271 = arith.addi %mul3A_3, %parallel_loop3A_3270 : vector<16xi32>
          tpu.vector_store_idx %arg9[%parallel_loop3A_3271], %broadcast_in_dim3A_5 {add = true} : memref<65536xf32, #tpu.memory_space<vmem>>[vector<16xi32>], vector<16xf32>,
          %parallel_loop3A_3272 = arith.constant 32768 : i32
          %parallel_loop3A_3273 = vector.broadcast %parallel_loop3A_3272 : i32 to vector<16xi32>
          %parallel_loop3A_3274 = arith.addi %parallel_loop3A_3271, %parallel_loop3A_3273 : vector<16xi32>
          tpu.vector_store_idx %arg9[%parallel_loop3A_3274], %parallel_loop3A_3260 {add = true} : memref<65536xf32, #tpu.memory_space<vmem>>[vector<16xi32>], vector<16xf32>,
          %parallel_loop3A_3275 = arith.mulf %parallel_loop3A_3260, %parallel_loop3A_3260 : vector<16xf32>
          %parallel_loop3A_3276 = arith.addf %parallel_loop3A_3220, %parallel_loop3A_3275 : vector<16xf32>
          %parallel_loop3A_3277 = arith.constant 32 : i32
          %parallel_loop3A_3278 = arith.addi %parallel_loop3A_3224, %parallel_loop3A_3277 : i32
          %parallel_loop3A_3279 = arith.constant 0 : i32
          %parallel_loop3A_3280 = arith.index_cast %parallel_loop3A_3279 : i32 to index
          %parallel_loop3A_3281 = arith.index_cast %parallel_loop3A_3278 : i32 to index
          %parallel_loop3A_3282 = tpu.vector_load %arg10[%parallel_loop3A_3280, %parallel_loop3A_3281] {strides = array<i32>} : memref<2x8192xf32, #tpu.memory_space<vmem>>, vector<16xf32>,
          %parallel_loop3A_3283 = arith.constant 0 : i32
          %parallel_loop3A_3284 = arith.index_cast %parallel_loop3A_3283 : i32 to index
          %parallel_loop3A_3285 = arith.index_cast %parallel_loop3A_3278 : i32 to index
          %parallel_loop3A_3286 = tpu.vector_load %arg11[%parallel_loop3A_3284, %parallel_loop3A_3285] {strides = array<i32>} : memref<2x8192xf32, #tpu.memory_space<vmem>>, vector<16xf32>,
          %parallel_loop3A_3287 = arith.mulf %parallel_loop3A_3286, %parallel_loop3A_3282 : vector<16xf32>
          %parallel_loop3A_3288 = tpu.bitcast %parallel_loop3A_3287 : vector<16xf32> -> vector<16xi32>
          %parallel_loop3A_3289 = arith.constant 31 : i32
          %parallel_loop3A_3290 = vector.broadcast %parallel_loop3A_3289 : i32 to vector<16xi32>
          %parallel_loop3A_3291 = arith.shrsi %parallel_loop3A_3288, %parallel_loop3A_3290 : vector<16xi32>
          %parallel_loop3A_3292 = vector.broadcast %scan3A : i32 to vector<16xi32>
          %parallel_loop3A_3293 = arith.ori %parallel_loop3A_3291, %parallel_loop3A_3292 : vector<16xi32>
          %parallel_loop3A_3294 = arith.xori %parallel_loop3A_3288, %parallel_loop3A_3293 : vector<16xi32>
          %parallel_loop3A_3295 = arith.constant 21 : i32
          %parallel_loop3A_3296 = vector.broadcast %parallel_loop3A_3295 : i32 to vector<16xi32>
          %parallel_loop3A_3297 = arith.shrui %parallel_loop3A_3294, %parallel_loop3A_3296 : vector<16xi32>
          %parallel_loop3A_3298 = arith.addi %mul3A_3, %parallel_loop3A_3297 : vector<16xi32>
          tpu.vector_store_idx %arg9[%parallel_loop3A_3298], %broadcast_in_dim3A_5 {add = true} : memref<65536xf32, #tpu.memory_space<vmem>>[vector<16xi32>], vector<16xf32>,
          %parallel_loop3A_3299 = arith.constant 32768 : i32
          %parallel_loop3A_3300 = vector.broadcast %parallel_loop3A_3299 : i32 to vector<16xi32>
          %parallel_loop3A_3301 = arith.addi %parallel_loop3A_3298, %parallel_loop3A_3300 : vector<16xi32>
          tpu.vector_store_idx %arg9[%parallel_loop3A_3301], %parallel_loop3A_3287 {add = true} : memref<65536xf32, #tpu.memory_space<vmem>>[vector<16xi32>], vector<16xf32>,
          %parallel_loop3A_3302 = arith.mulf %parallel_loop3A_3287, %parallel_loop3A_3287 : vector<16xf32>
          %parallel_loop3A_3303 = arith.addf %parallel_loop3A_3221, %parallel_loop3A_3302 : vector<16xf32>
          %parallel_loop3A_3304 = arith.constant 48 : i32
          %parallel_loop3A_3305 = arith.addi %parallel_loop3A_3224, %parallel_loop3A_3304 : i32
          %parallel_loop3A_3306 = arith.constant 0 : i32
          %parallel_loop3A_3307 = arith.index_cast %parallel_loop3A_3306 : i32 to index
          %parallel_loop3A_3308 = arith.index_cast %parallel_loop3A_3305 : i32 to index
          %parallel_loop3A_3309 = tpu.vector_load %arg10[%parallel_loop3A_3307, %parallel_loop3A_3308] {strides = array<i32>} : memref<2x8192xf32, #tpu.memory_space<vmem>>, vector<16xf32>,
          %parallel_loop3A_3310 = arith.constant 0 : i32
          %parallel_loop3A_3311 = arith.index_cast %parallel_loop3A_3310 : i32 to index
          %parallel_loop3A_3312 = arith.index_cast %parallel_loop3A_3305 : i32 to index
          %parallel_loop3A_3313 = tpu.vector_load %arg11[%parallel_loop3A_3311, %parallel_loop3A_3312] {strides = array<i32>} : memref<2x8192xf32, #tpu.memory_space<vmem>>, vector<16xf32>,
          %parallel_loop3A_3314 = arith.mulf %parallel_loop3A_3313, %parallel_loop3A_3309 : vector<16xf32>
          %parallel_loop3A_3315 = tpu.bitcast %parallel_loop3A_3314 : vector<16xf32> -> vector<16xi32>
          %parallel_loop3A_3316 = arith.constant 31 : i32
          %parallel_loop3A_3317 = vector.broadcast %parallel_loop3A_3316 : i32 to vector<16xi32>
          %parallel_loop3A_3318 = arith.shrsi %parallel_loop3A_3315, %parallel_loop3A_3317 : vector<16xi32>
          %parallel_loop3A_3319 = vector.broadcast %scan3A : i32 to vector<16xi32>
          %parallel_loop3A_3320 = arith.ori %parallel_loop3A_3318, %parallel_loop3A_3319 : vector<16xi32>
          %parallel_loop3A_3321 = arith.xori %parallel_loop3A_3315, %parallel_loop3A_3320 : vector<16xi32>
          %parallel_loop3A_3322 = arith.constant 21 : i32
          %parallel_loop3A_3323 = vector.broadcast %parallel_loop3A_3322 : i32 to vector<16xi32>
          %parallel_loop3A_3324 = arith.shrui %parallel_loop3A_3321, %parallel_loop3A_3323 : vector<16xi32>
          %parallel_loop3A_3325 = arith.addi %mul3A_3, %parallel_loop3A_3324 : vector<16xi32>
          tpu.vector_store_idx %arg9[%parallel_loop3A_3325], %broadcast_in_dim3A_5 {add = true} : memref<65536xf32, #tpu.memory_space<vmem>>[vector<16xi32>], vector<16xf32>,
          %parallel_loop3A_3326 = arith.constant 32768 : i32
          %parallel_loop3A_3327 = vector.broadcast %parallel_loop3A_3326 : i32 to vector<16xi32>
          %parallel_loop3A_3328 = arith.addi %parallel_loop3A_3325, %parallel_loop3A_3327 : vector<16xi32>
          tpu.vector_store_idx %arg9[%parallel_loop3A_3328], %parallel_loop3A_3314 {add = true} : memref<65536xf32, #tpu.memory_space<vmem>>[vector<16xi32>], vector<16xf32>,
          %parallel_loop3A_3329 = arith.mulf %parallel_loop3A_3314, %parallel_loop3A_3314 : vector<16xf32>
          %parallel_loop3A_3330 = arith.addf %parallel_loop3A_3222, %parallel_loop3A_3329 : vector<16xf32>
          scf.yield %parallel_loop3A_3249, %parallel_loop3A_3276, %parallel_loop3A_3303, %parallel_loop3A_3330 : vector<16xf32>, vector<16xf32>, vector<16xf32>, vector<16xf32>
        } {sc.loop_unroll_factor = 1 : i64, sc.parallel_access}
        %add3A_3180 = arith.constant 2 : i32
        %add3A_3181 = arith.addi %mul3A_3122, %add3A_3180 : i32
        %lt3A_3182 = arith.constant 32 : i32
        %lt3A_3183 = arith.cmpi slt, %add3A_3181, %lt3A_3182 : i32
        %convert_element_type3A_3184 = arith.extui %lt3A_3183 : i1 to i32
        %cond3A = arith.constant 0 : i32
        %cond3A_3185 = arith.cmpi ne, %convert_element_type3A_3184, %cond3A : i32
        scf.if %cond3A_3185 {
          %add3A_3218 = arith.constant 2 : i32
          %add3A_3219 = arith.addi %mul3A_3122, %add3A_3218 : i32
          %mul3A_3220 = arith.constant 8192 : i32
          %mul3A_3221 = arith.muli %add3A_3219, %mul3A_3220 : i32
          %dma_start3A_3222 = arith.constant 0 : i32
          %dma_start3A_3223 = arith.constant 0 : i32
          %dma_start3A_3224 = tpu.memref_slice %arg10[%dma_start3A_3222, %dma_start3A_3223] : memref<2x8192xf32, #tpu.memory_space<vmem>> -> memref<1x8192xf32, #tpu.memory_space<vmem>>
          %dma_start3A_3225 = tpu.memref_squeeze %dma_start3A_3224 : memref<1x8192xf32, #tpu.memory_space<vmem>> -> memref<8192xf32, #tpu.memory_space<vmem>>
          %dma_start3A_3226 = tpu.memref_slice %arg2[%sub3A, %mul3A_3221] : memref<96x262144xf32, #tpu.memory_space<hbm>> -> memref<1x8192xf32, #tpu.memory_space<hbm>>
          %dma_start3A_3227 = tpu.memref_squeeze %dma_start3A_3226 : memref<1x8192xf32, #tpu.memory_space<hbm>> -> memref<8192xf32, #tpu.memory_space<hbm>>
          %dma_start3A_3228 = arith.constant 0 : i32
          %dma_start3A_3229 = tpu.memref_slice %arg10[%dma_start3A_3222, %dma_start3A_3228] : memref<2x8192xf32, #tpu.memory_space<vmem>> -> memref<1x8192xf32, #tpu.memory_space<vmem>>
          %dma_start3A_3230 = tpu.memref_squeeze %dma_start3A_3229 : memref<1x8192xf32, #tpu.memory_space<vmem>> -> memref<8192xf32, #tpu.memory_space<vmem>>
          %dma_start3A_3231 = tpu.memref_slice %arg2[%sub3A, %mul3A_3221] : memref<96x262144xf32, #tpu.memory_space<hbm>> -> memref<1x8192xf32, #tpu.memory_space<hbm>>
          %dma_start3A_3232 = tpu.memref_squeeze %dma_start3A_3231 : memref<1x8192xf32, #tpu.memory_space<hbm>> -> memref<8192xf32, #tpu.memory_space<hbm>>
          tpu.enqueue_dma source(%dma_start3A_3232 : memref<8192xf32, #tpu.memory_space<hbm>>) target(%dma_start3A_3230 : memref<8192xf32, #tpu.memory_space<vmem>>) target_semaphore(%arg20 : memref<!tpu.dma_semaphore, #tpu.memory_space<semaphore_mem>>)
          %mul3A_3233 = arith.constant 8192 : i32
          %mul3A_3234 = arith.muli %add3A_3219, %mul3A_3233 : i32
          %dma_start3A_3235 = arith.constant 0 : i32
          %dma_start3A_3236 = arith.constant 0 : i32
          %dma_start3A_3237 = tpu.memref_slice %arg11[%dma_start3A_3235, %dma_start3A_3236] : memref<2x8192xf32, #tpu.memory_space<vmem>> -> memref<1x8192xf32, #tpu.memory_space<vmem>>
          %dma_start3A_3238 = tpu.memref_squeeze %dma_start3A_3237 : memref<1x8192xf32, #tpu.memory_space<vmem>> -> memref<8192xf32, #tpu.memory_space<vmem>>
          %dma_start3A_3239 = tpu.memref_slice %arg3[%select_n3A, %mul3A_3234] : memref<2x262144xf32, #tpu.memory_space<hbm>> -> memref<1x8192xf32, #tpu.memory_space<hbm>>
          %dma_start3A_3240 = tpu.memref_squeeze %dma_start3A_3239 : memref<1x8192xf32, #tpu.memory_space<hbm>> -> memref<8192xf32, #tpu.memory_space<hbm>>
          %dma_start3A_3241 = arith.constant 0 : i32
          %dma_start3A_3242 = tpu.memref_slice %arg11[%dma_start3A_3235, %dma_start3A_3241] : memref<2x8192xf32, #tpu.memory_space<vmem>> -> memref<1x8192xf32, #tpu.memory_space<vmem>>
          %dma_start3A_3243 = tpu.memref_squeeze %dma_start3A_3242 : memref<1x8192xf32, #tpu.memory_space<vmem>> -> memref<8192xf32, #tpu.memory_space<vmem>>
          %dma_start3A_3244 = tpu.memref_slice %arg3[%select_n3A, %mul3A_3234] : memref<2x262144xf32, #tpu.memory_space<hbm>> -> memref<1x8192xf32, #tpu.memory_space<hbm>>
          %dma_start3A_3245 = tpu.memref_squeeze %dma_start3A_3244 : memref<1x8192xf32, #tpu.memory_space<hbm>> -> memref<8192xf32, #tpu.memory_space<hbm>>
          tpu.enqueue_dma source(%dma_start3A_3245 : memref<8192xf32, #tpu.memory_space<hbm>>) target(%dma_start3A_3243 : memref<8192xf32, #tpu.memory_space<vmem>>) target_semaphore(%arg22 : memref<!tpu.dma_semaphore, #tpu.memory_space<semaphore_mem>>)
        } else {
        }
        %add3A_3186 = arith.constant 1 : i32
        %add3A_3187 = arith.addi %mul3A_3122, %add3A_3186 : i32
        %mul3A_3188 = arith.constant 8192 : i32
        %mul3A_3189 = arith.muli %add3A_3187, %mul3A_3188 : i32
        %dma_wait3A_3190 = arith.constant 1 : i32
        %dma_wait3A_3191 = arith.constant 0 : i32
        %dma_wait3A_3192 = tpu.memref_slice %arg10[%dma_wait3A_3190, %dma_wait3A_3191] : memref<2x8192xf32, #tpu.memory_space<vmem>> -> memref<1x8192xf32, #tpu.memory_space<vmem>>
        %dma_wait3A_3193 = tpu.memref_squeeze %dma_wait3A_3192 : memref<1x8192xf32, #tpu.memory_space<vmem>> -> memref<8192xf32, #tpu.memory_space<vmem>>
        %dma_wait3A_3194 = tpu.memref_slice %arg2[%sub3A, %mul3A_3189] : memref<96x262144xf32, #tpu.memory_space<hbm>> -> memref<1x8192xf32, #tpu.memory_space<hbm>>
        %dma_wait3A_3195 = tpu.memref_squeeze %dma_wait3A_3194 : memref<1x8192xf32, #tpu.memory_space<hbm>> -> memref<8192xf32, #tpu.memory_space<hbm>>
        %dma_wait3A_3196 = arith.constant 0 : i32
        %dma_wait3A_3197 = tpu.memref_slice %arg10[%dma_wait3A_3190, %dma_wait3A_3196] : memref<2x8192xf32, #tpu.memory_space<vmem>> -> memref<1x8192xf32, #tpu.memory_space<vmem>>
        %dma_wait3A_3198 = tpu.memref_squeeze %dma_wait3A_3197 : memref<1x8192xf32, #tpu.memory_space<vmem>> -> memref<8192xf32, #tpu.memory_space<vmem>>
        %dma_wait3A_3199 = tpu.memref_slice %arg2[%sub3A, %mul3A_3189] : memref<96x262144xf32, #tpu.memory_space<hbm>> -> memref<1x8192xf32, #tpu.memory_space<hbm>>
        %dma_wait3A_3200 = tpu.memref_squeeze %dma_wait3A_3199 : memref<1x8192xf32, #tpu.memory_space<hbm>> -> memref<8192xf32, #tpu.memory_space<hbm>>
        tpu.wait_dma2 semaphore(%arg21 : memref<!tpu.dma_semaphore, #tpu.memory_space<semaphore_mem>>) src(%dma_wait3A_3200 : memref<8192xf32, #tpu.memory_space<hbm>>) dst(%dma_wait3A_3198 : memref<8192xf32, #tpu.memory_space<vmem>>)
        %mul3A_3201 = arith.constant 8192 : i32
        %mul3A_3202 = arith.muli %add3A_3187, %mul3A_3201 : i32
        %dma_wait3A_3203 = arith.constant 1 : i32
        %dma_wait3A_3204 = arith.constant 0 : i32
        %dma_wait3A_3205 = tpu.memref_slice %arg11[%dma_wait3A_3203, %dma_wait3A_3204] : memref<2x8192xf32, #tpu.memory_space<vmem>> -> memref<1x8192xf32, #tpu.memory_space<vmem>>
        %dma_wait3A_3206 = tpu.memref_squeeze %dma_wait3A_3205 : memref<1x8192xf32, #tpu.memory_space<vmem>> -> memref<8192xf32, #tpu.memory_space<vmem>>
        %dma_wait3A_3207 = tpu.memref_slice %arg3[%select_n3A, %mul3A_3202] : memref<2x262144xf32, #tpu.memory_space<hbm>> -> memref<1x8192xf32, #tpu.memory_space<hbm>>
        %dma_wait3A_3208 = tpu.memref_squeeze %dma_wait3A_3207 : memref<1x8192xf32, #tpu.memory_space<hbm>> -> memref<8192xf32, #tpu.memory_space<hbm>>
        %dma_wait3A_3209 = arith.constant 0 : i32
        %dma_wait3A_3210 = tpu.memref_slice %arg11[%dma_wait3A_3203, %dma_wait3A_3209] : memref<2x8192xf32, #tpu.memory_space<vmem>> -> memref<1x8192xf32, #tpu.memory_space<vmem>>
        %dma_wait3A_3211 = tpu.memref_squeeze %dma_wait3A_3210 : memref<1x8192xf32, #tpu.memory_space<vmem>> -> memref<8192xf32, #tpu.memory_space<vmem>>
        %dma_wait3A_3212 = tpu.memref_slice %arg3[%select_n3A, %mul3A_3202] : memref<2x262144xf32, #tpu.memory_space<hbm>> -> memref<1x8192xf32, #tpu.memory_space<hbm>>
        %dma_wait3A_3213 = tpu.memref_squeeze %dma_wait3A_3212 : memref<1x8192xf32, #tpu.memory_space<hbm>> -> memref<8192xf32, #tpu.memory_space<hbm>>
        tpu.wait_dma2 semaphore(%arg23 : memref<!tpu.dma_semaphore, #tpu.memory_space<semaphore_mem>>) src(%dma_wait3A_3213 : memref<8192xf32, #tpu.memory_space<hbm>>) dst(%dma_wait3A_3211 : memref<8192xf32, #tpu.memory_space<vmem>>)
        %parallel_loop3A_3214 = arith.constant 0 : i32
        %parallel_loop3A_3215 = arith.constant 128 : i32
        %parallel_loop3A_3216 = arith.constant 1 : i32
        %parallel_loop3A_3217:4 = scf.for %parallel_loop3A_3218 = %parallel_loop3A_3214 to %parallel_loop3A_3215 step %parallel_loop3A_3216 iter_args(%parallel_loop3A_3219 = %parallel_loop3A_3179#0, %parallel_loop3A_3220 = %parallel_loop3A_3179#1, %parallel_loop3A_3221 = %parallel_loop3A_3179#2, %parallel_loop3A_3222 = %parallel_loop3A_3179#3) -> (vector<16xf32>, vector<16xf32>, vector<16xf32>, vector<16xf32>)  : i32 {
          %parallel_loop3A_3223 = arith.constant 64 : i32
          %parallel_loop3A_3224 = arith.muli %parallel_loop3A_3218, %parallel_loop3A_3223 : i32
          %parallel_loop3A_3225 = arith.constant 1 : i32
          %parallel_loop3A_3226 = arith.index_cast %parallel_loop3A_3225 : i32 to index
          %parallel_loop3A_3227 = arith.index_cast %parallel_loop3A_3224 : i32 to index
          %parallel_loop3A_3228 = tpu.vector_load %arg10[%parallel_loop3A_3226, %parallel_loop3A_3227] {strides = array<i32>} : memref<2x8192xf32, #tpu.memory_space<vmem>>, vector<16xf32>,
          %parallel_loop3A_3229 = arith.constant 1 : i32
          %parallel_loop3A_3230 = arith.index_cast %parallel_loop3A_3229 : i32 to index
          %parallel_loop3A_3231 = arith.index_cast %parallel_loop3A_3224 : i32 to index
          %parallel_loop3A_3232 = tpu.vector_load %arg11[%parallel_loop3A_3230, %parallel_loop3A_3231] {strides = array<i32>} : memref<2x8192xf32, #tpu.memory_space<vmem>>, vector<16xf32>,
          %parallel_loop3A_3233 = arith.mulf %parallel_loop3A_3232, %parallel_loop3A_3228 : vector<16xf32>
          %parallel_loop3A_3234 = tpu.bitcast %parallel_loop3A_3233 : vector<16xf32> -> vector<16xi32>
          %parallel_loop3A_3235 = arith.constant 31 : i32
          %parallel_loop3A_3236 = vector.broadcast %parallel_loop3A_3235 : i32 to vector<16xi32>
          %parallel_loop3A_3237 = arith.shrsi %parallel_loop3A_3234, %parallel_loop3A_3236 : vector<16xi32>
          %parallel_loop3A_3238 = vector.broadcast %scan3A : i32 to vector<16xi32>
          %parallel_loop3A_3239 = arith.ori %parallel_loop3A_3237, %parallel_loop3A_3238 : vector<16xi32>
          %parallel_loop3A_3240 = arith.xori %parallel_loop3A_3234, %parallel_loop3A_3239 : vector<16xi32>
          %parallel_loop3A_3241 = arith.constant 21 : i32
          %parallel_loop3A_3242 = vector.broadcast %parallel_loop3A_3241 : i32 to vector<16xi32>
          %parallel_loop3A_3243 = arith.shrui %parallel_loop3A_3240, %parallel_loop3A_3242 : vector<16xi32>
          %parallel_loop3A_3244 = arith.addi %mul3A_3, %parallel_loop3A_3243 : vector<16xi32>
          tpu.vector_store_idx %arg9[%parallel_loop3A_3244], %broadcast_in_dim3A_5 {add = true} : memref<65536xf32, #tpu.memory_space<vmem>>[vector<16xi32>], vector<16xf32>,
          %parallel_loop3A_3245 = arith.constant 32768 : i32
          %parallel_loop3A_3246 = vector.broadcast %parallel_loop3A_3245 : i32 to vector<16xi32>
          %parallel_loop3A_3247 = arith.addi %parallel_loop3A_3244, %parallel_loop3A_3246 : vector<16xi32>
          tpu.vector_store_idx %arg9[%parallel_loop3A_3247], %parallel_loop3A_3233 {add = true} : memref<65536xf32, #tpu.memory_space<vmem>>[vector<16xi32>], vector<16xf32>,
          %parallel_loop3A_3248 = arith.mulf %parallel_loop3A_3233, %parallel_loop3A_3233 : vector<16xf32>
          %parallel_loop3A_3249 = arith.addf %parallel_loop3A_3219, %parallel_loop3A_3248 : vector<16xf32>
          %parallel_loop3A_3250 = arith.constant 16 : i32
          %parallel_loop3A_3251 = arith.addi %parallel_loop3A_3224, %parallel_loop3A_3250 : i32
          %parallel_loop3A_3252 = arith.constant 1 : i32
          %parallel_loop3A_3253 = arith.index_cast %parallel_loop3A_3252 : i32 to index
          %parallel_loop3A_3254 = arith.index_cast %parallel_loop3A_3251 : i32 to index
          %parallel_loop3A_3255 = tpu.vector_load %arg10[%parallel_loop3A_3253, %parallel_loop3A_3254] {strides = array<i32>} : memref<2x8192xf32, #tpu.memory_space<vmem>>, vector<16xf32>,
          %parallel_loop3A_3256 = arith.constant 1 : i32
          %parallel_loop3A_3257 = arith.index_cast %parallel_loop3A_3256 : i32 to index
          %parallel_loop3A_3258 = arith.index_cast %parallel_loop3A_3251 : i32 to index
          %parallel_loop3A_3259 = tpu.vector_load %arg11[%parallel_loop3A_3257, %parallel_loop3A_3258] {strides = array<i32>} : memref<2x8192xf32, #tpu.memory_space<vmem>>, vector<16xf32>,
          %parallel_loop3A_3260 = arith.mulf %parallel_loop3A_3259, %parallel_loop3A_3255 : vector<16xf32>
          %parallel_loop3A_3261 = tpu.bitcast %parallel_loop3A_3260 : vector<16xf32> -> vector<16xi32>
          %parallel_loop3A_3262 = arith.constant 31 : i32
          %parallel_loop3A_3263 = vector.broadcast %parallel_loop3A_3262 : i32 to vector<16xi32>
          %parallel_loop3A_3264 = arith.shrsi %parallel_loop3A_3261, %parallel_loop3A_3263 : vector<16xi32>
          %parallel_loop3A_3265 = vector.broadcast %scan3A : i32 to vector<16xi32>
          %parallel_loop3A_3266 = arith.ori %parallel_loop3A_3264, %parallel_loop3A_3265 : vector<16xi32>
          %parallel_loop3A_3267 = arith.xori %parallel_loop3A_3261, %parallel_loop3A_3266 : vector<16xi32>
          %parallel_loop3A_3268 = arith.constant 21 : i32
          %parallel_loop3A_3269 = vector.broadcast %parallel_loop3A_3268 : i32 to vector<16xi32>
          %parallel_loop3A_3270 = arith.shrui %parallel_loop3A_3267, %parallel_loop3A_3269 : vector<16xi32>
          %parallel_loop3A_3271 = arith.addi %mul3A_3, %parallel_loop3A_3270 : vector<16xi32>
          tpu.vector_store_idx %arg9[%parallel_loop3A_3271], %broadcast_in_dim3A_5 {add = true} : memref<65536xf32, #tpu.memory_space<vmem>>[vector<16xi32>], vector<16xf32>,
          %parallel_loop3A_3272 = arith.constant 32768 : i32
          %parallel_loop3A_3273 = vector.broadcast %parallel_loop3A_3272 : i32 to vector<16xi32>
          %parallel_loop3A_3274 = arith.addi %parallel_loop3A_3271, %parallel_loop3A_3273 : vector<16xi32>
          tpu.vector_store_idx %arg9[%parallel_loop3A_3274], %parallel_loop3A_3260 {add = true} : memref<65536xf32, #tpu.memory_space<vmem>>[vector<16xi32>], vector<16xf32>,
          %parallel_loop3A_3275 = arith.mulf %parallel_loop3A_3260, %parallel_loop3A_3260 : vector<16xf32>
          %parallel_loop3A_3276 = arith.addf %parallel_loop3A_3220, %parallel_loop3A_3275 : vector<16xf32>
          %parallel_loop3A_3277 = arith.constant 32 : i32
          %parallel_loop3A_3278 = arith.addi %parallel_loop3A_3224, %parallel_loop3A_3277 : i32
          %parallel_loop3A_3279 = arith.constant 1 : i32
          %parallel_loop3A_3280 = arith.index_cast %parallel_loop3A_3279 : i32 to index
          %parallel_loop3A_3281 = arith.index_cast %parallel_loop3A_3278 : i32 to index
          %parallel_loop3A_3282 = tpu.vector_load %arg10[%parallel_loop3A_3280, %parallel_loop3A_3281] {strides = array<i32>} : memref<2x8192xf32, #tpu.memory_space<vmem>>, vector<16xf32>,
          %parallel_loop3A_3283 = arith.constant 1 : i32
          %parallel_loop3A_3284 = arith.index_cast %parallel_loop3A_3283 : i32 to index
          %parallel_loop3A_3285 = arith.index_cast %parallel_loop3A_3278 : i32 to index
          %parallel_loop3A_3286 = tpu.vector_load %arg11[%parallel_loop3A_3284, %parallel_loop3A_3285] {strides = array<i32>} : memref<2x8192xf32, #tpu.memory_space<vmem>>, vector<16xf32>,
          %parallel_loop3A_3287 = arith.mulf %parallel_loop3A_3286, %parallel_loop3A_3282 : vector<16xf32>
          %parallel_loop3A_3288 = tpu.bitcast %parallel_loop3A_3287 : vector<16xf32> -> vector<16xi32>
          %parallel_loop3A_3289 = arith.constant 31 : i32
          %parallel_loop3A_3290 = vector.broadcast %parallel_loop3A_3289 : i32 to vector<16xi32>
          %parallel_loop3A_3291 = arith.shrsi %parallel_loop3A_3288, %parallel_loop3A_3290 : vector<16xi32>
          %parallel_loop3A_3292 = vector.broadcast %scan3A : i32 to vector<16xi32>
          %parallel_loop3A_3293 = arith.ori %parallel_loop3A_3291, %parallel_loop3A_3292 : vector<16xi32>
          %parallel_loop3A_3294 = arith.xori %parallel_loop3A_3288, %parallel_loop3A_3293 : vector<16xi32>
          %parallel_loop3A_3295 = arith.constant 21 : i32
          %parallel_loop3A_3296 = vector.broadcast %parallel_loop3A_3295 : i32 to vector<16xi32>
          %parallel_loop3A_3297 = arith.shrui %parallel_loop3A_3294, %parallel_loop3A_3296 : vector<16xi32>
          %parallel_loop3A_3298 = arith.addi %mul3A_3, %parallel_loop3A_3297 : vector<16xi32>
          tpu.vector_store_idx %arg9[%parallel_loop3A_3298], %broadcast_in_dim3A_5 {add = true} : memref<65536xf32, #tpu.memory_space<vmem>>[vector<16xi32>], vector<16xf32>,
          %parallel_loop3A_3299 = arith.constant 32768 : i32
          %parallel_loop3A_3300 = vector.broadcast %parallel_loop3A_3299 : i32 to vector<16xi32>
          %parallel_loop3A_3301 = arith.addi %parallel_loop3A_3298, %parallel_loop3A_3300 : vector<16xi32>
          tpu.vector_store_idx %arg9[%parallel_loop3A_3301], %parallel_loop3A_3287 {add = true} : memref<65536xf32, #tpu.memory_space<vmem>>[vector<16xi32>], vector<16xf32>,
          %parallel_loop3A_3302 = arith.mulf %parallel_loop3A_3287, %parallel_loop3A_3287 : vector<16xf32>
          %parallel_loop3A_3303 = arith.addf %parallel_loop3A_3221, %parallel_loop3A_3302 : vector<16xf32>
          %parallel_loop3A_3304 = arith.constant 48 : i32
          %parallel_loop3A_3305 = arith.addi %parallel_loop3A_3224, %parallel_loop3A_3304 : i32
          %parallel_loop3A_3306 = arith.constant 1 : i32
          %parallel_loop3A_3307 = arith.index_cast %parallel_loop3A_3306 : i32 to index
          %parallel_loop3A_3308 = arith.index_cast %parallel_loop3A_3305 : i32 to index
          %parallel_loop3A_3309 = tpu.vector_load %arg10[%parallel_loop3A_3307, %parallel_loop3A_3308] {strides = array<i32>} : memref<2x8192xf32, #tpu.memory_space<vmem>>, vector<16xf32>,
          %parallel_loop3A_3310 = arith.constant 1 : i32
          %parallel_loop3A_3311 = arith.index_cast %parallel_loop3A_3310 : i32 to index
          %parallel_loop3A_3312 = arith.index_cast %parallel_loop3A_3305 : i32 to index
          %parallel_loop3A_3313 = tpu.vector_load %arg11[%parallel_loop3A_3311, %parallel_loop3A_3312] {strides = array<i32>} : memref<2x8192xf32, #tpu.memory_space<vmem>>, vector<16xf32>,
          %parallel_loop3A_3314 = arith.mulf %parallel_loop3A_3313, %parallel_loop3A_3309 : vector<16xf32>
          %parallel_loop3A_3315 = tpu.bitcast %parallel_loop3A_3314 : vector<16xf32> -> vector<16xi32>
          %parallel_loop3A_3316 = arith.constant 31 : i32
          %parallel_loop3A_3317 = vector.broadcast %parallel_loop3A_3316 : i32 to vector<16xi32>
          %parallel_loop3A_3318 = arith.shrsi %parallel_loop3A_3315, %parallel_loop3A_3317 : vector<16xi32>
          %parallel_loop3A_3319 = vector.broadcast %scan3A : i32 to vector<16xi32>
          %parallel_loop3A_3320 = arith.ori %parallel_loop3A_3318, %parallel_loop3A_3319 : vector<16xi32>
          %parallel_loop3A_3321 = arith.xori %parallel_loop3A_3315, %parallel_loop3A_3320 : vector<16xi32>
          %parallel_loop3A_3322 = arith.constant 21 : i32
          %parallel_loop3A_3323 = vector.broadcast %parallel_loop3A_3322 : i32 to vector<16xi32>
          %parallel_loop3A_3324 = arith.shrui %parallel_loop3A_3321, %parallel_loop3A_3323 : vector<16xi32>
          %parallel_loop3A_3325 = arith.addi %mul3A_3, %parallel_loop3A_3324 : vector<16xi32>
          tpu.vector_store_idx %arg9[%parallel_loop3A_3325], %broadcast_in_dim3A_5 {add = true} : memref<65536xf32, #tpu.memory_space<vmem>>[vector<16xi32>], vector<16xf32>,
          %parallel_loop3A_3326 = arith.constant 32768 : i32
          %parallel_loop3A_3327 = vector.broadcast %parallel_loop3A_3326 : i32 to vector<16xi32>
          %parallel_loop3A_3328 = arith.addi %parallel_loop3A_3325, %parallel_loop3A_3327 : vector<16xi32>
          tpu.vector_store_idx %arg9[%parallel_loop3A_3328], %parallel_loop3A_3314 {add = true} : memref<65536xf32, #tpu.memory_space<vmem>>[vector<16xi32>], vector<16xf32>,
          %parallel_loop3A_3329 = arith.mulf %parallel_loop3A_3314, %parallel_loop3A_3314 : vector<16xf32>
          %parallel_loop3A_3330 = arith.addf %parallel_loop3A_3222, %parallel_loop3A_3329 : vector<16xf32>
          scf.yield %parallel_loop3A_3249, %parallel_loop3A_3276, %parallel_loop3A_3303, %parallel_loop3A_3330 : vector<16xf32>, vector<16xf32>, vector<16xf32>, vector<16xf32>
        } {sc.loop_unroll_factor = 1 : i64, sc.parallel_access}
        scf.yield %parallel_loop3A_3217#0, %parallel_loop3A_3217#1, %parallel_loop3A_3217#2, %parallel_loop3A_3217#3 : vector<16xf32>, vector<16xf32>, vector<16xf32>, vector<16xf32>
      }
      %scan3A_57 = arith.constant 16 : i32
      %add3A_58 = arith.addf %scan3A_56#0, %scan3A_56#1 : vector<16xf32>
      %add3A_59 = arith.addf %scan3A_56#2, %scan3A_56#3 : vector<16xf32>
      %add3A_60 = arith.addf %add3A_58, %add3A_59 : vector<16xf32>
      %parallel_loop3A_61 = arith.constant 0 : i32
      %parallel_loop3A_62 = arith.constant 128 : i32
      %parallel_loop3A_63 = arith.constant 1 : i32
      scf.for %parallel_loop3A_3112 = %parallel_loop3A_61 to %parallel_loop3A_62 step %parallel_loop3A_63  : i32 {
        %parallel_loop3A_3113 = arith.constant 16 : i32
        %parallel_loop3A_3114 = arith.muli %parallel_loop3A_3112, %parallel_loop3A_3113 : i32
        %parallel_loop3A_3115 = arith.constant 0 : i32
        %parallel_loop3A_3116 = arith.addi %parallel_loop3A_3115, %parallel_loop3A_3114 : i32
        %parallel_loop3A_3117 = arith.index_cast %parallel_loop3A_3116 : i32 to index
        %parallel_loop3A_3118 = tpu.vector_load %arg9[%parallel_loop3A_3117] {strides = array<i32>} : memref<65536xf32, #tpu.memory_space<vmem>>, vector<16xf32>,
        %parallel_loop3A_3119 = arith.constant 16 : i32
        %parallel_loop3A_3120 = arith.muli %parallel_loop3A_3112, %parallel_loop3A_3119 : i32
        %parallel_loop3A_3121 = arith.constant 2048 : i32
        %parallel_loop3A_3122 = arith.addi %parallel_loop3A_3121, %parallel_loop3A_3120 : i32
        %parallel_loop3A_3123 = arith.index_cast %parallel_loop3A_3122 : i32 to index
        %parallel_loop3A_3124 = tpu.vector_load %arg9[%parallel_loop3A_3123] {strides = array<i32>} : memref<65536xf32, #tpu.memory_space<vmem>>, vector<16xf32>,
        %parallel_loop3A_3125 = arith.addf %parallel_loop3A_3118, %parallel_loop3A_3124 : vector<16xf32>
        %parallel_loop3A_3126 = arith.constant 16 : i32
        %parallel_loop3A_3127 = arith.muli %parallel_loop3A_3112, %parallel_loop3A_3126 : i32
        %parallel_loop3A_3128 = arith.constant 4096 : i32
        %parallel_loop3A_3129 = arith.addi %parallel_loop3A_3128, %parallel_loop3A_3127 : i32
        %parallel_loop3A_3130 = arith.index_cast %parallel_loop3A_3129 : i32 to index
        %parallel_loop3A_3131 = tpu.vector_load %arg9[%parallel_loop3A_3130] {strides = array<i32>} : memref<65536xf32, #tpu.memory_space<vmem>>, vector<16xf32>,
        %parallel_loop3A_3132 = arith.addf %parallel_loop3A_3125, %parallel_loop3A_3131 : vector<16xf32>
        %parallel_loop3A_3133 = arith.constant 16 : i32
        %parallel_loop3A_3134 = arith.muli %parallel_loop3A_3112, %parallel_loop3A_3133 : i32
        %parallel_loop3A_3135 = arith.constant 6144 : i32
        %parallel_loop3A_3136 = arith.addi %parallel_loop3A_3135, %parallel_loop3A_3134 : i32
        %parallel_loop3A_3137 = arith.index_cast %parallel_loop3A_3136 : i32 to index
        %parallel_loop3A_3138 = tpu.vector_load %arg9[%parallel_loop3A_3137] {strides = array<i32>} : memref<65536xf32, #tpu.memory_space<vmem>>, vector<16xf32>,
        %parallel_loop3A_3139 = arith.addf %parallel_loop3A_3132, %parallel_loop3A_3138 : vector<16xf32>
        %parallel_loop3A_3140 = arith.constant 16 : i32
        %parallel_loop3A_3141 = arith.muli %parallel_loop3A_3112, %parallel_loop3A_3140 : i32
        %parallel_loop3A_3142 = arith.constant 8192 : i32
        %parallel_loop3A_3143 = arith.addi %parallel_loop3A_3142, %parallel_loop3A_3141 : i32
        %parallel_loop3A_3144 = arith.index_cast %parallel_loop3A_3143 : i32 to index
        %parallel_loop3A_3145 = tpu.vector_load %arg9[%parallel_loop3A_3144] {strides = array<i32>} : memref<65536xf32, #tpu.memory_space<vmem>>, vector<16xf32>,
        %parallel_loop3A_3146 = arith.addf %parallel_loop3A_3139, %parallel_loop3A_3145 : vector<16xf32>
        %parallel_loop3A_3147 = arith.constant 16 : i32
        %parallel_loop3A_3148 = arith.muli %parallel_loop3A_3112, %parallel_loop3A_3147 : i32
        %parallel_loop3A_3149 = arith.constant 10240 : i32
        %parallel_loop3A_3150 = arith.addi %parallel_loop3A_3149, %parallel_loop3A_3148 : i32
        %parallel_loop3A_3151 = arith.index_cast %parallel_loop3A_3150 : i32 to index
        %parallel_loop3A_3152 = tpu.vector_load %arg9[%parallel_loop3A_3151] {strides = array<i32>} : memref<65536xf32, #tpu.memory_space<vmem>>, vector<16xf32>,
        %parallel_loop3A_3153 = arith.addf %parallel_loop3A_3146, %parallel_loop3A_3152 : vector<16xf32>
        %parallel_loop3A_3154 = arith.constant 16 : i32
        %parallel_loop3A_3155 = arith.muli %parallel_loop3A_3112, %parallel_loop3A_3154 : i32
        %parallel_loop3A_3156 = arith.constant 12288 : i32
        %parallel_loop3A_3157 = arith.addi %parallel_loop3A_3156, %parallel_loop3A_3155 : i32
        %parallel_loop3A_3158 = arith.index_cast %parallel_loop3A_3157 : i32 to index
        %parallel_loop3A_3159 = tpu.vector_load %arg9[%parallel_loop3A_3158] {strides = array<i32>} : memref<65536xf32, #tpu.memory_space<vmem>>, vector<16xf32>,
        %parallel_loop3A_3160 = arith.addf %parallel_loop3A_3153, %parallel_loop3A_3159 : vector<16xf32>
        %parallel_loop3A_3161 = arith.constant 16 : i32
        %parallel_loop3A_3162 = arith.muli %parallel_loop3A_3112, %parallel_loop3A_3161 : i32
        %parallel_loop3A_3163 = arith.constant 14336 : i32
        %parallel_loop3A_3164 = arith.addi %parallel_loop3A_3163, %parallel_loop3A_3162 : i32
        %parallel_loop3A_3165 = arith.index_cast %parallel_loop3A_3164 : i32 to index
        %parallel_loop3A_3166 = tpu.vector_load %arg9[%parallel_loop3A_3165] {strides = array<i32>} : memref<65536xf32, #tpu.memory_space<vmem>>, vector<16xf32>,
        %parallel_loop3A_3167 = arith.addf %parallel_loop3A_3160, %parallel_loop3A_3166 : vector<16xf32>
        %parallel_loop3A_3168 = arith.constant 16 : i32
        %parallel_loop3A_3169 = arith.muli %parallel_loop3A_3112, %parallel_loop3A_3168 : i32
        %parallel_loop3A_3170 = arith.constant 16384 : i32
        %parallel_loop3A_3171 = arith.addi %parallel_loop3A_3170, %parallel_loop3A_3169 : i32
        %parallel_loop3A_3172 = arith.index_cast %parallel_loop3A_3171 : i32 to index
        %parallel_loop3A_3173 = tpu.vector_load %arg9[%parallel_loop3A_3172] {strides = array<i32>} : memref<65536xf32, #tpu.memory_space<vmem>>, vector<16xf32>,
        %parallel_loop3A_3174 = arith.addf %parallel_loop3A_3167, %parallel_loop3A_3173 : vector<16xf32>
        %parallel_loop3A_3175 = arith.constant 16 : i32
        %parallel_loop3A_3176 = arith.muli %parallel_loop3A_3112, %parallel_loop3A_3175 : i32
        %parallel_loop3A_3177 = arith.constant 18432 : i32
        %parallel_loop3A_3178 = arith.addi %parallel_loop3A_3177, %parallel_loop3A_3176 : i32
        %parallel_loop3A_3179 = arith.index_cast %parallel_loop3A_3178 : i32 to index
        %parallel_loop3A_3180 = tpu.vector_load %arg9[%parallel_loop3A_3179] {strides = array<i32>} : memref<65536xf32, #tpu.memory_space<vmem>>, vector<16xf32>,
        %parallel_loop3A_3181 = arith.addf %parallel_loop3A_3174, %parallel_loop3A_3180 : vector<16xf32>
        %parallel_loop3A_3182 = arith.constant 16 : i32
        %parallel_loop3A_3183 = arith.muli %parallel_loop3A_3112, %parallel_loop3A_3182 : i32
        %parallel_loop3A_3184 = arith.constant 20480 : i32
        %parallel_loop3A_3185 = arith.addi %parallel_loop3A_3184, %parallel_loop3A_3183 : i32
        %parallel_loop3A_3186 = arith.index_cast %parallel_loop3A_3185 : i32 to index
        %parallel_loop3A_3187 = tpu.vector_load %arg9[%parallel_loop3A_3186] {strides = array<i32>} : memref<65536xf32, #tpu.memory_space<vmem>>, vector<16xf32>,
        %parallel_loop3A_3188 = arith.addf %parallel_loop3A_3181, %parallel_loop3A_3187 : vector<16xf32>
        %parallel_loop3A_3189 = arith.constant 16 : i32
        %parallel_loop3A_3190 = arith.muli %parallel_loop3A_3112, %parallel_loop3A_3189 : i32
        %parallel_loop3A_3191 = arith.constant 22528 : i32
        %parallel_loop3A_3192 = arith.addi %parallel_loop3A_3191, %parallel_loop3A_3190 : i32
        %parallel_loop3A_3193 = arith.index_cast %parallel_loop3A_3192 : i32 to index
        %parallel_loop3A_3194 = tpu.vector_load %arg9[%parallel_loop3A_3193] {strides = array<i32>} : memref<65536xf32, #tpu.memory_space<vmem>>, vector<16xf32>,
        %parallel_loop3A_3195 = arith.addf %parallel_loop3A_3188, %parallel_loop3A_3194 : vector<16xf32>
        %parallel_loop3A_3196 = arith.constant 16 : i32
        %parallel_loop3A_3197 = arith.muli %parallel_loop3A_3112, %parallel_loop3A_3196 : i32
        %parallel_loop3A_3198 = arith.constant 24576 : i32
        %parallel_loop3A_3199 = arith.addi %parallel_loop3A_3198, %parallel_loop3A_3197 : i32
        %parallel_loop3A_3200 = arith.index_cast %parallel_loop3A_3199 : i32 to index
        %parallel_loop3A_3201 = tpu.vector_load %arg9[%parallel_loop3A_3200] {strides = array<i32>} : memref<65536xf32, #tpu.memory_space<vmem>>, vector<16xf32>,
        %parallel_loop3A_3202 = arith.addf %parallel_loop3A_3195, %parallel_loop3A_3201 : vector<16xf32>
        %parallel_loop3A_3203 = arith.constant 16 : i32
        %parallel_loop3A_3204 = arith.muli %parallel_loop3A_3112, %parallel_loop3A_3203 : i32
        %parallel_loop3A_3205 = arith.constant 26624 : i32
        %parallel_loop3A_3206 = arith.addi %parallel_loop3A_3205, %parallel_loop3A_3204 : i32
        %parallel_loop3A_3207 = arith.index_cast %parallel_loop3A_3206 : i32 to index
        %parallel_loop3A_3208 = tpu.vector_load %arg9[%parallel_loop3A_3207] {strides = array<i32>} : memref<65536xf32, #tpu.memory_space<vmem>>, vector<16xf32>,
        %parallel_loop3A_3209 = arith.addf %parallel_loop3A_3202, %parallel_loop3A_3208 : vector<16xf32>
        %parallel_loop3A_3210 = arith.constant 16 : i32
        %parallel_loop3A_3211 = arith.muli %parallel_loop3A_3112, %parallel_loop3A_3210 : i32
        %parallel_loop3A_3212 = arith.constant 28672 : i32
        %parallel_loop3A_3213 = arith.addi %parallel_loop3A_3212, %parallel_loop3A_3211 : i32
        %parallel_loop3A_3214 = arith.index_cast %parallel_loop3A_3213 : i32 to index
        %parallel_loop3A_3215 = tpu.vector_load %arg9[%parallel_loop3A_3214] {strides = array<i32>} : memref<65536xf32, #tpu.memory_space<vmem>>, vector<16xf32>,
        %parallel_loop3A_3216 = arith.addf %parallel_loop3A_3209, %parallel_loop3A_3215 : vector<16xf32>
        %parallel_loop3A_3217 = arith.constant 16 : i32
        %parallel_loop3A_3218 = arith.muli %parallel_loop3A_3112, %parallel_loop3A_3217 : i32
        %parallel_loop3A_3219 = arith.constant 30720 : i32
        %parallel_loop3A_3220 = arith.addi %parallel_loop3A_3219, %parallel_loop3A_3218 : i32
        %parallel_loop3A_3221 = arith.index_cast %parallel_loop3A_3220 : i32 to index
        %parallel_loop3A_3222 = tpu.vector_load %arg9[%parallel_loop3A_3221] {strides = array<i32>} : memref<65536xf32, #tpu.memory_space<vmem>>, vector<16xf32>,
        %parallel_loop3A_3223 = arith.addf %parallel_loop3A_3216, %parallel_loop3A_3222 : vector<16xf32>
        %parallel_loop3A_3224 = arith.constant 16 : i32
        %parallel_loop3A_3225 = arith.muli %parallel_loop3A_3112, %parallel_loop3A_3224 : i32
        %parallel_loop3A_3226 = arith.constant 0 : i32
        %parallel_loop3A_3227 = arith.addi %parallel_loop3A_3226, %parallel_loop3A_3225 : i32
        %parallel_loop3A_3228 = arith.index_cast %parallel_loop3A_3227 : i32 to index
        %parallel_loop3A_3229 = tpu.vector_load %arg12[%parallel_loop3A_3228] {strides = array<i32>} : memref<4096xf32, #tpu.memory_space<vmem>>, vector<16xf32>,
        tpu.vector_store %arg12[%parallel_loop3A_3228], %parallel_loop3A_3223 {strides = array<i32>} : memref<4096xf32, #tpu.memory_space<vmem>>, vector<16xf32>,
      } {sc.loop_unroll_factor = 1 : i64, sc.parallel_access}
      %parallel_loop3A_64 = arith.constant 0 : i32
      %parallel_loop3A_65 = arith.constant 128 : i32
      %parallel_loop3A_66 = arith.constant 1 : i32
      scf.for %parallel_loop3A_3112 = %parallel_loop3A_64 to %parallel_loop3A_65 step %parallel_loop3A_66  : i32 {
        %parallel_loop3A_3113 = arith.constant 16 : i32
        %parallel_loop3A_3114 = arith.muli %parallel_loop3A_3112, %parallel_loop3A_3113 : i32
        %parallel_loop3A_3115 = arith.constant 32768 : i32
        %parallel_loop3A_3116 = arith.addi %parallel_loop3A_3115, %parallel_loop3A_3114 : i32
        %parallel_loop3A_3117 = arith.index_cast %parallel_loop3A_3116 : i32 to index
        %parallel_loop3A_3118 = tpu.vector_load %arg9[%parallel_loop3A_3117] {strides = array<i32>} : memref<65536xf32, #tpu.memory_space<vmem>>, vector<16xf32>,
        %parallel_loop3A_3119 = arith.constant 16 : i32
        %parallel_loop3A_3120 = arith.muli %parallel_loop3A_3112, %parallel_loop3A_3119 : i32
        %parallel_loop3A_3121 = arith.constant 34816 : i32
        %parallel_loop3A_3122 = arith.addi %parallel_loop3A_3121, %parallel_loop3A_3120 : i32
        %parallel_loop3A_3123 = arith.index_cast %parallel_loop3A_3122 : i32 to index
        %parallel_loop3A_3124 = tpu.vector_load %arg9[%parallel_loop3A_3123] {strides = array<i32>} : memref<65536xf32, #tpu.memory_space<vmem>>, vector<16xf32>,
        %parallel_loop3A_3125 = arith.addf %parallel_loop3A_3118, %parallel_loop3A_3124 : vector<16xf32>
        %parallel_loop3A_3126 = arith.constant 16 : i32
        %parallel_loop3A_3127 = arith.muli %parallel_loop3A_3112, %parallel_loop3A_3126 : i32
        %parallel_loop3A_3128 = arith.constant 36864 : i32
        %parallel_loop3A_3129 = arith.addi %parallel_loop3A_3128, %parallel_loop3A_3127 : i32
        %parallel_loop3A_3130 = arith.index_cast %parallel_loop3A_3129 : i32 to index
        %parallel_loop3A_3131 = tpu.vector_load %arg9[%parallel_loop3A_3130] {strides = array<i32>} : memref<65536xf32, #tpu.memory_space<vmem>>, vector<16xf32>,
        %parallel_loop3A_3132 = arith.addf %parallel_loop3A_3125, %parallel_loop3A_3131 : vector<16xf32>
        %parallel_loop3A_3133 = arith.constant 16 : i32
        %parallel_loop3A_3134 = arith.muli %parallel_loop3A_3112, %parallel_loop3A_3133 : i32
        %parallel_loop3A_3135 = arith.constant 38912 : i32
        %parallel_loop3A_3136 = arith.addi %parallel_loop3A_3135, %parallel_loop3A_3134 : i32
        %parallel_loop3A_3137 = arith.index_cast %parallel_loop3A_3136 : i32 to index
        %parallel_loop3A_3138 = tpu.vector_load %arg9[%parallel_loop3A_3137] {strides = array<i32>} : memref<65536xf32, #tpu.memory_space<vmem>>, vector<16xf32>,
        %parallel_loop3A_3139 = arith.addf %parallel_loop3A_3132, %parallel_loop3A_3138 : vector<16xf32>
        %parallel_loop3A_3140 = arith.constant 16 : i32
        %parallel_loop3A_3141 = arith.muli %parallel_loop3A_3112, %parallel_loop3A_3140 : i32
        %parallel_loop3A_3142 = arith.constant 40960 : i32
        %parallel_loop3A_3143 = arith.addi %parallel_loop3A_3142, %parallel_loop3A_3141 : i32
        %parallel_loop3A_3144 = arith.index_cast %parallel_loop3A_3143 : i32 to index
        %parallel_loop3A_3145 = tpu.vector_load %arg9[%parallel_loop3A_3144] {strides = array<i32>} : memref<65536xf32, #tpu.memory_space<vmem>>, vector<16xf32>,
        %parallel_loop3A_3146 = arith.addf %parallel_loop3A_3139, %parallel_loop3A_3145 : vector<16xf32>
        %parallel_loop3A_3147 = arith.constant 16 : i32
        %parallel_loop3A_3148 = arith.muli %parallel_loop3A_3112, %parallel_loop3A_3147 : i32
        %parallel_loop3A_3149 = arith.constant 43008 : i32
        %parallel_loop3A_3150 = arith.addi %parallel_loop3A_3149, %parallel_loop3A_3148 : i32
        %parallel_loop3A_3151 = arith.index_cast %parallel_loop3A_3150 : i32 to index
        %parallel_loop3A_3152 = tpu.vector_load %arg9[%parallel_loop3A_3151] {strides = array<i32>} : memref<65536xf32, #tpu.memory_space<vmem>>, vector<16xf32>,
        %parallel_loop3A_3153 = arith.addf %parallel_loop3A_3146, %parallel_loop3A_3152 : vector<16xf32>
        %parallel_loop3A_3154 = arith.constant 16 : i32
        %parallel_loop3A_3155 = arith.muli %parallel_loop3A_3112, %parallel_loop3A_3154 : i32
        %parallel_loop3A_3156 = arith.constant 45056 : i32
        %parallel_loop3A_3157 = arith.addi %parallel_loop3A_3156, %parallel_loop3A_3155 : i32
        %parallel_loop3A_3158 = arith.index_cast %parallel_loop3A_3157 : i32 to index
        %parallel_loop3A_3159 = tpu.vector_load %arg9[%parallel_loop3A_3158] {strides = array<i32>} : memref<65536xf32, #tpu.memory_space<vmem>>, vector<16xf32>,
        %parallel_loop3A_3160 = arith.addf %parallel_loop3A_3153, %parallel_loop3A_3159 : vector<16xf32>
        %parallel_loop3A_3161 = arith.constant 16 : i32
        %parallel_loop3A_3162 = arith.muli %parallel_loop3A_3112, %parallel_loop3A_3161 : i32
        %parallel_loop3A_3163 = arith.constant 47104 : i32
        %parallel_loop3A_3164 = arith.addi %parallel_loop3A_3163, %parallel_loop3A_3162 : i32
        %parallel_loop3A_3165 = arith.index_cast %parallel_loop3A_3164 : i32 to index
        %parallel_loop3A_3166 = tpu.vector_load %arg9[%parallel_loop3A_3165] {strides = array<i32>} : memref<65536xf32, #tpu.memory_space<vmem>>, vector<16xf32>,
        %parallel_loop3A_3167 = arith.addf %parallel_loop3A_3160, %parallel_loop3A_3166 : vector<16xf32>
        %parallel_loop3A_3168 = arith.constant 16 : i32
        %parallel_loop3A_3169 = arith.muli %parallel_loop3A_3112, %parallel_loop3A_3168 : i32
        %parallel_loop3A_3170 = arith.constant 49152 : i32
        %parallel_loop3A_3171 = arith.addi %parallel_loop3A_3170, %parallel_loop3A_3169 : i32
        %parallel_loop3A_3172 = arith.index_cast %parallel_loop3A_3171 : i32 to index
        %parallel_loop3A_3173 = tpu.vector_load %arg9[%parallel_loop3A_3172] {strides = array<i32>} : memref<65536xf32, #tpu.memory_space<vmem>>, vector<16xf32>,
        %parallel_loop3A_3174 = arith.addf %parallel_loop3A_3167, %parallel_loop3A_3173 : vector<16xf32>
        %parallel_loop3A_3175 = arith.constant 16 : i32
        %parallel_loop3A_3176 = arith.muli %parallel_loop3A_3112, %parallel_loop3A_3175 : i32
        %parallel_loop3A_3177 = arith.constant 51200 : i32
        %parallel_loop3A_3178 = arith.addi %parallel_loop3A_3177, %parallel_loop3A_3176 : i32
        %parallel_loop3A_3179 = arith.index_cast %parallel_loop3A_3178 : i32 to index
        %parallel_loop3A_3180 = tpu.vector_load %arg9[%parallel_loop3A_3179] {strides = array<i32>} : memref<65536xf32, #tpu.memory_space<vmem>>, vector<16xf32>,
        %parallel_loop3A_3181 = arith.addf %parallel_loop3A_3174, %parallel_loop3A_3180 : vector<16xf32>
        %parallel_loop3A_3182 = arith.constant 16 : i32
        %parallel_loop3A_3183 = arith.muli %parallel_loop3A_3112, %parallel_loop3A_3182 : i32
        %parallel_loop3A_3184 = arith.constant 53248 : i32
        %parallel_loop3A_3185 = arith.addi %parallel_loop3A_3184, %parallel_loop3A_3183 : i32
        %parallel_loop3A_3186 = arith.index_cast %parallel_loop3A_3185 : i32 to index
        %parallel_loop3A_3187 = tpu.vector_load %arg9[%parallel_loop3A_3186] {strides = array<i32>} : memref<65536xf32, #tpu.memory_space<vmem>>, vector<16xf32>,
        %parallel_loop3A_3188 = arith.addf %parallel_loop3A_3181, %parallel_loop3A_3187 : vector<16xf32>
        %parallel_loop3A_3189 = arith.constant 16 : i32
        %parallel_loop3A_3190 = arith.muli %parallel_loop3A_3112, %parallel_loop3A_3189 : i32
        %parallel_loop3A_3191 = arith.constant 55296 : i32
        %parallel_loop3A_3192 = arith.addi %parallel_loop3A_3191, %parallel_loop3A_3190 : i32
        %parallel_loop3A_3193 = arith.index_cast %parallel_loop3A_3192 : i32 to index
        %parallel_loop3A_3194 = tpu.vector_load %arg9[%parallel_loop3A_3193] {strides = array<i32>} : memref<65536xf32, #tpu.memory_space<vmem>>, vector<16xf32>,
        %parallel_loop3A_3195 = arith.addf %parallel_loop3A_3188, %parallel_loop3A_3194 : vector<16xf32>
        %parallel_loop3A_3196 = arith.constant 16 : i32
        %parallel_loop3A_3197 = arith.muli %parallel_loop3A_3112, %parallel_loop3A_3196 : i32
        %parallel_loop3A_3198 = arith.constant 57344 : i32
        %parallel_loop3A_3199 = arith.addi %parallel_loop3A_3198, %parallel_loop3A_3197 : i32
        %parallel_loop3A_3200 = arith.index_cast %parallel_loop3A_3199 : i32 to index
        %parallel_loop3A_3201 = tpu.vector_load %arg9[%parallel_loop3A_3200] {strides = array<i32>} : memref<65536xf32, #tpu.memory_space<vmem>>, vector<16xf32>,
        %parallel_loop3A_3202 = arith.addf %parallel_loop3A_3195, %parallel_loop3A_3201 : vector<16xf32>
        %parallel_loop3A_3203 = arith.constant 16 : i32
        %parallel_loop3A_3204 = arith.muli %parallel_loop3A_3112, %parallel_loop3A_3203 : i32
        %parallel_loop3A_3205 = arith.constant 59392 : i32
        %parallel_loop3A_3206 = arith.addi %parallel_loop3A_3205, %parallel_loop3A_3204 : i32
        %parallel_loop3A_3207 = arith.index_cast %parallel_loop3A_3206 : i32 to index
        %parallel_loop3A_3208 = tpu.vector_load %arg9[%parallel_loop3A_3207] {strides = array<i32>} : memref<65536xf32, #tpu.memory_space<vmem>>, vector<16xf32>,
        %parallel_loop3A_3209 = arith.addf %parallel_loop3A_3202, %parallel_loop3A_3208 : vector<16xf32>
        %parallel_loop3A_3210 = arith.constant 16 : i32
        %parallel_loop3A_3211 = arith.muli %parallel_loop3A_3112, %parallel_loop3A_3210 : i32
        %parallel_loop3A_3212 = arith.constant 61440 : i32
        %parallel_loop3A_3213 = arith.addi %parallel_loop3A_3212, %parallel_loop3A_3211 : i32
        %parallel_loop3A_3214 = arith.index_cast %parallel_loop3A_3213 : i32 to index
        %parallel_loop3A_3215 = tpu.vector_load %arg9[%parallel_loop3A_3214] {strides = array<i32>} : memref<65536xf32, #tpu.memory_space<vmem>>, vector<16xf32>,
        %parallel_loop3A_3216 = arith.addf %parallel_loop3A_3209, %parallel_loop3A_3215 : vector<16xf32>
        %parallel_loop3A_3217 = arith.constant 16 : i32
        %parallel_loop3A_3218 = arith.muli %parallel_loop3A_3112, %parallel_loop3A_3217 : i32
        %parallel_loop3A_3219 = arith.constant 63488 : i32
        %parallel_loop3A_3220 = arith.addi %parallel_loop3A_3219, %parallel_loop3A_3218 : i32
        %parallel_loop3A_3221 = arith.index_cast %parallel_loop3A_3220 : i32 to index
        %parallel_loop3A_3222 = tpu.vector_load %arg9[%parallel_loop3A_3221] {strides = array<i32>} : memref<65536xf32, #tpu.memory_space<vmem>>, vector<16xf32>,
        %parallel_loop3A_3223 = arith.addf %parallel_loop3A_3216, %parallel_loop3A_3222 : vector<16xf32>
        %parallel_loop3A_3224 = arith.constant 16 : i32
        %parallel_loop3A_3225 = arith.muli %parallel_loop3A_3112, %parallel_loop3A_3224 : i32
        %parallel_loop3A_3226 = arith.constant 2048 : i32
        %parallel_loop3A_3227 = arith.addi %parallel_loop3A_3226, %parallel_loop3A_3225 : i32
        %parallel_loop3A_3228 = arith.index_cast %parallel_loop3A_3227 : i32 to index
        %parallel_loop3A_3229 = tpu.vector_load %arg12[%parallel_loop3A_3228] {strides = array<i32>} : memref<4096xf32, #tpu.memory_space<vmem>>, vector<16xf32>,
        tpu.vector_store %arg12[%parallel_loop3A_3228], %parallel_loop3A_3223 {strides = array<i32>} : memref<4096xf32, #tpu.memory_space<vmem>>, vector<16xf32>,
      } {sc.loop_unroll_factor = 1 : i64, sc.parallel_access}
      %scan3A_67 = arith.constant 0 : i32
      %scan3A_68 = arith.constant 128 : i32
      %scan3A_69 = arith.addi %scan3A_67, %scan3A_68 : i32
      %scan3A_70 = arith.constant 1 : i32
      %scan3A_71:2 = scf.for %scan3A_3112 = %scan3A_67 to %scan3A_69 step %scan3A_70 iter_args(%scan3A_3113 = %broadcast_in_dim3A_7, %scan3A_3114 = %broadcast_in_dim3A_7) -> (vector<16xf32>, vector<16xf32>)  : i32 {
        %mul3A_3115 = arith.constant 16 : i32
        %mul3A_3116 = arith.muli %scan3A_3112, %mul3A_3115 : i32
        %get3A_3117 = arith.index_cast %mul3A_3116 : i32 to index
        %get3A_3118 = tpu.vector_load %arg12[%get3A_3117] {strides = array<i32>} : memref<4096xf32, #tpu.memory_space<vmem>>, vector<16xf32>,
        %mul3A_3119 = arith.constant 16 : i32
        %mul3A_3120 = arith.muli %scan3A_3112, %mul3A_3119 : i32
        %add3A_3121 = arith.constant 2048 : i32
        %add3A_3122 = arith.addi %add3A_3121, %mul3A_3120 : i32
        %get3A_3123 = arith.index_cast %add3A_3122 : i32 to index
        %get3A_3124 = tpu.vector_load %arg12[%get3A_3123] {strides = array<i32>} : memref<4096xf32, #tpu.memory_space<vmem>>, vector<16xf32>,
        %broadcast_in_dim3A_3125 = arith.constant true
        %broadcast_in_dim3A_3126 = vector.broadcast %broadcast_in_dim3A_3125 : i1 to vector<16xi1>
        %masked_cumsum3A = tpu.scan <sum>, %get3A_3118 masked %broadcast_in_dim3A_3126 : vector<16xf32>, vector<16xi1> -> vector<16xf32>
        %add3A_3127 = arith.addf %masked_cumsum3A, %scan3A_3113 : vector<16xf32>
        %mul3A_3128 = arith.constant 16 : i32
        %mul3A_3129 = arith.muli %scan3A_3112, %mul3A_3128 : i32
        %swap3A_3130 = arith.index_cast %mul3A_3129 : i32 to index
        %swap3A_3131 = tpu.vector_load %arg13[%swap3A_3130] {strides = array<i32>} : memref<2048xf32, #tpu.memory_space<vmem>>, vector<16xf32>,
        tpu.vector_store %arg13[%swap3A_3130], %add3A_3127 {strides = array<i32>} : memref<2048xf32, #tpu.memory_space<vmem>>, vector<16xf32>,
        %broadcast_in_dim3A_3132 = arith.constant true
        %broadcast_in_dim3A_3133 = vector.broadcast %broadcast_in_dim3A_3132 : i1 to vector<16xi1>
        %masked_cumsum3A_3134 = tpu.scan <sum>, %get3A_3124 masked %broadcast_in_dim3A_3133 : vector<16xf32>, vector<16xi1> -> vector<16xf32>
        %add3A_3135 = arith.addf %masked_cumsum3A_3134, %scan3A_3114 : vector<16xf32>
        %mul3A_3136 = arith.constant 16 : i32
        %mul3A_3137 = arith.muli %scan3A_3112, %mul3A_3136 : i32
        %swap3A_3138 = arith.index_cast %mul3A_3137 : i32 to index
        %swap3A_3139 = tpu.vector_load %arg14[%swap3A_3138] {strides = array<i32>} : memref<2048xf32, #tpu.memory_space<vmem>>, vector<16xf32>,
        tpu.vector_store %arg14[%swap3A_3138], %add3A_3135 {strides = array<i32>} : memref<2048xf32, #tpu.memory_space<vmem>>, vector<16xf32>,
        %reduce_sum3A = arith.constant true
        %reduce_sum3A_3140 = vector.broadcast %reduce_sum3A : i1 to vector<16xi1>
        %reduce_sum3A_3141 = tpu.scan <sum>, %get3A_3118 masked %reduce_sum3A_3140 : vector<16xf32>, vector<16xi1> -> vector<16xf32>
        %reduce_sum3A_3142 = vector.extract %reduce_sum3A_3141[15] : f32 from vector<16xf32>
        %add3A_3143 = vector.broadcast %reduce_sum3A_3142 : f32 to vector<16xf32>
        %add3A_3144 = arith.addf %scan3A_3113, %add3A_3143 : vector<16xf32>
        %reduce_sum3A_3145 = arith.constant true
        %reduce_sum3A_3146 = vector.broadcast %reduce_sum3A_3145 : i1 to vector<16xi1>
        %reduce_sum3A_3147 = tpu.scan <sum>, %get3A_3124 masked %reduce_sum3A_3146 : vector<16xf32>, vector<16xi1> -> vector<16xf32>
        %reduce_sum3A_3148 = vector.extract %reduce_sum3A_3147[15] : f32 from vector<16xf32>
        %add3A_3149 = vector.broadcast %reduce_sum3A_3148 : f32 to vector<16xf32>
        %add3A_3150 = arith.addf %scan3A_3114, %add3A_3149 : vector<16xf32>
        scf.yield %add3A_3144, %add3A_3150 : vector<16xf32>, vector<16xf32>
      }
      %scan3A_72 = arith.constant 128 : i32
      %scan3A_73 = arith.constant 0 : i32
      %scan3A_74 = arith.constant 16 : i32
      %scan3A_75 = arith.addi %scan3A_73, %scan3A_74 : i32
      %scan3A_76 = arith.constant 1 : i32
      %scan3A_77 = scf.for %scan3A_3112 = %scan3A_73 to %scan3A_75 step %scan3A_76 iter_args(%scan3A_3113 = %broadcast_in_dim3A_7) -> (vector<16xf32>)  : i32 {
        %mul3A_3114 = arith.constant 16 : i32
        %mul3A_3115 = arith.muli %scan3A_3112, %mul3A_3114 : i32
        %get3A_3116 = arith.index_cast %mul3A_3115 : i32 to index
        %get3A_3117 = tpu.vector_load %arg15[%get3A_3116] {strides = array<i32>} : memref<256xf32, #tpu.memory_space<vmem>>, vector<16xf32>,
        %broadcast_in_dim3A_3118 = arith.constant true
        %broadcast_in_dim3A_3119 = vector.broadcast %broadcast_in_dim3A_3118 : i1 to vector<16xi1>
        %masked_cumsum3A = tpu.scan <sum>, %get3A_3117 masked %broadcast_in_dim3A_3119 : vector<16xf32>, vector<16xi1> -> vector<16xf32>
        %add3A_3120 = arith.addf %masked_cumsum3A, %scan3A_3113 : vector<16xf32>
        %mul3A_3121 = arith.constant 16 : i32
        %mul3A_3122 = arith.muli %scan3A_3112, %mul3A_3121 : i32
        %swap3A_3123 = arith.index_cast %mul3A_3122 : i32 to index
        %swap3A_3124 = tpu.vector_load %arg15[%swap3A_3123] {strides = array<i32>} : memref<256xf32, #tpu.memory_space<vmem>>, vector<16xf32>,
        tpu.vector_store %arg15[%swap3A_3123], %add3A_3120 {strides = array<i32>} : memref<256xf32, #tpu.memory_space<vmem>>, vector<16xf32>,
        %reduce_sum3A = arith.constant true
        %reduce_sum3A_3125 = vector.broadcast %reduce_sum3A : i1 to vector<16xi1>
        %reduce_sum3A_3126 = tpu.scan <sum>, %get3A_3117 masked %reduce_sum3A_3125 : vector<16xf32>, vector<16xi1> -> vector<16xf32>
        %reduce_sum3A_3127 = vector.extract %reduce_sum3A_3126[15] : f32 from vector<16xf32>
        %add3A_3128 = vector.broadcast %reduce_sum3A_3127 : f32 to vector<16xf32>
        %add3A_3129 = arith.addf %scan3A_3113, %add3A_3128 : vector<16xf32>
        scf.yield %add3A_3129 : vector<16xf32>
      }
      %scan3A_78 = arith.constant 16 : i32
      %max3A = arith.constant 9.99999996E-13 : f32
      %max3A_79 = vector.broadcast %max3A : f32 to vector<16xf32>
      %max3A_80 = arith.maximumf %scan3A_77, %max3A_79 : vector<16xf32>
      %get3A = arith.constant 0 : index
      %get3A_81 = tpu.vector_load %arg16[%get3A] {strides = array<i32>} : memref<16xf32, #tpu.memory_space<vmem>>, vector<16xf32>,
      %get3A_82 = arith.constant 0 : index
      %get3A_83 = tpu.vector_load %arg17[%get3A_82] {strides = array<i32>} : memref<16xf32, #tpu.memory_space<vmem>>, vector<16xf32>,
      %sub3A_84 = arith.subf %get3A_83, %get3A_81 : vector<16xf32>
      %div3A = arith.constant 2.550000e+02 : f32
      %div3A_85 = vector.broadcast %div3A : f32 to vector<16xf32>
      %div3A_86 = arith.divf %sub3A_84, %div3A_85 : vector<16xf32>
      %get3A_87 = arith.constant 0 : index
      %get3A_88 = tpu.vector_load %arg15[%get3A_87] {strides = array<i32>} : memref<256xf32, #tpu.memory_space<vmem>>, vector<16xf32>,
      %div3A_89 = arith.divf %get3A_88, %max3A_80 : vector<16xf32>
      %mul3A_90 = arith.constant 2.621440e+05 : f32
      %mul3A_91 = vector.broadcast %mul3A_90 : f32 to vector<16xf32>
      %mul3A_92 = arith.mulf %div3A_89, %mul3A_91 : vector<16xf32>
      %convert_element_type3A = arith.fptosi %mul3A_92 : vector<16xf32> to vector<16xi32>
      %convert_element_type3A_93 = arith.sitofp %convert_element_type3A : vector<16xi32> to vector<16xf32>
      %jit3A_94 = arith.constant 0.000000e+00 : f32
      %jit3A_95 = arith.constant 2.621440e+05 : f32
      %max3A_96 = vector.broadcast %jit3A_94 : f32 to vector<16xf32>
      %max3A_97 = arith.maximumf %max3A_96, %convert_element_type3A_93 : vector<16xf32>
      %min3A = vector.broadcast %jit3A_95 : f32 to vector<16xf32>
      %min3A_98 = arith.minimumf %min3A, %max3A_97 : vector<16xf32>
      %add3A_99 = arith.constant 0 : i32
      %add3A_100 = vector.broadcast %add3A_99 : i32 to vector<16xi32>
      %add3A_101 = arith.addi %iota3A_4, %add3A_100 : vector<16xi32>
      %eq3A = arith.constant 255 : i32
      %eq3A_102 = vector.broadcast %eq3A : i32 to vector<16xi32>
      %eq3A_103 = arith.cmpi eq, %add3A_101, %eq3A_102 : vector<16xi32>
      %jit3A_104 = arith.constant 2.621440e+05 : f32
      %broadcast_in_dim3A_105 = vector.broadcast %jit3A_104 : f32 to vector<16xf32>
      %select_n3A_106 = arith.select %eq3A_103, %broadcast_in_dim3A_105, %min3A_98 : vector<16xi1>, vector<16xf32>
      %broadcast_in_dim3A_107 = arith.constant 0 : i32
      %broadcast_in_dim3A_108 = vector.broadcast %broadcast_in_dim3A_107 : i32 to vector<16xi32>
      %add3A_109 = arith.constant 1023 : i32
      %add3A_110 = vector.broadcast %add3A_109 : i32 to vector<16xi32>
      %add3A_111 = arith.addi %broadcast_in_dim3A_108, %add3A_110 : vector<16xi32>
      %gather3A = tpu.vector_load_idx %arg13[%add3A_111] : memref<2048xf32, #tpu.memory_space<vmem>>[vector<16xi32>], vector<16xf32>,
      %lt3A = arith.cmpf olt, %gather3A, %select_n3A_106 : vector<16xf32>
      %add3A_112 = arith.constant 1024 : i32
      %add3A_113 = vector.broadcast %add3A_112 : i32 to vector<16xi32>
      %add3A_114 = arith.addi %broadcast_in_dim3A_108, %add3A_113 : vector<16xi32>
      %select_n3A_115 = arith.select %lt3A, %add3A_114, %broadcast_in_dim3A_108 : vector<16xi1>, vector<16xi32>
      %add3A_116 = arith.constant 511 : i32
      %add3A_117 = vector.broadcast %add3A_116 : i32 to vector<16xi32>
      %add3A_118 = arith.addi %select_n3A_115, %add3A_117 : vector<16xi32>
      %gather3A_119 = tpu.vector_load_idx %arg13[%add3A_118] : memref<2048xf32, #tpu.memory_space<vmem>>[vector<16xi32>], vector<16xf32>,
      %lt3A_120 = arith.cmpf olt, %gather3A_119, %select_n3A_106 : vector<16xf32>
      %add3A_121 = arith.constant 512 : i32
      %add3A_122 = vector.broadcast %add3A_121 : i32 to vector<16xi32>
      %add3A_123 = arith.addi %select_n3A_115, %add3A_122 : vector<16xi32>
      %select_n3A_124 = arith.select %lt3A_120, %add3A_123, %select_n3A_115 : vector<16xi1>, vector<16xi32>
      %add3A_125 = arith.constant 255 : i32
      %add3A_126 = vector.broadcast %add3A_125 : i32 to vector<16xi32>
      %add3A_127 = arith.addi %select_n3A_124, %add3A_126 : vector<16xi32>
      %gather3A_128 = tpu.vector_load_idx %arg13[%add3A_127] : memref<2048xf32, #tpu.memory_space<vmem>>[vector<16xi32>], vector<16xf32>,
      %lt3A_129 = arith.cmpf olt, %gather3A_128, %select_n3A_106 : vector<16xf32>
      %add3A_130 = arith.constant 256 : i32
      %add3A_131 = vector.broadcast %add3A_130 : i32 to vector<16xi32>
      %add3A_132 = arith.addi %select_n3A_124, %add3A_131 : vector<16xi32>
      %select_n3A_133 = arith.select %lt3A_129, %add3A_132, %select_n3A_124 : vector<16xi1>, vector<16xi32>
      %add3A_134 = arith.constant 127 : i32
      %add3A_135 = vector.broadcast %add3A_134 : i32 to vector<16xi32>
      %add3A_136 = arith.addi %select_n3A_133, %add3A_135 : vector<16xi32>
      %gather3A_137 = tpu.vector_load_idx %arg13[%add3A_136] : memref<2048xf32, #tpu.memory_space<vmem>>[vector<16xi32>], vector<16xf32>,
      %lt3A_138 = arith.cmpf olt, %gather3A_137, %select_n3A_106 : vector<16xf32>
      %add3A_139 = arith.constant 128 : i32
      %add3A_140 = vector.broadcast %add3A_139 : i32 to vector<16xi32>
      %add3A_141 = arith.addi %select_n3A_133, %add3A_140 : vector<16xi32>
      %select_n3A_142 = arith.select %lt3A_138, %add3A_141, %select_n3A_133 : vector<16xi1>, vector<16xi32>
      %add3A_143 = arith.constant 63 : i32
      %add3A_144 = vector.broadcast %add3A_143 : i32 to vector<16xi32>
      %add3A_145 = arith.addi %select_n3A_142, %add3A_144 : vector<16xi32>
      %gather3A_146 = tpu.vector_load_idx %arg13[%add3A_145] : memref<2048xf32, #tpu.memory_space<vmem>>[vector<16xi32>], vector<16xf32>,
      %lt3A_147 = arith.cmpf olt, %gather3A_146, %select_n3A_106 : vector<16xf32>
      %add3A_148 = arith.constant 64 : i32
      %add3A_149 = vector.broadcast %add3A_148 : i32 to vector<16xi32>
      %add3A_150 = arith.addi %select_n3A_142, %add3A_149 : vector<16xi32>
      %select_n3A_151 = arith.select %lt3A_147, %add3A_150, %select_n3A_142 : vector<16xi1>, vector<16xi32>
      %add3A_152 = arith.constant 31 : i32
      %add3A_153 = vector.broadcast %add3A_152 : i32 to vector<16xi32>
      %add3A_154 = arith.addi %select_n3A_151, %add3A_153 : vector<16xi32>
      %gather3A_155 = tpu.vector_load_idx %arg13[%add3A_154] : memref<2048xf32, #tpu.memory_space<vmem>>[vector<16xi32>], vector<16xf32>,
      %lt3A_156 = arith.cmpf olt, %gather3A_155, %select_n3A_106 : vector<16xf32>
      %add3A_157 = arith.constant 32 : i32
      %add3A_158 = vector.broadcast %add3A_157 : i32 to vector<16xi32>
      %add3A_159 = arith.addi %select_n3A_151, %add3A_158 : vector<16xi32>
      %select_n3A_160 = arith.select %lt3A_156, %add3A_159, %select_n3A_151 : vector<16xi1>, vector<16xi32>
      %add3A_161 = arith.constant 15 : i32
      %add3A_162 = vector.broadcast %add3A_161 : i32 to vector<16xi32>
      %add3A_163 = arith.addi %select_n3A_160, %add3A_162 : vector<16xi32>
      %gather3A_164 = tpu.vector_load_idx %arg13[%add3A_163] : memref<2048xf32, #tpu.memory_space<vmem>>[vector<16xi32>], vector<16xf32>,
      %lt3A_165 = arith.cmpf olt, %gather3A_164, %select_n3A_106 : vector<16xf32>
      %add3A_166 = arith.constant 16 : i32
      %add3A_167 = vector.broadcast %add3A_166 : i32 to vector<16xi32>
      %add3A_168 = arith.addi %select_n3A_160, %add3A_167 : vector<16xi32>
      %select_n3A_169 = arith.select %lt3A_165, %add3A_168, %select_n3A_160 : vector<16xi1>, vector<16xi32>
      %add3A_170 = arith.constant 7 : i32
      %add3A_171 = vector.broadcast %add3A_170 : i32 to vector<16xi32>
      %add3A_172 = arith.addi %select_n3A_169, %add3A_171 : vector<16xi32>
      %gather3A_173 = tpu.vector_load_idx %arg13[%add3A_172] : memref<2048xf32, #tpu.memory_space<vmem>>[vector<16xi32>], vector<16xf32>,
      %lt3A_174 = arith.cmpf olt, %gather3A_173, %select_n3A_106 : vector<16xf32>
      %add3A_175 = arith.constant 8 : i32
      %add3A_176 = vector.broadcast %add3A_175 : i32 to vector<16xi32>
      %add3A_177 = arith.addi %select_n3A_169, %add3A_176 : vector<16xi32>
      %select_n3A_178 = arith.select %lt3A_174, %add3A_177, %select_n3A_169 : vector<16xi1>, vector<16xi32>
      %add3A_179 = arith.constant 3 : i32
      %add3A_180 = vector.broadcast %add3A_179 : i32 to vector<16xi32>
      %add3A_181 = arith.addi %select_n3A_178, %add3A_180 : vector<16xi32>
      %gather3A_182 = tpu.vector_load_idx %arg13[%add3A_181] : memref<2048xf32, #tpu.memory_space<vmem>>[vector<16xi32>], vector<16xf32>,
      %lt3A_183 = arith.cmpf olt, %gather3A_182, %select_n3A_106 : vector<16xf32>
      %add3A_184 = arith.constant 4 : i32
      %add3A_185 = vector.broadcast %add3A_184 : i32 to vector<16xi32>
      %add3A_186 = arith.addi %select_n3A_178, %add3A_185 : vector<16xi32>
      %select_n3A_187 = arith.select %lt3A_183, %add3A_186, %select_n3A_178 : vector<16xi1>, vector<16xi32>
      %add3A_188 = arith.constant 1 : i32
      %add3A_189 = vector.broadcast %add3A_188 : i32 to vector<16xi32>
      %add3A_190 = arith.addi %select_n3A_187, %add3A_189 : vector<16xi32>
      %gather3A_191 = tpu.vector_load_idx %arg13[%add3A_190] : memref<2048xf32, #tpu.memory_space<vmem>>[vector<16xi32>], vector<16xf32>,
      %lt3A_192 = arith.cmpf olt, %gather3A_191, %select_n3A_106 : vector<16xf32>
      %add3A_193 = arith.constant 2 : i32
      %add3A_194 = vector.broadcast %add3A_193 : i32 to vector<16xi32>
      %add3A_195 = arith.addi %select_n3A_187, %add3A_194 : vector<16xi32>
      %select_n3A_196 = arith.select %lt3A_192, %add3A_195, %select_n3A_187 : vector<16xi1>, vector<16xi32>
      %add3A_197 = arith.constant 0 : i32
      %add3A_198 = vector.broadcast %add3A_197 : i32 to vector<16xi32>
      %add3A_199 = arith.addi %select_n3A_196, %add3A_198 : vector<16xi32>
      %gather3A_200 = tpu.vector_load_idx %arg13[%add3A_199] : memref<2048xf32, #tpu.memory_space<vmem>>[vector<16xi32>], vector<16xf32>,
      %lt3A_201 = arith.cmpf olt, %gather3A_200, %select_n3A_106 : vector<16xf32>
      %add3A_202 = arith.constant 1 : i32
      %add3A_203 = vector.broadcast %add3A_202 : i32 to vector<16xi32>
      %add3A_204 = arith.addi %select_n3A_196, %add3A_203 : vector<16xi32>
      %select_n3A_205 = arith.select %lt3A_201, %add3A_204, %select_n3A_196 : vector<16xi1>, vector<16xi32>
      %sub3A_206 = arith.constant 1 : i32
      %sub3A_207 = vector.broadcast %sub3A_206 : i32 to vector<16xi32>
      %sub3A_208 = arith.subi %select_n3A_205, %sub3A_207 : vector<16xi32>
      %max3A_209 = arith.constant 0 : i32
      %max3A_210 = vector.broadcast %max3A_209 : i32 to vector<16xi32>
      %max3A_211 = arith.maxsi %sub3A_208, %max3A_210 : vector<16xi32>
      %eq3A_212 = arith.constant 0 : i32
      %eq3A_213 = vector.broadcast %eq3A_212 : i32 to vector<16xi32>
      %eq3A_214 = arith.cmpi eq, %select_n3A_205, %eq3A_213 : vector<16xi32>
      %gather3A_215 = tpu.vector_load_idx %arg13[%max3A_211] : memref<2048xf32, #tpu.memory_space<vmem>>[vector<16xi32>], vector<16xf32>,
      %jit3A_216 = arith.constant 0.000000e+00 : f32
      %broadcast_in_dim3A_217 = vector.broadcast %jit3A_216 : f32 to vector<16xf32>
      %select_n3A_218 = arith.select %eq3A_214, %broadcast_in_dim3A_217, %gather3A_215 : vector<16xi1>, vector<16xf32>
      %gather3A_219 = tpu.vector_load_idx %arg14[%max3A_211] : memref<2048xf32, #tpu.memory_space<vmem>>[vector<16xi32>], vector<16xf32>,
      %jit3A_220 = arith.constant 0.000000e+00 : f32
      %broadcast_in_dim3A_221 = vector.broadcast %jit3A_220 : f32 to vector<16xf32>
      %select_n3A_222 = arith.select %eq3A_214, %broadcast_in_dim3A_221, %gather3A_219 : vector<16xi1>, vector<16xf32>
      %gather3A_223 = tpu.vector_load_idx %arg12[%select_n3A_205] : memref<4096xf32, #tpu.memory_space<vmem>>[vector<16xi32>], vector<16xf32>,
      %add3A_224 = arith.constant 2048 : i32
      %add3A_225 = vector.broadcast %add3A_224 : i32 to vector<16xi32>
      %add3A_226 = arith.addi %select_n3A_205, %add3A_225 : vector<16xi32>
      %gather3A_227 = tpu.vector_load_idx %arg12[%add3A_226] : memref<4096xf32, #tpu.memory_space<vmem>>[vector<16xi32>], vector<16xf32>,
      %gather3A_228 = tpu.vector_load_idx %arg18[%select_n3A_205] : memref<2048xf32, #tpu.memory_space<vmem>>[vector<16xi32>], vector<16xf32>,
      %sub3A_229 = arith.subf %select_n3A_106, %select_n3A_218 : vector<16xf32>
      %max3A_230 = arith.constant 1.000000e+00 : f32
      %max3A_231 = vector.broadcast %max3A_230 : f32 to vector<16xf32>
      %max3A_232 = arith.maximumf %gather3A_223, %max3A_231 : vector<16xf32>
      %div3A_233 = arith.divf %gather3A_227, %max3A_232 : vector<16xf32>
      %mul3A_234 = arith.mulf %sub3A_229, %div3A_233 : vector<16xf32>
      %add3A_235 = arith.addf %select_n3A_222, %mul3A_234 : vector<16xf32>
      %mul3A_236 = arith.constant 5.000000e-01 : f32
      %mul3A_237 = vector.broadcast %mul3A_236 : f32 to vector<16xf32>
      %mul3A_238 = arith.mulf %mul3A_237, %gather3A_228 : vector<16xf32>
      %mul3A_239 = arith.mulf %mul3A_238, %sub3A_229 : vector<16xf32>
      %div3A_240 = arith.divf %sub3A_229, %max3A_232 : vector<16xf32>
      %sub3A_241 = arith.constant 1.000000e+00 : f32
      %sub3A_242 = vector.broadcast %sub3A_241 : f32 to vector<16xf32>
      %sub3A_243 = arith.subf %sub3A_242, %div3A_240 : vector<16xf32>
      %mul3A_244 = arith.mulf %mul3A_239, %sub3A_243 : vector<16xf32>
      %sub3A_245 = arith.subf %add3A_235, %mul3A_244 : vector<16xf32>
      %convert_element_type3A_246 = arith.sitofp %add3A_101 : vector<16xi32> to vector<16xf32>
      %mul3A_247 = arith.mulf %convert_element_type3A_246, %div3A_86 : vector<16xf32>
      %add3A_248 = arith.addf %mul3A_247, %get3A_81 : vector<16xf32>
      %eq3A_249 = arith.constant 255 : i32
      %eq3A_250 = vector.broadcast %eq3A_249 : i32 to vector<16xi32>
      %eq3A_251 = arith.cmpi eq, %add3A_101, %eq3A_250 : vector<16xi32>
      %add3A_252 = arith.constant 1.000000e+00 : f32
      %add3A_253 = vector.broadcast %add3A_252 : f32 to vector<16xf32>
      %add3A_254 = arith.addf %convert_element_type3A_246, %add3A_253 : vector<16xf32>
      %mul3A_255 = arith.mulf %add3A_254, %div3A_86 : vector<16xf32>
      %add3A_256 = arith.addf %mul3A_255, %get3A_81 : vector<16xf32>
      %jit3A_257 = arith.constant 0.000000e+00 : f32
      %broadcast_in_dim3A_258 = vector.broadcast %jit3A_257 : f32 to vector<16xf32>
      %select_n3A_259 = arith.select %eq3A_251, %broadcast_in_dim3A_258, %add3A_256 : vector<16xi1>, vector<16xf32>
      %mul3A_260 = arith.mulf %select_n3A_259, %select_n3A_259 : vector<16xf32>
      %jit3A_261 = arith.constant 0.000000e+00 : f32
      %broadcast_in_dim3A_262 = vector.broadcast %jit3A_261 : f32 to vector<16xf32>
      %select_n3A_263 = arith.select %eq3A_251, %broadcast_in_dim3A_262, %mul3A_260 : vector<16xi1>, vector<16xf32>
      %sub3A_264 = arith.subf %add3A_248, %select_n3A_259 : vector<16xf32>
      %mul3A_265 = arith.mulf %sub3A_245, %sub3A_264 : vector<16xf32>
      %add3A_266 = arith.addf %broadcast_in_dim3A_7, %mul3A_265 : vector<16xf32>
      %mul3A_267 = arith.mulf %add3A_248, %add3A_248 : vector<16xf32>
      %sub3A_268 = arith.subf %mul3A_267, %select_n3A_263 : vector<16xf32>
      %mul3A_269 = arith.mulf %select_n3A_106, %sub3A_268 : vector<16xf32>
      %add3A_270 = arith.addf %broadcast_in_dim3A_7, %mul3A_269 : vector<16xf32>
      %get3A_271 = arith.constant 16 : index
      %get3A_272 = tpu.vector_load %arg15[%get3A_271] {strides = array<i32>} : memref<256xf32, #tpu.memory_space<vmem>>, vector<16xf32>,
      %div3A_273 = arith.divf %get3A_272, %max3A_80 : vector<16xf32>
      %mul3A_274 = arith.constant 2.621440e+05 : f32
      %mul3A_275 = vector.broadcast %mul3A_274 : f32 to vector<16xf32>
      %mul3A_276 = arith.mulf %div3A_273, %mul3A_275 : vector<16xf32>
      %convert_element_type3A_277 = arith.fptosi %mul3A_276 : vector<16xf32> to vector<16xi32>
      %convert_element_type3A_278 = arith.sitofp %convert_element_type3A_277 : vector<16xi32> to vector<16xf32>
      %jit3A_279 = arith.constant 0.000000e+00 : f32
      %jit3A_280 = arith.constant 2.621440e+05 : f32
      %max3A_281 = vector.broadcast %jit3A_279 : f32 to vector<16xf32>
      %max3A_282 = arith.maximumf %max3A_281, %convert_element_type3A_278 : vector<16xf32>
      %min3A_283 = vector.broadcast %jit3A_280 : f32 to vector<16xf32>
      %min3A_284 = arith.minimumf %min3A_283, %max3A_282 : vector<16xf32>
      %add3A_285 = arith.constant 16 : i32
      %add3A_286 = vector.broadcast %add3A_285 : i32 to vector<16xi32>
      %add3A_287 = arith.addi %iota3A_4, %add3A_286 : vector<16xi32>
      %eq3A_288 = arith.constant 255 : i32
      %eq3A_289 = vector.broadcast %eq3A_288 : i32 to vector<16xi32>
      %eq3A_290 = arith.cmpi eq, %add3A_287, %eq3A_289 : vector<16xi32>
      %jit3A_291 = arith.constant 2.621440e+05 : f32
      %broadcast_in_dim3A_292 = vector.broadcast %jit3A_291 : f32 to vector<16xf32>
      %select_n3A_293 = arith.select %eq3A_290, %broadcast_in_dim3A_292, %min3A_284 : vector<16xi1>, vector<16xf32>
      %broadcast_in_dim3A_294 = arith.constant 0 : i32
      %broadcast_in_dim3A_295 = vector.broadcast %broadcast_in_dim3A_294 : i32 to vector<16xi32>
      %add3A_296 = arith.constant 1023 : i32
      %add3A_297 = vector.broadcast %add3A_296 : i32 to vector<16xi32>
      %add3A_298 = arith.addi %broadcast_in_dim3A_295, %add3A_297 : vector<16xi32>
      %gather3A_299 = tpu.vector_load_idx %arg13[%add3A_298] : memref<2048xf32, #tpu.memory_space<vmem>>[vector<16xi32>], vector<16xf32>,
      %lt3A_300 = arith.cmpf olt, %gather3A_299, %select_n3A_293 : vector<16xf32>
      %add3A_301 = arith.constant 1024 : i32
      %add3A_302 = vector.broadcast %add3A_301 : i32 to vector<16xi32>
      %add3A_303 = arith.addi %broadcast_in_dim3A_295, %add3A_302 : vector<16xi32>
      %select_n3A_304 = arith.select %lt3A_300, %add3A_303, %broadcast_in_dim3A_295 : vector<16xi1>, vector<16xi32>
      %add3A_305 = arith.constant 511 : i32
      %add3A_306 = vector.broadcast %add3A_305 : i32 to vector<16xi32>
      %add3A_307 = arith.addi %select_n3A_304, %add3A_306 : vector<16xi32>
      %gather3A_308 = tpu.vector_load_idx %arg13[%add3A_307] : memref<2048xf32, #tpu.memory_space<vmem>>[vector<16xi32>], vector<16xf32>,
      %lt3A_309 = arith.cmpf olt, %gather3A_308, %select_n3A_293 : vector<16xf32>
      %add3A_310 = arith.constant 512 : i32
      %add3A_311 = vector.broadcast %add3A_310 : i32 to vector<16xi32>
      %add3A_312 = arith.addi %select_n3A_304, %add3A_311 : vector<16xi32>
      %select_n3A_313 = arith.select %lt3A_309, %add3A_312, %select_n3A_304 : vector<16xi1>, vector<16xi32>
      %add3A_314 = arith.constant 255 : i32
      %add3A_315 = vector.broadcast %add3A_314 : i32 to vector<16xi32>
      %add3A_316 = arith.addi %select_n3A_313, %add3A_315 : vector<16xi32>
      %gather3A_317 = tpu.vector_load_idx %arg13[%add3A_316] : memref<2048xf32, #tpu.memory_space<vmem>>[vector<16xi32>], vector<16xf32>,
      %lt3A_318 = arith.cmpf olt, %gather3A_317, %select_n3A_293 : vector<16xf32>
      %add3A_319 = arith.constant 256 : i32
      %add3A_320 = vector.broadcast %add3A_319 : i32 to vector<16xi32>
      %add3A_321 = arith.addi %select_n3A_313, %add3A_320 : vector<16xi32>
      %select_n3A_322 = arith.select %lt3A_318, %add3A_321, %select_n3A_313 : vector<16xi1>, vector<16xi32>
      %add3A_323 = arith.constant 127 : i32
      %add3A_324 = vector.broadcast %add3A_323 : i32 to vector<16xi32>
      %add3A_325 = arith.addi %select_n3A_322, %add3A_324 : vector<16xi32>
      %gather3A_326 = tpu.vector_load_idx %arg13[%add3A_325] : memref<2048xf32, #tpu.memory_space<vmem>>[vector<16xi32>], vector<16xf32>,
      %lt3A_327 = arith.cmpf olt, %gather3A_326, %select_n3A_293 : vector<16xf32>
      %add3A_328 = arith.constant 128 : i32
      %add3A_329 = vector.broadcast %add3A_328 : i32 to vector<16xi32>
      %add3A_330 = arith.addi %select_n3A_322, %add3A_329 : vector<16xi32>
      %select_n3A_331 = arith.select %lt3A_327, %add3A_330, %select_n3A_322 : vector<16xi1>, vector<16xi32>
      %add3A_332 = arith.constant 63 : i32
      %add3A_333 = vector.broadcast %add3A_332 : i32 to vector<16xi32>
      %add3A_334 = arith.addi %select_n3A_331, %add3A_333 : vector<16xi32>
      %gather3A_335 = tpu.vector_load_idx %arg13[%add3A_334] : memref<2048xf32, #tpu.memory_space<vmem>>[vector<16xi32>], vector<16xf32>,
      %lt3A_336 = arith.cmpf olt, %gather3A_335, %select_n3A_293 : vector<16xf32>
      %add3A_337 = arith.constant 64 : i32
      %add3A_338 = vector.broadcast %add3A_337 : i32 to vector<16xi32>
      %add3A_339 = arith.addi %select_n3A_331, %add3A_338 : vector<16xi32>
      %select_n3A_340 = arith.select %lt3A_336, %add3A_339, %select_n3A_331 : vector<16xi1>, vector<16xi32>
      %add3A_341 = arith.constant 31 : i32
      %add3A_342 = vector.broadcast %add3A_341 : i32 to vector<16xi32>
      %add3A_343 = arith.addi %select_n3A_340, %add3A_342 : vector<16xi32>
      %gather3A_344 = tpu.vector_load_idx %arg13[%add3A_343] : memref<2048xf32, #tpu.memory_space<vmem>>[vector<16xi32>], vector<16xf32>,
      %lt3A_345 = arith.cmpf olt, %gather3A_344, %select_n3A_293 : vector<16xf32>
      %add3A_346 = arith.constant 32 : i32
      %add3A_347 = vector.broadcast %add3A_346 : i32 to vector<16xi32>
      %add3A_348 = arith.addi %select_n3A_340, %add3A_347 : vector<16xi32>
      %select_n3A_349 = arith.select %lt3A_345, %add3A_348, %select_n3A_340 : vector<16xi1>, vector<16xi32>
      %add3A_350 = arith.constant 15 : i32
      %add3A_351 = vector.broadcast %add3A_350 : i32 to vector<16xi32>
      %add3A_352 = arith.addi %select_n3A_349, %add3A_351 : vector<16xi32>
      %gather3A_353 = tpu.vector_load_idx %arg13[%add3A_352] : memref<2048xf32, #tpu.memory_space<vmem>>[vector<16xi32>], vector<16xf32>,
      %lt3A_354 = arith.cmpf olt, %gather3A_353, %select_n3A_293 : vector<16xf32>
      %add3A_355 = arith.constant 16 : i32
      %add3A_356 = vector.broadcast %add3A_355 : i32 to vector<16xi32>
      %add3A_357 = arith.addi %select_n3A_349, %add3A_356 : vector<16xi32>
      %select_n3A_358 = arith.select %lt3A_354, %add3A_357, %select_n3A_349 : vector<16xi1>, vector<16xi32>
      %add3A_359 = arith.constant 7 : i32
      %add3A_360 = vector.broadcast %add3A_359 : i32 to vector<16xi32>
      %add3A_361 = arith.addi %select_n3A_358, %add3A_360 : vector<16xi32>
      %gather3A_362 = tpu.vector_load_idx %arg13[%add3A_361] : memref<2048xf32, #tpu.memory_space<vmem>>[vector<16xi32>], vector<16xf32>,
      %lt3A_363 = arith.cmpf olt, %gather3A_362, %select_n3A_293 : vector<16xf32>
      %add3A_364 = arith.constant 8 : i32
      %add3A_365 = vector.broadcast %add3A_364 : i32 to vector<16xi32>
      %add3A_366 = arith.addi %select_n3A_358, %add3A_365 : vector<16xi32>
      %select_n3A_367 = arith.select %lt3A_363, %add3A_366, %select_n3A_358 : vector<16xi1>, vector<16xi32>
      %add3A_368 = arith.constant 3 : i32
      %add3A_369 = vector.broadcast %add3A_368 : i32 to vector<16xi32>
      %add3A_370 = arith.addi %select_n3A_367, %add3A_369 : vector<16xi32>
      %gather3A_371 = tpu.vector_load_idx %arg13[%add3A_370] : memref<2048xf32, #tpu.memory_space<vmem>>[vector<16xi32>], vector<16xf32>,
      %lt3A_372 = arith.cmpf olt, %gather3A_371, %select_n3A_293 : vector<16xf32>
      %add3A_373 = arith.constant 4 : i32
      %add3A_374 = vector.broadcast %add3A_373 : i32 to vector<16xi32>
      %add3A_375 = arith.addi %select_n3A_367, %add3A_374 : vector<16xi32>
      %select_n3A_376 = arith.select %lt3A_372, %add3A_375, %select_n3A_367 : vector<16xi1>, vector<16xi32>
      %add3A_377 = arith.constant 1 : i32
      %add3A_378 = vector.broadcast %add3A_377 : i32 to vector<16xi32>
      %add3A_379 = arith.addi %select_n3A_376, %add3A_378 : vector<16xi32>
      %gather3A_380 = tpu.vector_load_idx %arg13[%add3A_379] : memref<2048xf32, #tpu.memory_space<vmem>>[vector<16xi32>], vector<16xf32>,
      %lt3A_381 = arith.cmpf olt, %gather3A_380, %select_n3A_293 : vector<16xf32>
      %add3A_382 = arith.constant 2 : i32
      %add3A_383 = vector.broadcast %add3A_382 : i32 to vector<16xi32>
      %add3A_384 = arith.addi %select_n3A_376, %add3A_383 : vector<16xi32>
      %select_n3A_385 = arith.select %lt3A_381, %add3A_384, %select_n3A_376 : vector<16xi1>, vector<16xi32>
      %add3A_386 = arith.constant 0 : i32
      %add3A_387 = vector.broadcast %add3A_386 : i32 to vector<16xi32>
      %add3A_388 = arith.addi %select_n3A_385, %add3A_387 : vector<16xi32>
      %gather3A_389 = tpu.vector_load_idx %arg13[%add3A_388] : memref<2048xf32, #tpu.memory_space<vmem>>[vector<16xi32>], vector<16xf32>,
      %lt3A_390 = arith.cmpf olt, %gather3A_389, %select_n3A_293 : vector<16xf32>
      %add3A_391 = arith.constant 1 : i32
      %add3A_392 = vector.broadcast %add3A_391 : i32 to vector<16xi32>
      %add3A_393 = arith.addi %select_n3A_385, %add3A_392 : vector<16xi32>
      %select_n3A_394 = arith.select %lt3A_390, %add3A_393, %select_n3A_385 : vector<16xi1>, vector<16xi32>
      %sub3A_395 = arith.constant 1 : i32
      %sub3A_396 = vector.broadcast %sub3A_395 : i32 to vector<16xi32>
      %sub3A_397 = arith.subi %select_n3A_394, %sub3A_396 : vector<16xi32>
      %max3A_398 = arith.constant 0 : i32
      %max3A_399 = vector.broadcast %max3A_398 : i32 to vector<16xi32>
      %max3A_400 = arith.maxsi %sub3A_397, %max3A_399 : vector<16xi32>
      %eq3A_401 = arith.constant 0 : i32
      %eq3A_402 = vector.broadcast %eq3A_401 : i32 to vector<16xi32>
      %eq3A_403 = arith.cmpi eq, %select_n3A_394, %eq3A_402 : vector<16xi32>
      %gather3A_404 = tpu.vector_load_idx %arg13[%max3A_400] : memref<2048xf32, #tpu.memory_space<vmem>>[vector<16xi32>], vector<16xf32>,
      %jit3A_405 = arith.constant 0.000000e+00 : f32
      %broadcast_in_dim3A_406 = vector.broadcast %jit3A_405 : f32 to vector<16xf32>
      %select_n3A_407 = arith.select %eq3A_403, %broadcast_in_dim3A_406, %gather3A_404 : vector<16xi1>, vector<16xf32>
      %gather3A_408 = tpu.vector_load_idx %arg14[%max3A_400] : memref<2048xf32, #tpu.memory_space<vmem>>[vector<16xi32>], vector<16xf32>,
      %jit3A_409 = arith.constant 0.000000e+00 : f32
      %broadcast_in_dim3A_410 = vector.broadcast %jit3A_409 : f32 to vector<16xf32>
      %select_n3A_411 = arith.select %eq3A_403, %broadcast_in_dim3A_410, %gather3A_408 : vector<16xi1>, vector<16xf32>
      %gather3A_412 = tpu.vector_load_idx %arg12[%select_n3A_394] : memref<4096xf32, #tpu.memory_space<vmem>>[vector<16xi32>], vector<16xf32>,
      %add3A_413 = arith.constant 2048 : i32
      %add3A_414 = vector.broadcast %add3A_413 : i32 to vector<16xi32>
      %add3A_415 = arith.addi %select_n3A_394, %add3A_414 : vector<16xi32>
      %gather3A_416 = tpu.vector_load_idx %arg12[%add3A_415] : memref<4096xf32, #tpu.memory_space<vmem>>[vector<16xi32>], vector<16xf32>,
      %gather3A_417 = tpu.vector_load_idx %arg18[%select_n3A_394] : memref<2048xf32, #tpu.memory_space<vmem>>[vector<16xi32>], vector<16xf32>,
      %sub3A_418 = arith.subf %select_n3A_293, %select_n3A_407 : vector<16xf32>
      %max3A_419 = arith.constant 1.000000e+00 : f32
      %max3A_420 = vector.broadcast %max3A_419 : f32 to vector<16xf32>
      %max3A_421 = arith.maximumf %gather3A_412, %max3A_420 : vector<16xf32>
      %div3A_422 = arith.divf %gather3A_416, %max3A_421 : vector<16xf32>
      %mul3A_423 = arith.mulf %sub3A_418, %div3A_422 : vector<16xf32>
      %add3A_424 = arith.addf %select_n3A_411, %mul3A_423 : vector<16xf32>
      %mul3A_425 = arith.constant 5.000000e-01 : f32
      %mul3A_426 = vector.broadcast %mul3A_425 : f32 to vector<16xf32>
      %mul3A_427 = arith.mulf %mul3A_426, %gather3A_417 : vector<16xf32>
      %mul3A_428 = arith.mulf %mul3A_427, %sub3A_418 : vector<16xf32>
      %div3A_429 = arith.divf %sub3A_418, %max3A_421 : vector<16xf32>
      %sub3A_430 = arith.constant 1.000000e+00 : f32
      %sub3A_431 = vector.broadcast %sub3A_430 : f32 to vector<16xf32>
      %sub3A_432 = arith.subf %sub3A_431, %div3A_429 : vector<16xf32>
      %mul3A_433 = arith.mulf %mul3A_428, %sub3A_432 : vector<16xf32>
      %sub3A_434 = arith.subf %add3A_424, %mul3A_433 : vector<16xf32>
      %convert_element_type3A_435 = arith.sitofp %add3A_287 : vector<16xi32> to vector<16xf32>
      %mul3A_436 = arith.mulf %convert_element_type3A_435, %div3A_86 : vector<16xf32>
      %add3A_437 = arith.addf %mul3A_436, %get3A_81 : vector<16xf32>
      %eq3A_438 = arith.constant 255 : i32
      %eq3A_439 = vector.broadcast %eq3A_438 : i32 to vector<16xi32>
      %eq3A_440 = arith.cmpi eq, %add3A_287, %eq3A_439 : vector<16xi32>
      %add3A_441 = arith.constant 1.000000e+00 : f32
      %add3A_442 = vector.broadcast %add3A_441 : f32 to vector<16xf32>
      %add3A_443 = arith.addf %convert_element_type3A_435, %add3A_442 : vector<16xf32>
      %mul3A_444 = arith.mulf %add3A_443, %div3A_86 : vector<16xf32>
      %add3A_445 = arith.addf %mul3A_444, %get3A_81 : vector<16xf32>
      %jit3A_446 = arith.constant 0.000000e+00 : f32
      %broadcast_in_dim3A_447 = vector.broadcast %jit3A_446 : f32 to vector<16xf32>
      %select_n3A_448 = arith.select %eq3A_440, %broadcast_in_dim3A_447, %add3A_445 : vector<16xi1>, vector<16xf32>
      %mul3A_449 = arith.mulf %select_n3A_448, %select_n3A_448 : vector<16xf32>
      %jit3A_450 = arith.constant 0.000000e+00 : f32
      %broadcast_in_dim3A_451 = vector.broadcast %jit3A_450 : f32 to vector<16xf32>
      %select_n3A_452 = arith.select %eq3A_440, %broadcast_in_dim3A_451, %mul3A_449 : vector<16xi1>, vector<16xf32>
      %sub3A_453 = arith.subf %add3A_437, %select_n3A_448 : vector<16xf32>
      %mul3A_454 = arith.mulf %sub3A_434, %sub3A_453 : vector<16xf32>
      %add3A_455 = arith.addf %add3A_266, %mul3A_454 : vector<16xf32>
      %mul3A_456 = arith.mulf %add3A_437, %add3A_437 : vector<16xf32>
      %sub3A_457 = arith.subf %mul3A_456, %select_n3A_452 : vector<16xf32>
      %mul3A_458 = arith.mulf %select_n3A_293, %sub3A_457 : vector<16xf32>
      %add3A_459 = arith.addf %add3A_270, %mul3A_458 : vector<16xf32>
      %get3A_460 = arith.constant 32 : index
      %get3A_461 = tpu.vector_load %arg15[%get3A_460] {strides = array<i32>} : memref<256xf32, #tpu.memory_space<vmem>>, vector<16xf32>,
      %div3A_462 = arith.divf %get3A_461, %max3A_80 : vector<16xf32>
      %mul3A_463 = arith.constant 2.621440e+05 : f32
      %mul3A_464 = vector.broadcast %mul3A_463 : f32 to vector<16xf32>
      %mul3A_465 = arith.mulf %div3A_462, %mul3A_464 : vector<16xf32>
      %convert_element_type3A_466 = arith.fptosi %mul3A_465 : vector<16xf32> to vector<16xi32>
      %convert_element_type3A_467 = arith.sitofp %convert_element_type3A_466 : vector<16xi32> to vector<16xf32>
      %jit3A_468 = arith.constant 0.000000e+00 : f32
      %jit3A_469 = arith.constant 2.621440e+05 : f32
      %max3A_470 = vector.broadcast %jit3A_468 : f32 to vector<16xf32>
      %max3A_471 = arith.maximumf %max3A_470, %convert_element_type3A_467 : vector<16xf32>
      %min3A_472 = vector.broadcast %jit3A_469 : f32 to vector<16xf32>
      %min3A_473 = arith.minimumf %min3A_472, %max3A_471 : vector<16xf32>
      %add3A_474 = arith.constant 32 : i32
      %add3A_475 = vector.broadcast %add3A_474 : i32 to vector<16xi32>
      %add3A_476 = arith.addi %iota3A_4, %add3A_475 : vector<16xi32>
      %eq3A_477 = arith.constant 255 : i32
      %eq3A_478 = vector.broadcast %eq3A_477 : i32 to vector<16xi32>
      %eq3A_479 = arith.cmpi eq, %add3A_476, %eq3A_478 : vector<16xi32>
      %jit3A_480 = arith.constant 2.621440e+05 : f32
      %broadcast_in_dim3A_481 = vector.broadcast %jit3A_480 : f32 to vector<16xf32>
      %select_n3A_482 = arith.select %eq3A_479, %broadcast_in_dim3A_481, %min3A_473 : vector<16xi1>, vector<16xf32>
      %broadcast_in_dim3A_483 = arith.constant 0 : i32
      %broadcast_in_dim3A_484 = vector.broadcast %broadcast_in_dim3A_483 : i32 to vector<16xi32>
      %add3A_485 = arith.constant 1023 : i32
      %add3A_486 = vector.broadcast %add3A_485 : i32 to vector<16xi32>
      %add3A_487 = arith.addi %broadcast_in_dim3A_484, %add3A_486 : vector<16xi32>
      %gather3A_488 = tpu.vector_load_idx %arg13[%add3A_487] : memref<2048xf32, #tpu.memory_space<vmem>>[vector<16xi32>], vector<16xf32>,
      %lt3A_489 = arith.cmpf olt, %gather3A_488, %select_n3A_482 : vector<16xf32>
      %add3A_490 = arith.constant 1024 : i32
      %add3A_491 = vector.broadcast %add3A_490 : i32 to vector<16xi32>
      %add3A_492 = arith.addi %broadcast_in_dim3A_484, %add3A_491 : vector<16xi32>
      %select_n3A_493 = arith.select %lt3A_489, %add3A_492, %broadcast_in_dim3A_484 : vector<16xi1>, vector<16xi32>
      %add3A_494 = arith.constant 511 : i32
      %add3A_495 = vector.broadcast %add3A_494 : i32 to vector<16xi32>
      %add3A_496 = arith.addi %select_n3A_493, %add3A_495 : vector<16xi32>
      %gather3A_497 = tpu.vector_load_idx %arg13[%add3A_496] : memref<2048xf32, #tpu.memory_space<vmem>>[vector<16xi32>], vector<16xf32>,
      %lt3A_498 = arith.cmpf olt, %gather3A_497, %select_n3A_482 : vector<16xf32>
      %add3A_499 = arith.constant 512 : i32
      %add3A_500 = vector.broadcast %add3A_499 : i32 to vector<16xi32>
      %add3A_501 = arith.addi %select_n3A_493, %add3A_500 : vector<16xi32>
      %select_n3A_502 = arith.select %lt3A_498, %add3A_501, %select_n3A_493 : vector<16xi1>, vector<16xi32>
      %add3A_503 = arith.constant 255 : i32
      %add3A_504 = vector.broadcast %add3A_503 : i32 to vector<16xi32>
      %add3A_505 = arith.addi %select_n3A_502, %add3A_504 : vector<16xi32>
      %gather3A_506 = tpu.vector_load_idx %arg13[%add3A_505] : memref<2048xf32, #tpu.memory_space<vmem>>[vector<16xi32>], vector<16xf32>,
      %lt3A_507 = arith.cmpf olt, %gather3A_506, %select_n3A_482 : vector<16xf32>
      %add3A_508 = arith.constant 256 : i32
      %add3A_509 = vector.broadcast %add3A_508 : i32 to vector<16xi32>
      %add3A_510 = arith.addi %select_n3A_502, %add3A_509 : vector<16xi32>
      %select_n3A_511 = arith.select %lt3A_507, %add3A_510, %select_n3A_502 : vector<16xi1>, vector<16xi32>
      %add3A_512 = arith.constant 127 : i32
      %add3A_513 = vector.broadcast %add3A_512 : i32 to vector<16xi32>
      %add3A_514 = arith.addi %select_n3A_511, %add3A_513 : vector<16xi32>
      %gather3A_515 = tpu.vector_load_idx %arg13[%add3A_514] : memref<2048xf32, #tpu.memory_space<vmem>>[vector<16xi32>], vector<16xf32>,
      %lt3A_516 = arith.cmpf olt, %gather3A_515, %select_n3A_482 : vector<16xf32>
      %add3A_517 = arith.constant 128 : i32
      %add3A_518 = vector.broadcast %add3A_517 : i32 to vector<16xi32>
      %add3A_519 = arith.addi %select_n3A_511, %add3A_518 : vector<16xi32>
      %select_n3A_520 = arith.select %lt3A_516, %add3A_519, %select_n3A_511 : vector<16xi1>, vector<16xi32>
      %add3A_521 = arith.constant 63 : i32
      %add3A_522 = vector.broadcast %add3A_521 : i32 to vector<16xi32>
      %add3A_523 = arith.addi %select_n3A_520, %add3A_522 : vector<16xi32>
      %gather3A_524 = tpu.vector_load_idx %arg13[%add3A_523] : memref<2048xf32, #tpu.memory_space<vmem>>[vector<16xi32>], vector<16xf32>,
      %lt3A_525 = arith.cmpf olt, %gather3A_524, %select_n3A_482 : vector<16xf32>
      %add3A_526 = arith.constant 64 : i32
      %add3A_527 = vector.broadcast %add3A_526 : i32 to vector<16xi32>
      %add3A_528 = arith.addi %select_n3A_520, %add3A_527 : vector<16xi32>
      %select_n3A_529 = arith.select %lt3A_525, %add3A_528, %select_n3A_520 : vector<16xi1>, vector<16xi32>
      %add3A_530 = arith.constant 31 : i32
      %add3A_531 = vector.broadcast %add3A_530 : i32 to vector<16xi32>
      %add3A_532 = arith.addi %select_n3A_529, %add3A_531 : vector<16xi32>
      %gather3A_533 = tpu.vector_load_idx %arg13[%add3A_532] : memref<2048xf32, #tpu.memory_space<vmem>>[vector<16xi32>], vector<16xf32>,
      %lt3A_534 = arith.cmpf olt, %gather3A_533, %select_n3A_482 : vector<16xf32>
      %add3A_535 = arith.constant 32 : i32
      %add3A_536 = vector.broadcast %add3A_535 : i32 to vector<16xi32>
      %add3A_537 = arith.addi %select_n3A_529, %add3A_536 : vector<16xi32>
      %select_n3A_538 = arith.select %lt3A_534, %add3A_537, %select_n3A_529 : vector<16xi1>, vector<16xi32>
      %add3A_539 = arith.constant 15 : i32
      %add3A_540 = vector.broadcast %add3A_539 : i32 to vector<16xi32>
      %add3A_541 = arith.addi %select_n3A_538, %add3A_540 : vector<16xi32>
      %gather3A_542 = tpu.vector_load_idx %arg13[%add3A_541] : memref<2048xf32, #tpu.memory_space<vmem>>[vector<16xi32>], vector<16xf32>,
      %lt3A_543 = arith.cmpf olt, %gather3A_542, %select_n3A_482 : vector<16xf32>
      %add3A_544 = arith.constant 16 : i32
      %add3A_545 = vector.broadcast %add3A_544 : i32 to vector<16xi32>
      %add3A_546 = arith.addi %select_n3A_538, %add3A_545 : vector<16xi32>
      %select_n3A_547 = arith.select %lt3A_543, %add3A_546, %select_n3A_538 : vector<16xi1>, vector<16xi32>
      %add3A_548 = arith.constant 7 : i32
      %add3A_549 = vector.broadcast %add3A_548 : i32 to vector<16xi32>
      %add3A_550 = arith.addi %select_n3A_547, %add3A_549 : vector<16xi32>
      %gather3A_551 = tpu.vector_load_idx %arg13[%add3A_550] : memref<2048xf32, #tpu.memory_space<vmem>>[vector<16xi32>], vector<16xf32>,
      %lt3A_552 = arith.cmpf olt, %gather3A_551, %select_n3A_482 : vector<16xf32>
      %add3A_553 = arith.constant 8 : i32
      %add3A_554 = vector.broadcast %add3A_553 : i32 to vector<16xi32>
      %add3A_555 = arith.addi %select_n3A_547, %add3A_554 : vector<16xi32>
      %select_n3A_556 = arith.select %lt3A_552, %add3A_555, %select_n3A_547 : vector<16xi1>, vector<16xi32>
      %add3A_557 = arith.constant 3 : i32
      %add3A_558 = vector.broadcast %add3A_557 : i32 to vector<16xi32>
      %add3A_559 = arith.addi %select_n3A_556, %add3A_558 : vector<16xi32>
      %gather3A_560 = tpu.vector_load_idx %arg13[%add3A_559] : memref<2048xf32, #tpu.memory_space<vmem>>[vector<16xi32>], vector<16xf32>,
      %lt3A_561 = arith.cmpf olt, %gather3A_560, %select_n3A_482 : vector<16xf32>
      %add3A_562 = arith.constant 4 : i32
      %add3A_563 = vector.broadcast %add3A_562 : i32 to vector<16xi32>
      %add3A_564 = arith.addi %select_n3A_556, %add3A_563 : vector<16xi32>
      %select_n3A_565 = arith.select %lt3A_561, %add3A_564, %select_n3A_556 : vector<16xi1>, vector<16xi32>
      %add3A_566 = arith.constant 1 : i32
      %add3A_567 = vector.broadcast %add3A_566 : i32 to vector<16xi32>
      %add3A_568 = arith.addi %select_n3A_565, %add3A_567 : vector<16xi32>
      %gather3A_569 = tpu.vector_load_idx %arg13[%add3A_568] : memref<2048xf32, #tpu.memory_space<vmem>>[vector<16xi32>], vector<16xf32>,
      %lt3A_570 = arith.cmpf olt, %gather3A_569, %select_n3A_482 : vector<16xf32>
      %add3A_571 = arith.constant 2 : i32
      %add3A_572 = vector.broadcast %add3A_571 : i32 to vector<16xi32>
      %add3A_573 = arith.addi %select_n3A_565, %add3A_572 : vector<16xi32>
      %select_n3A_574 = arith.select %lt3A_570, %add3A_573, %select_n3A_565 : vector<16xi1>, vector<16xi32>
      %add3A_575 = arith.constant 0 : i32
      %add3A_576 = vector.broadcast %add3A_575 : i32 to vector<16xi32>
      %add3A_577 = arith.addi %select_n3A_574, %add3A_576 : vector<16xi32>
      %gather3A_578 = tpu.vector_load_idx %arg13[%add3A_577] : memref<2048xf32, #tpu.memory_space<vmem>>[vector<16xi32>], vector<16xf32>,
      %lt3A_579 = arith.cmpf olt, %gather3A_578, %select_n3A_482 : vector<16xf32>
      %add3A_580 = arith.constant 1 : i32
      %add3A_581 = vector.broadcast %add3A_580 : i32 to vector<16xi32>
      %add3A_582 = arith.addi %select_n3A_574, %add3A_581 : vector<16xi32>
      %select_n3A_583 = arith.select %lt3A_579, %add3A_582, %select_n3A_574 : vector<16xi1>, vector<16xi32>
      %sub3A_584 = arith.constant 1 : i32
      %sub3A_585 = vector.broadcast %sub3A_584 : i32 to vector<16xi32>
      %sub3A_586 = arith.subi %select_n3A_583, %sub3A_585 : vector<16xi32>
      %max3A_587 = arith.constant 0 : i32
      %max3A_588 = vector.broadcast %max3A_587 : i32 to vector<16xi32>
      %max3A_589 = arith.maxsi %sub3A_586, %max3A_588 : vector<16xi32>
      %eq3A_590 = arith.constant 0 : i32
      %eq3A_591 = vector.broadcast %eq3A_590 : i32 to vector<16xi32>
      %eq3A_592 = arith.cmpi eq, %select_n3A_583, %eq3A_591 : vector<16xi32>
      %gather3A_593 = tpu.vector_load_idx %arg13[%max3A_589] : memref<2048xf32, #tpu.memory_space<vmem>>[vector<16xi32>], vector<16xf32>,
      %jit3A_594 = arith.constant 0.000000e+00 : f32
      %broadcast_in_dim3A_595 = vector.broadcast %jit3A_594 : f32 to vector<16xf32>
      %select_n3A_596 = arith.select %eq3A_592, %broadcast_in_dim3A_595, %gather3A_593 : vector<16xi1>, vector<16xf32>
      %gather3A_597 = tpu.vector_load_idx %arg14[%max3A_589] : memref<2048xf32, #tpu.memory_space<vmem>>[vector<16xi32>], vector<16xf32>,
      %jit3A_598 = arith.constant 0.000000e+00 : f32
      %broadcast_in_dim3A_599 = vector.broadcast %jit3A_598 : f32 to vector<16xf32>
      %select_n3A_600 = arith.select %eq3A_592, %broadcast_in_dim3A_599, %gather3A_597 : vector<16xi1>, vector<16xf32>
      %gather3A_601 = tpu.vector_load_idx %arg12[%select_n3A_583] : memref<4096xf32, #tpu.memory_space<vmem>>[vector<16xi32>], vector<16xf32>,
      %add3A_602 = arith.constant 2048 : i32
      %add3A_603 = vector.broadcast %add3A_602 : i32 to vector<16xi32>
      %add3A_604 = arith.addi %select_n3A_583, %add3A_603 : vector<16xi32>
      %gather3A_605 = tpu.vector_load_idx %arg12[%add3A_604] : memref<4096xf32, #tpu.memory_space<vmem>>[vector<16xi32>], vector<16xf32>,
      %gather3A_606 = tpu.vector_load_idx %arg18[%select_n3A_583] : memref<2048xf32, #tpu.memory_space<vmem>>[vector<16xi32>], vector<16xf32>,
      %sub3A_607 = arith.subf %select_n3A_482, %select_n3A_596 : vector<16xf32>
      %max3A_608 = arith.constant 1.000000e+00 : f32
      %max3A_609 = vector.broadcast %max3A_608 : f32 to vector<16xf32>
      %max3A_610 = arith.maximumf %gather3A_601, %max3A_609 : vector<16xf32>
      %div3A_611 = arith.divf %gather3A_605, %max3A_610 : vector<16xf32>
      %mul3A_612 = arith.mulf %sub3A_607, %div3A_611 : vector<16xf32>
      %add3A_613 = arith.addf %select_n3A_600, %mul3A_612 : vector<16xf32>
      %mul3A_614 = arith.constant 5.000000e-01 : f32
      %mul3A_615 = vector.broadcast %mul3A_614 : f32 to vector<16xf32>
      %mul3A_616 = arith.mulf %mul3A_615, %gather3A_606 : vector<16xf32>
      %mul3A_617 = arith.mulf %mul3A_616, %sub3A_607 : vector<16xf32>
      %div3A_618 = arith.divf %sub3A_607, %max3A_610 : vector<16xf32>
      %sub3A_619 = arith.constant 1.000000e+00 : f32
      %sub3A_620 = vector.broadcast %sub3A_619 : f32 to vector<16xf32>
      %sub3A_621 = arith.subf %sub3A_620, %div3A_618 : vector<16xf32>
      %mul3A_622 = arith.mulf %mul3A_617, %sub3A_621 : vector<16xf32>
      %sub3A_623 = arith.subf %add3A_613, %mul3A_622 : vector<16xf32>
      %convert_element_type3A_624 = arith.sitofp %add3A_476 : vector<16xi32> to vector<16xf32>
      %mul3A_625 = arith.mulf %convert_element_type3A_624, %div3A_86 : vector<16xf32>
      %add3A_626 = arith.addf %mul3A_625, %get3A_81 : vector<16xf32>
      %eq3A_627 = arith.constant 255 : i32
      %eq3A_628 = vector.broadcast %eq3A_627 : i32 to vector<16xi32>
      %eq3A_629 = arith.cmpi eq, %add3A_476, %eq3A_628 : vector<16xi32>
      %add3A_630 = arith.constant 1.000000e+00 : f32
      %add3A_631 = vector.broadcast %add3A_630 : f32 to vector<16xf32>
      %add3A_632 = arith.addf %convert_element_type3A_624, %add3A_631 : vector<16xf32>
      %mul3A_633 = arith.mulf %add3A_632, %div3A_86 : vector<16xf32>
      %add3A_634 = arith.addf %mul3A_633, %get3A_81 : vector<16xf32>
      %jit3A_635 = arith.constant 0.000000e+00 : f32
      %broadcast_in_dim3A_636 = vector.broadcast %jit3A_635 : f32 to vector<16xf32>
      %select_n3A_637 = arith.select %eq3A_629, %broadcast_in_dim3A_636, %add3A_634 : vector<16xi1>, vector<16xf32>
      %mul3A_638 = arith.mulf %select_n3A_637, %select_n3A_637 : vector<16xf32>
      %jit3A_639 = arith.constant 0.000000e+00 : f32
      %broadcast_in_dim3A_640 = vector.broadcast %jit3A_639 : f32 to vector<16xf32>
      %select_n3A_641 = arith.select %eq3A_629, %broadcast_in_dim3A_640, %mul3A_638 : vector<16xi1>, vector<16xf32>
      %sub3A_642 = arith.subf %add3A_626, %select_n3A_637 : vector<16xf32>
      %mul3A_643 = arith.mulf %sub3A_623, %sub3A_642 : vector<16xf32>
      %add3A_644 = arith.addf %add3A_455, %mul3A_643 : vector<16xf32>
      %mul3A_645 = arith.mulf %add3A_626, %add3A_626 : vector<16xf32>
      %sub3A_646 = arith.subf %mul3A_645, %select_n3A_641 : vector<16xf32>
      %mul3A_647 = arith.mulf %select_n3A_482, %sub3A_646 : vector<16xf32>
      %add3A_648 = arith.addf %add3A_459, %mul3A_647 : vector<16xf32>
      %get3A_649 = arith.constant 48 : index
      %get3A_650 = tpu.vector_load %arg15[%get3A_649] {strides = array<i32>} : memref<256xf32, #tpu.memory_space<vmem>>, vector<16xf32>,
      %div3A_651 = arith.divf %get3A_650, %max3A_80 : vector<16xf32>
      %mul3A_652 = arith.constant 2.621440e+05 : f32
      %mul3A_653 = vector.broadcast %mul3A_652 : f32 to vector<16xf32>
      %mul3A_654 = arith.mulf %div3A_651, %mul3A_653 : vector<16xf32>
      %convert_element_type3A_655 = arith.fptosi %mul3A_654 : vector<16xf32> to vector<16xi32>
      %convert_element_type3A_656 = arith.sitofp %convert_element_type3A_655 : vector<16xi32> to vector<16xf32>
      %jit3A_657 = arith.constant 0.000000e+00 : f32
      %jit3A_658 = arith.constant 2.621440e+05 : f32
      %max3A_659 = vector.broadcast %jit3A_657 : f32 to vector<16xf32>
      %max3A_660 = arith.maximumf %max3A_659, %convert_element_type3A_656 : vector<16xf32>
      %min3A_661 = vector.broadcast %jit3A_658 : f32 to vector<16xf32>
      %min3A_662 = arith.minimumf %min3A_661, %max3A_660 : vector<16xf32>
      %add3A_663 = arith.constant 48 : i32
      %add3A_664 = vector.broadcast %add3A_663 : i32 to vector<16xi32>
      %add3A_665 = arith.addi %iota3A_4, %add3A_664 : vector<16xi32>
      %eq3A_666 = arith.constant 255 : i32
      %eq3A_667 = vector.broadcast %eq3A_666 : i32 to vector<16xi32>
      %eq3A_668 = arith.cmpi eq, %add3A_665, %eq3A_667 : vector<16xi32>
      %jit3A_669 = arith.constant 2.621440e+05 : f32
      %broadcast_in_dim3A_670 = vector.broadcast %jit3A_669 : f32 to vector<16xf32>
      %select_n3A_671 = arith.select %eq3A_668, %broadcast_in_dim3A_670, %min3A_662 : vector<16xi1>, vector<16xf32>
      %broadcast_in_dim3A_672 = arith.constant 0 : i32
      %broadcast_in_dim3A_673 = vector.broadcast %broadcast_in_dim3A_672 : i32 to vector<16xi32>
      %add3A_674 = arith.constant 1023 : i32
      %add3A_675 = vector.broadcast %add3A_674 : i32 to vector<16xi32>
      %add3A_676 = arith.addi %broadcast_in_dim3A_673, %add3A_675 : vector<16xi32>
      %gather3A_677 = tpu.vector_load_idx %arg13[%add3A_676] : memref<2048xf32, #tpu.memory_space<vmem>>[vector<16xi32>], vector<16xf32>,
      %lt3A_678 = arith.cmpf olt, %gather3A_677, %select_n3A_671 : vector<16xf32>
      %add3A_679 = arith.constant 1024 : i32
      %add3A_680 = vector.broadcast %add3A_679 : i32 to vector<16xi32>
      %add3A_681 = arith.addi %broadcast_in_dim3A_673, %add3A_680 : vector<16xi32>
      %select_n3A_682 = arith.select %lt3A_678, %add3A_681, %broadcast_in_dim3A_673 : vector<16xi1>, vector<16xi32>
      %add3A_683 = arith.constant 511 : i32
      %add3A_684 = vector.broadcast %add3A_683 : i32 to vector<16xi32>
      %add3A_685 = arith.addi %select_n3A_682, %add3A_684 : vector<16xi32>
      %gather3A_686 = tpu.vector_load_idx %arg13[%add3A_685] : memref<2048xf32, #tpu.memory_space<vmem>>[vector<16xi32>], vector<16xf32>,
      %lt3A_687 = arith.cmpf olt, %gather3A_686, %select_n3A_671 : vector<16xf32>
      %add3A_688 = arith.constant 512 : i32
      %add3A_689 = vector.broadcast %add3A_688 : i32 to vector<16xi32>
      %add3A_690 = arith.addi %select_n3A_682, %add3A_689 : vector<16xi32>
      %select_n3A_691 = arith.select %lt3A_687, %add3A_690, %select_n3A_682 : vector<16xi1>, vector<16xi32>
      %add3A_692 = arith.constant 255 : i32
      %add3A_693 = vector.broadcast %add3A_692 : i32 to vector<16xi32>
      %add3A_694 = arith.addi %select_n3A_691, %add3A_693 : vector<16xi32>
      %gather3A_695 = tpu.vector_load_idx %arg13[%add3A_694] : memref<2048xf32, #tpu.memory_space<vmem>>[vector<16xi32>], vector<16xf32>,
      %lt3A_696 = arith.cmpf olt, %gather3A_695, %select_n3A_671 : vector<16xf32>
      %add3A_697 = arith.constant 256 : i32
      %add3A_698 = vector.broadcast %add3A_697 : i32 to vector<16xi32>
      %add3A_699 = arith.addi %select_n3A_691, %add3A_698 : vector<16xi32>
      %select_n3A_700 = arith.select %lt3A_696, %add3A_699, %select_n3A_691 : vector<16xi1>, vector<16xi32>
      %add3A_701 = arith.constant 127 : i32
      %add3A_702 = vector.broadcast %add3A_701 : i32 to vector<16xi32>
      %add3A_703 = arith.addi %select_n3A_700, %add3A_702 : vector<16xi32>
      %gather3A_704 = tpu.vector_load_idx %arg13[%add3A_703] : memref<2048xf32, #tpu.memory_space<vmem>>[vector<16xi32>], vector<16xf32>,
      %lt3A_705 = arith.cmpf olt, %gather3A_704, %select_n3A_671 : vector<16xf32>
      %add3A_706 = arith.constant 128 : i32
      %add3A_707 = vector.broadcast %add3A_706 : i32 to vector<16xi32>
      %add3A_708 = arith.addi %select_n3A_700, %add3A_707 : vector<16xi32>
      %select_n3A_709 = arith.select %lt3A_705, %add3A_708, %select_n3A_700 : vector<16xi1>, vector<16xi32>
      %add3A_710 = arith.constant 63 : i32
      %add3A_711 = vector.broadcast %add3A_710 : i32 to vector<16xi32>
      %add3A_712 = arith.addi %select_n3A_709, %add3A_711 : vector<16xi32>
      %gather3A_713 = tpu.vector_load_idx %arg13[%add3A_712] : memref<2048xf32, #tpu.memory_space<vmem>>[vector<16xi32>], vector<16xf32>,
      %lt3A_714 = arith.cmpf olt, %gather3A_713, %select_n3A_671 : vector<16xf32>
      %add3A_715 = arith.constant 64 : i32
      %add3A_716 = vector.broadcast %add3A_715 : i32 to vector<16xi32>
      %add3A_717 = arith.addi %select_n3A_709, %add3A_716 : vector<16xi32>
      %select_n3A_718 = arith.select %lt3A_714, %add3A_717, %select_n3A_709 : vector<16xi1>, vector<16xi32>
      %add3A_719 = arith.constant 31 : i32
      %add3A_720 = vector.broadcast %add3A_719 : i32 to vector<16xi32>
      %add3A_721 = arith.addi %select_n3A_718, %add3A_720 : vector<16xi32>
      %gather3A_722 = tpu.vector_load_idx %arg13[%add3A_721] : memref<2048xf32, #tpu.memory_space<vmem>>[vector<16xi32>], vector<16xf32>,
      %lt3A_723 = arith.cmpf olt, %gather3A_722, %select_n3A_671 : vector<16xf32>
      %add3A_724 = arith.constant 32 : i32
      %add3A_725 = vector.broadcast %add3A_724 : i32 to vector<16xi32>
      %add3A_726 = arith.addi %select_n3A_718, %add3A_725 : vector<16xi32>
      %select_n3A_727 = arith.select %lt3A_723, %add3A_726, %select_n3A_718 : vector<16xi1>, vector<16xi32>
      %add3A_728 = arith.constant 15 : i32
      %add3A_729 = vector.broadcast %add3A_728 : i32 to vector<16xi32>
      %add3A_730 = arith.addi %select_n3A_727, %add3A_729 : vector<16xi32>
      %gather3A_731 = tpu.vector_load_idx %arg13[%add3A_730] : memref<2048xf32, #tpu.memory_space<vmem>>[vector<16xi32>], vector<16xf32>,
      %lt3A_732 = arith.cmpf olt, %gather3A_731, %select_n3A_671 : vector<16xf32>
      %add3A_733 = arith.constant 16 : i32
      %add3A_734 = vector.broadcast %add3A_733 : i32 to vector<16xi32>
      %add3A_735 = arith.addi %select_n3A_727, %add3A_734 : vector<16xi32>
      %select_n3A_736 = arith.select %lt3A_732, %add3A_735, %select_n3A_727 : vector<16xi1>, vector<16xi32>
      %add3A_737 = arith.constant 7 : i32
      %add3A_738 = vector.broadcast %add3A_737 : i32 to vector<16xi32>
      %add3A_739 = arith.addi %select_n3A_736, %add3A_738 : vector<16xi32>
      %gather3A_740 = tpu.vector_load_idx %arg13[%add3A_739] : memref<2048xf32, #tpu.memory_space<vmem>>[vector<16xi32>], vector<16xf32>,
      %lt3A_741 = arith.cmpf olt, %gather3A_740, %select_n3A_671 : vector<16xf32>
      %add3A_742 = arith.constant 8 : i32
      %add3A_743 = vector.broadcast %add3A_742 : i32 to vector<16xi32>
      %add3A_744 = arith.addi %select_n3A_736, %add3A_743 : vector<16xi32>
      %select_n3A_745 = arith.select %lt3A_741, %add3A_744, %select_n3A_736 : vector<16xi1>, vector<16xi32>
      %add3A_746 = arith.constant 3 : i32
      %add3A_747 = vector.broadcast %add3A_746 : i32 to vector<16xi32>
      %add3A_748 = arith.addi %select_n3A_745, %add3A_747 : vector<16xi32>
      %gather3A_749 = tpu.vector_load_idx %arg13[%add3A_748] : memref<2048xf32, #tpu.memory_space<vmem>>[vector<16xi32>], vector<16xf32>,
      %lt3A_750 = arith.cmpf olt, %gather3A_749, %select_n3A_671 : vector<16xf32>
      %add3A_751 = arith.constant 4 : i32
      %add3A_752 = vector.broadcast %add3A_751 : i32 to vector<16xi32>
      %add3A_753 = arith.addi %select_n3A_745, %add3A_752 : vector<16xi32>
      %select_n3A_754 = arith.select %lt3A_750, %add3A_753, %select_n3A_745 : vector<16xi1>, vector<16xi32>
      %add3A_755 = arith.constant 1 : i32
      %add3A_756 = vector.broadcast %add3A_755 : i32 to vector<16xi32>
      %add3A_757 = arith.addi %select_n3A_754, %add3A_756 : vector<16xi32>
      %gather3A_758 = tpu.vector_load_idx %arg13[%add3A_757] : memref<2048xf32, #tpu.memory_space<vmem>>[vector<16xi32>], vector<16xf32>,
      %lt3A_759 = arith.cmpf olt, %gather3A_758, %select_n3A_671 : vector<16xf32>
      %add3A_760 = arith.constant 2 : i32
      %add3A_761 = vector.broadcast %add3A_760 : i32 to vector<16xi32>
      %add3A_762 = arith.addi %select_n3A_754, %add3A_761 : vector<16xi32>
      %select_n3A_763 = arith.select %lt3A_759, %add3A_762, %select_n3A_754 : vector<16xi1>, vector<16xi32>
      %add3A_764 = arith.constant 0 : i32
      %add3A_765 = vector.broadcast %add3A_764 : i32 to vector<16xi32>
      %add3A_766 = arith.addi %select_n3A_763, %add3A_765 : vector<16xi32>
      %gather3A_767 = tpu.vector_load_idx %arg13[%add3A_766] : memref<2048xf32, #tpu.memory_space<vmem>>[vector<16xi32>], vector<16xf32>,
      %lt3A_768 = arith.cmpf olt, %gather3A_767, %select_n3A_671 : vector<16xf32>
      %add3A_769 = arith.constant 1 : i32
      %add3A_770 = vector.broadcast %add3A_769 : i32 to vector<16xi32>
      %add3A_771 = arith.addi %select_n3A_763, %add3A_770 : vector<16xi32>
      %select_n3A_772 = arith.select %lt3A_768, %add3A_771, %select_n3A_763 : vector<16xi1>, vector<16xi32>
      %sub3A_773 = arith.constant 1 : i32
      %sub3A_774 = vector.broadcast %sub3A_773 : i32 to vector<16xi32>
      %sub3A_775 = arith.subi %select_n3A_772, %sub3A_774 : vector<16xi32>
      %max3A_776 = arith.constant 0 : i32
      %max3A_777 = vector.broadcast %max3A_776 : i32 to vector<16xi32>
      %max3A_778 = arith.maxsi %sub3A_775, %max3A_777 : vector<16xi32>
      %eq3A_779 = arith.constant 0 : i32
      %eq3A_780 = vector.broadcast %eq3A_779 : i32 to vector<16xi32>
      %eq3A_781 = arith.cmpi eq, %select_n3A_772, %eq3A_780 : vector<16xi32>
      %gather3A_782 = tpu.vector_load_idx %arg13[%max3A_778] : memref<2048xf32, #tpu.memory_space<vmem>>[vector<16xi32>], vector<16xf32>,
      %jit3A_783 = arith.constant 0.000000e+00 : f32
      %broadcast_in_dim3A_784 = vector.broadcast %jit3A_783 : f32 to vector<16xf32>
      %select_n3A_785 = arith.select %eq3A_781, %broadcast_in_dim3A_784, %gather3A_782 : vector<16xi1>, vector<16xf32>
      %gather3A_786 = tpu.vector_load_idx %arg14[%max3A_778] : memref<2048xf32, #tpu.memory_space<vmem>>[vector<16xi32>], vector<16xf32>,
      %jit3A_787 = arith.constant 0.000000e+00 : f32
      %broadcast_in_dim3A_788 = vector.broadcast %jit3A_787 : f32 to vector<16xf32>
      %select_n3A_789 = arith.select %eq3A_781, %broadcast_in_dim3A_788, %gather3A_786 : vector<16xi1>, vector<16xf32>
      %gather3A_790 = tpu.vector_load_idx %arg12[%select_n3A_772] : memref<4096xf32, #tpu.memory_space<vmem>>[vector<16xi32>], vector<16xf32>,
      %add3A_791 = arith.constant 2048 : i32
      %add3A_792 = vector.broadcast %add3A_791 : i32 to vector<16xi32>
      %add3A_793 = arith.addi %select_n3A_772, %add3A_792 : vector<16xi32>
      %gather3A_794 = tpu.vector_load_idx %arg12[%add3A_793] : memref<4096xf32, #tpu.memory_space<vmem>>[vector<16xi32>], vector<16xf32>,
      %gather3A_795 = tpu.vector_load_idx %arg18[%select_n3A_772] : memref<2048xf32, #tpu.memory_space<vmem>>[vector<16xi32>], vector<16xf32>,
      %sub3A_796 = arith.subf %select_n3A_671, %select_n3A_785 : vector<16xf32>
      %max3A_797 = arith.constant 1.000000e+00 : f32
      %max3A_798 = vector.broadcast %max3A_797 : f32 to vector<16xf32>
      %max3A_799 = arith.maximumf %gather3A_790, %max3A_798 : vector<16xf32>
      %div3A_800 = arith.divf %gather3A_794, %max3A_799 : vector<16xf32>
      %mul3A_801 = arith.mulf %sub3A_796, %div3A_800 : vector<16xf32>
      %add3A_802 = arith.addf %select_n3A_789, %mul3A_801 : vector<16xf32>
      %mul3A_803 = arith.constant 5.000000e-01 : f32
      %mul3A_804 = vector.broadcast %mul3A_803 : f32 to vector<16xf32>
      %mul3A_805 = arith.mulf %mul3A_804, %gather3A_795 : vector<16xf32>
      %mul3A_806 = arith.mulf %mul3A_805, %sub3A_796 : vector<16xf32>
      %div3A_807 = arith.divf %sub3A_796, %max3A_799 : vector<16xf32>
      %sub3A_808 = arith.constant 1.000000e+00 : f32
      %sub3A_809 = vector.broadcast %sub3A_808 : f32 to vector<16xf32>
      %sub3A_810 = arith.subf %sub3A_809, %div3A_807 : vector<16xf32>
      %mul3A_811 = arith.mulf %mul3A_806, %sub3A_810 : vector<16xf32>
      %sub3A_812 = arith.subf %add3A_802, %mul3A_811 : vector<16xf32>
      %convert_element_type3A_813 = arith.sitofp %add3A_665 : vector<16xi32> to vector<16xf32>
      %mul3A_814 = arith.mulf %convert_element_type3A_813, %div3A_86 : vector<16xf32>
      %add3A_815 = arith.addf %mul3A_814, %get3A_81 : vector<16xf32>
      %eq3A_816 = arith.constant 255 : i32
      %eq3A_817 = vector.broadcast %eq3A_816 : i32 to vector<16xi32>
      %eq3A_818 = arith.cmpi eq, %add3A_665, %eq3A_817 : vector<16xi32>
      %add3A_819 = arith.constant 1.000000e+00 : f32
      %add3A_820 = vector.broadcast %add3A_819 : f32 to vector<16xf32>
      %add3A_821 = arith.addf %convert_element_type3A_813, %add3A_820 : vector<16xf32>
      %mul3A_822 = arith.mulf %add3A_821, %div3A_86 : vector<16xf32>
      %add3A_823 = arith.addf %mul3A_822, %get3A_81 : vector<16xf32>
      %jit3A_824 = arith.constant 0.000000e+00 : f32
      %broadcast_in_dim3A_825 = vector.broadcast %jit3A_824 : f32 to vector<16xf32>
      %select_n3A_826 = arith.select %eq3A_818, %broadcast_in_dim3A_825, %add3A_823 : vector<16xi1>, vector<16xf32>
      %mul3A_827 = arith.mulf %select_n3A_826, %select_n3A_826 : vector<16xf32>
      %jit3A_828 = arith.constant 0.000000e+00 : f32
      %broadcast_in_dim3A_829 = vector.broadcast %jit3A_828 : f32 to vector<16xf32>
      %select_n3A_830 = arith.select %eq3A_818, %broadcast_in_dim3A_829, %mul3A_827 : vector<16xi1>, vector<16xf32>
      %sub3A_831 = arith.subf %add3A_815, %select_n3A_826 : vector<16xf32>
      %mul3A_832 = arith.mulf %sub3A_812, %sub3A_831 : vector<16xf32>
      %add3A_833 = arith.addf %add3A_644, %mul3A_832 : vector<16xf32>
      %mul3A_834 = arith.mulf %add3A_815, %add3A_815 : vector<16xf32>
      %sub3A_835 = arith.subf %mul3A_834, %select_n3A_830 : vector<16xf32>
      %mul3A_836 = arith.mulf %select_n3A_671, %sub3A_835 : vector<16xf32>
      %add3A_837 = arith.addf %add3A_648, %mul3A_836 : vector<16xf32>
      %get3A_838 = arith.constant 64 : index
      %get3A_839 = tpu.vector_load %arg15[%get3A_838] {strides = array<i32>} : memref<256xf32, #tpu.memory_space<vmem>>, vector<16xf32>,
      %div3A_840 = arith.divf %get3A_839, %max3A_80 : vector<16xf32>
      %mul3A_841 = arith.constant 2.621440e+05 : f32
      %mul3A_842 = vector.broadcast %mul3A_841 : f32 to vector<16xf32>
      %mul3A_843 = arith.mulf %div3A_840, %mul3A_842 : vector<16xf32>
      %convert_element_type3A_844 = arith.fptosi %mul3A_843 : vector<16xf32> to vector<16xi32>
      %convert_element_type3A_845 = arith.sitofp %convert_element_type3A_844 : vector<16xi32> to vector<16xf32>
      %jit3A_846 = arith.constant 0.000000e+00 : f32
      %jit3A_847 = arith.constant 2.621440e+05 : f32
      %max3A_848 = vector.broadcast %jit3A_846 : f32 to vector<16xf32>
      %max3A_849 = arith.maximumf %max3A_848, %convert_element_type3A_845 : vector<16xf32>
      %min3A_850 = vector.broadcast %jit3A_847 : f32 to vector<16xf32>
      %min3A_851 = arith.minimumf %min3A_850, %max3A_849 : vector<16xf32>
      %add3A_852 = arith.constant 64 : i32
      %add3A_853 = vector.broadcast %add3A_852 : i32 to vector<16xi32>
      %add3A_854 = arith.addi %iota3A_4, %add3A_853 : vector<16xi32>
      %eq3A_855 = arith.constant 255 : i32
      %eq3A_856 = vector.broadcast %eq3A_855 : i32 to vector<16xi32>
      %eq3A_857 = arith.cmpi eq, %add3A_854, %eq3A_856 : vector<16xi32>
      %jit3A_858 = arith.constant 2.621440e+05 : f32
      %broadcast_in_dim3A_859 = vector.broadcast %jit3A_858 : f32 to vector<16xf32>
      %select_n3A_860 = arith.select %eq3A_857, %broadcast_in_dim3A_859, %min3A_851 : vector<16xi1>, vector<16xf32>
      %broadcast_in_dim3A_861 = arith.constant 0 : i32
      %broadcast_in_dim3A_862 = vector.broadcast %broadcast_in_dim3A_861 : i32 to vector<16xi32>
      %add3A_863 = arith.constant 1023 : i32
      %add3A_864 = vector.broadcast %add3A_863 : i32 to vector<16xi32>
      %add3A_865 = arith.addi %broadcast_in_dim3A_862, %add3A_864 : vector<16xi32>
      %gather3A_866 = tpu.vector_load_idx %arg13[%add3A_865] : memref<2048xf32, #tpu.memory_space<vmem>>[vector<16xi32>], vector<16xf32>,
      %lt3A_867 = arith.cmpf olt, %gather3A_866, %select_n3A_860 : vector<16xf32>
      %add3A_868 = arith.constant 1024 : i32
      %add3A_869 = vector.broadcast %add3A_868 : i32 to vector<16xi32>
      %add3A_870 = arith.addi %broadcast_in_dim3A_862, %add3A_869 : vector<16xi32>
      %select_n3A_871 = arith.select %lt3A_867, %add3A_870, %broadcast_in_dim3A_862 : vector<16xi1>, vector<16xi32>
      %add3A_872 = arith.constant 511 : i32
      %add3A_873 = vector.broadcast %add3A_872 : i32 to vector<16xi32>
      %add3A_874 = arith.addi %select_n3A_871, %add3A_873 : vector<16xi32>
      %gather3A_875 = tpu.vector_load_idx %arg13[%add3A_874] : memref<2048xf32, #tpu.memory_space<vmem>>[vector<16xi32>], vector<16xf32>,
      %lt3A_876 = arith.cmpf olt, %gather3A_875, %select_n3A_860 : vector<16xf32>
      %add3A_877 = arith.constant 512 : i32
      %add3A_878 = vector.broadcast %add3A_877 : i32 to vector<16xi32>
      %add3A_879 = arith.addi %select_n3A_871, %add3A_878 : vector<16xi32>
      %select_n3A_880 = arith.select %lt3A_876, %add3A_879, %select_n3A_871 : vector<16xi1>, vector<16xi32>
      %add3A_881 = arith.constant 255 : i32
      %add3A_882 = vector.broadcast %add3A_881 : i32 to vector<16xi32>
      %add3A_883 = arith.addi %select_n3A_880, %add3A_882 : vector<16xi32>
      %gather3A_884 = tpu.vector_load_idx %arg13[%add3A_883] : memref<2048xf32, #tpu.memory_space<vmem>>[vector<16xi32>], vector<16xf32>,
      %lt3A_885 = arith.cmpf olt, %gather3A_884, %select_n3A_860 : vector<16xf32>
      %add3A_886 = arith.constant 256 : i32
      %add3A_887 = vector.broadcast %add3A_886 : i32 to vector<16xi32>
      %add3A_888 = arith.addi %select_n3A_880, %add3A_887 : vector<16xi32>
      %select_n3A_889 = arith.select %lt3A_885, %add3A_888, %select_n3A_880 : vector<16xi1>, vector<16xi32>
      %add3A_890 = arith.constant 127 : i32
      %add3A_891 = vector.broadcast %add3A_890 : i32 to vector<16xi32>
      %add3A_892 = arith.addi %select_n3A_889, %add3A_891 : vector<16xi32>
      %gather3A_893 = tpu.vector_load_idx %arg13[%add3A_892] : memref<2048xf32, #tpu.memory_space<vmem>>[vector<16xi32>], vector<16xf32>,
      %lt3A_894 = arith.cmpf olt, %gather3A_893, %select_n3A_860 : vector<16xf32>
      %add3A_895 = arith.constant 128 : i32
      %add3A_896 = vector.broadcast %add3A_895 : i32 to vector<16xi32>
      %add3A_897 = arith.addi %select_n3A_889, %add3A_896 : vector<16xi32>
      %select_n3A_898 = arith.select %lt3A_894, %add3A_897, %select_n3A_889 : vector<16xi1>, vector<16xi32>
      %add3A_899 = arith.constant 63 : i32
      %add3A_900 = vector.broadcast %add3A_899 : i32 to vector<16xi32>
      %add3A_901 = arith.addi %select_n3A_898, %add3A_900 : vector<16xi32>
      %gather3A_902 = tpu.vector_load_idx %arg13[%add3A_901] : memref<2048xf32, #tpu.memory_space<vmem>>[vector<16xi32>], vector<16xf32>,
      %lt3A_903 = arith.cmpf olt, %gather3A_902, %select_n3A_860 : vector<16xf32>
      %add3A_904 = arith.constant 64 : i32
      %add3A_905 = vector.broadcast %add3A_904 : i32 to vector<16xi32>
      %add3A_906 = arith.addi %select_n3A_898, %add3A_905 : vector<16xi32>
      %select_n3A_907 = arith.select %lt3A_903, %add3A_906, %select_n3A_898 : vector<16xi1>, vector<16xi32>
      %add3A_908 = arith.constant 31 : i32
      %add3A_909 = vector.broadcast %add3A_908 : i32 to vector<16xi32>
      %add3A_910 = arith.addi %select_n3A_907, %add3A_909 : vector<16xi32>
      %gather3A_911 = tpu.vector_load_idx %arg13[%add3A_910] : memref<2048xf32, #tpu.memory_space<vmem>>[vector<16xi32>], vector<16xf32>,
      %lt3A_912 = arith.cmpf olt, %gather3A_911, %select_n3A_860 : vector<16xf32>
      %add3A_913 = arith.constant 32 : i32
      %add3A_914 = vector.broadcast %add3A_913 : i32 to vector<16xi32>
      %add3A_915 = arith.addi %select_n3A_907, %add3A_914 : vector<16xi32>
      %select_n3A_916 = arith.select %lt3A_912, %add3A_915, %select_n3A_907 : vector<16xi1>, vector<16xi32>
      %add3A_917 = arith.constant 15 : i32
      %add3A_918 = vector.broadcast %add3A_917 : i32 to vector<16xi32>
      %add3A_919 = arith.addi %select_n3A_916, %add3A_918 : vector<16xi32>
      %gather3A_920 = tpu.vector_load_idx %arg13[%add3A_919] : memref<2048xf32, #tpu.memory_space<vmem>>[vector<16xi32>], vector<16xf32>,
      %lt3A_921 = arith.cmpf olt, %gather3A_920, %select_n3A_860 : vector<16xf32>
      %add3A_922 = arith.constant 16 : i32
      %add3A_923 = vector.broadcast %add3A_922 : i32 to vector<16xi32>
      %add3A_924 = arith.addi %select_n3A_916, %add3A_923 : vector<16xi32>
      %select_n3A_925 = arith.select %lt3A_921, %add3A_924, %select_n3A_916 : vector<16xi1>, vector<16xi32>
      %add3A_926 = arith.constant 7 : i32
      %add3A_927 = vector.broadcast %add3A_926 : i32 to vector<16xi32>
      %add3A_928 = arith.addi %select_n3A_925, %add3A_927 : vector<16xi32>
      %gather3A_929 = tpu.vector_load_idx %arg13[%add3A_928] : memref<2048xf32, #tpu.memory_space<vmem>>[vector<16xi32>], vector<16xf32>,
      %lt3A_930 = arith.cmpf olt, %gather3A_929, %select_n3A_860 : vector<16xf32>
      %add3A_931 = arith.constant 8 : i32
      %add3A_932 = vector.broadcast %add3A_931 : i32 to vector<16xi32>
      %add3A_933 = arith.addi %select_n3A_925, %add3A_932 : vector<16xi32>
      %select_n3A_934 = arith.select %lt3A_930, %add3A_933, %select_n3A_925 : vector<16xi1>, vector<16xi32>
      %add3A_935 = arith.constant 3 : i32
      %add3A_936 = vector.broadcast %add3A_935 : i32 to vector<16xi32>
      %add3A_937 = arith.addi %select_n3A_934, %add3A_936 : vector<16xi32>
      %gather3A_938 = tpu.vector_load_idx %arg13[%add3A_937] : memref<2048xf32, #tpu.memory_space<vmem>>[vector<16xi32>], vector<16xf32>,
      %lt3A_939 = arith.cmpf olt, %gather3A_938, %select_n3A_860 : vector<16xf32>
      %add3A_940 = arith.constant 4 : i32
      %add3A_941 = vector.broadcast %add3A_940 : i32 to vector<16xi32>
      %add3A_942 = arith.addi %select_n3A_934, %add3A_941 : vector<16xi32>
      %select_n3A_943 = arith.select %lt3A_939, %add3A_942, %select_n3A_934 : vector<16xi1>, vector<16xi32>
      %add3A_944 = arith.constant 1 : i32
      %add3A_945 = vector.broadcast %add3A_944 : i32 to vector<16xi32>
      %add3A_946 = arith.addi %select_n3A_943, %add3A_945 : vector<16xi32>
      %gather3A_947 = tpu.vector_load_idx %arg13[%add3A_946] : memref<2048xf32, #tpu.memory_space<vmem>>[vector<16xi32>], vector<16xf32>,
      %lt3A_948 = arith.cmpf olt, %gather3A_947, %select_n3A_860 : vector<16xf32>
      %add3A_949 = arith.constant 2 : i32
      %add3A_950 = vector.broadcast %add3A_949 : i32 to vector<16xi32>
      %add3A_951 = arith.addi %select_n3A_943, %add3A_950 : vector<16xi32>
      %select_n3A_952 = arith.select %lt3A_948, %add3A_951, %select_n3A_943 : vector<16xi1>, vector<16xi32>
      %add3A_953 = arith.constant 0 : i32
      %add3A_954 = vector.broadcast %add3A_953 : i32 to vector<16xi32>
      %add3A_955 = arith.addi %select_n3A_952, %add3A_954 : vector<16xi32>
      %gather3A_956 = tpu.vector_load_idx %arg13[%add3A_955] : memref<2048xf32, #tpu.memory_space<vmem>>[vector<16xi32>], vector<16xf32>,
      %lt3A_957 = arith.cmpf olt, %gather3A_956, %select_n3A_860 : vector<16xf32>
      %add3A_958 = arith.constant 1 : i32
      %add3A_959 = vector.broadcast %add3A_958 : i32 to vector<16xi32>
      %add3A_960 = arith.addi %select_n3A_952, %add3A_959 : vector<16xi32>
      %select_n3A_961 = arith.select %lt3A_957, %add3A_960, %select_n3A_952 : vector<16xi1>, vector<16xi32>
      %sub3A_962 = arith.constant 1 : i32
      %sub3A_963 = vector.broadcast %sub3A_962 : i32 to vector<16xi32>
      %sub3A_964 = arith.subi %select_n3A_961, %sub3A_963 : vector<16xi32>
      %max3A_965 = arith.constant 0 : i32
      %max3A_966 = vector.broadcast %max3A_965 : i32 to vector<16xi32>
      %max3A_967 = arith.maxsi %sub3A_964, %max3A_966 : vector<16xi32>
      %eq3A_968 = arith.constant 0 : i32
      %eq3A_969 = vector.broadcast %eq3A_968 : i32 to vector<16xi32>
      %eq3A_970 = arith.cmpi eq, %select_n3A_961, %eq3A_969 : vector<16xi32>
      %gather3A_971 = tpu.vector_load_idx %arg13[%max3A_967] : memref<2048xf32, #tpu.memory_space<vmem>>[vector<16xi32>], vector<16xf32>,
      %jit3A_972 = arith.constant 0.000000e+00 : f32
      %broadcast_in_dim3A_973 = vector.broadcast %jit3A_972 : f32 to vector<16xf32>
      %select_n3A_974 = arith.select %eq3A_970, %broadcast_in_dim3A_973, %gather3A_971 : vector<16xi1>, vector<16xf32>
      %gather3A_975 = tpu.vector_load_idx %arg14[%max3A_967] : memref<2048xf32, #tpu.memory_space<vmem>>[vector<16xi32>], vector<16xf32>,
      %jit3A_976 = arith.constant 0.000000e+00 : f32
      %broadcast_in_dim3A_977 = vector.broadcast %jit3A_976 : f32 to vector<16xf32>
      %select_n3A_978 = arith.select %eq3A_970, %broadcast_in_dim3A_977, %gather3A_975 : vector<16xi1>, vector<16xf32>
      %gather3A_979 = tpu.vector_load_idx %arg12[%select_n3A_961] : memref<4096xf32, #tpu.memory_space<vmem>>[vector<16xi32>], vector<16xf32>,
      %add3A_980 = arith.constant 2048 : i32
      %add3A_981 = vector.broadcast %add3A_980 : i32 to vector<16xi32>
      %add3A_982 = arith.addi %select_n3A_961, %add3A_981 : vector<16xi32>
      %gather3A_983 = tpu.vector_load_idx %arg12[%add3A_982] : memref<4096xf32, #tpu.memory_space<vmem>>[vector<16xi32>], vector<16xf32>,
      %gather3A_984 = tpu.vector_load_idx %arg18[%select_n3A_961] : memref<2048xf32, #tpu.memory_space<vmem>>[vector<16xi32>], vector<16xf32>,
      %sub3A_985 = arith.subf %select_n3A_860, %select_n3A_974 : vector<16xf32>
      %max3A_986 = arith.constant 1.000000e+00 : f32
      %max3A_987 = vector.broadcast %max3A_986 : f32 to vector<16xf32>
      %max3A_988 = arith.maximumf %gather3A_979, %max3A_987 : vector<16xf32>
      %div3A_989 = arith.divf %gather3A_983, %max3A_988 : vector<16xf32>
      %mul3A_990 = arith.mulf %sub3A_985, %div3A_989 : vector<16xf32>
      %add3A_991 = arith.addf %select_n3A_978, %mul3A_990 : vector<16xf32>
      %mul3A_992 = arith.constant 5.000000e-01 : f32
      %mul3A_993 = vector.broadcast %mul3A_992 : f32 to vector<16xf32>
      %mul3A_994 = arith.mulf %mul3A_993, %gather3A_984 : vector<16xf32>
      %mul3A_995 = arith.mulf %mul3A_994, %sub3A_985 : vector<16xf32>
      %div3A_996 = arith.divf %sub3A_985, %max3A_988 : vector<16xf32>
      %sub3A_997 = arith.constant 1.000000e+00 : f32
      %sub3A_998 = vector.broadcast %sub3A_997 : f32 to vector<16xf32>
      %sub3A_999 = arith.subf %sub3A_998, %div3A_996 : vector<16xf32>
      %mul3A_1000 = arith.mulf %mul3A_995, %sub3A_999 : vector<16xf32>
      %sub3A_1001 = arith.subf %add3A_991, %mul3A_1000 : vector<16xf32>
      %convert_element_type3A_1002 = arith.sitofp %add3A_854 : vector<16xi32> to vector<16xf32>
      %mul3A_1003 = arith.mulf %convert_element_type3A_1002, %div3A_86 : vector<16xf32>
      %add3A_1004 = arith.addf %mul3A_1003, %get3A_81 : vector<16xf32>
      %eq3A_1005 = arith.constant 255 : i32
      %eq3A_1006 = vector.broadcast %eq3A_1005 : i32 to vector<16xi32>
      %eq3A_1007 = arith.cmpi eq, %add3A_854, %eq3A_1006 : vector<16xi32>
      %add3A_1008 = arith.constant 1.000000e+00 : f32
      %add3A_1009 = vector.broadcast %add3A_1008 : f32 to vector<16xf32>
      %add3A_1010 = arith.addf %convert_element_type3A_1002, %add3A_1009 : vector<16xf32>
      %mul3A_1011 = arith.mulf %add3A_1010, %div3A_86 : vector<16xf32>
      %add3A_1012 = arith.addf %mul3A_1011, %get3A_81 : vector<16xf32>
      %jit3A_1013 = arith.constant 0.000000e+00 : f32
      %broadcast_in_dim3A_1014 = vector.broadcast %jit3A_1013 : f32 to vector<16xf32>
      %select_n3A_1015 = arith.select %eq3A_1007, %broadcast_in_dim3A_1014, %add3A_1012 : vector<16xi1>, vector<16xf32>
      %mul3A_1016 = arith.mulf %select_n3A_1015, %select_n3A_1015 : vector<16xf32>
      %jit3A_1017 = arith.constant 0.000000e+00 : f32
      %broadcast_in_dim3A_1018 = vector.broadcast %jit3A_1017 : f32 to vector<16xf32>
      %select_n3A_1019 = arith.select %eq3A_1007, %broadcast_in_dim3A_1018, %mul3A_1016 : vector<16xi1>, vector<16xf32>
      %sub3A_1020 = arith.subf %add3A_1004, %select_n3A_1015 : vector<16xf32>
      %mul3A_1021 = arith.mulf %sub3A_1001, %sub3A_1020 : vector<16xf32>
      %add3A_1022 = arith.addf %add3A_833, %mul3A_1021 : vector<16xf32>
      %mul3A_1023 = arith.mulf %add3A_1004, %add3A_1004 : vector<16xf32>
      %sub3A_1024 = arith.subf %mul3A_1023, %select_n3A_1019 : vector<16xf32>
      %mul3A_1025 = arith.mulf %select_n3A_860, %sub3A_1024 : vector<16xf32>
      %add3A_1026 = arith.addf %add3A_837, %mul3A_1025 : vector<16xf32>
      %get3A_1027 = arith.constant 80 : index
      %get3A_1028 = tpu.vector_load %arg15[%get3A_1027] {strides = array<i32>} : memref<256xf32, #tpu.memory_space<vmem>>, vector<16xf32>,
      %div3A_1029 = arith.divf %get3A_1028, %max3A_80 : vector<16xf32>
      %mul3A_1030 = arith.constant 2.621440e+05 : f32
      %mul3A_1031 = vector.broadcast %mul3A_1030 : f32 to vector<16xf32>
      %mul3A_1032 = arith.mulf %div3A_1029, %mul3A_1031 : vector<16xf32>
      %convert_element_type3A_1033 = arith.fptosi %mul3A_1032 : vector<16xf32> to vector<16xi32>
      %convert_element_type3A_1034 = arith.sitofp %convert_element_type3A_1033 : vector<16xi32> to vector<16xf32>
      %jit3A_1035 = arith.constant 0.000000e+00 : f32
      %jit3A_1036 = arith.constant 2.621440e+05 : f32
      %max3A_1037 = vector.broadcast %jit3A_1035 : f32 to vector<16xf32>
      %max3A_1038 = arith.maximumf %max3A_1037, %convert_element_type3A_1034 : vector<16xf32>
      %min3A_1039 = vector.broadcast %jit3A_1036 : f32 to vector<16xf32>
      %min3A_1040 = arith.minimumf %min3A_1039, %max3A_1038 : vector<16xf32>
      %add3A_1041 = arith.constant 80 : i32
      %add3A_1042 = vector.broadcast %add3A_1041 : i32 to vector<16xi32>
      %add3A_1043 = arith.addi %iota3A_4, %add3A_1042 : vector<16xi32>
      %eq3A_1044 = arith.constant 255 : i32
      %eq3A_1045 = vector.broadcast %eq3A_1044 : i32 to vector<16xi32>
      %eq3A_1046 = arith.cmpi eq, %add3A_1043, %eq3A_1045 : vector<16xi32>
      %jit3A_1047 = arith.constant 2.621440e+05 : f32
      %broadcast_in_dim3A_1048 = vector.broadcast %jit3A_1047 : f32 to vector<16xf32>
      %select_n3A_1049 = arith.select %eq3A_1046, %broadcast_in_dim3A_1048, %min3A_1040 : vector<16xi1>, vector<16xf32>
      %broadcast_in_dim3A_1050 = arith.constant 0 : i32
      %broadcast_in_dim3A_1051 = vector.broadcast %broadcast_in_dim3A_1050 : i32 to vector<16xi32>
      %add3A_1052 = arith.constant 1023 : i32
      %add3A_1053 = vector.broadcast %add3A_1052 : i32 to vector<16xi32>
      %add3A_1054 = arith.addi %broadcast_in_dim3A_1051, %add3A_1053 : vector<16xi32>
      %gather3A_1055 = tpu.vector_load_idx %arg13[%add3A_1054] : memref<2048xf32, #tpu.memory_space<vmem>>[vector<16xi32>], vector<16xf32>,
      %lt3A_1056 = arith.cmpf olt, %gather3A_1055, %select_n3A_1049 : vector<16xf32>
      %add3A_1057 = arith.constant 1024 : i32
      %add3A_1058 = vector.broadcast %add3A_1057 : i32 to vector<16xi32>
      %add3A_1059 = arith.addi %broadcast_in_dim3A_1051, %add3A_1058 : vector<16xi32>
      %select_n3A_1060 = arith.select %lt3A_1056, %add3A_1059, %broadcast_in_dim3A_1051 : vector<16xi1>, vector<16xi32>
      %add3A_1061 = arith.constant 511 : i32
      %add3A_1062 = vector.broadcast %add3A_1061 : i32 to vector<16xi32>
      %add3A_1063 = arith.addi %select_n3A_1060, %add3A_1062 : vector<16xi32>
      %gather3A_1064 = tpu.vector_load_idx %arg13[%add3A_1063] : memref<2048xf32, #tpu.memory_space<vmem>>[vector<16xi32>], vector<16xf32>,
      %lt3A_1065 = arith.cmpf olt, %gather3A_1064, %select_n3A_1049 : vector<16xf32>
      %add3A_1066 = arith.constant 512 : i32
      %add3A_1067 = vector.broadcast %add3A_1066 : i32 to vector<16xi32>
      %add3A_1068 = arith.addi %select_n3A_1060, %add3A_1067 : vector<16xi32>
      %select_n3A_1069 = arith.select %lt3A_1065, %add3A_1068, %select_n3A_1060 : vector<16xi1>, vector<16xi32>
      %add3A_1070 = arith.constant 255 : i32
      %add3A_1071 = vector.broadcast %add3A_1070 : i32 to vector<16xi32>
      %add3A_1072 = arith.addi %select_n3A_1069, %add3A_1071 : vector<16xi32>
      %gather3A_1073 = tpu.vector_load_idx %arg13[%add3A_1072] : memref<2048xf32, #tpu.memory_space<vmem>>[vector<16xi32>], vector<16xf32>,
      %lt3A_1074 = arith.cmpf olt, %gather3A_1073, %select_n3A_1049 : vector<16xf32>
      %add3A_1075 = arith.constant 256 : i32
      %add3A_1076 = vector.broadcast %add3A_1075 : i32 to vector<16xi32>
      %add3A_1077 = arith.addi %select_n3A_1069, %add3A_1076 : vector<16xi32>
      %select_n3A_1078 = arith.select %lt3A_1074, %add3A_1077, %select_n3A_1069 : vector<16xi1>, vector<16xi32>
      %add3A_1079 = arith.constant 127 : i32
      %add3A_1080 = vector.broadcast %add3A_1079 : i32 to vector<16xi32>
      %add3A_1081 = arith.addi %select_n3A_1078, %add3A_1080 : vector<16xi32>
      %gather3A_1082 = tpu.vector_load_idx %arg13[%add3A_1081] : memref<2048xf32, #tpu.memory_space<vmem>>[vector<16xi32>], vector<16xf32>,
      %lt3A_1083 = arith.cmpf olt, %gather3A_1082, %select_n3A_1049 : vector<16xf32>
      %add3A_1084 = arith.constant 128 : i32
      %add3A_1085 = vector.broadcast %add3A_1084 : i32 to vector<16xi32>
      %add3A_1086 = arith.addi %select_n3A_1078, %add3A_1085 : vector<16xi32>
      %select_n3A_1087 = arith.select %lt3A_1083, %add3A_1086, %select_n3A_1078 : vector<16xi1>, vector<16xi32>
      %add3A_1088 = arith.constant 63 : i32
      %add3A_1089 = vector.broadcast %add3A_1088 : i32 to vector<16xi32>
      %add3A_1090 = arith.addi %select_n3A_1087, %add3A_1089 : vector<16xi32>
      %gather3A_1091 = tpu.vector_load_idx %arg13[%add3A_1090] : memref<2048xf32, #tpu.memory_space<vmem>>[vector<16xi32>], vector<16xf32>,
      %lt3A_1092 = arith.cmpf olt, %gather3A_1091, %select_n3A_1049 : vector<16xf32>
      %add3A_1093 = arith.constant 64 : i32
      %add3A_1094 = vector.broadcast %add3A_1093 : i32 to vector<16xi32>
      %add3A_1095 = arith.addi %select_n3A_1087, %add3A_1094 : vector<16xi32>
      %select_n3A_1096 = arith.select %lt3A_1092, %add3A_1095, %select_n3A_1087 : vector<16xi1>, vector<16xi32>
      %add3A_1097 = arith.constant 31 : i32
      %add3A_1098 = vector.broadcast %add3A_1097 : i32 to vector<16xi32>
      %add3A_1099 = arith.addi %select_n3A_1096, %add3A_1098 : vector<16xi32>
      %gather3A_1100 = tpu.vector_load_idx %arg13[%add3A_1099] : memref<2048xf32, #tpu.memory_space<vmem>>[vector<16xi32>], vector<16xf32>,
      %lt3A_1101 = arith.cmpf olt, %gather3A_1100, %select_n3A_1049 : vector<16xf32>
      %add3A_1102 = arith.constant 32 : i32
      %add3A_1103 = vector.broadcast %add3A_1102 : i32 to vector<16xi32>
      %add3A_1104 = arith.addi %select_n3A_1096, %add3A_1103 : vector<16xi32>
      %select_n3A_1105 = arith.select %lt3A_1101, %add3A_1104, %select_n3A_1096 : vector<16xi1>, vector<16xi32>
      %add3A_1106 = arith.constant 15 : i32
      %add3A_1107 = vector.broadcast %add3A_1106 : i32 to vector<16xi32>
      %add3A_1108 = arith.addi %select_n3A_1105, %add3A_1107 : vector<16xi32>
      %gather3A_1109 = tpu.vector_load_idx %arg13[%add3A_1108] : memref<2048xf32, #tpu.memory_space<vmem>>[vector<16xi32>], vector<16xf32>,
      %lt3A_1110 = arith.cmpf olt, %gather3A_1109, %select_n3A_1049 : vector<16xf32>
      %add3A_1111 = arith.constant 16 : i32
      %add3A_1112 = vector.broadcast %add3A_1111 : i32 to vector<16xi32>
      %add3A_1113 = arith.addi %select_n3A_1105, %add3A_1112 : vector<16xi32>
      %select_n3A_1114 = arith.select %lt3A_1110, %add3A_1113, %select_n3A_1105 : vector<16xi1>, vector<16xi32>
      %add3A_1115 = arith.constant 7 : i32
      %add3A_1116 = vector.broadcast %add3A_1115 : i32 to vector<16xi32>
      %add3A_1117 = arith.addi %select_n3A_1114, %add3A_1116 : vector<16xi32>
      %gather3A_1118 = tpu.vector_load_idx %arg13[%add3A_1117] : memref<2048xf32, #tpu.memory_space<vmem>>[vector<16xi32>], vector<16xf32>,
      %lt3A_1119 = arith.cmpf olt, %gather3A_1118, %select_n3A_1049 : vector<16xf32>
      %add3A_1120 = arith.constant 8 : i32
      %add3A_1121 = vector.broadcast %add3A_1120 : i32 to vector<16xi32>
      %add3A_1122 = arith.addi %select_n3A_1114, %add3A_1121 : vector<16xi32>
      %select_n3A_1123 = arith.select %lt3A_1119, %add3A_1122, %select_n3A_1114 : vector<16xi1>, vector<16xi32>
      %add3A_1124 = arith.constant 3 : i32
      %add3A_1125 = vector.broadcast %add3A_1124 : i32 to vector<16xi32>
      %add3A_1126 = arith.addi %select_n3A_1123, %add3A_1125 : vector<16xi32>
      %gather3A_1127 = tpu.vector_load_idx %arg13[%add3A_1126] : memref<2048xf32, #tpu.memory_space<vmem>>[vector<16xi32>], vector<16xf32>,
      %lt3A_1128 = arith.cmpf olt, %gather3A_1127, %select_n3A_1049 : vector<16xf32>
      %add3A_1129 = arith.constant 4 : i32
      %add3A_1130 = vector.broadcast %add3A_1129 : i32 to vector<16xi32>
      %add3A_1131 = arith.addi %select_n3A_1123, %add3A_1130 : vector<16xi32>
      %select_n3A_1132 = arith.select %lt3A_1128, %add3A_1131, %select_n3A_1123 : vector<16xi1>, vector<16xi32>
      %add3A_1133 = arith.constant 1 : i32
      %add3A_1134 = vector.broadcast %add3A_1133 : i32 to vector<16xi32>
      %add3A_1135 = arith.addi %select_n3A_1132, %add3A_1134 : vector<16xi32>
      %gather3A_1136 = tpu.vector_load_idx %arg13[%add3A_1135] : memref<2048xf32, #tpu.memory_space<vmem>>[vector<16xi32>], vector<16xf32>,
      %lt3A_1137 = arith.cmpf olt, %gather3A_1136, %select_n3A_1049 : vector<16xf32>
      %add3A_1138 = arith.constant 2 : i32
      %add3A_1139 = vector.broadcast %add3A_1138 : i32 to vector<16xi32>
      %add3A_1140 = arith.addi %select_n3A_1132, %add3A_1139 : vector<16xi32>
      %select_n3A_1141 = arith.select %lt3A_1137, %add3A_1140, %select_n3A_1132 : vector<16xi1>, vector<16xi32>
      %add3A_1142 = arith.constant 0 : i32
      %add3A_1143 = vector.broadcast %add3A_1142 : i32 to vector<16xi32>
      %add3A_1144 = arith.addi %select_n3A_1141, %add3A_1143 : vector<16xi32>
      %gather3A_1145 = tpu.vector_load_idx %arg13[%add3A_1144] : memref<2048xf32, #tpu.memory_space<vmem>>[vector<16xi32>], vector<16xf32>,
      %lt3A_1146 = arith.cmpf olt, %gather3A_1145, %select_n3A_1049 : vector<16xf32>
      %add3A_1147 = arith.constant 1 : i32
      %add3A_1148 = vector.broadcast %add3A_1147 : i32 to vector<16xi32>
      %add3A_1149 = arith.addi %select_n3A_1141, %add3A_1148 : vector<16xi32>
      %select_n3A_1150 = arith.select %lt3A_1146, %add3A_1149, %select_n3A_1141 : vector<16xi1>, vector<16xi32>
      %sub3A_1151 = arith.constant 1 : i32
      %sub3A_1152 = vector.broadcast %sub3A_1151 : i32 to vector<16xi32>
      %sub3A_1153 = arith.subi %select_n3A_1150, %sub3A_1152 : vector<16xi32>
      %max3A_1154 = arith.constant 0 : i32
      %max3A_1155 = vector.broadcast %max3A_1154 : i32 to vector<16xi32>
      %max3A_1156 = arith.maxsi %sub3A_1153, %max3A_1155 : vector<16xi32>
      %eq3A_1157 = arith.constant 0 : i32
      %eq3A_1158 = vector.broadcast %eq3A_1157 : i32 to vector<16xi32>
      %eq3A_1159 = arith.cmpi eq, %select_n3A_1150, %eq3A_1158 : vector<16xi32>
      %gather3A_1160 = tpu.vector_load_idx %arg13[%max3A_1156] : memref<2048xf32, #tpu.memory_space<vmem>>[vector<16xi32>], vector<16xf32>,
      %jit3A_1161 = arith.constant 0.000000e+00 : f32
      %broadcast_in_dim3A_1162 = vector.broadcast %jit3A_1161 : f32 to vector<16xf32>
      %select_n3A_1163 = arith.select %eq3A_1159, %broadcast_in_dim3A_1162, %gather3A_1160 : vector<16xi1>, vector<16xf32>
      %gather3A_1164 = tpu.vector_load_idx %arg14[%max3A_1156] : memref<2048xf32, #tpu.memory_space<vmem>>[vector<16xi32>], vector<16xf32>,
      %jit3A_1165 = arith.constant 0.000000e+00 : f32
      %broadcast_in_dim3A_1166 = vector.broadcast %jit3A_1165 : f32 to vector<16xf32>
      %select_n3A_1167 = arith.select %eq3A_1159, %broadcast_in_dim3A_1166, %gather3A_1164 : vector<16xi1>, vector<16xf32>
      %gather3A_1168 = tpu.vector_load_idx %arg12[%select_n3A_1150] : memref<4096xf32, #tpu.memory_space<vmem>>[vector<16xi32>], vector<16xf32>,
      %add3A_1169 = arith.constant 2048 : i32
      %add3A_1170 = vector.broadcast %add3A_1169 : i32 to vector<16xi32>
      %add3A_1171 = arith.addi %select_n3A_1150, %add3A_1170 : vector<16xi32>
      %gather3A_1172 = tpu.vector_load_idx %arg12[%add3A_1171] : memref<4096xf32, #tpu.memory_space<vmem>>[vector<16xi32>], vector<16xf32>,
      %gather3A_1173 = tpu.vector_load_idx %arg18[%select_n3A_1150] : memref<2048xf32, #tpu.memory_space<vmem>>[vector<16xi32>], vector<16xf32>,
      %sub3A_1174 = arith.subf %select_n3A_1049, %select_n3A_1163 : vector<16xf32>
      %max3A_1175 = arith.constant 1.000000e+00 : f32
      %max3A_1176 = vector.broadcast %max3A_1175 : f32 to vector<16xf32>
      %max3A_1177 = arith.maximumf %gather3A_1168, %max3A_1176 : vector<16xf32>
      %div3A_1178 = arith.divf %gather3A_1172, %max3A_1177 : vector<16xf32>
      %mul3A_1179 = arith.mulf %sub3A_1174, %div3A_1178 : vector<16xf32>
      %add3A_1180 = arith.addf %select_n3A_1167, %mul3A_1179 : vector<16xf32>
      %mul3A_1181 = arith.constant 5.000000e-01 : f32
      %mul3A_1182 = vector.broadcast %mul3A_1181 : f32 to vector<16xf32>
      %mul3A_1183 = arith.mulf %mul3A_1182, %gather3A_1173 : vector<16xf32>
      %mul3A_1184 = arith.mulf %mul3A_1183, %sub3A_1174 : vector<16xf32>
      %div3A_1185 = arith.divf %sub3A_1174, %max3A_1177 : vector<16xf32>
      %sub3A_1186 = arith.constant 1.000000e+00 : f32
      %sub3A_1187 = vector.broadcast %sub3A_1186 : f32 to vector<16xf32>
      %sub3A_1188 = arith.subf %sub3A_1187, %div3A_1185 : vector<16xf32>
      %mul3A_1189 = arith.mulf %mul3A_1184, %sub3A_1188 : vector<16xf32>
      %sub3A_1190 = arith.subf %add3A_1180, %mul3A_1189 : vector<16xf32>
      %convert_element_type3A_1191 = arith.sitofp %add3A_1043 : vector<16xi32> to vector<16xf32>
      %mul3A_1192 = arith.mulf %convert_element_type3A_1191, %div3A_86 : vector<16xf32>
      %add3A_1193 = arith.addf %mul3A_1192, %get3A_81 : vector<16xf32>
      %eq3A_1194 = arith.constant 255 : i32
      %eq3A_1195 = vector.broadcast %eq3A_1194 : i32 to vector<16xi32>
      %eq3A_1196 = arith.cmpi eq, %add3A_1043, %eq3A_1195 : vector<16xi32>
      %add3A_1197 = arith.constant 1.000000e+00 : f32
      %add3A_1198 = vector.broadcast %add3A_1197 : f32 to vector<16xf32>
      %add3A_1199 = arith.addf %convert_element_type3A_1191, %add3A_1198 : vector<16xf32>
      %mul3A_1200 = arith.mulf %add3A_1199, %div3A_86 : vector<16xf32>
      %add3A_1201 = arith.addf %mul3A_1200, %get3A_81 : vector<16xf32>
      %jit3A_1202 = arith.constant 0.000000e+00 : f32
      %broadcast_in_dim3A_1203 = vector.broadcast %jit3A_1202 : f32 to vector<16xf32>
      %select_n3A_1204 = arith.select %eq3A_1196, %broadcast_in_dim3A_1203, %add3A_1201 : vector<16xi1>, vector<16xf32>
      %mul3A_1205 = arith.mulf %select_n3A_1204, %select_n3A_1204 : vector<16xf32>
      %jit3A_1206 = arith.constant 0.000000e+00 : f32
      %broadcast_in_dim3A_1207 = vector.broadcast %jit3A_1206 : f32 to vector<16xf32>
      %select_n3A_1208 = arith.select %eq3A_1196, %broadcast_in_dim3A_1207, %mul3A_1205 : vector<16xi1>, vector<16xf32>
      %sub3A_1209 = arith.subf %add3A_1193, %select_n3A_1204 : vector<16xf32>
      %mul3A_1210 = arith.mulf %sub3A_1190, %sub3A_1209 : vector<16xf32>
      %add3A_1211 = arith.addf %add3A_1022, %mul3A_1210 : vector<16xf32>
      %mul3A_1212 = arith.mulf %add3A_1193, %add3A_1193 : vector<16xf32>
      %sub3A_1213 = arith.subf %mul3A_1212, %select_n3A_1208 : vector<16xf32>
      %mul3A_1214 = arith.mulf %select_n3A_1049, %sub3A_1213 : vector<16xf32>
      %add3A_1215 = arith.addf %add3A_1026, %mul3A_1214 : vector<16xf32>
      %get3A_1216 = arith.constant 96 : index
      %get3A_1217 = tpu.vector_load %arg15[%get3A_1216] {strides = array<i32>} : memref<256xf32, #tpu.memory_space<vmem>>, vector<16xf32>,
      %div3A_1218 = arith.divf %get3A_1217, %max3A_80 : vector<16xf32>
      %mul3A_1219 = arith.constant 2.621440e+05 : f32
      %mul3A_1220 = vector.broadcast %mul3A_1219 : f32 to vector<16xf32>
      %mul3A_1221 = arith.mulf %div3A_1218, %mul3A_1220 : vector<16xf32>
      %convert_element_type3A_1222 = arith.fptosi %mul3A_1221 : vector<16xf32> to vector<16xi32>
      %convert_element_type3A_1223 = arith.sitofp %convert_element_type3A_1222 : vector<16xi32> to vector<16xf32>
      %jit3A_1224 = arith.constant 0.000000e+00 : f32
      %jit3A_1225 = arith.constant 2.621440e+05 : f32
      %max3A_1226 = vector.broadcast %jit3A_1224 : f32 to vector<16xf32>
      %max3A_1227 = arith.maximumf %max3A_1226, %convert_element_type3A_1223 : vector<16xf32>
      %min3A_1228 = vector.broadcast %jit3A_1225 : f32 to vector<16xf32>
      %min3A_1229 = arith.minimumf %min3A_1228, %max3A_1227 : vector<16xf32>
      %add3A_1230 = arith.constant 96 : i32
      %add3A_1231 = vector.broadcast %add3A_1230 : i32 to vector<16xi32>
      %add3A_1232 = arith.addi %iota3A_4, %add3A_1231 : vector<16xi32>
      %eq3A_1233 = arith.constant 255 : i32
      %eq3A_1234 = vector.broadcast %eq3A_1233 : i32 to vector<16xi32>
      %eq3A_1235 = arith.cmpi eq, %add3A_1232, %eq3A_1234 : vector<16xi32>
      %jit3A_1236 = arith.constant 2.621440e+05 : f32
      %broadcast_in_dim3A_1237 = vector.broadcast %jit3A_1236 : f32 to vector<16xf32>
      %select_n3A_1238 = arith.select %eq3A_1235, %broadcast_in_dim3A_1237, %min3A_1229 : vector<16xi1>, vector<16xf32>
      %broadcast_in_dim3A_1239 = arith.constant 0 : i32
      %broadcast_in_dim3A_1240 = vector.broadcast %broadcast_in_dim3A_1239 : i32 to vector<16xi32>
      %add3A_1241 = arith.constant 1023 : i32
      %add3A_1242 = vector.broadcast %add3A_1241 : i32 to vector<16xi32>
      %add3A_1243 = arith.addi %broadcast_in_dim3A_1240, %add3A_1242 : vector<16xi32>
      %gather3A_1244 = tpu.vector_load_idx %arg13[%add3A_1243] : memref<2048xf32, #tpu.memory_space<vmem>>[vector<16xi32>], vector<16xf32>,
      %lt3A_1245 = arith.cmpf olt, %gather3A_1244, %select_n3A_1238 : vector<16xf32>
      %add3A_1246 = arith.constant 1024 : i32
      %add3A_1247 = vector.broadcast %add3A_1246 : i32 to vector<16xi32>
      %add3A_1248 = arith.addi %broadcast_in_dim3A_1240, %add3A_1247 : vector<16xi32>
      %select_n3A_1249 = arith.select %lt3A_1245, %add3A_1248, %broadcast_in_dim3A_1240 : vector<16xi1>, vector<16xi32>
      %add3A_1250 = arith.constant 511 : i32
      %add3A_1251 = vector.broadcast %add3A_1250 : i32 to vector<16xi32>
      %add3A_1252 = arith.addi %select_n3A_1249, %add3A_1251 : vector<16xi32>
      %gather3A_1253 = tpu.vector_load_idx %arg13[%add3A_1252] : memref<2048xf32, #tpu.memory_space<vmem>>[vector<16xi32>], vector<16xf32>,
      %lt3A_1254 = arith.cmpf olt, %gather3A_1253, %select_n3A_1238 : vector<16xf32>
      %add3A_1255 = arith.constant 512 : i32
      %add3A_1256 = vector.broadcast %add3A_1255 : i32 to vector<16xi32>
      %add3A_1257 = arith.addi %select_n3A_1249, %add3A_1256 : vector<16xi32>
      %select_n3A_1258 = arith.select %lt3A_1254, %add3A_1257, %select_n3A_1249 : vector<16xi1>, vector<16xi32>
      %add3A_1259 = arith.constant 255 : i32
      %add3A_1260 = vector.broadcast %add3A_1259 : i32 to vector<16xi32>
      %add3A_1261 = arith.addi %select_n3A_1258, %add3A_1260 : vector<16xi32>
      %gather3A_1262 = tpu.vector_load_idx %arg13[%add3A_1261] : memref<2048xf32, #tpu.memory_space<vmem>>[vector<16xi32>], vector<16xf32>,
      %lt3A_1263 = arith.cmpf olt, %gather3A_1262, %select_n3A_1238 : vector<16xf32>
      %add3A_1264 = arith.constant 256 : i32
      %add3A_1265 = vector.broadcast %add3A_1264 : i32 to vector<16xi32>
      %add3A_1266 = arith.addi %select_n3A_1258, %add3A_1265 : vector<16xi32>
      %select_n3A_1267 = arith.select %lt3A_1263, %add3A_1266, %select_n3A_1258 : vector<16xi1>, vector<16xi32>
      %add3A_1268 = arith.constant 127 : i32
      %add3A_1269 = vector.broadcast %add3A_1268 : i32 to vector<16xi32>
      %add3A_1270 = arith.addi %select_n3A_1267, %add3A_1269 : vector<16xi32>
      %gather3A_1271 = tpu.vector_load_idx %arg13[%add3A_1270] : memref<2048xf32, #tpu.memory_space<vmem>>[vector<16xi32>], vector<16xf32>,
      %lt3A_1272 = arith.cmpf olt, %gather3A_1271, %select_n3A_1238 : vector<16xf32>
      %add3A_1273 = arith.constant 128 : i32
      %add3A_1274 = vector.broadcast %add3A_1273 : i32 to vector<16xi32>
      %add3A_1275 = arith.addi %select_n3A_1267, %add3A_1274 : vector<16xi32>
      %select_n3A_1276 = arith.select %lt3A_1272, %add3A_1275, %select_n3A_1267 : vector<16xi1>, vector<16xi32>
      %add3A_1277 = arith.constant 63 : i32
      %add3A_1278 = vector.broadcast %add3A_1277 : i32 to vector<16xi32>
      %add3A_1279 = arith.addi %select_n3A_1276, %add3A_1278 : vector<16xi32>
      %gather3A_1280 = tpu.vector_load_idx %arg13[%add3A_1279] : memref<2048xf32, #tpu.memory_space<vmem>>[vector<16xi32>], vector<16xf32>,
      %lt3A_1281 = arith.cmpf olt, %gather3A_1280, %select_n3A_1238 : vector<16xf32>
      %add3A_1282 = arith.constant 64 : i32
      %add3A_1283 = vector.broadcast %add3A_1282 : i32 to vector<16xi32>
      %add3A_1284 = arith.addi %select_n3A_1276, %add3A_1283 : vector<16xi32>
      %select_n3A_1285 = arith.select %lt3A_1281, %add3A_1284, %select_n3A_1276 : vector<16xi1>, vector<16xi32>
      %add3A_1286 = arith.constant 31 : i32
      %add3A_1287 = vector.broadcast %add3A_1286 : i32 to vector<16xi32>
      %add3A_1288 = arith.addi %select_n3A_1285, %add3A_1287 : vector<16xi32>
      %gather3A_1289 = tpu.vector_load_idx %arg13[%add3A_1288] : memref<2048xf32, #tpu.memory_space<vmem>>[vector<16xi32>], vector<16xf32>,
      %lt3A_1290 = arith.cmpf olt, %gather3A_1289, %select_n3A_1238 : vector<16xf32>
      %add3A_1291 = arith.constant 32 : i32
      %add3A_1292 = vector.broadcast %add3A_1291 : i32 to vector<16xi32>
      %add3A_1293 = arith.addi %select_n3A_1285, %add3A_1292 : vector<16xi32>
      %select_n3A_1294 = arith.select %lt3A_1290, %add3A_1293, %select_n3A_1285 : vector<16xi1>, vector<16xi32>
      %add3A_1295 = arith.constant 15 : i32
      %add3A_1296 = vector.broadcast %add3A_1295 : i32 to vector<16xi32>
      %add3A_1297 = arith.addi %select_n3A_1294, %add3A_1296 : vector<16xi32>
      %gather3A_1298 = tpu.vector_load_idx %arg13[%add3A_1297] : memref<2048xf32, #tpu.memory_space<vmem>>[vector<16xi32>], vector<16xf32>,
      %lt3A_1299 = arith.cmpf olt, %gather3A_1298, %select_n3A_1238 : vector<16xf32>
      %add3A_1300 = arith.constant 16 : i32
      %add3A_1301 = vector.broadcast %add3A_1300 : i32 to vector<16xi32>
      %add3A_1302 = arith.addi %select_n3A_1294, %add3A_1301 : vector<16xi32>
      %select_n3A_1303 = arith.select %lt3A_1299, %add3A_1302, %select_n3A_1294 : vector<16xi1>, vector<16xi32>
      %add3A_1304 = arith.constant 7 : i32
      %add3A_1305 = vector.broadcast %add3A_1304 : i32 to vector<16xi32>
      %add3A_1306 = arith.addi %select_n3A_1303, %add3A_1305 : vector<16xi32>
      %gather3A_1307 = tpu.vector_load_idx %arg13[%add3A_1306] : memref<2048xf32, #tpu.memory_space<vmem>>[vector<16xi32>], vector<16xf32>,
      %lt3A_1308 = arith.cmpf olt, %gather3A_1307, %select_n3A_1238 : vector<16xf32>
      %add3A_1309 = arith.constant 8 : i32
      %add3A_1310 = vector.broadcast %add3A_1309 : i32 to vector<16xi32>
      %add3A_1311 = arith.addi %select_n3A_1303, %add3A_1310 : vector<16xi32>
      %select_n3A_1312 = arith.select %lt3A_1308, %add3A_1311, %select_n3A_1303 : vector<16xi1>, vector<16xi32>
      %add3A_1313 = arith.constant 3 : i32
      %add3A_1314 = vector.broadcast %add3A_1313 : i32 to vector<16xi32>
      %add3A_1315 = arith.addi %select_n3A_1312, %add3A_1314 : vector<16xi32>
      %gather3A_1316 = tpu.vector_load_idx %arg13[%add3A_1315] : memref<2048xf32, #tpu.memory_space<vmem>>[vector<16xi32>], vector<16xf32>,
      %lt3A_1317 = arith.cmpf olt, %gather3A_1316, %select_n3A_1238 : vector<16xf32>
      %add3A_1318 = arith.constant 4 : i32
      %add3A_1319 = vector.broadcast %add3A_1318 : i32 to vector<16xi32>
      %add3A_1320 = arith.addi %select_n3A_1312, %add3A_1319 : vector<16xi32>
      %select_n3A_1321 = arith.select %lt3A_1317, %add3A_1320, %select_n3A_1312 : vector<16xi1>, vector<16xi32>
      %add3A_1322 = arith.constant 1 : i32
      %add3A_1323 = vector.broadcast %add3A_1322 : i32 to vector<16xi32>
      %add3A_1324 = arith.addi %select_n3A_1321, %add3A_1323 : vector<16xi32>
      %gather3A_1325 = tpu.vector_load_idx %arg13[%add3A_1324] : memref<2048xf32, #tpu.memory_space<vmem>>[vector<16xi32>], vector<16xf32>,
      %lt3A_1326 = arith.cmpf olt, %gather3A_1325, %select_n3A_1238 : vector<16xf32>
      %add3A_1327 = arith.constant 2 : i32
      %add3A_1328 = vector.broadcast %add3A_1327 : i32 to vector<16xi32>
      %add3A_1329 = arith.addi %select_n3A_1321, %add3A_1328 : vector<16xi32>
      %select_n3A_1330 = arith.select %lt3A_1326, %add3A_1329, %select_n3A_1321 : vector<16xi1>, vector<16xi32>
      %add3A_1331 = arith.constant 0 : i32
      %add3A_1332 = vector.broadcast %add3A_1331 : i32 to vector<16xi32>
      %add3A_1333 = arith.addi %select_n3A_1330, %add3A_1332 : vector<16xi32>
      %gather3A_1334 = tpu.vector_load_idx %arg13[%add3A_1333] : memref<2048xf32, #tpu.memory_space<vmem>>[vector<16xi32>], vector<16xf32>,
      %lt3A_1335 = arith.cmpf olt, %gather3A_1334, %select_n3A_1238 : vector<16xf32>
      %add3A_1336 = arith.constant 1 : i32
      %add3A_1337 = vector.broadcast %add3A_1336 : i32 to vector<16xi32>
      %add3A_1338 = arith.addi %select_n3A_1330, %add3A_1337 : vector<16xi32>
      %select_n3A_1339 = arith.select %lt3A_1335, %add3A_1338, %select_n3A_1330 : vector<16xi1>, vector<16xi32>
      %sub3A_1340 = arith.constant 1 : i32
      %sub3A_1341 = vector.broadcast %sub3A_1340 : i32 to vector<16xi32>
      %sub3A_1342 = arith.subi %select_n3A_1339, %sub3A_1341 : vector<16xi32>
      %max3A_1343 = arith.constant 0 : i32
      %max3A_1344 = vector.broadcast %max3A_1343 : i32 to vector<16xi32>
      %max3A_1345 = arith.maxsi %sub3A_1342, %max3A_1344 : vector<16xi32>
      %eq3A_1346 = arith.constant 0 : i32
      %eq3A_1347 = vector.broadcast %eq3A_1346 : i32 to vector<16xi32>
      %eq3A_1348 = arith.cmpi eq, %select_n3A_1339, %eq3A_1347 : vector<16xi32>
      %gather3A_1349 = tpu.vector_load_idx %arg13[%max3A_1345] : memref<2048xf32, #tpu.memory_space<vmem>>[vector<16xi32>], vector<16xf32>,
      %jit3A_1350 = arith.constant 0.000000e+00 : f32
      %broadcast_in_dim3A_1351 = vector.broadcast %jit3A_1350 : f32 to vector<16xf32>
      %select_n3A_1352 = arith.select %eq3A_1348, %broadcast_in_dim3A_1351, %gather3A_1349 : vector<16xi1>, vector<16xf32>
      %gather3A_1353 = tpu.vector_load_idx %arg14[%max3A_1345] : memref<2048xf32, #tpu.memory_space<vmem>>[vector<16xi32>], vector<16xf32>,
      %jit3A_1354 = arith.constant 0.000000e+00 : f32
      %broadcast_in_dim3A_1355 = vector.broadcast %jit3A_1354 : f32 to vector<16xf32>
      %select_n3A_1356 = arith.select %eq3A_1348, %broadcast_in_dim3A_1355, %gather3A_1353 : vector<16xi1>, vector<16xf32>
      %gather3A_1357 = tpu.vector_load_idx %arg12[%select_n3A_1339] : memref<4096xf32, #tpu.memory_space<vmem>>[vector<16xi32>], vector<16xf32>,
      %add3A_1358 = arith.constant 2048 : i32
      %add3A_1359 = vector.broadcast %add3A_1358 : i32 to vector<16xi32>
      %add3A_1360 = arith.addi %select_n3A_1339, %add3A_1359 : vector<16xi32>
      %gather3A_1361 = tpu.vector_load_idx %arg12[%add3A_1360] : memref<4096xf32, #tpu.memory_space<vmem>>[vector<16xi32>], vector<16xf32>,
      %gather3A_1362 = tpu.vector_load_idx %arg18[%select_n3A_1339] : memref<2048xf32, #tpu.memory_space<vmem>>[vector<16xi32>], vector<16xf32>,
      %sub3A_1363 = arith.subf %select_n3A_1238, %select_n3A_1352 : vector<16xf32>
      %max3A_1364 = arith.constant 1.000000e+00 : f32
      %max3A_1365 = vector.broadcast %max3A_1364 : f32 to vector<16xf32>
      %max3A_1366 = arith.maximumf %gather3A_1357, %max3A_1365 : vector<16xf32>
      %div3A_1367 = arith.divf %gather3A_1361, %max3A_1366 : vector<16xf32>
      %mul3A_1368 = arith.mulf %sub3A_1363, %div3A_1367 : vector<16xf32>
      %add3A_1369 = arith.addf %select_n3A_1356, %mul3A_1368 : vector<16xf32>
      %mul3A_1370 = arith.constant 5.000000e-01 : f32
      %mul3A_1371 = vector.broadcast %mul3A_1370 : f32 to vector<16xf32>
      %mul3A_1372 = arith.mulf %mul3A_1371, %gather3A_1362 : vector<16xf32>
      %mul3A_1373 = arith.mulf %mul3A_1372, %sub3A_1363 : vector<16xf32>
      %div3A_1374 = arith.divf %sub3A_1363, %max3A_1366 : vector<16xf32>
      %sub3A_1375 = arith.constant 1.000000e+00 : f32
      %sub3A_1376 = vector.broadcast %sub3A_1375 : f32 to vector<16xf32>
      %sub3A_1377 = arith.subf %sub3A_1376, %div3A_1374 : vector<16xf32>
      %mul3A_1378 = arith.mulf %mul3A_1373, %sub3A_1377 : vector<16xf32>
      %sub3A_1379 = arith.subf %add3A_1369, %mul3A_1378 : vector<16xf32>
      %convert_element_type3A_1380 = arith.sitofp %add3A_1232 : vector<16xi32> to vector<16xf32>
      %mul3A_1381 = arith.mulf %convert_element_type3A_1380, %div3A_86 : vector<16xf32>
      %add3A_1382 = arith.addf %mul3A_1381, %get3A_81 : vector<16xf32>
      %eq3A_1383 = arith.constant 255 : i32
      %eq3A_1384 = vector.broadcast %eq3A_1383 : i32 to vector<16xi32>
      %eq3A_1385 = arith.cmpi eq, %add3A_1232, %eq3A_1384 : vector<16xi32>
      %add3A_1386 = arith.constant 1.000000e+00 : f32
      %add3A_1387 = vector.broadcast %add3A_1386 : f32 to vector<16xf32>
      %add3A_1388 = arith.addf %convert_element_type3A_1380, %add3A_1387 : vector<16xf32>
      %mul3A_1389 = arith.mulf %add3A_1388, %div3A_86 : vector<16xf32>
      %add3A_1390 = arith.addf %mul3A_1389, %get3A_81 : vector<16xf32>
      %jit3A_1391 = arith.constant 0.000000e+00 : f32
      %broadcast_in_dim3A_1392 = vector.broadcast %jit3A_1391 : f32 to vector<16xf32>
      %select_n3A_1393 = arith.select %eq3A_1385, %broadcast_in_dim3A_1392, %add3A_1390 : vector<16xi1>, vector<16xf32>
      %mul3A_1394 = arith.mulf %select_n3A_1393, %select_n3A_1393 : vector<16xf32>
      %jit3A_1395 = arith.constant 0.000000e+00 : f32
      %broadcast_in_dim3A_1396 = vector.broadcast %jit3A_1395 : f32 to vector<16xf32>
      %select_n3A_1397 = arith.select %eq3A_1385, %broadcast_in_dim3A_1396, %mul3A_1394 : vector<16xi1>, vector<16xf32>
      %sub3A_1398 = arith.subf %add3A_1382, %select_n3A_1393 : vector<16xf32>
      %mul3A_1399 = arith.mulf %sub3A_1379, %sub3A_1398 : vector<16xf32>
      %add3A_1400 = arith.addf %add3A_1211, %mul3A_1399 : vector<16xf32>
      %mul3A_1401 = arith.mulf %add3A_1382, %add3A_1382 : vector<16xf32>
      %sub3A_1402 = arith.subf %mul3A_1401, %select_n3A_1397 : vector<16xf32>
      %mul3A_1403 = arith.mulf %select_n3A_1238, %sub3A_1402 : vector<16xf32>
      %add3A_1404 = arith.addf %add3A_1215, %mul3A_1403 : vector<16xf32>
      %get3A_1405 = arith.constant 112 : index
      %get3A_1406 = tpu.vector_load %arg15[%get3A_1405] {strides = array<i32>} : memref<256xf32, #tpu.memory_space<vmem>>, vector<16xf32>,
      %div3A_1407 = arith.divf %get3A_1406, %max3A_80 : vector<16xf32>
      %mul3A_1408 = arith.constant 2.621440e+05 : f32
      %mul3A_1409 = vector.broadcast %mul3A_1408 : f32 to vector<16xf32>
      %mul3A_1410 = arith.mulf %div3A_1407, %mul3A_1409 : vector<16xf32>
      %convert_element_type3A_1411 = arith.fptosi %mul3A_1410 : vector<16xf32> to vector<16xi32>
      %convert_element_type3A_1412 = arith.sitofp %convert_element_type3A_1411 : vector<16xi32> to vector<16xf32>
      %jit3A_1413 = arith.constant 0.000000e+00 : f32
      %jit3A_1414 = arith.constant 2.621440e+05 : f32
      %max3A_1415 = vector.broadcast %jit3A_1413 : f32 to vector<16xf32>
      %max3A_1416 = arith.maximumf %max3A_1415, %convert_element_type3A_1412 : vector<16xf32>
      %min3A_1417 = vector.broadcast %jit3A_1414 : f32 to vector<16xf32>
      %min3A_1418 = arith.minimumf %min3A_1417, %max3A_1416 : vector<16xf32>
      %add3A_1419 = arith.constant 112 : i32
      %add3A_1420 = vector.broadcast %add3A_1419 : i32 to vector<16xi32>
      %add3A_1421 = arith.addi %iota3A_4, %add3A_1420 : vector<16xi32>
      %eq3A_1422 = arith.constant 255 : i32
      %eq3A_1423 = vector.broadcast %eq3A_1422 : i32 to vector<16xi32>
      %eq3A_1424 = arith.cmpi eq, %add3A_1421, %eq3A_1423 : vector<16xi32>
      %jit3A_1425 = arith.constant 2.621440e+05 : f32
      %broadcast_in_dim3A_1426 = vector.broadcast %jit3A_1425 : f32 to vector<16xf32>
      %select_n3A_1427 = arith.select %eq3A_1424, %broadcast_in_dim3A_1426, %min3A_1418 : vector<16xi1>, vector<16xf32>
      %broadcast_in_dim3A_1428 = arith.constant 0 : i32
      %broadcast_in_dim3A_1429 = vector.broadcast %broadcast_in_dim3A_1428 : i32 to vector<16xi32>
      %add3A_1430 = arith.constant 1023 : i32
      %add3A_1431 = vector.broadcast %add3A_1430 : i32 to vector<16xi32>
      %add3A_1432 = arith.addi %broadcast_in_dim3A_1429, %add3A_1431 : vector<16xi32>
      %gather3A_1433 = tpu.vector_load_idx %arg13[%add3A_1432] : memref<2048xf32, #tpu.memory_space<vmem>>[vector<16xi32>], vector<16xf32>,
      %lt3A_1434 = arith.cmpf olt, %gather3A_1433, %select_n3A_1427 : vector<16xf32>
      %add3A_1435 = arith.constant 1024 : i32
      %add3A_1436 = vector.broadcast %add3A_1435 : i32 to vector<16xi32>
      %add3A_1437 = arith.addi %broadcast_in_dim3A_1429, %add3A_1436 : vector<16xi32>
      %select_n3A_1438 = arith.select %lt3A_1434, %add3A_1437, %broadcast_in_dim3A_1429 : vector<16xi1>, vector<16xi32>
      %add3A_1439 = arith.constant 511 : i32
      %add3A_1440 = vector.broadcast %add3A_1439 : i32 to vector<16xi32>
      %add3A_1441 = arith.addi %select_n3A_1438, %add3A_1440 : vector<16xi32>
      %gather3A_1442 = tpu.vector_load_idx %arg13[%add3A_1441] : memref<2048xf32, #tpu.memory_space<vmem>>[vector<16xi32>], vector<16xf32>,
      %lt3A_1443 = arith.cmpf olt, %gather3A_1442, %select_n3A_1427 : vector<16xf32>
      %add3A_1444 = arith.constant 512 : i32
      %add3A_1445 = vector.broadcast %add3A_1444 : i32 to vector<16xi32>
      %add3A_1446 = arith.addi %select_n3A_1438, %add3A_1445 : vector<16xi32>
      %select_n3A_1447 = arith.select %lt3A_1443, %add3A_1446, %select_n3A_1438 : vector<16xi1>, vector<16xi32>
      %add3A_1448 = arith.constant 255 : i32
      %add3A_1449 = vector.broadcast %add3A_1448 : i32 to vector<16xi32>
      %add3A_1450 = arith.addi %select_n3A_1447, %add3A_1449 : vector<16xi32>
      %gather3A_1451 = tpu.vector_load_idx %arg13[%add3A_1450] : memref<2048xf32, #tpu.memory_space<vmem>>[vector<16xi32>], vector<16xf32>,
      %lt3A_1452 = arith.cmpf olt, %gather3A_1451, %select_n3A_1427 : vector<16xf32>
      %add3A_1453 = arith.constant 256 : i32
      %add3A_1454 = vector.broadcast %add3A_1453 : i32 to vector<16xi32>
      %add3A_1455 = arith.addi %select_n3A_1447, %add3A_1454 : vector<16xi32>
      %select_n3A_1456 = arith.select %lt3A_1452, %add3A_1455, %select_n3A_1447 : vector<16xi1>, vector<16xi32>
      %add3A_1457 = arith.constant 127 : i32
      %add3A_1458 = vector.broadcast %add3A_1457 : i32 to vector<16xi32>
      %add3A_1459 = arith.addi %select_n3A_1456, %add3A_1458 : vector<16xi32>
      %gather3A_1460 = tpu.vector_load_idx %arg13[%add3A_1459] : memref<2048xf32, #tpu.memory_space<vmem>>[vector<16xi32>], vector<16xf32>,
      %lt3A_1461 = arith.cmpf olt, %gather3A_1460, %select_n3A_1427 : vector<16xf32>
      %add3A_1462 = arith.constant 128 : i32
      %add3A_1463 = vector.broadcast %add3A_1462 : i32 to vector<16xi32>
      %add3A_1464 = arith.addi %select_n3A_1456, %add3A_1463 : vector<16xi32>
      %select_n3A_1465 = arith.select %lt3A_1461, %add3A_1464, %select_n3A_1456 : vector<16xi1>, vector<16xi32>
      %add3A_1466 = arith.constant 63 : i32
      %add3A_1467 = vector.broadcast %add3A_1466 : i32 to vector<16xi32>
      %add3A_1468 = arith.addi %select_n3A_1465, %add3A_1467 : vector<16xi32>
      %gather3A_1469 = tpu.vector_load_idx %arg13[%add3A_1468] : memref<2048xf32, #tpu.memory_space<vmem>>[vector<16xi32>], vector<16xf32>,
      %lt3A_1470 = arith.cmpf olt, %gather3A_1469, %select_n3A_1427 : vector<16xf32>
      %add3A_1471 = arith.constant 64 : i32
      %add3A_1472 = vector.broadcast %add3A_1471 : i32 to vector<16xi32>
      %add3A_1473 = arith.addi %select_n3A_1465, %add3A_1472 : vector<16xi32>
      %select_n3A_1474 = arith.select %lt3A_1470, %add3A_1473, %select_n3A_1465 : vector<16xi1>, vector<16xi32>
      %add3A_1475 = arith.constant 31 : i32
      %add3A_1476 = vector.broadcast %add3A_1475 : i32 to vector<16xi32>
      %add3A_1477 = arith.addi %select_n3A_1474, %add3A_1476 : vector<16xi32>
      %gather3A_1478 = tpu.vector_load_idx %arg13[%add3A_1477] : memref<2048xf32, #tpu.memory_space<vmem>>[vector<16xi32>], vector<16xf32>,
      %lt3A_1479 = arith.cmpf olt, %gather3A_1478, %select_n3A_1427 : vector<16xf32>
      %add3A_1480 = arith.constant 32 : i32
      %add3A_1481 = vector.broadcast %add3A_1480 : i32 to vector<16xi32>
      %add3A_1482 = arith.addi %select_n3A_1474, %add3A_1481 : vector<16xi32>
      %select_n3A_1483 = arith.select %lt3A_1479, %add3A_1482, %select_n3A_1474 : vector<16xi1>, vector<16xi32>
      %add3A_1484 = arith.constant 15 : i32
      %add3A_1485 = vector.broadcast %add3A_1484 : i32 to vector<16xi32>
      %add3A_1486 = arith.addi %select_n3A_1483, %add3A_1485 : vector<16xi32>
      %gather3A_1487 = tpu.vector_load_idx %arg13[%add3A_1486] : memref<2048xf32, #tpu.memory_space<vmem>>[vector<16xi32>], vector<16xf32>,
      %lt3A_1488 = arith.cmpf olt, %gather3A_1487, %select_n3A_1427 : vector<16xf32>
      %add3A_1489 = arith.constant 16 : i32
      %add3A_1490 = vector.broadcast %add3A_1489 : i32 to vector<16xi32>
      %add3A_1491 = arith.addi %select_n3A_1483, %add3A_1490 : vector<16xi32>
      %select_n3A_1492 = arith.select %lt3A_1488, %add3A_1491, %select_n3A_1483 : vector<16xi1>, vector<16xi32>
      %add3A_1493 = arith.constant 7 : i32
      %add3A_1494 = vector.broadcast %add3A_1493 : i32 to vector<16xi32>
      %add3A_1495 = arith.addi %select_n3A_1492, %add3A_1494 : vector<16xi32>
      %gather3A_1496 = tpu.vector_load_idx %arg13[%add3A_1495] : memref<2048xf32, #tpu.memory_space<vmem>>[vector<16xi32>], vector<16xf32>,
      %lt3A_1497 = arith.cmpf olt, %gather3A_1496, %select_n3A_1427 : vector<16xf32>
      %add3A_1498 = arith.constant 8 : i32
      %add3A_1499 = vector.broadcast %add3A_1498 : i32 to vector<16xi32>
      %add3A_1500 = arith.addi %select_n3A_1492, %add3A_1499 : vector<16xi32>
      %select_n3A_1501 = arith.select %lt3A_1497, %add3A_1500, %select_n3A_1492 : vector<16xi1>, vector<16xi32>
      %add3A_1502 = arith.constant 3 : i32
      %add3A_1503 = vector.broadcast %add3A_1502 : i32 to vector<16xi32>
      %add3A_1504 = arith.addi %select_n3A_1501, %add3A_1503 : vector<16xi32>
      %gather3A_1505 = tpu.vector_load_idx %arg13[%add3A_1504] : memref<2048xf32, #tpu.memory_space<vmem>>[vector<16xi32>], vector<16xf32>,
      %lt3A_1506 = arith.cmpf olt, %gather3A_1505, %select_n3A_1427 : vector<16xf32>
      %add3A_1507 = arith.constant 4 : i32
      %add3A_1508 = vector.broadcast %add3A_1507 : i32 to vector<16xi32>
      %add3A_1509 = arith.addi %select_n3A_1501, %add3A_1508 : vector<16xi32>
      %select_n3A_1510 = arith.select %lt3A_1506, %add3A_1509, %select_n3A_1501 : vector<16xi1>, vector<16xi32>
      %add3A_1511 = arith.constant 1 : i32
      %add3A_1512 = vector.broadcast %add3A_1511 : i32 to vector<16xi32>
      %add3A_1513 = arith.addi %select_n3A_1510, %add3A_1512 : vector<16xi32>
      %gather3A_1514 = tpu.vector_load_idx %arg13[%add3A_1513] : memref<2048xf32, #tpu.memory_space<vmem>>[vector<16xi32>], vector<16xf32>,
      %lt3A_1515 = arith.cmpf olt, %gather3A_1514, %select_n3A_1427 : vector<16xf32>
      %add3A_1516 = arith.constant 2 : i32
      %add3A_1517 = vector.broadcast %add3A_1516 : i32 to vector<16xi32>
      %add3A_1518 = arith.addi %select_n3A_1510, %add3A_1517 : vector<16xi32>
      %select_n3A_1519 = arith.select %lt3A_1515, %add3A_1518, %select_n3A_1510 : vector<16xi1>, vector<16xi32>
      %add3A_1520 = arith.constant 0 : i32
      %add3A_1521 = vector.broadcast %add3A_1520 : i32 to vector<16xi32>
      %add3A_1522 = arith.addi %select_n3A_1519, %add3A_1521 : vector<16xi32>
      %gather3A_1523 = tpu.vector_load_idx %arg13[%add3A_1522] : memref<2048xf32, #tpu.memory_space<vmem>>[vector<16xi32>], vector<16xf32>,
      %lt3A_1524 = arith.cmpf olt, %gather3A_1523, %select_n3A_1427 : vector<16xf32>
      %add3A_1525 = arith.constant 1 : i32
      %add3A_1526 = vector.broadcast %add3A_1525 : i32 to vector<16xi32>
      %add3A_1527 = arith.addi %select_n3A_1519, %add3A_1526 : vector<16xi32>
      %select_n3A_1528 = arith.select %lt3A_1524, %add3A_1527, %select_n3A_1519 : vector<16xi1>, vector<16xi32>
      %sub3A_1529 = arith.constant 1 : i32
      %sub3A_1530 = vector.broadcast %sub3A_1529 : i32 to vector<16xi32>
      %sub3A_1531 = arith.subi %select_n3A_1528, %sub3A_1530 : vector<16xi32>
      %max3A_1532 = arith.constant 0 : i32
      %max3A_1533 = vector.broadcast %max3A_1532 : i32 to vector<16xi32>
      %max3A_1534 = arith.maxsi %sub3A_1531, %max3A_1533 : vector<16xi32>
      %eq3A_1535 = arith.constant 0 : i32
      %eq3A_1536 = vector.broadcast %eq3A_1535 : i32 to vector<16xi32>
      %eq3A_1537 = arith.cmpi eq, %select_n3A_1528, %eq3A_1536 : vector<16xi32>
      %gather3A_1538 = tpu.vector_load_idx %arg13[%max3A_1534] : memref<2048xf32, #tpu.memory_space<vmem>>[vector<16xi32>], vector<16xf32>,
      %jit3A_1539 = arith.constant 0.000000e+00 : f32
      %broadcast_in_dim3A_1540 = vector.broadcast %jit3A_1539 : f32 to vector<16xf32>
      %select_n3A_1541 = arith.select %eq3A_1537, %broadcast_in_dim3A_1540, %gather3A_1538 : vector<16xi1>, vector<16xf32>
      %gather3A_1542 = tpu.vector_load_idx %arg14[%max3A_1534] : memref<2048xf32, #tpu.memory_space<vmem>>[vector<16xi32>], vector<16xf32>,
      %jit3A_1543 = arith.constant 0.000000e+00 : f32
      %broadcast_in_dim3A_1544 = vector.broadcast %jit3A_1543 : f32 to vector<16xf32>
      %select_n3A_1545 = arith.select %eq3A_1537, %broadcast_in_dim3A_1544, %gather3A_1542 : vector<16xi1>, vector<16xf32>
      %gather3A_1546 = tpu.vector_load_idx %arg12[%select_n3A_1528] : memref<4096xf32, #tpu.memory_space<vmem>>[vector<16xi32>], vector<16xf32>,
      %add3A_1547 = arith.constant 2048 : i32
      %add3A_1548 = vector.broadcast %add3A_1547 : i32 to vector<16xi32>
      %add3A_1549 = arith.addi %select_n3A_1528, %add3A_1548 : vector<16xi32>
      %gather3A_1550 = tpu.vector_load_idx %arg12[%add3A_1549] : memref<4096xf32, #tpu.memory_space<vmem>>[vector<16xi32>], vector<16xf32>,
      %gather3A_1551 = tpu.vector_load_idx %arg18[%select_n3A_1528] : memref<2048xf32, #tpu.memory_space<vmem>>[vector<16xi32>], vector<16xf32>,
      %sub3A_1552 = arith.subf %select_n3A_1427, %select_n3A_1541 : vector<16xf32>
      %max3A_1553 = arith.constant 1.000000e+00 : f32
      %max3A_1554 = vector.broadcast %max3A_1553 : f32 to vector<16xf32>
      %max3A_1555 = arith.maximumf %gather3A_1546, %max3A_1554 : vector<16xf32>
      %div3A_1556 = arith.divf %gather3A_1550, %max3A_1555 : vector<16xf32>
      %mul3A_1557 = arith.mulf %sub3A_1552, %div3A_1556 : vector<16xf32>
      %add3A_1558 = arith.addf %select_n3A_1545, %mul3A_1557 : vector<16xf32>
      %mul3A_1559 = arith.constant 5.000000e-01 : f32
      %mul3A_1560 = vector.broadcast %mul3A_1559 : f32 to vector<16xf32>
      %mul3A_1561 = arith.mulf %mul3A_1560, %gather3A_1551 : vector<16xf32>
      %mul3A_1562 = arith.mulf %mul3A_1561, %sub3A_1552 : vector<16xf32>
      %div3A_1563 = arith.divf %sub3A_1552, %max3A_1555 : vector<16xf32>
      %sub3A_1564 = arith.constant 1.000000e+00 : f32
      %sub3A_1565 = vector.broadcast %sub3A_1564 : f32 to vector<16xf32>
      %sub3A_1566 = arith.subf %sub3A_1565, %div3A_1563 : vector<16xf32>
      %mul3A_1567 = arith.mulf %mul3A_1562, %sub3A_1566 : vector<16xf32>
      %sub3A_1568 = arith.subf %add3A_1558, %mul3A_1567 : vector<16xf32>
      %convert_element_type3A_1569 = arith.sitofp %add3A_1421 : vector<16xi32> to vector<16xf32>
      %mul3A_1570 = arith.mulf %convert_element_type3A_1569, %div3A_86 : vector<16xf32>
      %add3A_1571 = arith.addf %mul3A_1570, %get3A_81 : vector<16xf32>
      %eq3A_1572 = arith.constant 255 : i32
      %eq3A_1573 = vector.broadcast %eq3A_1572 : i32 to vector<16xi32>
      %eq3A_1574 = arith.cmpi eq, %add3A_1421, %eq3A_1573 : vector<16xi32>
      %add3A_1575 = arith.constant 1.000000e+00 : f32
      %add3A_1576 = vector.broadcast %add3A_1575 : f32 to vector<16xf32>
      %add3A_1577 = arith.addf %convert_element_type3A_1569, %add3A_1576 : vector<16xf32>
      %mul3A_1578 = arith.mulf %add3A_1577, %div3A_86 : vector<16xf32>
      %add3A_1579 = arith.addf %mul3A_1578, %get3A_81 : vector<16xf32>
      %jit3A_1580 = arith.constant 0.000000e+00 : f32
      %broadcast_in_dim3A_1581 = vector.broadcast %jit3A_1580 : f32 to vector<16xf32>
      %select_n3A_1582 = arith.select %eq3A_1574, %broadcast_in_dim3A_1581, %add3A_1579 : vector<16xi1>, vector<16xf32>
      %mul3A_1583 = arith.mulf %select_n3A_1582, %select_n3A_1582 : vector<16xf32>
      %jit3A_1584 = arith.constant 0.000000e+00 : f32
      %broadcast_in_dim3A_1585 = vector.broadcast %jit3A_1584 : f32 to vector<16xf32>
      %select_n3A_1586 = arith.select %eq3A_1574, %broadcast_in_dim3A_1585, %mul3A_1583 : vector<16xi1>, vector<16xf32>
      %sub3A_1587 = arith.subf %add3A_1571, %select_n3A_1582 : vector<16xf32>
      %mul3A_1588 = arith.mulf %sub3A_1568, %sub3A_1587 : vector<16xf32>
      %add3A_1589 = arith.addf %add3A_1400, %mul3A_1588 : vector<16xf32>
      %mul3A_1590 = arith.mulf %add3A_1571, %add3A_1571 : vector<16xf32>
      %sub3A_1591 = arith.subf %mul3A_1590, %select_n3A_1586 : vector<16xf32>
      %mul3A_1592 = arith.mulf %select_n3A_1427, %sub3A_1591 : vector<16xf32>
      %add3A_1593 = arith.addf %add3A_1404, %mul3A_1592 : vector<16xf32>
      %get3A_1594 = arith.constant 128 : index
      %get3A_1595 = tpu.vector_load %arg15[%get3A_1594] {strides = array<i32>} : memref<256xf32, #tpu.memory_space<vmem>>, vector<16xf32>,
      %div3A_1596 = arith.divf %get3A_1595, %max3A_80 : vector<16xf32>
      %mul3A_1597 = arith.constant 2.621440e+05 : f32
      %mul3A_1598 = vector.broadcast %mul3A_1597 : f32 to vector<16xf32>
      %mul3A_1599 = arith.mulf %div3A_1596, %mul3A_1598 : vector<16xf32>
      %convert_element_type3A_1600 = arith.fptosi %mul3A_1599 : vector<16xf32> to vector<16xi32>
      %convert_element_type3A_1601 = arith.sitofp %convert_element_type3A_1600 : vector<16xi32> to vector<16xf32>
      %jit3A_1602 = arith.constant 0.000000e+00 : f32
      %jit3A_1603 = arith.constant 2.621440e+05 : f32
      %max3A_1604 = vector.broadcast %jit3A_1602 : f32 to vector<16xf32>
      %max3A_1605 = arith.maximumf %max3A_1604, %convert_element_type3A_1601 : vector<16xf32>
      %min3A_1606 = vector.broadcast %jit3A_1603 : f32 to vector<16xf32>
      %min3A_1607 = arith.minimumf %min3A_1606, %max3A_1605 : vector<16xf32>
      %add3A_1608 = arith.constant 128 : i32
      %add3A_1609 = vector.broadcast %add3A_1608 : i32 to vector<16xi32>
      %add3A_1610 = arith.addi %iota3A_4, %add3A_1609 : vector<16xi32>
      %eq3A_1611 = arith.constant 255 : i32
      %eq3A_1612 = vector.broadcast %eq3A_1611 : i32 to vector<16xi32>
      %eq3A_1613 = arith.cmpi eq, %add3A_1610, %eq3A_1612 : vector<16xi32>
      %jit3A_1614 = arith.constant 2.621440e+05 : f32
      %broadcast_in_dim3A_1615 = vector.broadcast %jit3A_1614 : f32 to vector<16xf32>
      %select_n3A_1616 = arith.select %eq3A_1613, %broadcast_in_dim3A_1615, %min3A_1607 : vector<16xi1>, vector<16xf32>
      %broadcast_in_dim3A_1617 = arith.constant 0 : i32
      %broadcast_in_dim3A_1618 = vector.broadcast %broadcast_in_dim3A_1617 : i32 to vector<16xi32>
      %add3A_1619 = arith.constant 1023 : i32
      %add3A_1620 = vector.broadcast %add3A_1619 : i32 to vector<16xi32>
      %add3A_1621 = arith.addi %broadcast_in_dim3A_1618, %add3A_1620 : vector<16xi32>
      %gather3A_1622 = tpu.vector_load_idx %arg13[%add3A_1621] : memref<2048xf32, #tpu.memory_space<vmem>>[vector<16xi32>], vector<16xf32>,
      %lt3A_1623 = arith.cmpf olt, %gather3A_1622, %select_n3A_1616 : vector<16xf32>
      %add3A_1624 = arith.constant 1024 : i32
      %add3A_1625 = vector.broadcast %add3A_1624 : i32 to vector<16xi32>
      %add3A_1626 = arith.addi %broadcast_in_dim3A_1618, %add3A_1625 : vector<16xi32>
      %select_n3A_1627 = arith.select %lt3A_1623, %add3A_1626, %broadcast_in_dim3A_1618 : vector<16xi1>, vector<16xi32>
      %add3A_1628 = arith.constant 511 : i32
      %add3A_1629 = vector.broadcast %add3A_1628 : i32 to vector<16xi32>
      %add3A_1630 = arith.addi %select_n3A_1627, %add3A_1629 : vector<16xi32>
      %gather3A_1631 = tpu.vector_load_idx %arg13[%add3A_1630] : memref<2048xf32, #tpu.memory_space<vmem>>[vector<16xi32>], vector<16xf32>,
      %lt3A_1632 = arith.cmpf olt, %gather3A_1631, %select_n3A_1616 : vector<16xf32>
      %add3A_1633 = arith.constant 512 : i32
      %add3A_1634 = vector.broadcast %add3A_1633 : i32 to vector<16xi32>
      %add3A_1635 = arith.addi %select_n3A_1627, %add3A_1634 : vector<16xi32>
      %select_n3A_1636 = arith.select %lt3A_1632, %add3A_1635, %select_n3A_1627 : vector<16xi1>, vector<16xi32>
      %add3A_1637 = arith.constant 255 : i32
      %add3A_1638 = vector.broadcast %add3A_1637 : i32 to vector<16xi32>
      %add3A_1639 = arith.addi %select_n3A_1636, %add3A_1638 : vector<16xi32>
      %gather3A_1640 = tpu.vector_load_idx %arg13[%add3A_1639] : memref<2048xf32, #tpu.memory_space<vmem>>[vector<16xi32>], vector<16xf32>,
      %lt3A_1641 = arith.cmpf olt, %gather3A_1640, %select_n3A_1616 : vector<16xf32>
      %add3A_1642 = arith.constant 256 : i32
      %add3A_1643 = vector.broadcast %add3A_1642 : i32 to vector<16xi32>
      %add3A_1644 = arith.addi %select_n3A_1636, %add3A_1643 : vector<16xi32>
      %select_n3A_1645 = arith.select %lt3A_1641, %add3A_1644, %select_n3A_1636 : vector<16xi1>, vector<16xi32>
      %add3A_1646 = arith.constant 127 : i32
      %add3A_1647 = vector.broadcast %add3A_1646 : i32 to vector<16xi32>
      %add3A_1648 = arith.addi %select_n3A_1645, %add3A_1647 : vector<16xi32>
      %gather3A_1649 = tpu.vector_load_idx %arg13[%add3A_1648] : memref<2048xf32, #tpu.memory_space<vmem>>[vector<16xi32>], vector<16xf32>,
      %lt3A_1650 = arith.cmpf olt, %gather3A_1649, %select_n3A_1616 : vector<16xf32>
      %add3A_1651 = arith.constant 128 : i32
      %add3A_1652 = vector.broadcast %add3A_1651 : i32 to vector<16xi32>
      %add3A_1653 = arith.addi %select_n3A_1645, %add3A_1652 : vector<16xi32>
      %select_n3A_1654 = arith.select %lt3A_1650, %add3A_1653, %select_n3A_1645 : vector<16xi1>, vector<16xi32>
      %add3A_1655 = arith.constant 63 : i32
      %add3A_1656 = vector.broadcast %add3A_1655 : i32 to vector<16xi32>
      %add3A_1657 = arith.addi %select_n3A_1654, %add3A_1656 : vector<16xi32>
      %gather3A_1658 = tpu.vector_load_idx %arg13[%add3A_1657] : memref<2048xf32, #tpu.memory_space<vmem>>[vector<16xi32>], vector<16xf32>,
      %lt3A_1659 = arith.cmpf olt, %gather3A_1658, %select_n3A_1616 : vector<16xf32>
      %add3A_1660 = arith.constant 64 : i32
      %add3A_1661 = vector.broadcast %add3A_1660 : i32 to vector<16xi32>
      %add3A_1662 = arith.addi %select_n3A_1654, %add3A_1661 : vector<16xi32>
      %select_n3A_1663 = arith.select %lt3A_1659, %add3A_1662, %select_n3A_1654 : vector<16xi1>, vector<16xi32>
      %add3A_1664 = arith.constant 31 : i32
      %add3A_1665 = vector.broadcast %add3A_1664 : i32 to vector<16xi32>
      %add3A_1666 = arith.addi %select_n3A_1663, %add3A_1665 : vector<16xi32>
      %gather3A_1667 = tpu.vector_load_idx %arg13[%add3A_1666] : memref<2048xf32, #tpu.memory_space<vmem>>[vector<16xi32>], vector<16xf32>,
      %lt3A_1668 = arith.cmpf olt, %gather3A_1667, %select_n3A_1616 : vector<16xf32>
      %add3A_1669 = arith.constant 32 : i32
      %add3A_1670 = vector.broadcast %add3A_1669 : i32 to vector<16xi32>
      %add3A_1671 = arith.addi %select_n3A_1663, %add3A_1670 : vector<16xi32>
      %select_n3A_1672 = arith.select %lt3A_1668, %add3A_1671, %select_n3A_1663 : vector<16xi1>, vector<16xi32>
      %add3A_1673 = arith.constant 15 : i32
      %add3A_1674 = vector.broadcast %add3A_1673 : i32 to vector<16xi32>
      %add3A_1675 = arith.addi %select_n3A_1672, %add3A_1674 : vector<16xi32>
      %gather3A_1676 = tpu.vector_load_idx %arg13[%add3A_1675] : memref<2048xf32, #tpu.memory_space<vmem>>[vector<16xi32>], vector<16xf32>,
      %lt3A_1677 = arith.cmpf olt, %gather3A_1676, %select_n3A_1616 : vector<16xf32>
      %add3A_1678 = arith.constant 16 : i32
      %add3A_1679 = vector.broadcast %add3A_1678 : i32 to vector<16xi32>
      %add3A_1680 = arith.addi %select_n3A_1672, %add3A_1679 : vector<16xi32>
      %select_n3A_1681 = arith.select %lt3A_1677, %add3A_1680, %select_n3A_1672 : vector<16xi1>, vector<16xi32>
      %add3A_1682 = arith.constant 7 : i32
      %add3A_1683 = vector.broadcast %add3A_1682 : i32 to vector<16xi32>
      %add3A_1684 = arith.addi %select_n3A_1681, %add3A_1683 : vector<16xi32>
      %gather3A_1685 = tpu.vector_load_idx %arg13[%add3A_1684] : memref<2048xf32, #tpu.memory_space<vmem>>[vector<16xi32>], vector<16xf32>,
      %lt3A_1686 = arith.cmpf olt, %gather3A_1685, %select_n3A_1616 : vector<16xf32>
      %add3A_1687 = arith.constant 8 : i32
      %add3A_1688 = vector.broadcast %add3A_1687 : i32 to vector<16xi32>
      %add3A_1689 = arith.addi %select_n3A_1681, %add3A_1688 : vector<16xi32>
      %select_n3A_1690 = arith.select %lt3A_1686, %add3A_1689, %select_n3A_1681 : vector<16xi1>, vector<16xi32>
      %add3A_1691 = arith.constant 3 : i32
      %add3A_1692 = vector.broadcast %add3A_1691 : i32 to vector<16xi32>
      %add3A_1693 = arith.addi %select_n3A_1690, %add3A_1692 : vector<16xi32>
      %gather3A_1694 = tpu.vector_load_idx %arg13[%add3A_1693] : memref<2048xf32, #tpu.memory_space<vmem>>[vector<16xi32>], vector<16xf32>,
      %lt3A_1695 = arith.cmpf olt, %gather3A_1694, %select_n3A_1616 : vector<16xf32>
      %add3A_1696 = arith.constant 4 : i32
      %add3A_1697 = vector.broadcast %add3A_1696 : i32 to vector<16xi32>
      %add3A_1698 = arith.addi %select_n3A_1690, %add3A_1697 : vector<16xi32>
      %select_n3A_1699 = arith.select %lt3A_1695, %add3A_1698, %select_n3A_1690 : vector<16xi1>, vector<16xi32>
      %add3A_1700 = arith.constant 1 : i32
      %add3A_1701 = vector.broadcast %add3A_1700 : i32 to vector<16xi32>
      %add3A_1702 = arith.addi %select_n3A_1699, %add3A_1701 : vector<16xi32>
      %gather3A_1703 = tpu.vector_load_idx %arg13[%add3A_1702] : memref<2048xf32, #tpu.memory_space<vmem>>[vector<16xi32>], vector<16xf32>,
      %lt3A_1704 = arith.cmpf olt, %gather3A_1703, %select_n3A_1616 : vector<16xf32>
      %add3A_1705 = arith.constant 2 : i32
      %add3A_1706 = vector.broadcast %add3A_1705 : i32 to vector<16xi32>
      %add3A_1707 = arith.addi %select_n3A_1699, %add3A_1706 : vector<16xi32>
      %select_n3A_1708 = arith.select %lt3A_1704, %add3A_1707, %select_n3A_1699 : vector<16xi1>, vector<16xi32>
      %add3A_1709 = arith.constant 0 : i32
      %add3A_1710 = vector.broadcast %add3A_1709 : i32 to vector<16xi32>
      %add3A_1711 = arith.addi %select_n3A_1708, %add3A_1710 : vector<16xi32>
      %gather3A_1712 = tpu.vector_load_idx %arg13[%add3A_1711] : memref<2048xf32, #tpu.memory_space<vmem>>[vector<16xi32>], vector<16xf32>,
      %lt3A_1713 = arith.cmpf olt, %gather3A_1712, %select_n3A_1616 : vector<16xf32>
      %add3A_1714 = arith.constant 1 : i32
      %add3A_1715 = vector.broadcast %add3A_1714 : i32 to vector<16xi32>
      %add3A_1716 = arith.addi %select_n3A_1708, %add3A_1715 : vector<16xi32>
      %select_n3A_1717 = arith.select %lt3A_1713, %add3A_1716, %select_n3A_1708 : vector<16xi1>, vector<16xi32>
      %sub3A_1718 = arith.constant 1 : i32
      %sub3A_1719 = vector.broadcast %sub3A_1718 : i32 to vector<16xi32>
      %sub3A_1720 = arith.subi %select_n3A_1717, %sub3A_1719 : vector<16xi32>
      %max3A_1721 = arith.constant 0 : i32
      %max3A_1722 = vector.broadcast %max3A_1721 : i32 to vector<16xi32>
      %max3A_1723 = arith.maxsi %sub3A_1720, %max3A_1722 : vector<16xi32>
      %eq3A_1724 = arith.constant 0 : i32
      %eq3A_1725 = vector.broadcast %eq3A_1724 : i32 to vector<16xi32>
      %eq3A_1726 = arith.cmpi eq, %select_n3A_1717, %eq3A_1725 : vector<16xi32>
      %gather3A_1727 = tpu.vector_load_idx %arg13[%max3A_1723] : memref<2048xf32, #tpu.memory_space<vmem>>[vector<16xi32>], vector<16xf32>,
      %jit3A_1728 = arith.constant 0.000000e+00 : f32
      %broadcast_in_dim3A_1729 = vector.broadcast %jit3A_1728 : f32 to vector<16xf32>
      %select_n3A_1730 = arith.select %eq3A_1726, %broadcast_in_dim3A_1729, %gather3A_1727 : vector<16xi1>, vector<16xf32>
      %gather3A_1731 = tpu.vector_load_idx %arg14[%max3A_1723] : memref<2048xf32, #tpu.memory_space<vmem>>[vector<16xi32>], vector<16xf32>,
      %jit3A_1732 = arith.constant 0.000000e+00 : f32
      %broadcast_in_dim3A_1733 = vector.broadcast %jit3A_1732 : f32 to vector<16xf32>
      %select_n3A_1734 = arith.select %eq3A_1726, %broadcast_in_dim3A_1733, %gather3A_1731 : vector<16xi1>, vector<16xf32>
      %gather3A_1735 = tpu.vector_load_idx %arg12[%select_n3A_1717] : memref<4096xf32, #tpu.memory_space<vmem>>[vector<16xi32>], vector<16xf32>,
      %add3A_1736 = arith.constant 2048 : i32
      %add3A_1737 = vector.broadcast %add3A_1736 : i32 to vector<16xi32>
      %add3A_1738 = arith.addi %select_n3A_1717, %add3A_1737 : vector<16xi32>
      %gather3A_1739 = tpu.vector_load_idx %arg12[%add3A_1738] : memref<4096xf32, #tpu.memory_space<vmem>>[vector<16xi32>], vector<16xf32>,
      %gather3A_1740 = tpu.vector_load_idx %arg18[%select_n3A_1717] : memref<2048xf32, #tpu.memory_space<vmem>>[vector<16xi32>], vector<16xf32>,
      %sub3A_1741 = arith.subf %select_n3A_1616, %select_n3A_1730 : vector<16xf32>
      %max3A_1742 = arith.constant 1.000000e+00 : f32
      %max3A_1743 = vector.broadcast %max3A_1742 : f32 to vector<16xf32>
      %max3A_1744 = arith.maximumf %gather3A_1735, %max3A_1743 : vector<16xf32>
      %div3A_1745 = arith.divf %gather3A_1739, %max3A_1744 : vector<16xf32>
      %mul3A_1746 = arith.mulf %sub3A_1741, %div3A_1745 : vector<16xf32>
      %add3A_1747 = arith.addf %select_n3A_1734, %mul3A_1746 : vector<16xf32>
      %mul3A_1748 = arith.constant 5.000000e-01 : f32
      %mul3A_1749 = vector.broadcast %mul3A_1748 : f32 to vector<16xf32>
      %mul3A_1750 = arith.mulf %mul3A_1749, %gather3A_1740 : vector<16xf32>
      %mul3A_1751 = arith.mulf %mul3A_1750, %sub3A_1741 : vector<16xf32>
      %div3A_1752 = arith.divf %sub3A_1741, %max3A_1744 : vector<16xf32>
      %sub3A_1753 = arith.constant 1.000000e+00 : f32
      %sub3A_1754 = vector.broadcast %sub3A_1753 : f32 to vector<16xf32>
      %sub3A_1755 = arith.subf %sub3A_1754, %div3A_1752 : vector<16xf32>
      %mul3A_1756 = arith.mulf %mul3A_1751, %sub3A_1755 : vector<16xf32>
      %sub3A_1757 = arith.subf %add3A_1747, %mul3A_1756 : vector<16xf32>
      %convert_element_type3A_1758 = arith.sitofp %add3A_1610 : vector<16xi32> to vector<16xf32>
      %mul3A_1759 = arith.mulf %convert_element_type3A_1758, %div3A_86 : vector<16xf32>
      %add3A_1760 = arith.addf %mul3A_1759, %get3A_81 : vector<16xf32>
      %eq3A_1761 = arith.constant 255 : i32
      %eq3A_1762 = vector.broadcast %eq3A_1761 : i32 to vector<16xi32>
      %eq3A_1763 = arith.cmpi eq, %add3A_1610, %eq3A_1762 : vector<16xi32>
      %add3A_1764 = arith.constant 1.000000e+00 : f32
      %add3A_1765 = vector.broadcast %add3A_1764 : f32 to vector<16xf32>
      %add3A_1766 = arith.addf %convert_element_type3A_1758, %add3A_1765 : vector<16xf32>
      %mul3A_1767 = arith.mulf %add3A_1766, %div3A_86 : vector<16xf32>
      %add3A_1768 = arith.addf %mul3A_1767, %get3A_81 : vector<16xf32>
      %jit3A_1769 = arith.constant 0.000000e+00 : f32
      %broadcast_in_dim3A_1770 = vector.broadcast %jit3A_1769 : f32 to vector<16xf32>
      %select_n3A_1771 = arith.select %eq3A_1763, %broadcast_in_dim3A_1770, %add3A_1768 : vector<16xi1>, vector<16xf32>
      %mul3A_1772 = arith.mulf %select_n3A_1771, %select_n3A_1771 : vector<16xf32>
      %jit3A_1773 = arith.constant 0.000000e+00 : f32
      %broadcast_in_dim3A_1774 = vector.broadcast %jit3A_1773 : f32 to vector<16xf32>
      %select_n3A_1775 = arith.select %eq3A_1763, %broadcast_in_dim3A_1774, %mul3A_1772 : vector<16xi1>, vector<16xf32>
      %sub3A_1776 = arith.subf %add3A_1760, %select_n3A_1771 : vector<16xf32>
      %mul3A_1777 = arith.mulf %sub3A_1757, %sub3A_1776 : vector<16xf32>
      %add3A_1778 = arith.addf %add3A_1589, %mul3A_1777 : vector<16xf32>
      %mul3A_1779 = arith.mulf %add3A_1760, %add3A_1760 : vector<16xf32>
      %sub3A_1780 = arith.subf %mul3A_1779, %select_n3A_1775 : vector<16xf32>
      %mul3A_1781 = arith.mulf %select_n3A_1616, %sub3A_1780 : vector<16xf32>
      %add3A_1782 = arith.addf %add3A_1593, %mul3A_1781 : vector<16xf32>
      %get3A_1783 = arith.constant 144 : index
      %get3A_1784 = tpu.vector_load %arg15[%get3A_1783] {strides = array<i32>} : memref<256xf32, #tpu.memory_space<vmem>>, vector<16xf32>,
      %div3A_1785 = arith.divf %get3A_1784, %max3A_80 : vector<16xf32>
      %mul3A_1786 = arith.constant 2.621440e+05 : f32
      %mul3A_1787 = vector.broadcast %mul3A_1786 : f32 to vector<16xf32>
      %mul3A_1788 = arith.mulf %div3A_1785, %mul3A_1787 : vector<16xf32>
      %convert_element_type3A_1789 = arith.fptosi %mul3A_1788 : vector<16xf32> to vector<16xi32>
      %convert_element_type3A_1790 = arith.sitofp %convert_element_type3A_1789 : vector<16xi32> to vector<16xf32>
      %jit3A_1791 = arith.constant 0.000000e+00 : f32
      %jit3A_1792 = arith.constant 2.621440e+05 : f32
      %max3A_1793 = vector.broadcast %jit3A_1791 : f32 to vector<16xf32>
      %max3A_1794 = arith.maximumf %max3A_1793, %convert_element_type3A_1790 : vector<16xf32>
      %min3A_1795 = vector.broadcast %jit3A_1792 : f32 to vector<16xf32>
      %min3A_1796 = arith.minimumf %min3A_1795, %max3A_1794 : vector<16xf32>
      %add3A_1797 = arith.constant 144 : i32
      %add3A_1798 = vector.broadcast %add3A_1797 : i32 to vector<16xi32>
      %add3A_1799 = arith.addi %iota3A_4, %add3A_1798 : vector<16xi32>
      %eq3A_1800 = arith.constant 255 : i32
      %eq3A_1801 = vector.broadcast %eq3A_1800 : i32 to vector<16xi32>
      %eq3A_1802 = arith.cmpi eq, %add3A_1799, %eq3A_1801 : vector<16xi32>
      %jit3A_1803 = arith.constant 2.621440e+05 : f32
      %broadcast_in_dim3A_1804 = vector.broadcast %jit3A_1803 : f32 to vector<16xf32>
      %select_n3A_1805 = arith.select %eq3A_1802, %broadcast_in_dim3A_1804, %min3A_1796 : vector<16xi1>, vector<16xf32>
      %broadcast_in_dim3A_1806 = arith.constant 0 : i32
      %broadcast_in_dim3A_1807 = vector.broadcast %broadcast_in_dim3A_1806 : i32 to vector<16xi32>
      %add3A_1808 = arith.constant 1023 : i32
      %add3A_1809 = vector.broadcast %add3A_1808 : i32 to vector<16xi32>
      %add3A_1810 = arith.addi %broadcast_in_dim3A_1807, %add3A_1809 : vector<16xi32>
      %gather3A_1811 = tpu.vector_load_idx %arg13[%add3A_1810] : memref<2048xf32, #tpu.memory_space<vmem>>[vector<16xi32>], vector<16xf32>,
      %lt3A_1812 = arith.cmpf olt, %gather3A_1811, %select_n3A_1805 : vector<16xf32>
      %add3A_1813 = arith.constant 1024 : i32
      %add3A_1814 = vector.broadcast %add3A_1813 : i32 to vector<16xi32>
      %add3A_1815 = arith.addi %broadcast_in_dim3A_1807, %add3A_1814 : vector<16xi32>
      %select_n3A_1816 = arith.select %lt3A_1812, %add3A_1815, %broadcast_in_dim3A_1807 : vector<16xi1>, vector<16xi32>
      %add3A_1817 = arith.constant 511 : i32
      %add3A_1818 = vector.broadcast %add3A_1817 : i32 to vector<16xi32>
      %add3A_1819 = arith.addi %select_n3A_1816, %add3A_1818 : vector<16xi32>
      %gather3A_1820 = tpu.vector_load_idx %arg13[%add3A_1819] : memref<2048xf32, #tpu.memory_space<vmem>>[vector<16xi32>], vector<16xf32>,
      %lt3A_1821 = arith.cmpf olt, %gather3A_1820, %select_n3A_1805 : vector<16xf32>
      %add3A_1822 = arith.constant 512 : i32
      %add3A_1823 = vector.broadcast %add3A_1822 : i32 to vector<16xi32>
      %add3A_1824 = arith.addi %select_n3A_1816, %add3A_1823 : vector<16xi32>
      %select_n3A_1825 = arith.select %lt3A_1821, %add3A_1824, %select_n3A_1816 : vector<16xi1>, vector<16xi32>
      %add3A_1826 = arith.constant 255 : i32
      %add3A_1827 = vector.broadcast %add3A_1826 : i32 to vector<16xi32>
      %add3A_1828 = arith.addi %select_n3A_1825, %add3A_1827 : vector<16xi32>
      %gather3A_1829 = tpu.vector_load_idx %arg13[%add3A_1828] : memref<2048xf32, #tpu.memory_space<vmem>>[vector<16xi32>], vector<16xf32>,
      %lt3A_1830 = arith.cmpf olt, %gather3A_1829, %select_n3A_1805 : vector<16xf32>
      %add3A_1831 = arith.constant 256 : i32
      %add3A_1832 = vector.broadcast %add3A_1831 : i32 to vector<16xi32>
      %add3A_1833 = arith.addi %select_n3A_1825, %add3A_1832 : vector<16xi32>
      %select_n3A_1834 = arith.select %lt3A_1830, %add3A_1833, %select_n3A_1825 : vector<16xi1>, vector<16xi32>
      %add3A_1835 = arith.constant 127 : i32
      %add3A_1836 = vector.broadcast %add3A_1835 : i32 to vector<16xi32>
      %add3A_1837 = arith.addi %select_n3A_1834, %add3A_1836 : vector<16xi32>
      %gather3A_1838 = tpu.vector_load_idx %arg13[%add3A_1837] : memref<2048xf32, #tpu.memory_space<vmem>>[vector<16xi32>], vector<16xf32>,
      %lt3A_1839 = arith.cmpf olt, %gather3A_1838, %select_n3A_1805 : vector<16xf32>
      %add3A_1840 = arith.constant 128 : i32
      %add3A_1841 = vector.broadcast %add3A_1840 : i32 to vector<16xi32>
      %add3A_1842 = arith.addi %select_n3A_1834, %add3A_1841 : vector<16xi32>
      %select_n3A_1843 = arith.select %lt3A_1839, %add3A_1842, %select_n3A_1834 : vector<16xi1>, vector<16xi32>
      %add3A_1844 = arith.constant 63 : i32
      %add3A_1845 = vector.broadcast %add3A_1844 : i32 to vector<16xi32>
      %add3A_1846 = arith.addi %select_n3A_1843, %add3A_1845 : vector<16xi32>
      %gather3A_1847 = tpu.vector_load_idx %arg13[%add3A_1846] : memref<2048xf32, #tpu.memory_space<vmem>>[vector<16xi32>], vector<16xf32>,
      %lt3A_1848 = arith.cmpf olt, %gather3A_1847, %select_n3A_1805 : vector<16xf32>
      %add3A_1849 = arith.constant 64 : i32
      %add3A_1850 = vector.broadcast %add3A_1849 : i32 to vector<16xi32>
      %add3A_1851 = arith.addi %select_n3A_1843, %add3A_1850 : vector<16xi32>
      %select_n3A_1852 = arith.select %lt3A_1848, %add3A_1851, %select_n3A_1843 : vector<16xi1>, vector<16xi32>
      %add3A_1853 = arith.constant 31 : i32
      %add3A_1854 = vector.broadcast %add3A_1853 : i32 to vector<16xi32>
      %add3A_1855 = arith.addi %select_n3A_1852, %add3A_1854 : vector<16xi32>
      %gather3A_1856 = tpu.vector_load_idx %arg13[%add3A_1855] : memref<2048xf32, #tpu.memory_space<vmem>>[vector<16xi32>], vector<16xf32>,
      %lt3A_1857 = arith.cmpf olt, %gather3A_1856, %select_n3A_1805 : vector<16xf32>
      %add3A_1858 = arith.constant 32 : i32
      %add3A_1859 = vector.broadcast %add3A_1858 : i32 to vector<16xi32>
      %add3A_1860 = arith.addi %select_n3A_1852, %add3A_1859 : vector<16xi32>
      %select_n3A_1861 = arith.select %lt3A_1857, %add3A_1860, %select_n3A_1852 : vector<16xi1>, vector<16xi32>
      %add3A_1862 = arith.constant 15 : i32
      %add3A_1863 = vector.broadcast %add3A_1862 : i32 to vector<16xi32>
      %add3A_1864 = arith.addi %select_n3A_1861, %add3A_1863 : vector<16xi32>
      %gather3A_1865 = tpu.vector_load_idx %arg13[%add3A_1864] : memref<2048xf32, #tpu.memory_space<vmem>>[vector<16xi32>], vector<16xf32>,
      %lt3A_1866 = arith.cmpf olt, %gather3A_1865, %select_n3A_1805 : vector<16xf32>
      %add3A_1867 = arith.constant 16 : i32
      %add3A_1868 = vector.broadcast %add3A_1867 : i32 to vector<16xi32>
      %add3A_1869 = arith.addi %select_n3A_1861, %add3A_1868 : vector<16xi32>
      %select_n3A_1870 = arith.select %lt3A_1866, %add3A_1869, %select_n3A_1861 : vector<16xi1>, vector<16xi32>
      %add3A_1871 = arith.constant 7 : i32
      %add3A_1872 = vector.broadcast %add3A_1871 : i32 to vector<16xi32>
      %add3A_1873 = arith.addi %select_n3A_1870, %add3A_1872 : vector<16xi32>
      %gather3A_1874 = tpu.vector_load_idx %arg13[%add3A_1873] : memref<2048xf32, #tpu.memory_space<vmem>>[vector<16xi32>], vector<16xf32>,
      %lt3A_1875 = arith.cmpf olt, %gather3A_1874, %select_n3A_1805 : vector<16xf32>
      %add3A_1876 = arith.constant 8 : i32
      %add3A_1877 = vector.broadcast %add3A_1876 : i32 to vector<16xi32>
      %add3A_1878 = arith.addi %select_n3A_1870, %add3A_1877 : vector<16xi32>
      %select_n3A_1879 = arith.select %lt3A_1875, %add3A_1878, %select_n3A_1870 : vector<16xi1>, vector<16xi32>
      %add3A_1880 = arith.constant 3 : i32
      %add3A_1881 = vector.broadcast %add3A_1880 : i32 to vector<16xi32>
      %add3A_1882 = arith.addi %select_n3A_1879, %add3A_1881 : vector<16xi32>
      %gather3A_1883 = tpu.vector_load_idx %arg13[%add3A_1882] : memref<2048xf32, #tpu.memory_space<vmem>>[vector<16xi32>], vector<16xf32>,
      %lt3A_1884 = arith.cmpf olt, %gather3A_1883, %select_n3A_1805 : vector<16xf32>
      %add3A_1885 = arith.constant 4 : i32
      %add3A_1886 = vector.broadcast %add3A_1885 : i32 to vector<16xi32>
      %add3A_1887 = arith.addi %select_n3A_1879, %add3A_1886 : vector<16xi32>
      %select_n3A_1888 = arith.select %lt3A_1884, %add3A_1887, %select_n3A_1879 : vector<16xi1>, vector<16xi32>
      %add3A_1889 = arith.constant 1 : i32
      %add3A_1890 = vector.broadcast %add3A_1889 : i32 to vector<16xi32>
      %add3A_1891 = arith.addi %select_n3A_1888, %add3A_1890 : vector<16xi32>
      %gather3A_1892 = tpu.vector_load_idx %arg13[%add3A_1891] : memref<2048xf32, #tpu.memory_space<vmem>>[vector<16xi32>], vector<16xf32>,
      %lt3A_1893 = arith.cmpf olt, %gather3A_1892, %select_n3A_1805 : vector<16xf32>
      %add3A_1894 = arith.constant 2 : i32
      %add3A_1895 = vector.broadcast %add3A_1894 : i32 to vector<16xi32>
      %add3A_1896 = arith.addi %select_n3A_1888, %add3A_1895 : vector<16xi32>
      %select_n3A_1897 = arith.select %lt3A_1893, %add3A_1896, %select_n3A_1888 : vector<16xi1>, vector<16xi32>
      %add3A_1898 = arith.constant 0 : i32
      %add3A_1899 = vector.broadcast %add3A_1898 : i32 to vector<16xi32>
      %add3A_1900 = arith.addi %select_n3A_1897, %add3A_1899 : vector<16xi32>
      %gather3A_1901 = tpu.vector_load_idx %arg13[%add3A_1900] : memref<2048xf32, #tpu.memory_space<vmem>>[vector<16xi32>], vector<16xf32>,
      %lt3A_1902 = arith.cmpf olt, %gather3A_1901, %select_n3A_1805 : vector<16xf32>
      %add3A_1903 = arith.constant 1 : i32
      %add3A_1904 = vector.broadcast %add3A_1903 : i32 to vector<16xi32>
      %add3A_1905 = arith.addi %select_n3A_1897, %add3A_1904 : vector<16xi32>
      %select_n3A_1906 = arith.select %lt3A_1902, %add3A_1905, %select_n3A_1897 : vector<16xi1>, vector<16xi32>
      %sub3A_1907 = arith.constant 1 : i32
      %sub3A_1908 = vector.broadcast %sub3A_1907 : i32 to vector<16xi32>
      %sub3A_1909 = arith.subi %select_n3A_1906, %sub3A_1908 : vector<16xi32>
      %max3A_1910 = arith.constant 0 : i32
      %max3A_1911 = vector.broadcast %max3A_1910 : i32 to vector<16xi32>
      %max3A_1912 = arith.maxsi %sub3A_1909, %max3A_1911 : vector<16xi32>
      %eq3A_1913 = arith.constant 0 : i32
      %eq3A_1914 = vector.broadcast %eq3A_1913 : i32 to vector<16xi32>
      %eq3A_1915 = arith.cmpi eq, %select_n3A_1906, %eq3A_1914 : vector<16xi32>
      %gather3A_1916 = tpu.vector_load_idx %arg13[%max3A_1912] : memref<2048xf32, #tpu.memory_space<vmem>>[vector<16xi32>], vector<16xf32>,
      %jit3A_1917 = arith.constant 0.000000e+00 : f32
      %broadcast_in_dim3A_1918 = vector.broadcast %jit3A_1917 : f32 to vector<16xf32>
      %select_n3A_1919 = arith.select %eq3A_1915, %broadcast_in_dim3A_1918, %gather3A_1916 : vector<16xi1>, vector<16xf32>
      %gather3A_1920 = tpu.vector_load_idx %arg14[%max3A_1912] : memref<2048xf32, #tpu.memory_space<vmem>>[vector<16xi32>], vector<16xf32>,
      %jit3A_1921 = arith.constant 0.000000e+00 : f32
      %broadcast_in_dim3A_1922 = vector.broadcast %jit3A_1921 : f32 to vector<16xf32>
      %select_n3A_1923 = arith.select %eq3A_1915, %broadcast_in_dim3A_1922, %gather3A_1920 : vector<16xi1>, vector<16xf32>
      %gather3A_1924 = tpu.vector_load_idx %arg12[%select_n3A_1906] : memref<4096xf32, #tpu.memory_space<vmem>>[vector<16xi32>], vector<16xf32>,
      %add3A_1925 = arith.constant 2048 : i32
      %add3A_1926 = vector.broadcast %add3A_1925 : i32 to vector<16xi32>
      %add3A_1927 = arith.addi %select_n3A_1906, %add3A_1926 : vector<16xi32>
      %gather3A_1928 = tpu.vector_load_idx %arg12[%add3A_1927] : memref<4096xf32, #tpu.memory_space<vmem>>[vector<16xi32>], vector<16xf32>,
      %gather3A_1929 = tpu.vector_load_idx %arg18[%select_n3A_1906] : memref<2048xf32, #tpu.memory_space<vmem>>[vector<16xi32>], vector<16xf32>,
      %sub3A_1930 = arith.subf %select_n3A_1805, %select_n3A_1919 : vector<16xf32>
      %max3A_1931 = arith.constant 1.000000e+00 : f32
      %max3A_1932 = vector.broadcast %max3A_1931 : f32 to vector<16xf32>
      %max3A_1933 = arith.maximumf %gather3A_1924, %max3A_1932 : vector<16xf32>
      %div3A_1934 = arith.divf %gather3A_1928, %max3A_1933 : vector<16xf32>
      %mul3A_1935 = arith.mulf %sub3A_1930, %div3A_1934 : vector<16xf32>
      %add3A_1936 = arith.addf %select_n3A_1923, %mul3A_1935 : vector<16xf32>
      %mul3A_1937 = arith.constant 5.000000e-01 : f32
      %mul3A_1938 = vector.broadcast %mul3A_1937 : f32 to vector<16xf32>
      %mul3A_1939 = arith.mulf %mul3A_1938, %gather3A_1929 : vector<16xf32>
      %mul3A_1940 = arith.mulf %mul3A_1939, %sub3A_1930 : vector<16xf32>
      %div3A_1941 = arith.divf %sub3A_1930, %max3A_1933 : vector<16xf32>
      %sub3A_1942 = arith.constant 1.000000e+00 : f32
      %sub3A_1943 = vector.broadcast %sub3A_1942 : f32 to vector<16xf32>
      %sub3A_1944 = arith.subf %sub3A_1943, %div3A_1941 : vector<16xf32>
      %mul3A_1945 = arith.mulf %mul3A_1940, %sub3A_1944 : vector<16xf32>
      %sub3A_1946 = arith.subf %add3A_1936, %mul3A_1945 : vector<16xf32>
      %convert_element_type3A_1947 = arith.sitofp %add3A_1799 : vector<16xi32> to vector<16xf32>
      %mul3A_1948 = arith.mulf %convert_element_type3A_1947, %div3A_86 : vector<16xf32>
      %add3A_1949 = arith.addf %mul3A_1948, %get3A_81 : vector<16xf32>
      %eq3A_1950 = arith.constant 255 : i32
      %eq3A_1951 = vector.broadcast %eq3A_1950 : i32 to vector<16xi32>
      %eq3A_1952 = arith.cmpi eq, %add3A_1799, %eq3A_1951 : vector<16xi32>
      %add3A_1953 = arith.constant 1.000000e+00 : f32
      %add3A_1954 = vector.broadcast %add3A_1953 : f32 to vector<16xf32>
      %add3A_1955 = arith.addf %convert_element_type3A_1947, %add3A_1954 : vector<16xf32>
      %mul3A_1956 = arith.mulf %add3A_1955, %div3A_86 : vector<16xf32>
      %add3A_1957 = arith.addf %mul3A_1956, %get3A_81 : vector<16xf32>
      %jit3A_1958 = arith.constant 0.000000e+00 : f32
      %broadcast_in_dim3A_1959 = vector.broadcast %jit3A_1958 : f32 to vector<16xf32>
      %select_n3A_1960 = arith.select %eq3A_1952, %broadcast_in_dim3A_1959, %add3A_1957 : vector<16xi1>, vector<16xf32>
      %mul3A_1961 = arith.mulf %select_n3A_1960, %select_n3A_1960 : vector<16xf32>
      %jit3A_1962 = arith.constant 0.000000e+00 : f32
      %broadcast_in_dim3A_1963 = vector.broadcast %jit3A_1962 : f32 to vector<16xf32>
      %select_n3A_1964 = arith.select %eq3A_1952, %broadcast_in_dim3A_1963, %mul3A_1961 : vector<16xi1>, vector<16xf32>
      %sub3A_1965 = arith.subf %add3A_1949, %select_n3A_1960 : vector<16xf32>
      %mul3A_1966 = arith.mulf %sub3A_1946, %sub3A_1965 : vector<16xf32>
      %add3A_1967 = arith.addf %add3A_1778, %mul3A_1966 : vector<16xf32>
      %mul3A_1968 = arith.mulf %add3A_1949, %add3A_1949 : vector<16xf32>
      %sub3A_1969 = arith.subf %mul3A_1968, %select_n3A_1964 : vector<16xf32>
      %mul3A_1970 = arith.mulf %select_n3A_1805, %sub3A_1969 : vector<16xf32>
      %add3A_1971 = arith.addf %add3A_1782, %mul3A_1970 : vector<16xf32>
      %get3A_1972 = arith.constant 160 : index
      %get3A_1973 = tpu.vector_load %arg15[%get3A_1972] {strides = array<i32>} : memref<256xf32, #tpu.memory_space<vmem>>, vector<16xf32>,
      %div3A_1974 = arith.divf %get3A_1973, %max3A_80 : vector<16xf32>
      %mul3A_1975 = arith.constant 2.621440e+05 : f32
      %mul3A_1976 = vector.broadcast %mul3A_1975 : f32 to vector<16xf32>
      %mul3A_1977 = arith.mulf %div3A_1974, %mul3A_1976 : vector<16xf32>
      %convert_element_type3A_1978 = arith.fptosi %mul3A_1977 : vector<16xf32> to vector<16xi32>
      %convert_element_type3A_1979 = arith.sitofp %convert_element_type3A_1978 : vector<16xi32> to vector<16xf32>
      %jit3A_1980 = arith.constant 0.000000e+00 : f32
      %jit3A_1981 = arith.constant 2.621440e+05 : f32
      %max3A_1982 = vector.broadcast %jit3A_1980 : f32 to vector<16xf32>
      %max3A_1983 = arith.maximumf %max3A_1982, %convert_element_type3A_1979 : vector<16xf32>
      %min3A_1984 = vector.broadcast %jit3A_1981 : f32 to vector<16xf32>
      %min3A_1985 = arith.minimumf %min3A_1984, %max3A_1983 : vector<16xf32>
      %add3A_1986 = arith.constant 160 : i32
      %add3A_1987 = vector.broadcast %add3A_1986 : i32 to vector<16xi32>
      %add3A_1988 = arith.addi %iota3A_4, %add3A_1987 : vector<16xi32>
      %eq3A_1989 = arith.constant 255 : i32
      %eq3A_1990 = vector.broadcast %eq3A_1989 : i32 to vector<16xi32>
      %eq3A_1991 = arith.cmpi eq, %add3A_1988, %eq3A_1990 : vector<16xi32>
      %jit3A_1992 = arith.constant 2.621440e+05 : f32
      %broadcast_in_dim3A_1993 = vector.broadcast %jit3A_1992 : f32 to vector<16xf32>
      %select_n3A_1994 = arith.select %eq3A_1991, %broadcast_in_dim3A_1993, %min3A_1985 : vector<16xi1>, vector<16xf32>
      %broadcast_in_dim3A_1995 = arith.constant 0 : i32
      %broadcast_in_dim3A_1996 = vector.broadcast %broadcast_in_dim3A_1995 : i32 to vector<16xi32>
      %add3A_1997 = arith.constant 1023 : i32
      %add3A_1998 = vector.broadcast %add3A_1997 : i32 to vector<16xi32>
      %add3A_1999 = arith.addi %broadcast_in_dim3A_1996, %add3A_1998 : vector<16xi32>
      %gather3A_2000 = tpu.vector_load_idx %arg13[%add3A_1999] : memref<2048xf32, #tpu.memory_space<vmem>>[vector<16xi32>], vector<16xf32>,
      %lt3A_2001 = arith.cmpf olt, %gather3A_2000, %select_n3A_1994 : vector<16xf32>
      %add3A_2002 = arith.constant 1024 : i32
      %add3A_2003 = vector.broadcast %add3A_2002 : i32 to vector<16xi32>
      %add3A_2004 = arith.addi %broadcast_in_dim3A_1996, %add3A_2003 : vector<16xi32>
      %select_n3A_2005 = arith.select %lt3A_2001, %add3A_2004, %broadcast_in_dim3A_1996 : vector<16xi1>, vector<16xi32>
      %add3A_2006 = arith.constant 511 : i32
      %add3A_2007 = vector.broadcast %add3A_2006 : i32 to vector<16xi32>
      %add3A_2008 = arith.addi %select_n3A_2005, %add3A_2007 : vector<16xi32>
      %gather3A_2009 = tpu.vector_load_idx %arg13[%add3A_2008] : memref<2048xf32, #tpu.memory_space<vmem>>[vector<16xi32>], vector<16xf32>,
      %lt3A_2010 = arith.cmpf olt, %gather3A_2009, %select_n3A_1994 : vector<16xf32>
      %add3A_2011 = arith.constant 512 : i32
      %add3A_2012 = vector.broadcast %add3A_2011 : i32 to vector<16xi32>
      %add3A_2013 = arith.addi %select_n3A_2005, %add3A_2012 : vector<16xi32>
      %select_n3A_2014 = arith.select %lt3A_2010, %add3A_2013, %select_n3A_2005 : vector<16xi1>, vector<16xi32>
      %add3A_2015 = arith.constant 255 : i32
      %add3A_2016 = vector.broadcast %add3A_2015 : i32 to vector<16xi32>
      %add3A_2017 = arith.addi %select_n3A_2014, %add3A_2016 : vector<16xi32>
      %gather3A_2018 = tpu.vector_load_idx %arg13[%add3A_2017] : memref<2048xf32, #tpu.memory_space<vmem>>[vector<16xi32>], vector<16xf32>,
      %lt3A_2019 = arith.cmpf olt, %gather3A_2018, %select_n3A_1994 : vector<16xf32>
      %add3A_2020 = arith.constant 256 : i32
      %add3A_2021 = vector.broadcast %add3A_2020 : i32 to vector<16xi32>
      %add3A_2022 = arith.addi %select_n3A_2014, %add3A_2021 : vector<16xi32>
      %select_n3A_2023 = arith.select %lt3A_2019, %add3A_2022, %select_n3A_2014 : vector<16xi1>, vector<16xi32>
      %add3A_2024 = arith.constant 127 : i32
      %add3A_2025 = vector.broadcast %add3A_2024 : i32 to vector<16xi32>
      %add3A_2026 = arith.addi %select_n3A_2023, %add3A_2025 : vector<16xi32>
      %gather3A_2027 = tpu.vector_load_idx %arg13[%add3A_2026] : memref<2048xf32, #tpu.memory_space<vmem>>[vector<16xi32>], vector<16xf32>,
      %lt3A_2028 = arith.cmpf olt, %gather3A_2027, %select_n3A_1994 : vector<16xf32>
      %add3A_2029 = arith.constant 128 : i32
      %add3A_2030 = vector.broadcast %add3A_2029 : i32 to vector<16xi32>
      %add3A_2031 = arith.addi %select_n3A_2023, %add3A_2030 : vector<16xi32>
      %select_n3A_2032 = arith.select %lt3A_2028, %add3A_2031, %select_n3A_2023 : vector<16xi1>, vector<16xi32>
      %add3A_2033 = arith.constant 63 : i32
      %add3A_2034 = vector.broadcast %add3A_2033 : i32 to vector<16xi32>
      %add3A_2035 = arith.addi %select_n3A_2032, %add3A_2034 : vector<16xi32>
      %gather3A_2036 = tpu.vector_load_idx %arg13[%add3A_2035] : memref<2048xf32, #tpu.memory_space<vmem>>[vector<16xi32>], vector<16xf32>,
      %lt3A_2037 = arith.cmpf olt, %gather3A_2036, %select_n3A_1994 : vector<16xf32>
      %add3A_2038 = arith.constant 64 : i32
      %add3A_2039 = vector.broadcast %add3A_2038 : i32 to vector<16xi32>
      %add3A_2040 = arith.addi %select_n3A_2032, %add3A_2039 : vector<16xi32>
      %select_n3A_2041 = arith.select %lt3A_2037, %add3A_2040, %select_n3A_2032 : vector<16xi1>, vector<16xi32>
      %add3A_2042 = arith.constant 31 : i32
      %add3A_2043 = vector.broadcast %add3A_2042 : i32 to vector<16xi32>
      %add3A_2044 = arith.addi %select_n3A_2041, %add3A_2043 : vector<16xi32>
      %gather3A_2045 = tpu.vector_load_idx %arg13[%add3A_2044] : memref<2048xf32, #tpu.memory_space<vmem>>[vector<16xi32>], vector<16xf32>,
      %lt3A_2046 = arith.cmpf olt, %gather3A_2045, %select_n3A_1994 : vector<16xf32>
      %add3A_2047 = arith.constant 32 : i32
      %add3A_2048 = vector.broadcast %add3A_2047 : i32 to vector<16xi32>
      %add3A_2049 = arith.addi %select_n3A_2041, %add3A_2048 : vector<16xi32>
      %select_n3A_2050 = arith.select %lt3A_2046, %add3A_2049, %select_n3A_2041 : vector<16xi1>, vector<16xi32>
      %add3A_2051 = arith.constant 15 : i32
      %add3A_2052 = vector.broadcast %add3A_2051 : i32 to vector<16xi32>
      %add3A_2053 = arith.addi %select_n3A_2050, %add3A_2052 : vector<16xi32>
      %gather3A_2054 = tpu.vector_load_idx %arg13[%add3A_2053] : memref<2048xf32, #tpu.memory_space<vmem>>[vector<16xi32>], vector<16xf32>,
      %lt3A_2055 = arith.cmpf olt, %gather3A_2054, %select_n3A_1994 : vector<16xf32>
      %add3A_2056 = arith.constant 16 : i32
      %add3A_2057 = vector.broadcast %add3A_2056 : i32 to vector<16xi32>
      %add3A_2058 = arith.addi %select_n3A_2050, %add3A_2057 : vector<16xi32>
      %select_n3A_2059 = arith.select %lt3A_2055, %add3A_2058, %select_n3A_2050 : vector<16xi1>, vector<16xi32>
      %add3A_2060 = arith.constant 7 : i32
      %add3A_2061 = vector.broadcast %add3A_2060 : i32 to vector<16xi32>
      %add3A_2062 = arith.addi %select_n3A_2059, %add3A_2061 : vector<16xi32>
      %gather3A_2063 = tpu.vector_load_idx %arg13[%add3A_2062] : memref<2048xf32, #tpu.memory_space<vmem>>[vector<16xi32>], vector<16xf32>,
      %lt3A_2064 = arith.cmpf olt, %gather3A_2063, %select_n3A_1994 : vector<16xf32>
      %add3A_2065 = arith.constant 8 : i32
      %add3A_2066 = vector.broadcast %add3A_2065 : i32 to vector<16xi32>
      %add3A_2067 = arith.addi %select_n3A_2059, %add3A_2066 : vector<16xi32>
      %select_n3A_2068 = arith.select %lt3A_2064, %add3A_2067, %select_n3A_2059 : vector<16xi1>, vector<16xi32>
      %add3A_2069 = arith.constant 3 : i32
      %add3A_2070 = vector.broadcast %add3A_2069 : i32 to vector<16xi32>
      %add3A_2071 = arith.addi %select_n3A_2068, %add3A_2070 : vector<16xi32>
      %gather3A_2072 = tpu.vector_load_idx %arg13[%add3A_2071] : memref<2048xf32, #tpu.memory_space<vmem>>[vector<16xi32>], vector<16xf32>,
      %lt3A_2073 = arith.cmpf olt, %gather3A_2072, %select_n3A_1994 : vector<16xf32>
      %add3A_2074 = arith.constant 4 : i32
      %add3A_2075 = vector.broadcast %add3A_2074 : i32 to vector<16xi32>
      %add3A_2076 = arith.addi %select_n3A_2068, %add3A_2075 : vector<16xi32>
      %select_n3A_2077 = arith.select %lt3A_2073, %add3A_2076, %select_n3A_2068 : vector<16xi1>, vector<16xi32>
      %add3A_2078 = arith.constant 1 : i32
      %add3A_2079 = vector.broadcast %add3A_2078 : i32 to vector<16xi32>
      %add3A_2080 = arith.addi %select_n3A_2077, %add3A_2079 : vector<16xi32>
      %gather3A_2081 = tpu.vector_load_idx %arg13[%add3A_2080] : memref<2048xf32, #tpu.memory_space<vmem>>[vector<16xi32>], vector<16xf32>,
      %lt3A_2082 = arith.cmpf olt, %gather3A_2081, %select_n3A_1994 : vector<16xf32>
      %add3A_2083 = arith.constant 2 : i32
      %add3A_2084 = vector.broadcast %add3A_2083 : i32 to vector<16xi32>
      %add3A_2085 = arith.addi %select_n3A_2077, %add3A_2084 : vector<16xi32>
      %select_n3A_2086 = arith.select %lt3A_2082, %add3A_2085, %select_n3A_2077 : vector<16xi1>, vector<16xi32>
      %add3A_2087 = arith.constant 0 : i32
      %add3A_2088 = vector.broadcast %add3A_2087 : i32 to vector<16xi32>
      %add3A_2089 = arith.addi %select_n3A_2086, %add3A_2088 : vector<16xi32>
      %gather3A_2090 = tpu.vector_load_idx %arg13[%add3A_2089] : memref<2048xf32, #tpu.memory_space<vmem>>[vector<16xi32>], vector<16xf32>,
      %lt3A_2091 = arith.cmpf olt, %gather3A_2090, %select_n3A_1994 : vector<16xf32>
      %add3A_2092 = arith.constant 1 : i32
      %add3A_2093 = vector.broadcast %add3A_2092 : i32 to vector<16xi32>
      %add3A_2094 = arith.addi %select_n3A_2086, %add3A_2093 : vector<16xi32>
      %select_n3A_2095 = arith.select %lt3A_2091, %add3A_2094, %select_n3A_2086 : vector<16xi1>, vector<16xi32>
      %sub3A_2096 = arith.constant 1 : i32
      %sub3A_2097 = vector.broadcast %sub3A_2096 : i32 to vector<16xi32>
      %sub3A_2098 = arith.subi %select_n3A_2095, %sub3A_2097 : vector<16xi32>
      %max3A_2099 = arith.constant 0 : i32
      %max3A_2100 = vector.broadcast %max3A_2099 : i32 to vector<16xi32>
      %max3A_2101 = arith.maxsi %sub3A_2098, %max3A_2100 : vector<16xi32>
      %eq3A_2102 = arith.constant 0 : i32
      %eq3A_2103 = vector.broadcast %eq3A_2102 : i32 to vector<16xi32>
      %eq3A_2104 = arith.cmpi eq, %select_n3A_2095, %eq3A_2103 : vector<16xi32>
      %gather3A_2105 = tpu.vector_load_idx %arg13[%max3A_2101] : memref<2048xf32, #tpu.memory_space<vmem>>[vector<16xi32>], vector<16xf32>,
      %jit3A_2106 = arith.constant 0.000000e+00 : f32
      %broadcast_in_dim3A_2107 = vector.broadcast %jit3A_2106 : f32 to vector<16xf32>
      %select_n3A_2108 = arith.select %eq3A_2104, %broadcast_in_dim3A_2107, %gather3A_2105 : vector<16xi1>, vector<16xf32>
      %gather3A_2109 = tpu.vector_load_idx %arg14[%max3A_2101] : memref<2048xf32, #tpu.memory_space<vmem>>[vector<16xi32>], vector<16xf32>,
      %jit3A_2110 = arith.constant 0.000000e+00 : f32
      %broadcast_in_dim3A_2111 = vector.broadcast %jit3A_2110 : f32 to vector<16xf32>
      %select_n3A_2112 = arith.select %eq3A_2104, %broadcast_in_dim3A_2111, %gather3A_2109 : vector<16xi1>, vector<16xf32>
      %gather3A_2113 = tpu.vector_load_idx %arg12[%select_n3A_2095] : memref<4096xf32, #tpu.memory_space<vmem>>[vector<16xi32>], vector<16xf32>,
      %add3A_2114 = arith.constant 2048 : i32
      %add3A_2115 = vector.broadcast %add3A_2114 : i32 to vector<16xi32>
      %add3A_2116 = arith.addi %select_n3A_2095, %add3A_2115 : vector<16xi32>
      %gather3A_2117 = tpu.vector_load_idx %arg12[%add3A_2116] : memref<4096xf32, #tpu.memory_space<vmem>>[vector<16xi32>], vector<16xf32>,
      %gather3A_2118 = tpu.vector_load_idx %arg18[%select_n3A_2095] : memref<2048xf32, #tpu.memory_space<vmem>>[vector<16xi32>], vector<16xf32>,
      %sub3A_2119 = arith.subf %select_n3A_1994, %select_n3A_2108 : vector<16xf32>
      %max3A_2120 = arith.constant 1.000000e+00 : f32
      %max3A_2121 = vector.broadcast %max3A_2120 : f32 to vector<16xf32>
      %max3A_2122 = arith.maximumf %gather3A_2113, %max3A_2121 : vector<16xf32>
      %div3A_2123 = arith.divf %gather3A_2117, %max3A_2122 : vector<16xf32>
      %mul3A_2124 = arith.mulf %sub3A_2119, %div3A_2123 : vector<16xf32>
      %add3A_2125 = arith.addf %select_n3A_2112, %mul3A_2124 : vector<16xf32>
      %mul3A_2126 = arith.constant 5.000000e-01 : f32
      %mul3A_2127 = vector.broadcast %mul3A_2126 : f32 to vector<16xf32>
      %mul3A_2128 = arith.mulf %mul3A_2127, %gather3A_2118 : vector<16xf32>
      %mul3A_2129 = arith.mulf %mul3A_2128, %sub3A_2119 : vector<16xf32>
      %div3A_2130 = arith.divf %sub3A_2119, %max3A_2122 : vector<16xf32>
      %sub3A_2131 = arith.constant 1.000000e+00 : f32
      %sub3A_2132 = vector.broadcast %sub3A_2131 : f32 to vector<16xf32>
      %sub3A_2133 = arith.subf %sub3A_2132, %div3A_2130 : vector<16xf32>
      %mul3A_2134 = arith.mulf %mul3A_2129, %sub3A_2133 : vector<16xf32>
      %sub3A_2135 = arith.subf %add3A_2125, %mul3A_2134 : vector<16xf32>
      %convert_element_type3A_2136 = arith.sitofp %add3A_1988 : vector<16xi32> to vector<16xf32>
      %mul3A_2137 = arith.mulf %convert_element_type3A_2136, %div3A_86 : vector<16xf32>
      %add3A_2138 = arith.addf %mul3A_2137, %get3A_81 : vector<16xf32>
      %eq3A_2139 = arith.constant 255 : i32
      %eq3A_2140 = vector.broadcast %eq3A_2139 : i32 to vector<16xi32>
      %eq3A_2141 = arith.cmpi eq, %add3A_1988, %eq3A_2140 : vector<16xi32>
      %add3A_2142 = arith.constant 1.000000e+00 : f32
      %add3A_2143 = vector.broadcast %add3A_2142 : f32 to vector<16xf32>
      %add3A_2144 = arith.addf %convert_element_type3A_2136, %add3A_2143 : vector<16xf32>
      %mul3A_2145 = arith.mulf %add3A_2144, %div3A_86 : vector<16xf32>
      %add3A_2146 = arith.addf %mul3A_2145, %get3A_81 : vector<16xf32>
      %jit3A_2147 = arith.constant 0.000000e+00 : f32
      %broadcast_in_dim3A_2148 = vector.broadcast %jit3A_2147 : f32 to vector<16xf32>
      %select_n3A_2149 = arith.select %eq3A_2141, %broadcast_in_dim3A_2148, %add3A_2146 : vector<16xi1>, vector<16xf32>
      %mul3A_2150 = arith.mulf %select_n3A_2149, %select_n3A_2149 : vector<16xf32>
      %jit3A_2151 = arith.constant 0.000000e+00 : f32
      %broadcast_in_dim3A_2152 = vector.broadcast %jit3A_2151 : f32 to vector<16xf32>
      %select_n3A_2153 = arith.select %eq3A_2141, %broadcast_in_dim3A_2152, %mul3A_2150 : vector<16xi1>, vector<16xf32>
      %sub3A_2154 = arith.subf %add3A_2138, %select_n3A_2149 : vector<16xf32>
      %mul3A_2155 = arith.mulf %sub3A_2135, %sub3A_2154 : vector<16xf32>
      %add3A_2156 = arith.addf %add3A_1967, %mul3A_2155 : vector<16xf32>
      %mul3A_2157 = arith.mulf %add3A_2138, %add3A_2138 : vector<16xf32>
      %sub3A_2158 = arith.subf %mul3A_2157, %select_n3A_2153 : vector<16xf32>
      %mul3A_2159 = arith.mulf %select_n3A_1994, %sub3A_2158 : vector<16xf32>
      %add3A_2160 = arith.addf %add3A_1971, %mul3A_2159 : vector<16xf32>
      %get3A_2161 = arith.constant 176 : index
      %get3A_2162 = tpu.vector_load %arg15[%get3A_2161] {strides = array<i32>} : memref<256xf32, #tpu.memory_space<vmem>>, vector<16xf32>,
      %div3A_2163 = arith.divf %get3A_2162, %max3A_80 : vector<16xf32>
      %mul3A_2164 = arith.constant 2.621440e+05 : f32
      %mul3A_2165 = vector.broadcast %mul3A_2164 : f32 to vector<16xf32>
      %mul3A_2166 = arith.mulf %div3A_2163, %mul3A_2165 : vector<16xf32>
      %convert_element_type3A_2167 = arith.fptosi %mul3A_2166 : vector<16xf32> to vector<16xi32>
      %convert_element_type3A_2168 = arith.sitofp %convert_element_type3A_2167 : vector<16xi32> to vector<16xf32>
      %jit3A_2169 = arith.constant 0.000000e+00 : f32
      %jit3A_2170 = arith.constant 2.621440e+05 : f32
      %max3A_2171 = vector.broadcast %jit3A_2169 : f32 to vector<16xf32>
      %max3A_2172 = arith.maximumf %max3A_2171, %convert_element_type3A_2168 : vector<16xf32>
      %min3A_2173 = vector.broadcast %jit3A_2170 : f32 to vector<16xf32>
      %min3A_2174 = arith.minimumf %min3A_2173, %max3A_2172 : vector<16xf32>
      %add3A_2175 = arith.constant 176 : i32
      %add3A_2176 = vector.broadcast %add3A_2175 : i32 to vector<16xi32>
      %add3A_2177 = arith.addi %iota3A_4, %add3A_2176 : vector<16xi32>
      %eq3A_2178 = arith.constant 255 : i32
      %eq3A_2179 = vector.broadcast %eq3A_2178 : i32 to vector<16xi32>
      %eq3A_2180 = arith.cmpi eq, %add3A_2177, %eq3A_2179 : vector<16xi32>
      %jit3A_2181 = arith.constant 2.621440e+05 : f32
      %broadcast_in_dim3A_2182 = vector.broadcast %jit3A_2181 : f32 to vector<16xf32>
      %select_n3A_2183 = arith.select %eq3A_2180, %broadcast_in_dim3A_2182, %min3A_2174 : vector<16xi1>, vector<16xf32>
      %broadcast_in_dim3A_2184 = arith.constant 0 : i32
      %broadcast_in_dim3A_2185 = vector.broadcast %broadcast_in_dim3A_2184 : i32 to vector<16xi32>
      %add3A_2186 = arith.constant 1023 : i32
      %add3A_2187 = vector.broadcast %add3A_2186 : i32 to vector<16xi32>
      %add3A_2188 = arith.addi %broadcast_in_dim3A_2185, %add3A_2187 : vector<16xi32>
      %gather3A_2189 = tpu.vector_load_idx %arg13[%add3A_2188] : memref<2048xf32, #tpu.memory_space<vmem>>[vector<16xi32>], vector<16xf32>,
      %lt3A_2190 = arith.cmpf olt, %gather3A_2189, %select_n3A_2183 : vector<16xf32>
      %add3A_2191 = arith.constant 1024 : i32
      %add3A_2192 = vector.broadcast %add3A_2191 : i32 to vector<16xi32>
      %add3A_2193 = arith.addi %broadcast_in_dim3A_2185, %add3A_2192 : vector<16xi32>
      %select_n3A_2194 = arith.select %lt3A_2190, %add3A_2193, %broadcast_in_dim3A_2185 : vector<16xi1>, vector<16xi32>
      %add3A_2195 = arith.constant 511 : i32
      %add3A_2196 = vector.broadcast %add3A_2195 : i32 to vector<16xi32>
      %add3A_2197 = arith.addi %select_n3A_2194, %add3A_2196 : vector<16xi32>
      %gather3A_2198 = tpu.vector_load_idx %arg13[%add3A_2197] : memref<2048xf32, #tpu.memory_space<vmem>>[vector<16xi32>], vector<16xf32>,
      %lt3A_2199 = arith.cmpf olt, %gather3A_2198, %select_n3A_2183 : vector<16xf32>
      %add3A_2200 = arith.constant 512 : i32
      %add3A_2201 = vector.broadcast %add3A_2200 : i32 to vector<16xi32>
      %add3A_2202 = arith.addi %select_n3A_2194, %add3A_2201 : vector<16xi32>
      %select_n3A_2203 = arith.select %lt3A_2199, %add3A_2202, %select_n3A_2194 : vector<16xi1>, vector<16xi32>
      %add3A_2204 = arith.constant 255 : i32
      %add3A_2205 = vector.broadcast %add3A_2204 : i32 to vector<16xi32>
      %add3A_2206 = arith.addi %select_n3A_2203, %add3A_2205 : vector<16xi32>
      %gather3A_2207 = tpu.vector_load_idx %arg13[%add3A_2206] : memref<2048xf32, #tpu.memory_space<vmem>>[vector<16xi32>], vector<16xf32>,
      %lt3A_2208 = arith.cmpf olt, %gather3A_2207, %select_n3A_2183 : vector<16xf32>
      %add3A_2209 = arith.constant 256 : i32
      %add3A_2210 = vector.broadcast %add3A_2209 : i32 to vector<16xi32>
      %add3A_2211 = arith.addi %select_n3A_2203, %add3A_2210 : vector<16xi32>
      %select_n3A_2212 = arith.select %lt3A_2208, %add3A_2211, %select_n3A_2203 : vector<16xi1>, vector<16xi32>
      %add3A_2213 = arith.constant 127 : i32
      %add3A_2214 = vector.broadcast %add3A_2213 : i32 to vector<16xi32>
      %add3A_2215 = arith.addi %select_n3A_2212, %add3A_2214 : vector<16xi32>
      %gather3A_2216 = tpu.vector_load_idx %arg13[%add3A_2215] : memref<2048xf32, #tpu.memory_space<vmem>>[vector<16xi32>], vector<16xf32>,
      %lt3A_2217 = arith.cmpf olt, %gather3A_2216, %select_n3A_2183 : vector<16xf32>
      %add3A_2218 = arith.constant 128 : i32
      %add3A_2219 = vector.broadcast %add3A_2218 : i32 to vector<16xi32>
      %add3A_2220 = arith.addi %select_n3A_2212, %add3A_2219 : vector<16xi32>
      %select_n3A_2221 = arith.select %lt3A_2217, %add3A_2220, %select_n3A_2212 : vector<16xi1>, vector<16xi32>
      %add3A_2222 = arith.constant 63 : i32
      %add3A_2223 = vector.broadcast %add3A_2222 : i32 to vector<16xi32>
      %add3A_2224 = arith.addi %select_n3A_2221, %add3A_2223 : vector<16xi32>
      %gather3A_2225 = tpu.vector_load_idx %arg13[%add3A_2224] : memref<2048xf32, #tpu.memory_space<vmem>>[vector<16xi32>], vector<16xf32>,
      %lt3A_2226 = arith.cmpf olt, %gather3A_2225, %select_n3A_2183 : vector<16xf32>
      %add3A_2227 = arith.constant 64 : i32
      %add3A_2228 = vector.broadcast %add3A_2227 : i32 to vector<16xi32>
      %add3A_2229 = arith.addi %select_n3A_2221, %add3A_2228 : vector<16xi32>
      %select_n3A_2230 = arith.select %lt3A_2226, %add3A_2229, %select_n3A_2221 : vector<16xi1>, vector<16xi32>
      %add3A_2231 = arith.constant 31 : i32
      %add3A_2232 = vector.broadcast %add3A_2231 : i32 to vector<16xi32>
      %add3A_2233 = arith.addi %select_n3A_2230, %add3A_2232 : vector<16xi32>
      %gather3A_2234 = tpu.vector_load_idx %arg13[%add3A_2233] : memref<2048xf32, #tpu.memory_space<vmem>>[vector<16xi32>], vector<16xf32>,
      %lt3A_2235 = arith.cmpf olt, %gather3A_2234, %select_n3A_2183 : vector<16xf32>
      %add3A_2236 = arith.constant 32 : i32
      %add3A_2237 = vector.broadcast %add3A_2236 : i32 to vector<16xi32>
      %add3A_2238 = arith.addi %select_n3A_2230, %add3A_2237 : vector<16xi32>
      %select_n3A_2239 = arith.select %lt3A_2235, %add3A_2238, %select_n3A_2230 : vector<16xi1>, vector<16xi32>
      %add3A_2240 = arith.constant 15 : i32
      %add3A_2241 = vector.broadcast %add3A_2240 : i32 to vector<16xi32>
      %add3A_2242 = arith.addi %select_n3A_2239, %add3A_2241 : vector<16xi32>
      %gather3A_2243 = tpu.vector_load_idx %arg13[%add3A_2242] : memref<2048xf32, #tpu.memory_space<vmem>>[vector<16xi32>], vector<16xf32>,
      %lt3A_2244 = arith.cmpf olt, %gather3A_2243, %select_n3A_2183 : vector<16xf32>
      %add3A_2245 = arith.constant 16 : i32
      %add3A_2246 = vector.broadcast %add3A_2245 : i32 to vector<16xi32>
      %add3A_2247 = arith.addi %select_n3A_2239, %add3A_2246 : vector<16xi32>
      %select_n3A_2248 = arith.select %lt3A_2244, %add3A_2247, %select_n3A_2239 : vector<16xi1>, vector<16xi32>
      %add3A_2249 = arith.constant 7 : i32
      %add3A_2250 = vector.broadcast %add3A_2249 : i32 to vector<16xi32>
      %add3A_2251 = arith.addi %select_n3A_2248, %add3A_2250 : vector<16xi32>
      %gather3A_2252 = tpu.vector_load_idx %arg13[%add3A_2251] : memref<2048xf32, #tpu.memory_space<vmem>>[vector<16xi32>], vector<16xf32>,
      %lt3A_2253 = arith.cmpf olt, %gather3A_2252, %select_n3A_2183 : vector<16xf32>
      %add3A_2254 = arith.constant 8 : i32
      %add3A_2255 = vector.broadcast %add3A_2254 : i32 to vector<16xi32>
      %add3A_2256 = arith.addi %select_n3A_2248, %add3A_2255 : vector<16xi32>
      %select_n3A_2257 = arith.select %lt3A_2253, %add3A_2256, %select_n3A_2248 : vector<16xi1>, vector<16xi32>
      %add3A_2258 = arith.constant 3 : i32
      %add3A_2259 = vector.broadcast %add3A_2258 : i32 to vector<16xi32>
      %add3A_2260 = arith.addi %select_n3A_2257, %add3A_2259 : vector<16xi32>
      %gather3A_2261 = tpu.vector_load_idx %arg13[%add3A_2260] : memref<2048xf32, #tpu.memory_space<vmem>>[vector<16xi32>], vector<16xf32>,
      %lt3A_2262 = arith.cmpf olt, %gather3A_2261, %select_n3A_2183 : vector<16xf32>
      %add3A_2263 = arith.constant 4 : i32
      %add3A_2264 = vector.broadcast %add3A_2263 : i32 to vector<16xi32>
      %add3A_2265 = arith.addi %select_n3A_2257, %add3A_2264 : vector<16xi32>
      %select_n3A_2266 = arith.select %lt3A_2262, %add3A_2265, %select_n3A_2257 : vector<16xi1>, vector<16xi32>
      %add3A_2267 = arith.constant 1 : i32
      %add3A_2268 = vector.broadcast %add3A_2267 : i32 to vector<16xi32>
      %add3A_2269 = arith.addi %select_n3A_2266, %add3A_2268 : vector<16xi32>
      %gather3A_2270 = tpu.vector_load_idx %arg13[%add3A_2269] : memref<2048xf32, #tpu.memory_space<vmem>>[vector<16xi32>], vector<16xf32>,
      %lt3A_2271 = arith.cmpf olt, %gather3A_2270, %select_n3A_2183 : vector<16xf32>
      %add3A_2272 = arith.constant 2 : i32
      %add3A_2273 = vector.broadcast %add3A_2272 : i32 to vector<16xi32>
      %add3A_2274 = arith.addi %select_n3A_2266, %add3A_2273 : vector<16xi32>
      %select_n3A_2275 = arith.select %lt3A_2271, %add3A_2274, %select_n3A_2266 : vector<16xi1>, vector<16xi32>
      %add3A_2276 = arith.constant 0 : i32
      %add3A_2277 = vector.broadcast %add3A_2276 : i32 to vector<16xi32>
      %add3A_2278 = arith.addi %select_n3A_2275, %add3A_2277 : vector<16xi32>
      %gather3A_2279 = tpu.vector_load_idx %arg13[%add3A_2278] : memref<2048xf32, #tpu.memory_space<vmem>>[vector<16xi32>], vector<16xf32>,
      %lt3A_2280 = arith.cmpf olt, %gather3A_2279, %select_n3A_2183 : vector<16xf32>
      %add3A_2281 = arith.constant 1 : i32
      %add3A_2282 = vector.broadcast %add3A_2281 : i32 to vector<16xi32>
      %add3A_2283 = arith.addi %select_n3A_2275, %add3A_2282 : vector<16xi32>
      %select_n3A_2284 = arith.select %lt3A_2280, %add3A_2283, %select_n3A_2275 : vector<16xi1>, vector<16xi32>
      %sub3A_2285 = arith.constant 1 : i32
      %sub3A_2286 = vector.broadcast %sub3A_2285 : i32 to vector<16xi32>
      %sub3A_2287 = arith.subi %select_n3A_2284, %sub3A_2286 : vector<16xi32>
      %max3A_2288 = arith.constant 0 : i32
      %max3A_2289 = vector.broadcast %max3A_2288 : i32 to vector<16xi32>
      %max3A_2290 = arith.maxsi %sub3A_2287, %max3A_2289 : vector<16xi32>
      %eq3A_2291 = arith.constant 0 : i32
      %eq3A_2292 = vector.broadcast %eq3A_2291 : i32 to vector<16xi32>
      %eq3A_2293 = arith.cmpi eq, %select_n3A_2284, %eq3A_2292 : vector<16xi32>
      %gather3A_2294 = tpu.vector_load_idx %arg13[%max3A_2290] : memref<2048xf32, #tpu.memory_space<vmem>>[vector<16xi32>], vector<16xf32>,
      %jit3A_2295 = arith.constant 0.000000e+00 : f32
      %broadcast_in_dim3A_2296 = vector.broadcast %jit3A_2295 : f32 to vector<16xf32>
      %select_n3A_2297 = arith.select %eq3A_2293, %broadcast_in_dim3A_2296, %gather3A_2294 : vector<16xi1>, vector<16xf32>
      %gather3A_2298 = tpu.vector_load_idx %arg14[%max3A_2290] : memref<2048xf32, #tpu.memory_space<vmem>>[vector<16xi32>], vector<16xf32>,
      %jit3A_2299 = arith.constant 0.000000e+00 : f32
      %broadcast_in_dim3A_2300 = vector.broadcast %jit3A_2299 : f32 to vector<16xf32>
      %select_n3A_2301 = arith.select %eq3A_2293, %broadcast_in_dim3A_2300, %gather3A_2298 : vector<16xi1>, vector<16xf32>
      %gather3A_2302 = tpu.vector_load_idx %arg12[%select_n3A_2284] : memref<4096xf32, #tpu.memory_space<vmem>>[vector<16xi32>], vector<16xf32>,
      %add3A_2303 = arith.constant 2048 : i32
      %add3A_2304 = vector.broadcast %add3A_2303 : i32 to vector<16xi32>
      %add3A_2305 = arith.addi %select_n3A_2284, %add3A_2304 : vector<16xi32>
      %gather3A_2306 = tpu.vector_load_idx %arg12[%add3A_2305] : memref<4096xf32, #tpu.memory_space<vmem>>[vector<16xi32>], vector<16xf32>,
      %gather3A_2307 = tpu.vector_load_idx %arg18[%select_n3A_2284] : memref<2048xf32, #tpu.memory_space<vmem>>[vector<16xi32>], vector<16xf32>,
      %sub3A_2308 = arith.subf %select_n3A_2183, %select_n3A_2297 : vector<16xf32>
      %max3A_2309 = arith.constant 1.000000e+00 : f32
      %max3A_2310 = vector.broadcast %max3A_2309 : f32 to vector<16xf32>
      %max3A_2311 = arith.maximumf %gather3A_2302, %max3A_2310 : vector<16xf32>
      %div3A_2312 = arith.divf %gather3A_2306, %max3A_2311 : vector<16xf32>
      %mul3A_2313 = arith.mulf %sub3A_2308, %div3A_2312 : vector<16xf32>
      %add3A_2314 = arith.addf %select_n3A_2301, %mul3A_2313 : vector<16xf32>
      %mul3A_2315 = arith.constant 5.000000e-01 : f32
      %mul3A_2316 = vector.broadcast %mul3A_2315 : f32 to vector<16xf32>
      %mul3A_2317 = arith.mulf %mul3A_2316, %gather3A_2307 : vector<16xf32>
      %mul3A_2318 = arith.mulf %mul3A_2317, %sub3A_2308 : vector<16xf32>
      %div3A_2319 = arith.divf %sub3A_2308, %max3A_2311 : vector<16xf32>
      %sub3A_2320 = arith.constant 1.000000e+00 : f32
      %sub3A_2321 = vector.broadcast %sub3A_2320 : f32 to vector<16xf32>
      %sub3A_2322 = arith.subf %sub3A_2321, %div3A_2319 : vector<16xf32>
      %mul3A_2323 = arith.mulf %mul3A_2318, %sub3A_2322 : vector<16xf32>
      %sub3A_2324 = arith.subf %add3A_2314, %mul3A_2323 : vector<16xf32>
      %convert_element_type3A_2325 = arith.sitofp %add3A_2177 : vector<16xi32> to vector<16xf32>
      %mul3A_2326 = arith.mulf %convert_element_type3A_2325, %div3A_86 : vector<16xf32>
      %add3A_2327 = arith.addf %mul3A_2326, %get3A_81 : vector<16xf32>
      %eq3A_2328 = arith.constant 255 : i32
      %eq3A_2329 = vector.broadcast %eq3A_2328 : i32 to vector<16xi32>
      %eq3A_2330 = arith.cmpi eq, %add3A_2177, %eq3A_2329 : vector<16xi32>
      %add3A_2331 = arith.constant 1.000000e+00 : f32
      %add3A_2332 = vector.broadcast %add3A_2331 : f32 to vector<16xf32>
      %add3A_2333 = arith.addf %convert_element_type3A_2325, %add3A_2332 : vector<16xf32>
      %mul3A_2334 = arith.mulf %add3A_2333, %div3A_86 : vector<16xf32>
      %add3A_2335 = arith.addf %mul3A_2334, %get3A_81 : vector<16xf32>
      %jit3A_2336 = arith.constant 0.000000e+00 : f32
      %broadcast_in_dim3A_2337 = vector.broadcast %jit3A_2336 : f32 to vector<16xf32>
      %select_n3A_2338 = arith.select %eq3A_2330, %broadcast_in_dim3A_2337, %add3A_2335 : vector<16xi1>, vector<16xf32>
      %mul3A_2339 = arith.mulf %select_n3A_2338, %select_n3A_2338 : vector<16xf32>
      %jit3A_2340 = arith.constant 0.000000e+00 : f32
      %broadcast_in_dim3A_2341 = vector.broadcast %jit3A_2340 : f32 to vector<16xf32>
      %select_n3A_2342 = arith.select %eq3A_2330, %broadcast_in_dim3A_2341, %mul3A_2339 : vector<16xi1>, vector<16xf32>
      %sub3A_2343 = arith.subf %add3A_2327, %select_n3A_2338 : vector<16xf32>
      %mul3A_2344 = arith.mulf %sub3A_2324, %sub3A_2343 : vector<16xf32>
      %add3A_2345 = arith.addf %add3A_2156, %mul3A_2344 : vector<16xf32>
      %mul3A_2346 = arith.mulf %add3A_2327, %add3A_2327 : vector<16xf32>
      %sub3A_2347 = arith.subf %mul3A_2346, %select_n3A_2342 : vector<16xf32>
      %mul3A_2348 = arith.mulf %select_n3A_2183, %sub3A_2347 : vector<16xf32>
      %add3A_2349 = arith.addf %add3A_2160, %mul3A_2348 : vector<16xf32>
      %get3A_2350 = arith.constant 192 : index
      %get3A_2351 = tpu.vector_load %arg15[%get3A_2350] {strides = array<i32>} : memref<256xf32, #tpu.memory_space<vmem>>, vector<16xf32>,
      %div3A_2352 = arith.divf %get3A_2351, %max3A_80 : vector<16xf32>
      %mul3A_2353 = arith.constant 2.621440e+05 : f32
      %mul3A_2354 = vector.broadcast %mul3A_2353 : f32 to vector<16xf32>
      %mul3A_2355 = arith.mulf %div3A_2352, %mul3A_2354 : vector<16xf32>
      %convert_element_type3A_2356 = arith.fptosi %mul3A_2355 : vector<16xf32> to vector<16xi32>
      %convert_element_type3A_2357 = arith.sitofp %convert_element_type3A_2356 : vector<16xi32> to vector<16xf32>
      %jit3A_2358 = arith.constant 0.000000e+00 : f32
      %jit3A_2359 = arith.constant 2.621440e+05 : f32
      %max3A_2360 = vector.broadcast %jit3A_2358 : f32 to vector<16xf32>
      %max3A_2361 = arith.maximumf %max3A_2360, %convert_element_type3A_2357 : vector<16xf32>
      %min3A_2362 = vector.broadcast %jit3A_2359 : f32 to vector<16xf32>
      %min3A_2363 = arith.minimumf %min3A_2362, %max3A_2361 : vector<16xf32>
      %add3A_2364 = arith.constant 192 : i32
      %add3A_2365 = vector.broadcast %add3A_2364 : i32 to vector<16xi32>
      %add3A_2366 = arith.addi %iota3A_4, %add3A_2365 : vector<16xi32>
      %eq3A_2367 = arith.constant 255 : i32
      %eq3A_2368 = vector.broadcast %eq3A_2367 : i32 to vector<16xi32>
      %eq3A_2369 = arith.cmpi eq, %add3A_2366, %eq3A_2368 : vector<16xi32>
      %jit3A_2370 = arith.constant 2.621440e+05 : f32
      %broadcast_in_dim3A_2371 = vector.broadcast %jit3A_2370 : f32 to vector<16xf32>
      %select_n3A_2372 = arith.select %eq3A_2369, %broadcast_in_dim3A_2371, %min3A_2363 : vector<16xi1>, vector<16xf32>
      %broadcast_in_dim3A_2373 = arith.constant 0 : i32
      %broadcast_in_dim3A_2374 = vector.broadcast %broadcast_in_dim3A_2373 : i32 to vector<16xi32>
      %add3A_2375 = arith.constant 1023 : i32
      %add3A_2376 = vector.broadcast %add3A_2375 : i32 to vector<16xi32>
      %add3A_2377 = arith.addi %broadcast_in_dim3A_2374, %add3A_2376 : vector<16xi32>
      %gather3A_2378 = tpu.vector_load_idx %arg13[%add3A_2377] : memref<2048xf32, #tpu.memory_space<vmem>>[vector<16xi32>], vector<16xf32>,
      %lt3A_2379 = arith.cmpf olt, %gather3A_2378, %select_n3A_2372 : vector<16xf32>
      %add3A_2380 = arith.constant 1024 : i32
      %add3A_2381 = vector.broadcast %add3A_2380 : i32 to vector<16xi32>
      %add3A_2382 = arith.addi %broadcast_in_dim3A_2374, %add3A_2381 : vector<16xi32>
      %select_n3A_2383 = arith.select %lt3A_2379, %add3A_2382, %broadcast_in_dim3A_2374 : vector<16xi1>, vector<16xi32>
      %add3A_2384 = arith.constant 511 : i32
      %add3A_2385 = vector.broadcast %add3A_2384 : i32 to vector<16xi32>
      %add3A_2386 = arith.addi %select_n3A_2383, %add3A_2385 : vector<16xi32>
      %gather3A_2387 = tpu.vector_load_idx %arg13[%add3A_2386] : memref<2048xf32, #tpu.memory_space<vmem>>[vector<16xi32>], vector<16xf32>,
      %lt3A_2388 = arith.cmpf olt, %gather3A_2387, %select_n3A_2372 : vector<16xf32>
      %add3A_2389 = arith.constant 512 : i32
      %add3A_2390 = vector.broadcast %add3A_2389 : i32 to vector<16xi32>
      %add3A_2391 = arith.addi %select_n3A_2383, %add3A_2390 : vector<16xi32>
      %select_n3A_2392 = arith.select %lt3A_2388, %add3A_2391, %select_n3A_2383 : vector<16xi1>, vector<16xi32>
      %add3A_2393 = arith.constant 255 : i32
      %add3A_2394 = vector.broadcast %add3A_2393 : i32 to vector<16xi32>
      %add3A_2395 = arith.addi %select_n3A_2392, %add3A_2394 : vector<16xi32>
      %gather3A_2396 = tpu.vector_load_idx %arg13[%add3A_2395] : memref<2048xf32, #tpu.memory_space<vmem>>[vector<16xi32>], vector<16xf32>,
      %lt3A_2397 = arith.cmpf olt, %gather3A_2396, %select_n3A_2372 : vector<16xf32>
      %add3A_2398 = arith.constant 256 : i32
      %add3A_2399 = vector.broadcast %add3A_2398 : i32 to vector<16xi32>
      %add3A_2400 = arith.addi %select_n3A_2392, %add3A_2399 : vector<16xi32>
      %select_n3A_2401 = arith.select %lt3A_2397, %add3A_2400, %select_n3A_2392 : vector<16xi1>, vector<16xi32>
      %add3A_2402 = arith.constant 127 : i32
      %add3A_2403 = vector.broadcast %add3A_2402 : i32 to vector<16xi32>
      %add3A_2404 = arith.addi %select_n3A_2401, %add3A_2403 : vector<16xi32>
      %gather3A_2405 = tpu.vector_load_idx %arg13[%add3A_2404] : memref<2048xf32, #tpu.memory_space<vmem>>[vector<16xi32>], vector<16xf32>,
      %lt3A_2406 = arith.cmpf olt, %gather3A_2405, %select_n3A_2372 : vector<16xf32>
      %add3A_2407 = arith.constant 128 : i32
      %add3A_2408 = vector.broadcast %add3A_2407 : i32 to vector<16xi32>
      %add3A_2409 = arith.addi %select_n3A_2401, %add3A_2408 : vector<16xi32>
      %select_n3A_2410 = arith.select %lt3A_2406, %add3A_2409, %select_n3A_2401 : vector<16xi1>, vector<16xi32>
      %add3A_2411 = arith.constant 63 : i32
      %add3A_2412 = vector.broadcast %add3A_2411 : i32 to vector<16xi32>
      %add3A_2413 = arith.addi %select_n3A_2410, %add3A_2412 : vector<16xi32>
      %gather3A_2414 = tpu.vector_load_idx %arg13[%add3A_2413] : memref<2048xf32, #tpu.memory_space<vmem>>[vector<16xi32>], vector<16xf32>,
      %lt3A_2415 = arith.cmpf olt, %gather3A_2414, %select_n3A_2372 : vector<16xf32>
      %add3A_2416 = arith.constant 64 : i32
      %add3A_2417 = vector.broadcast %add3A_2416 : i32 to vector<16xi32>
      %add3A_2418 = arith.addi %select_n3A_2410, %add3A_2417 : vector<16xi32>
      %select_n3A_2419 = arith.select %lt3A_2415, %add3A_2418, %select_n3A_2410 : vector<16xi1>, vector<16xi32>
      %add3A_2420 = arith.constant 31 : i32
      %add3A_2421 = vector.broadcast %add3A_2420 : i32 to vector<16xi32>
      %add3A_2422 = arith.addi %select_n3A_2419, %add3A_2421 : vector<16xi32>
      %gather3A_2423 = tpu.vector_load_idx %arg13[%add3A_2422] : memref<2048xf32, #tpu.memory_space<vmem>>[vector<16xi32>], vector<16xf32>,
      %lt3A_2424 = arith.cmpf olt, %gather3A_2423, %select_n3A_2372 : vector<16xf32>
      %add3A_2425 = arith.constant 32 : i32
      %add3A_2426 = vector.broadcast %add3A_2425 : i32 to vector<16xi32>
      %add3A_2427 = arith.addi %select_n3A_2419, %add3A_2426 : vector<16xi32>
      %select_n3A_2428 = arith.select %lt3A_2424, %add3A_2427, %select_n3A_2419 : vector<16xi1>, vector<16xi32>
      %add3A_2429 = arith.constant 15 : i32
      %add3A_2430 = vector.broadcast %add3A_2429 : i32 to vector<16xi32>
      %add3A_2431 = arith.addi %select_n3A_2428, %add3A_2430 : vector<16xi32>
      %gather3A_2432 = tpu.vector_load_idx %arg13[%add3A_2431] : memref<2048xf32, #tpu.memory_space<vmem>>[vector<16xi32>], vector<16xf32>,
      %lt3A_2433 = arith.cmpf olt, %gather3A_2432, %select_n3A_2372 : vector<16xf32>
      %add3A_2434 = arith.constant 16 : i32
      %add3A_2435 = vector.broadcast %add3A_2434 : i32 to vector<16xi32>
      %add3A_2436 = arith.addi %select_n3A_2428, %add3A_2435 : vector<16xi32>
      %select_n3A_2437 = arith.select %lt3A_2433, %add3A_2436, %select_n3A_2428 : vector<16xi1>, vector<16xi32>
      %add3A_2438 = arith.constant 7 : i32
      %add3A_2439 = vector.broadcast %add3A_2438 : i32 to vector<16xi32>
      %add3A_2440 = arith.addi %select_n3A_2437, %add3A_2439 : vector<16xi32>
      %gather3A_2441 = tpu.vector_load_idx %arg13[%add3A_2440] : memref<2048xf32, #tpu.memory_space<vmem>>[vector<16xi32>], vector<16xf32>,
      %lt3A_2442 = arith.cmpf olt, %gather3A_2441, %select_n3A_2372 : vector<16xf32>
      %add3A_2443 = arith.constant 8 : i32
      %add3A_2444 = vector.broadcast %add3A_2443 : i32 to vector<16xi32>
      %add3A_2445 = arith.addi %select_n3A_2437, %add3A_2444 : vector<16xi32>
      %select_n3A_2446 = arith.select %lt3A_2442, %add3A_2445, %select_n3A_2437 : vector<16xi1>, vector<16xi32>
      %add3A_2447 = arith.constant 3 : i32
      %add3A_2448 = vector.broadcast %add3A_2447 : i32 to vector<16xi32>
      %add3A_2449 = arith.addi %select_n3A_2446, %add3A_2448 : vector<16xi32>
      %gather3A_2450 = tpu.vector_load_idx %arg13[%add3A_2449] : memref<2048xf32, #tpu.memory_space<vmem>>[vector<16xi32>], vector<16xf32>,
      %lt3A_2451 = arith.cmpf olt, %gather3A_2450, %select_n3A_2372 : vector<16xf32>
      %add3A_2452 = arith.constant 4 : i32
      %add3A_2453 = vector.broadcast %add3A_2452 : i32 to vector<16xi32>
      %add3A_2454 = arith.addi %select_n3A_2446, %add3A_2453 : vector<16xi32>
      %select_n3A_2455 = arith.select %lt3A_2451, %add3A_2454, %select_n3A_2446 : vector<16xi1>, vector<16xi32>
      %add3A_2456 = arith.constant 1 : i32
      %add3A_2457 = vector.broadcast %add3A_2456 : i32 to vector<16xi32>
      %add3A_2458 = arith.addi %select_n3A_2455, %add3A_2457 : vector<16xi32>
      %gather3A_2459 = tpu.vector_load_idx %arg13[%add3A_2458] : memref<2048xf32, #tpu.memory_space<vmem>>[vector<16xi32>], vector<16xf32>,
      %lt3A_2460 = arith.cmpf olt, %gather3A_2459, %select_n3A_2372 : vector<16xf32>
      %add3A_2461 = arith.constant 2 : i32
      %add3A_2462 = vector.broadcast %add3A_2461 : i32 to vector<16xi32>
      %add3A_2463 = arith.addi %select_n3A_2455, %add3A_2462 : vector<16xi32>
      %select_n3A_2464 = arith.select %lt3A_2460, %add3A_2463, %select_n3A_2455 : vector<16xi1>, vector<16xi32>
      %add3A_2465 = arith.constant 0 : i32
      %add3A_2466 = vector.broadcast %add3A_2465 : i32 to vector<16xi32>
      %add3A_2467 = arith.addi %select_n3A_2464, %add3A_2466 : vector<16xi32>
      %gather3A_2468 = tpu.vector_load_idx %arg13[%add3A_2467] : memref<2048xf32, #tpu.memory_space<vmem>>[vector<16xi32>], vector<16xf32>,
      %lt3A_2469 = arith.cmpf olt, %gather3A_2468, %select_n3A_2372 : vector<16xf32>
      %add3A_2470 = arith.constant 1 : i32
      %add3A_2471 = vector.broadcast %add3A_2470 : i32 to vector<16xi32>
      %add3A_2472 = arith.addi %select_n3A_2464, %add3A_2471 : vector<16xi32>
      %select_n3A_2473 = arith.select %lt3A_2469, %add3A_2472, %select_n3A_2464 : vector<16xi1>, vector<16xi32>
      %sub3A_2474 = arith.constant 1 : i32
      %sub3A_2475 = vector.broadcast %sub3A_2474 : i32 to vector<16xi32>
      %sub3A_2476 = arith.subi %select_n3A_2473, %sub3A_2475 : vector<16xi32>
      %max3A_2477 = arith.constant 0 : i32
      %max3A_2478 = vector.broadcast %max3A_2477 : i32 to vector<16xi32>
      %max3A_2479 = arith.maxsi %sub3A_2476, %max3A_2478 : vector<16xi32>
      %eq3A_2480 = arith.constant 0 : i32
      %eq3A_2481 = vector.broadcast %eq3A_2480 : i32 to vector<16xi32>
      %eq3A_2482 = arith.cmpi eq, %select_n3A_2473, %eq3A_2481 : vector<16xi32>
      %gather3A_2483 = tpu.vector_load_idx %arg13[%max3A_2479] : memref<2048xf32, #tpu.memory_space<vmem>>[vector<16xi32>], vector<16xf32>,
      %jit3A_2484 = arith.constant 0.000000e+00 : f32
      %broadcast_in_dim3A_2485 = vector.broadcast %jit3A_2484 : f32 to vector<16xf32>
      %select_n3A_2486 = arith.select %eq3A_2482, %broadcast_in_dim3A_2485, %gather3A_2483 : vector<16xi1>, vector<16xf32>
      %gather3A_2487 = tpu.vector_load_idx %arg14[%max3A_2479] : memref<2048xf32, #tpu.memory_space<vmem>>[vector<16xi32>], vector<16xf32>,
      %jit3A_2488 = arith.constant 0.000000e+00 : f32
      %broadcast_in_dim3A_2489 = vector.broadcast %jit3A_2488 : f32 to vector<16xf32>
      %select_n3A_2490 = arith.select %eq3A_2482, %broadcast_in_dim3A_2489, %gather3A_2487 : vector<16xi1>, vector<16xf32>
      %gather3A_2491 = tpu.vector_load_idx %arg12[%select_n3A_2473] : memref<4096xf32, #tpu.memory_space<vmem>>[vector<16xi32>], vector<16xf32>,
      %add3A_2492 = arith.constant 2048 : i32
      %add3A_2493 = vector.broadcast %add3A_2492 : i32 to vector<16xi32>
      %add3A_2494 = arith.addi %select_n3A_2473, %add3A_2493 : vector<16xi32>
      %gather3A_2495 = tpu.vector_load_idx %arg12[%add3A_2494] : memref<4096xf32, #tpu.memory_space<vmem>>[vector<16xi32>], vector<16xf32>,
      %gather3A_2496 = tpu.vector_load_idx %arg18[%select_n3A_2473] : memref<2048xf32, #tpu.memory_space<vmem>>[vector<16xi32>], vector<16xf32>,
      %sub3A_2497 = arith.subf %select_n3A_2372, %select_n3A_2486 : vector<16xf32>
      %max3A_2498 = arith.constant 1.000000e+00 : f32
      %max3A_2499 = vector.broadcast %max3A_2498 : f32 to vector<16xf32>
      %max3A_2500 = arith.maximumf %gather3A_2491, %max3A_2499 : vector<16xf32>
      %div3A_2501 = arith.divf %gather3A_2495, %max3A_2500 : vector<16xf32>
      %mul3A_2502 = arith.mulf %sub3A_2497, %div3A_2501 : vector<16xf32>
      %add3A_2503 = arith.addf %select_n3A_2490, %mul3A_2502 : vector<16xf32>
      %mul3A_2504 = arith.constant 5.000000e-01 : f32
      %mul3A_2505 = vector.broadcast %mul3A_2504 : f32 to vector<16xf32>
      %mul3A_2506 = arith.mulf %mul3A_2505, %gather3A_2496 : vector<16xf32>
      %mul3A_2507 = arith.mulf %mul3A_2506, %sub3A_2497 : vector<16xf32>
      %div3A_2508 = arith.divf %sub3A_2497, %max3A_2500 : vector<16xf32>
      %sub3A_2509 = arith.constant 1.000000e+00 : f32
      %sub3A_2510 = vector.broadcast %sub3A_2509 : f32 to vector<16xf32>
      %sub3A_2511 = arith.subf %sub3A_2510, %div3A_2508 : vector<16xf32>
      %mul3A_2512 = arith.mulf %mul3A_2507, %sub3A_2511 : vector<16xf32>
      %sub3A_2513 = arith.subf %add3A_2503, %mul3A_2512 : vector<16xf32>
      %convert_element_type3A_2514 = arith.sitofp %add3A_2366 : vector<16xi32> to vector<16xf32>
      %mul3A_2515 = arith.mulf %convert_element_type3A_2514, %div3A_86 : vector<16xf32>
      %add3A_2516 = arith.addf %mul3A_2515, %get3A_81 : vector<16xf32>
      %eq3A_2517 = arith.constant 255 : i32
      %eq3A_2518 = vector.broadcast %eq3A_2517 : i32 to vector<16xi32>
      %eq3A_2519 = arith.cmpi eq, %add3A_2366, %eq3A_2518 : vector<16xi32>
      %add3A_2520 = arith.constant 1.000000e+00 : f32
      %add3A_2521 = vector.broadcast %add3A_2520 : f32 to vector<16xf32>
      %add3A_2522 = arith.addf %convert_element_type3A_2514, %add3A_2521 : vector<16xf32>
      %mul3A_2523 = arith.mulf %add3A_2522, %div3A_86 : vector<16xf32>
      %add3A_2524 = arith.addf %mul3A_2523, %get3A_81 : vector<16xf32>
      %jit3A_2525 = arith.constant 0.000000e+00 : f32
      %broadcast_in_dim3A_2526 = vector.broadcast %jit3A_2525 : f32 to vector<16xf32>
      %select_n3A_2527 = arith.select %eq3A_2519, %broadcast_in_dim3A_2526, %add3A_2524 : vector<16xi1>, vector<16xf32>
      %mul3A_2528 = arith.mulf %select_n3A_2527, %select_n3A_2527 : vector<16xf32>
      %jit3A_2529 = arith.constant 0.000000e+00 : f32
      %broadcast_in_dim3A_2530 = vector.broadcast %jit3A_2529 : f32 to vector<16xf32>
      %select_n3A_2531 = arith.select %eq3A_2519, %broadcast_in_dim3A_2530, %mul3A_2528 : vector<16xi1>, vector<16xf32>
      %sub3A_2532 = arith.subf %add3A_2516, %select_n3A_2527 : vector<16xf32>
      %mul3A_2533 = arith.mulf %sub3A_2513, %sub3A_2532 : vector<16xf32>
      %add3A_2534 = arith.addf %add3A_2345, %mul3A_2533 : vector<16xf32>
      %mul3A_2535 = arith.mulf %add3A_2516, %add3A_2516 : vector<16xf32>
      %sub3A_2536 = arith.subf %mul3A_2535, %select_n3A_2531 : vector<16xf32>
      %mul3A_2537 = arith.mulf %select_n3A_2372, %sub3A_2536 : vector<16xf32>
      %add3A_2538 = arith.addf %add3A_2349, %mul3A_2537 : vector<16xf32>
      %get3A_2539 = arith.constant 208 : index
      %get3A_2540 = tpu.vector_load %arg15[%get3A_2539] {strides = array<i32>} : memref<256xf32, #tpu.memory_space<vmem>>, vector<16xf32>,
      %div3A_2541 = arith.divf %get3A_2540, %max3A_80 : vector<16xf32>
      %mul3A_2542 = arith.constant 2.621440e+05 : f32
      %mul3A_2543 = vector.broadcast %mul3A_2542 : f32 to vector<16xf32>
      %mul3A_2544 = arith.mulf %div3A_2541, %mul3A_2543 : vector<16xf32>
      %convert_element_type3A_2545 = arith.fptosi %mul3A_2544 : vector<16xf32> to vector<16xi32>
      %convert_element_type3A_2546 = arith.sitofp %convert_element_type3A_2545 : vector<16xi32> to vector<16xf32>
      %jit3A_2547 = arith.constant 0.000000e+00 : f32
      %jit3A_2548 = arith.constant 2.621440e+05 : f32
      %max3A_2549 = vector.broadcast %jit3A_2547 : f32 to vector<16xf32>
      %max3A_2550 = arith.maximumf %max3A_2549, %convert_element_type3A_2546 : vector<16xf32>
      %min3A_2551 = vector.broadcast %jit3A_2548 : f32 to vector<16xf32>
      %min3A_2552 = arith.minimumf %min3A_2551, %max3A_2550 : vector<16xf32>
      %add3A_2553 = arith.constant 208 : i32
      %add3A_2554 = vector.broadcast %add3A_2553 : i32 to vector<16xi32>
      %add3A_2555 = arith.addi %iota3A_4, %add3A_2554 : vector<16xi32>
      %eq3A_2556 = arith.constant 255 : i32
      %eq3A_2557 = vector.broadcast %eq3A_2556 : i32 to vector<16xi32>
      %eq3A_2558 = arith.cmpi eq, %add3A_2555, %eq3A_2557 : vector<16xi32>
      %jit3A_2559 = arith.constant 2.621440e+05 : f32
      %broadcast_in_dim3A_2560 = vector.broadcast %jit3A_2559 : f32 to vector<16xf32>
      %select_n3A_2561 = arith.select %eq3A_2558, %broadcast_in_dim3A_2560, %min3A_2552 : vector<16xi1>, vector<16xf32>
      %broadcast_in_dim3A_2562 = arith.constant 0 : i32
      %broadcast_in_dim3A_2563 = vector.broadcast %broadcast_in_dim3A_2562 : i32 to vector<16xi32>
      %add3A_2564 = arith.constant 1023 : i32
      %add3A_2565 = vector.broadcast %add3A_2564 : i32 to vector<16xi32>
      %add3A_2566 = arith.addi %broadcast_in_dim3A_2563, %add3A_2565 : vector<16xi32>
      %gather3A_2567 = tpu.vector_load_idx %arg13[%add3A_2566] : memref<2048xf32, #tpu.memory_space<vmem>>[vector<16xi32>], vector<16xf32>,
      %lt3A_2568 = arith.cmpf olt, %gather3A_2567, %select_n3A_2561 : vector<16xf32>
      %add3A_2569 = arith.constant 1024 : i32
      %add3A_2570 = vector.broadcast %add3A_2569 : i32 to vector<16xi32>
      %add3A_2571 = arith.addi %broadcast_in_dim3A_2563, %add3A_2570 : vector<16xi32>
      %select_n3A_2572 = arith.select %lt3A_2568, %add3A_2571, %broadcast_in_dim3A_2563 : vector<16xi1>, vector<16xi32>
      %add3A_2573 = arith.constant 511 : i32
      %add3A_2574 = vector.broadcast %add3A_2573 : i32 to vector<16xi32>
      %add3A_2575 = arith.addi %select_n3A_2572, %add3A_2574 : vector<16xi32>
      %gather3A_2576 = tpu.vector_load_idx %arg13[%add3A_2575] : memref<2048xf32, #tpu.memory_space<vmem>>[vector<16xi32>], vector<16xf32>,
      %lt3A_2577 = arith.cmpf olt, %gather3A_2576, %select_n3A_2561 : vector<16xf32>
      %add3A_2578 = arith.constant 512 : i32
      %add3A_2579 = vector.broadcast %add3A_2578 : i32 to vector<16xi32>
      %add3A_2580 = arith.addi %select_n3A_2572, %add3A_2579 : vector<16xi32>
      %select_n3A_2581 = arith.select %lt3A_2577, %add3A_2580, %select_n3A_2572 : vector<16xi1>, vector<16xi32>
      %add3A_2582 = arith.constant 255 : i32
      %add3A_2583 = vector.broadcast %add3A_2582 : i32 to vector<16xi32>
      %add3A_2584 = arith.addi %select_n3A_2581, %add3A_2583 : vector<16xi32>
      %gather3A_2585 = tpu.vector_load_idx %arg13[%add3A_2584] : memref<2048xf32, #tpu.memory_space<vmem>>[vector<16xi32>], vector<16xf32>,
      %lt3A_2586 = arith.cmpf olt, %gather3A_2585, %select_n3A_2561 : vector<16xf32>
      %add3A_2587 = arith.constant 256 : i32
      %add3A_2588 = vector.broadcast %add3A_2587 : i32 to vector<16xi32>
      %add3A_2589 = arith.addi %select_n3A_2581, %add3A_2588 : vector<16xi32>
      %select_n3A_2590 = arith.select %lt3A_2586, %add3A_2589, %select_n3A_2581 : vector<16xi1>, vector<16xi32>
      %add3A_2591 = arith.constant 127 : i32
      %add3A_2592 = vector.broadcast %add3A_2591 : i32 to vector<16xi32>
      %add3A_2593 = arith.addi %select_n3A_2590, %add3A_2592 : vector<16xi32>
      %gather3A_2594 = tpu.vector_load_idx %arg13[%add3A_2593] : memref<2048xf32, #tpu.memory_space<vmem>>[vector<16xi32>], vector<16xf32>,
      %lt3A_2595 = arith.cmpf olt, %gather3A_2594, %select_n3A_2561 : vector<16xf32>
      %add3A_2596 = arith.constant 128 : i32
      %add3A_2597 = vector.broadcast %add3A_2596 : i32 to vector<16xi32>
      %add3A_2598 = arith.addi %select_n3A_2590, %add3A_2597 : vector<16xi32>
      %select_n3A_2599 = arith.select %lt3A_2595, %add3A_2598, %select_n3A_2590 : vector<16xi1>, vector<16xi32>
      %add3A_2600 = arith.constant 63 : i32
      %add3A_2601 = vector.broadcast %add3A_2600 : i32 to vector<16xi32>
      %add3A_2602 = arith.addi %select_n3A_2599, %add3A_2601 : vector<16xi32>
      %gather3A_2603 = tpu.vector_load_idx %arg13[%add3A_2602] : memref<2048xf32, #tpu.memory_space<vmem>>[vector<16xi32>], vector<16xf32>,
      %lt3A_2604 = arith.cmpf olt, %gather3A_2603, %select_n3A_2561 : vector<16xf32>
      %add3A_2605 = arith.constant 64 : i32
      %add3A_2606 = vector.broadcast %add3A_2605 : i32 to vector<16xi32>
      %add3A_2607 = arith.addi %select_n3A_2599, %add3A_2606 : vector<16xi32>
      %select_n3A_2608 = arith.select %lt3A_2604, %add3A_2607, %select_n3A_2599 : vector<16xi1>, vector<16xi32>
      %add3A_2609 = arith.constant 31 : i32
      %add3A_2610 = vector.broadcast %add3A_2609 : i32 to vector<16xi32>
      %add3A_2611 = arith.addi %select_n3A_2608, %add3A_2610 : vector<16xi32>
      %gather3A_2612 = tpu.vector_load_idx %arg13[%add3A_2611] : memref<2048xf32, #tpu.memory_space<vmem>>[vector<16xi32>], vector<16xf32>,
      %lt3A_2613 = arith.cmpf olt, %gather3A_2612, %select_n3A_2561 : vector<16xf32>
      %add3A_2614 = arith.constant 32 : i32
      %add3A_2615 = vector.broadcast %add3A_2614 : i32 to vector<16xi32>
      %add3A_2616 = arith.addi %select_n3A_2608, %add3A_2615 : vector<16xi32>
      %select_n3A_2617 = arith.select %lt3A_2613, %add3A_2616, %select_n3A_2608 : vector<16xi1>, vector<16xi32>
      %add3A_2618 = arith.constant 15 : i32
      %add3A_2619 = vector.broadcast %add3A_2618 : i32 to vector<16xi32>
      %add3A_2620 = arith.addi %select_n3A_2617, %add3A_2619 : vector<16xi32>
      %gather3A_2621 = tpu.vector_load_idx %arg13[%add3A_2620] : memref<2048xf32, #tpu.memory_space<vmem>>[vector<16xi32>], vector<16xf32>,
      %lt3A_2622 = arith.cmpf olt, %gather3A_2621, %select_n3A_2561 : vector<16xf32>
      %add3A_2623 = arith.constant 16 : i32
      %add3A_2624 = vector.broadcast %add3A_2623 : i32 to vector<16xi32>
      %add3A_2625 = arith.addi %select_n3A_2617, %add3A_2624 : vector<16xi32>
      %select_n3A_2626 = arith.select %lt3A_2622, %add3A_2625, %select_n3A_2617 : vector<16xi1>, vector<16xi32>
      %add3A_2627 = arith.constant 7 : i32
      %add3A_2628 = vector.broadcast %add3A_2627 : i32 to vector<16xi32>
      %add3A_2629 = arith.addi %select_n3A_2626, %add3A_2628 : vector<16xi32>
      %gather3A_2630 = tpu.vector_load_idx %arg13[%add3A_2629] : memref<2048xf32, #tpu.memory_space<vmem>>[vector<16xi32>], vector<16xf32>,
      %lt3A_2631 = arith.cmpf olt, %gather3A_2630, %select_n3A_2561 : vector<16xf32>
      %add3A_2632 = arith.constant 8 : i32
      %add3A_2633 = vector.broadcast %add3A_2632 : i32 to vector<16xi32>
      %add3A_2634 = arith.addi %select_n3A_2626, %add3A_2633 : vector<16xi32>
      %select_n3A_2635 = arith.select %lt3A_2631, %add3A_2634, %select_n3A_2626 : vector<16xi1>, vector<16xi32>
      %add3A_2636 = arith.constant 3 : i32
      %add3A_2637 = vector.broadcast %add3A_2636 : i32 to vector<16xi32>
      %add3A_2638 = arith.addi %select_n3A_2635, %add3A_2637 : vector<16xi32>
      %gather3A_2639 = tpu.vector_load_idx %arg13[%add3A_2638] : memref<2048xf32, #tpu.memory_space<vmem>>[vector<16xi32>], vector<16xf32>,
      %lt3A_2640 = arith.cmpf olt, %gather3A_2639, %select_n3A_2561 : vector<16xf32>
      %add3A_2641 = arith.constant 4 : i32
      %add3A_2642 = vector.broadcast %add3A_2641 : i32 to vector<16xi32>
      %add3A_2643 = arith.addi %select_n3A_2635, %add3A_2642 : vector<16xi32>
      %select_n3A_2644 = arith.select %lt3A_2640, %add3A_2643, %select_n3A_2635 : vector<16xi1>, vector<16xi32>
      %add3A_2645 = arith.constant 1 : i32
      %add3A_2646 = vector.broadcast %add3A_2645 : i32 to vector<16xi32>
      %add3A_2647 = arith.addi %select_n3A_2644, %add3A_2646 : vector<16xi32>
      %gather3A_2648 = tpu.vector_load_idx %arg13[%add3A_2647] : memref<2048xf32, #tpu.memory_space<vmem>>[vector<16xi32>], vector<16xf32>,
      %lt3A_2649 = arith.cmpf olt, %gather3A_2648, %select_n3A_2561 : vector<16xf32>
      %add3A_2650 = arith.constant 2 : i32
      %add3A_2651 = vector.broadcast %add3A_2650 : i32 to vector<16xi32>
      %add3A_2652 = arith.addi %select_n3A_2644, %add3A_2651 : vector<16xi32>
      %select_n3A_2653 = arith.select %lt3A_2649, %add3A_2652, %select_n3A_2644 : vector<16xi1>, vector<16xi32>
      %add3A_2654 = arith.constant 0 : i32
      %add3A_2655 = vector.broadcast %add3A_2654 : i32 to vector<16xi32>
      %add3A_2656 = arith.addi %select_n3A_2653, %add3A_2655 : vector<16xi32>
      %gather3A_2657 = tpu.vector_load_idx %arg13[%add3A_2656] : memref<2048xf32, #tpu.memory_space<vmem>>[vector<16xi32>], vector<16xf32>,
      %lt3A_2658 = arith.cmpf olt, %gather3A_2657, %select_n3A_2561 : vector<16xf32>
      %add3A_2659 = arith.constant 1 : i32
      %add3A_2660 = vector.broadcast %add3A_2659 : i32 to vector<16xi32>
      %add3A_2661 = arith.addi %select_n3A_2653, %add3A_2660 : vector<16xi32>
      %select_n3A_2662 = arith.select %lt3A_2658, %add3A_2661, %select_n3A_2653 : vector<16xi1>, vector<16xi32>
      %sub3A_2663 = arith.constant 1 : i32
      %sub3A_2664 = vector.broadcast %sub3A_2663 : i32 to vector<16xi32>
      %sub3A_2665 = arith.subi %select_n3A_2662, %sub3A_2664 : vector<16xi32>
      %max3A_2666 = arith.constant 0 : i32
      %max3A_2667 = vector.broadcast %max3A_2666 : i32 to vector<16xi32>
      %max3A_2668 = arith.maxsi %sub3A_2665, %max3A_2667 : vector<16xi32>
      %eq3A_2669 = arith.constant 0 : i32
      %eq3A_2670 = vector.broadcast %eq3A_2669 : i32 to vector<16xi32>
      %eq3A_2671 = arith.cmpi eq, %select_n3A_2662, %eq3A_2670 : vector<16xi32>
      %gather3A_2672 = tpu.vector_load_idx %arg13[%max3A_2668] : memref<2048xf32, #tpu.memory_space<vmem>>[vector<16xi32>], vector<16xf32>,
      %jit3A_2673 = arith.constant 0.000000e+00 : f32
      %broadcast_in_dim3A_2674 = vector.broadcast %jit3A_2673 : f32 to vector<16xf32>
      %select_n3A_2675 = arith.select %eq3A_2671, %broadcast_in_dim3A_2674, %gather3A_2672 : vector<16xi1>, vector<16xf32>
      %gather3A_2676 = tpu.vector_load_idx %arg14[%max3A_2668] : memref<2048xf32, #tpu.memory_space<vmem>>[vector<16xi32>], vector<16xf32>,
      %jit3A_2677 = arith.constant 0.000000e+00 : f32
      %broadcast_in_dim3A_2678 = vector.broadcast %jit3A_2677 : f32 to vector<16xf32>
      %select_n3A_2679 = arith.select %eq3A_2671, %broadcast_in_dim3A_2678, %gather3A_2676 : vector<16xi1>, vector<16xf32>
      %gather3A_2680 = tpu.vector_load_idx %arg12[%select_n3A_2662] : memref<4096xf32, #tpu.memory_space<vmem>>[vector<16xi32>], vector<16xf32>,
      %add3A_2681 = arith.constant 2048 : i32
      %add3A_2682 = vector.broadcast %add3A_2681 : i32 to vector<16xi32>
      %add3A_2683 = arith.addi %select_n3A_2662, %add3A_2682 : vector<16xi32>
      %gather3A_2684 = tpu.vector_load_idx %arg12[%add3A_2683] : memref<4096xf32, #tpu.memory_space<vmem>>[vector<16xi32>], vector<16xf32>,
      %gather3A_2685 = tpu.vector_load_idx %arg18[%select_n3A_2662] : memref<2048xf32, #tpu.memory_space<vmem>>[vector<16xi32>], vector<16xf32>,
      %sub3A_2686 = arith.subf %select_n3A_2561, %select_n3A_2675 : vector<16xf32>
      %max3A_2687 = arith.constant 1.000000e+00 : f32
      %max3A_2688 = vector.broadcast %max3A_2687 : f32 to vector<16xf32>
      %max3A_2689 = arith.maximumf %gather3A_2680, %max3A_2688 : vector<16xf32>
      %div3A_2690 = arith.divf %gather3A_2684, %max3A_2689 : vector<16xf32>
      %mul3A_2691 = arith.mulf %sub3A_2686, %div3A_2690 : vector<16xf32>
      %add3A_2692 = arith.addf %select_n3A_2679, %mul3A_2691 : vector<16xf32>
      %mul3A_2693 = arith.constant 5.000000e-01 : f32
      %mul3A_2694 = vector.broadcast %mul3A_2693 : f32 to vector<16xf32>
      %mul3A_2695 = arith.mulf %mul3A_2694, %gather3A_2685 : vector<16xf32>
      %mul3A_2696 = arith.mulf %mul3A_2695, %sub3A_2686 : vector<16xf32>
      %div3A_2697 = arith.divf %sub3A_2686, %max3A_2689 : vector<16xf32>
      %sub3A_2698 = arith.constant 1.000000e+00 : f32
      %sub3A_2699 = vector.broadcast %sub3A_2698 : f32 to vector<16xf32>
      %sub3A_2700 = arith.subf %sub3A_2699, %div3A_2697 : vector<16xf32>
      %mul3A_2701 = arith.mulf %mul3A_2696, %sub3A_2700 : vector<16xf32>
      %sub3A_2702 = arith.subf %add3A_2692, %mul3A_2701 : vector<16xf32>
      %convert_element_type3A_2703 = arith.sitofp %add3A_2555 : vector<16xi32> to vector<16xf32>
      %mul3A_2704 = arith.mulf %convert_element_type3A_2703, %div3A_86 : vector<16xf32>
      %add3A_2705 = arith.addf %mul3A_2704, %get3A_81 : vector<16xf32>
      %eq3A_2706 = arith.constant 255 : i32
      %eq3A_2707 = vector.broadcast %eq3A_2706 : i32 to vector<16xi32>
      %eq3A_2708 = arith.cmpi eq, %add3A_2555, %eq3A_2707 : vector<16xi32>
      %add3A_2709 = arith.constant 1.000000e+00 : f32
      %add3A_2710 = vector.broadcast %add3A_2709 : f32 to vector<16xf32>
      %add3A_2711 = arith.addf %convert_element_type3A_2703, %add3A_2710 : vector<16xf32>
      %mul3A_2712 = arith.mulf %add3A_2711, %div3A_86 : vector<16xf32>
      %add3A_2713 = arith.addf %mul3A_2712, %get3A_81 : vector<16xf32>
      %jit3A_2714 = arith.constant 0.000000e+00 : f32
      %broadcast_in_dim3A_2715 = vector.broadcast %jit3A_2714 : f32 to vector<16xf32>
      %select_n3A_2716 = arith.select %eq3A_2708, %broadcast_in_dim3A_2715, %add3A_2713 : vector<16xi1>, vector<16xf32>
      %mul3A_2717 = arith.mulf %select_n3A_2716, %select_n3A_2716 : vector<16xf32>
      %jit3A_2718 = arith.constant 0.000000e+00 : f32
      %broadcast_in_dim3A_2719 = vector.broadcast %jit3A_2718 : f32 to vector<16xf32>
      %select_n3A_2720 = arith.select %eq3A_2708, %broadcast_in_dim3A_2719, %mul3A_2717 : vector<16xi1>, vector<16xf32>
      %sub3A_2721 = arith.subf %add3A_2705, %select_n3A_2716 : vector<16xf32>
      %mul3A_2722 = arith.mulf %sub3A_2702, %sub3A_2721 : vector<16xf32>
      %add3A_2723 = arith.addf %add3A_2534, %mul3A_2722 : vector<16xf32>
      %mul3A_2724 = arith.mulf %add3A_2705, %add3A_2705 : vector<16xf32>
      %sub3A_2725 = arith.subf %mul3A_2724, %select_n3A_2720 : vector<16xf32>
      %mul3A_2726 = arith.mulf %select_n3A_2561, %sub3A_2725 : vector<16xf32>
      %add3A_2727 = arith.addf %add3A_2538, %mul3A_2726 : vector<16xf32>
      %get3A_2728 = arith.constant 224 : index
      %get3A_2729 = tpu.vector_load %arg15[%get3A_2728] {strides = array<i32>} : memref<256xf32, #tpu.memory_space<vmem>>, vector<16xf32>,
      %div3A_2730 = arith.divf %get3A_2729, %max3A_80 : vector<16xf32>
      %mul3A_2731 = arith.constant 2.621440e+05 : f32
      %mul3A_2732 = vector.broadcast %mul3A_2731 : f32 to vector<16xf32>
      %mul3A_2733 = arith.mulf %div3A_2730, %mul3A_2732 : vector<16xf32>
      %convert_element_type3A_2734 = arith.fptosi %mul3A_2733 : vector<16xf32> to vector<16xi32>
      %convert_element_type3A_2735 = arith.sitofp %convert_element_type3A_2734 : vector<16xi32> to vector<16xf32>
      %jit3A_2736 = arith.constant 0.000000e+00 : f32
      %jit3A_2737 = arith.constant 2.621440e+05 : f32
      %max3A_2738 = vector.broadcast %jit3A_2736 : f32 to vector<16xf32>
      %max3A_2739 = arith.maximumf %max3A_2738, %convert_element_type3A_2735 : vector<16xf32>
      %min3A_2740 = vector.broadcast %jit3A_2737 : f32 to vector<16xf32>
      %min3A_2741 = arith.minimumf %min3A_2740, %max3A_2739 : vector<16xf32>
      %add3A_2742 = arith.constant 224 : i32
      %add3A_2743 = vector.broadcast %add3A_2742 : i32 to vector<16xi32>
      %add3A_2744 = arith.addi %iota3A_4, %add3A_2743 : vector<16xi32>
      %eq3A_2745 = arith.constant 255 : i32
      %eq3A_2746 = vector.broadcast %eq3A_2745 : i32 to vector<16xi32>
      %eq3A_2747 = arith.cmpi eq, %add3A_2744, %eq3A_2746 : vector<16xi32>
      %jit3A_2748 = arith.constant 2.621440e+05 : f32
      %broadcast_in_dim3A_2749 = vector.broadcast %jit3A_2748 : f32 to vector<16xf32>
      %select_n3A_2750 = arith.select %eq3A_2747, %broadcast_in_dim3A_2749, %min3A_2741 : vector<16xi1>, vector<16xf32>
      %broadcast_in_dim3A_2751 = arith.constant 0 : i32
      %broadcast_in_dim3A_2752 = vector.broadcast %broadcast_in_dim3A_2751 : i32 to vector<16xi32>
      %add3A_2753 = arith.constant 1023 : i32
      %add3A_2754 = vector.broadcast %add3A_2753 : i32 to vector<16xi32>
      %add3A_2755 = arith.addi %broadcast_in_dim3A_2752, %add3A_2754 : vector<16xi32>
      %gather3A_2756 = tpu.vector_load_idx %arg13[%add3A_2755] : memref<2048xf32, #tpu.memory_space<vmem>>[vector<16xi32>], vector<16xf32>,
      %lt3A_2757 = arith.cmpf olt, %gather3A_2756, %select_n3A_2750 : vector<16xf32>
      %add3A_2758 = arith.constant 1024 : i32
      %add3A_2759 = vector.broadcast %add3A_2758 : i32 to vector<16xi32>
      %add3A_2760 = arith.addi %broadcast_in_dim3A_2752, %add3A_2759 : vector<16xi32>
      %select_n3A_2761 = arith.select %lt3A_2757, %add3A_2760, %broadcast_in_dim3A_2752 : vector<16xi1>, vector<16xi32>
      %add3A_2762 = arith.constant 511 : i32
      %add3A_2763 = vector.broadcast %add3A_2762 : i32 to vector<16xi32>
      %add3A_2764 = arith.addi %select_n3A_2761, %add3A_2763 : vector<16xi32>
      %gather3A_2765 = tpu.vector_load_idx %arg13[%add3A_2764] : memref<2048xf32, #tpu.memory_space<vmem>>[vector<16xi32>], vector<16xf32>,
      %lt3A_2766 = arith.cmpf olt, %gather3A_2765, %select_n3A_2750 : vector<16xf32>
      %add3A_2767 = arith.constant 512 : i32
      %add3A_2768 = vector.broadcast %add3A_2767 : i32 to vector<16xi32>
      %add3A_2769 = arith.addi %select_n3A_2761, %add3A_2768 : vector<16xi32>
      %select_n3A_2770 = arith.select %lt3A_2766, %add3A_2769, %select_n3A_2761 : vector<16xi1>, vector<16xi32>
      %add3A_2771 = arith.constant 255 : i32
      %add3A_2772 = vector.broadcast %add3A_2771 : i32 to vector<16xi32>
      %add3A_2773 = arith.addi %select_n3A_2770, %add3A_2772 : vector<16xi32>
      %gather3A_2774 = tpu.vector_load_idx %arg13[%add3A_2773] : memref<2048xf32, #tpu.memory_space<vmem>>[vector<16xi32>], vector<16xf32>,
      %lt3A_2775 = arith.cmpf olt, %gather3A_2774, %select_n3A_2750 : vector<16xf32>
      %add3A_2776 = arith.constant 256 : i32
      %add3A_2777 = vector.broadcast %add3A_2776 : i32 to vector<16xi32>
      %add3A_2778 = arith.addi %select_n3A_2770, %add3A_2777 : vector<16xi32>
      %select_n3A_2779 = arith.select %lt3A_2775, %add3A_2778, %select_n3A_2770 : vector<16xi1>, vector<16xi32>
      %add3A_2780 = arith.constant 127 : i32
      %add3A_2781 = vector.broadcast %add3A_2780 : i32 to vector<16xi32>
      %add3A_2782 = arith.addi %select_n3A_2779, %add3A_2781 : vector<16xi32>
      %gather3A_2783 = tpu.vector_load_idx %arg13[%add3A_2782] : memref<2048xf32, #tpu.memory_space<vmem>>[vector<16xi32>], vector<16xf32>,
      %lt3A_2784 = arith.cmpf olt, %gather3A_2783, %select_n3A_2750 : vector<16xf32>
      %add3A_2785 = arith.constant 128 : i32
      %add3A_2786 = vector.broadcast %add3A_2785 : i32 to vector<16xi32>
      %add3A_2787 = arith.addi %select_n3A_2779, %add3A_2786 : vector<16xi32>
      %select_n3A_2788 = arith.select %lt3A_2784, %add3A_2787, %select_n3A_2779 : vector<16xi1>, vector<16xi32>
      %add3A_2789 = arith.constant 63 : i32
      %add3A_2790 = vector.broadcast %add3A_2789 : i32 to vector<16xi32>
      %add3A_2791 = arith.addi %select_n3A_2788, %add3A_2790 : vector<16xi32>
      %gather3A_2792 = tpu.vector_load_idx %arg13[%add3A_2791] : memref<2048xf32, #tpu.memory_space<vmem>>[vector<16xi32>], vector<16xf32>,
      %lt3A_2793 = arith.cmpf olt, %gather3A_2792, %select_n3A_2750 : vector<16xf32>
      %add3A_2794 = arith.constant 64 : i32
      %add3A_2795 = vector.broadcast %add3A_2794 : i32 to vector<16xi32>
      %add3A_2796 = arith.addi %select_n3A_2788, %add3A_2795 : vector<16xi32>
      %select_n3A_2797 = arith.select %lt3A_2793, %add3A_2796, %select_n3A_2788 : vector<16xi1>, vector<16xi32>
      %add3A_2798 = arith.constant 31 : i32
      %add3A_2799 = vector.broadcast %add3A_2798 : i32 to vector<16xi32>
      %add3A_2800 = arith.addi %select_n3A_2797, %add3A_2799 : vector<16xi32>
      %gather3A_2801 = tpu.vector_load_idx %arg13[%add3A_2800] : memref<2048xf32, #tpu.memory_space<vmem>>[vector<16xi32>], vector<16xf32>,
      %lt3A_2802 = arith.cmpf olt, %gather3A_2801, %select_n3A_2750 : vector<16xf32>
      %add3A_2803 = arith.constant 32 : i32
      %add3A_2804 = vector.broadcast %add3A_2803 : i32 to vector<16xi32>
      %add3A_2805 = arith.addi %select_n3A_2797, %add3A_2804 : vector<16xi32>
      %select_n3A_2806 = arith.select %lt3A_2802, %add3A_2805, %select_n3A_2797 : vector<16xi1>, vector<16xi32>
      %add3A_2807 = arith.constant 15 : i32
      %add3A_2808 = vector.broadcast %add3A_2807 : i32 to vector<16xi32>
      %add3A_2809 = arith.addi %select_n3A_2806, %add3A_2808 : vector<16xi32>
      %gather3A_2810 = tpu.vector_load_idx %arg13[%add3A_2809] : memref<2048xf32, #tpu.memory_space<vmem>>[vector<16xi32>], vector<16xf32>,
      %lt3A_2811 = arith.cmpf olt, %gather3A_2810, %select_n3A_2750 : vector<16xf32>
      %add3A_2812 = arith.constant 16 : i32
      %add3A_2813 = vector.broadcast %add3A_2812 : i32 to vector<16xi32>
      %add3A_2814 = arith.addi %select_n3A_2806, %add3A_2813 : vector<16xi32>
      %select_n3A_2815 = arith.select %lt3A_2811, %add3A_2814, %select_n3A_2806 : vector<16xi1>, vector<16xi32>
      %add3A_2816 = arith.constant 7 : i32
      %add3A_2817 = vector.broadcast %add3A_2816 : i32 to vector<16xi32>
      %add3A_2818 = arith.addi %select_n3A_2815, %add3A_2817 : vector<16xi32>
      %gather3A_2819 = tpu.vector_load_idx %arg13[%add3A_2818] : memref<2048xf32, #tpu.memory_space<vmem>>[vector<16xi32>], vector<16xf32>,
      %lt3A_2820 = arith.cmpf olt, %gather3A_2819, %select_n3A_2750 : vector<16xf32>
      %add3A_2821 = arith.constant 8 : i32
      %add3A_2822 = vector.broadcast %add3A_2821 : i32 to vector<16xi32>
      %add3A_2823 = arith.addi %select_n3A_2815, %add3A_2822 : vector<16xi32>
      %select_n3A_2824 = arith.select %lt3A_2820, %add3A_2823, %select_n3A_2815 : vector<16xi1>, vector<16xi32>
      %add3A_2825 = arith.constant 3 : i32
      %add3A_2826 = vector.broadcast %add3A_2825 : i32 to vector<16xi32>
      %add3A_2827 = arith.addi %select_n3A_2824, %add3A_2826 : vector<16xi32>
      %gather3A_2828 = tpu.vector_load_idx %arg13[%add3A_2827] : memref<2048xf32, #tpu.memory_space<vmem>>[vector<16xi32>], vector<16xf32>,
      %lt3A_2829 = arith.cmpf olt, %gather3A_2828, %select_n3A_2750 : vector<16xf32>
      %add3A_2830 = arith.constant 4 : i32
      %add3A_2831 = vector.broadcast %add3A_2830 : i32 to vector<16xi32>
      %add3A_2832 = arith.addi %select_n3A_2824, %add3A_2831 : vector<16xi32>
      %select_n3A_2833 = arith.select %lt3A_2829, %add3A_2832, %select_n3A_2824 : vector<16xi1>, vector<16xi32>
      %add3A_2834 = arith.constant 1 : i32
      %add3A_2835 = vector.broadcast %add3A_2834 : i32 to vector<16xi32>
      %add3A_2836 = arith.addi %select_n3A_2833, %add3A_2835 : vector<16xi32>
      %gather3A_2837 = tpu.vector_load_idx %arg13[%add3A_2836] : memref<2048xf32, #tpu.memory_space<vmem>>[vector<16xi32>], vector<16xf32>,
      %lt3A_2838 = arith.cmpf olt, %gather3A_2837, %select_n3A_2750 : vector<16xf32>
      %add3A_2839 = arith.constant 2 : i32
      %add3A_2840 = vector.broadcast %add3A_2839 : i32 to vector<16xi32>
      %add3A_2841 = arith.addi %select_n3A_2833, %add3A_2840 : vector<16xi32>
      %select_n3A_2842 = arith.select %lt3A_2838, %add3A_2841, %select_n3A_2833 : vector<16xi1>, vector<16xi32>
      %add3A_2843 = arith.constant 0 : i32
      %add3A_2844 = vector.broadcast %add3A_2843 : i32 to vector<16xi32>
      %add3A_2845 = arith.addi %select_n3A_2842, %add3A_2844 : vector<16xi32>
      %gather3A_2846 = tpu.vector_load_idx %arg13[%add3A_2845] : memref<2048xf32, #tpu.memory_space<vmem>>[vector<16xi32>], vector<16xf32>,
      %lt3A_2847 = arith.cmpf olt, %gather3A_2846, %select_n3A_2750 : vector<16xf32>
      %add3A_2848 = arith.constant 1 : i32
      %add3A_2849 = vector.broadcast %add3A_2848 : i32 to vector<16xi32>
      %add3A_2850 = arith.addi %select_n3A_2842, %add3A_2849 : vector<16xi32>
      %select_n3A_2851 = arith.select %lt3A_2847, %add3A_2850, %select_n3A_2842 : vector<16xi1>, vector<16xi32>
      %sub3A_2852 = arith.constant 1 : i32
      %sub3A_2853 = vector.broadcast %sub3A_2852 : i32 to vector<16xi32>
      %sub3A_2854 = arith.subi %select_n3A_2851, %sub3A_2853 : vector<16xi32>
      %max3A_2855 = arith.constant 0 : i32
      %max3A_2856 = vector.broadcast %max3A_2855 : i32 to vector<16xi32>
      %max3A_2857 = arith.maxsi %sub3A_2854, %max3A_2856 : vector<16xi32>
      %eq3A_2858 = arith.constant 0 : i32
      %eq3A_2859 = vector.broadcast %eq3A_2858 : i32 to vector<16xi32>
      %eq3A_2860 = arith.cmpi eq, %select_n3A_2851, %eq3A_2859 : vector<16xi32>
      %gather3A_2861 = tpu.vector_load_idx %arg13[%max3A_2857] : memref<2048xf32, #tpu.memory_space<vmem>>[vector<16xi32>], vector<16xf32>,
      %jit3A_2862 = arith.constant 0.000000e+00 : f32
      %broadcast_in_dim3A_2863 = vector.broadcast %jit3A_2862 : f32 to vector<16xf32>
      %select_n3A_2864 = arith.select %eq3A_2860, %broadcast_in_dim3A_2863, %gather3A_2861 : vector<16xi1>, vector<16xf32>
      %gather3A_2865 = tpu.vector_load_idx %arg14[%max3A_2857] : memref<2048xf32, #tpu.memory_space<vmem>>[vector<16xi32>], vector<16xf32>,
      %jit3A_2866 = arith.constant 0.000000e+00 : f32
      %broadcast_in_dim3A_2867 = vector.broadcast %jit3A_2866 : f32 to vector<16xf32>
      %select_n3A_2868 = arith.select %eq3A_2860, %broadcast_in_dim3A_2867, %gather3A_2865 : vector<16xi1>, vector<16xf32>
      %gather3A_2869 = tpu.vector_load_idx %arg12[%select_n3A_2851] : memref<4096xf32, #tpu.memory_space<vmem>>[vector<16xi32>], vector<16xf32>,
      %add3A_2870 = arith.constant 2048 : i32
      %add3A_2871 = vector.broadcast %add3A_2870 : i32 to vector<16xi32>
      %add3A_2872 = arith.addi %select_n3A_2851, %add3A_2871 : vector<16xi32>
      %gather3A_2873 = tpu.vector_load_idx %arg12[%add3A_2872] : memref<4096xf32, #tpu.memory_space<vmem>>[vector<16xi32>], vector<16xf32>,
      %gather3A_2874 = tpu.vector_load_idx %arg18[%select_n3A_2851] : memref<2048xf32, #tpu.memory_space<vmem>>[vector<16xi32>], vector<16xf32>,
      %sub3A_2875 = arith.subf %select_n3A_2750, %select_n3A_2864 : vector<16xf32>
      %max3A_2876 = arith.constant 1.000000e+00 : f32
      %max3A_2877 = vector.broadcast %max3A_2876 : f32 to vector<16xf32>
      %max3A_2878 = arith.maximumf %gather3A_2869, %max3A_2877 : vector<16xf32>
      %div3A_2879 = arith.divf %gather3A_2873, %max3A_2878 : vector<16xf32>
      %mul3A_2880 = arith.mulf %sub3A_2875, %div3A_2879 : vector<16xf32>
      %add3A_2881 = arith.addf %select_n3A_2868, %mul3A_2880 : vector<16xf32>
      %mul3A_2882 = arith.constant 5.000000e-01 : f32
      %mul3A_2883 = vector.broadcast %mul3A_2882 : f32 to vector<16xf32>
      %mul3A_2884 = arith.mulf %mul3A_2883, %gather3A_2874 : vector<16xf32>
      %mul3A_2885 = arith.mulf %mul3A_2884, %sub3A_2875 : vector<16xf32>
      %div3A_2886 = arith.divf %sub3A_2875, %max3A_2878 : vector<16xf32>
      %sub3A_2887 = arith.constant 1.000000e+00 : f32
      %sub3A_2888 = vector.broadcast %sub3A_2887 : f32 to vector<16xf32>
      %sub3A_2889 = arith.subf %sub3A_2888, %div3A_2886 : vector<16xf32>
      %mul3A_2890 = arith.mulf %mul3A_2885, %sub3A_2889 : vector<16xf32>
      %sub3A_2891 = arith.subf %add3A_2881, %mul3A_2890 : vector<16xf32>
      %convert_element_type3A_2892 = arith.sitofp %add3A_2744 : vector<16xi32> to vector<16xf32>
      %mul3A_2893 = arith.mulf %convert_element_type3A_2892, %div3A_86 : vector<16xf32>
      %add3A_2894 = arith.addf %mul3A_2893, %get3A_81 : vector<16xf32>
      %eq3A_2895 = arith.constant 255 : i32
      %eq3A_2896 = vector.broadcast %eq3A_2895 : i32 to vector<16xi32>
      %eq3A_2897 = arith.cmpi eq, %add3A_2744, %eq3A_2896 : vector<16xi32>
      %add3A_2898 = arith.constant 1.000000e+00 : f32
      %add3A_2899 = vector.broadcast %add3A_2898 : f32 to vector<16xf32>
      %add3A_2900 = arith.addf %convert_element_type3A_2892, %add3A_2899 : vector<16xf32>
      %mul3A_2901 = arith.mulf %add3A_2900, %div3A_86 : vector<16xf32>
      %add3A_2902 = arith.addf %mul3A_2901, %get3A_81 : vector<16xf32>
      %jit3A_2903 = arith.constant 0.000000e+00 : f32
      %broadcast_in_dim3A_2904 = vector.broadcast %jit3A_2903 : f32 to vector<16xf32>
      %select_n3A_2905 = arith.select %eq3A_2897, %broadcast_in_dim3A_2904, %add3A_2902 : vector<16xi1>, vector<16xf32>
      %mul3A_2906 = arith.mulf %select_n3A_2905, %select_n3A_2905 : vector<16xf32>
      %jit3A_2907 = arith.constant 0.000000e+00 : f32
      %broadcast_in_dim3A_2908 = vector.broadcast %jit3A_2907 : f32 to vector<16xf32>
      %select_n3A_2909 = arith.select %eq3A_2897, %broadcast_in_dim3A_2908, %mul3A_2906 : vector<16xi1>, vector<16xf32>
      %sub3A_2910 = arith.subf %add3A_2894, %select_n3A_2905 : vector<16xf32>
      %mul3A_2911 = arith.mulf %sub3A_2891, %sub3A_2910 : vector<16xf32>
      %add3A_2912 = arith.addf %add3A_2723, %mul3A_2911 : vector<16xf32>
      %mul3A_2913 = arith.mulf %add3A_2894, %add3A_2894 : vector<16xf32>
      %sub3A_2914 = arith.subf %mul3A_2913, %select_n3A_2909 : vector<16xf32>
      %mul3A_2915 = arith.mulf %select_n3A_2750, %sub3A_2914 : vector<16xf32>
      %add3A_2916 = arith.addf %add3A_2727, %mul3A_2915 : vector<16xf32>
      %get3A_2917 = arith.constant 240 : index
      %get3A_2918 = tpu.vector_load %arg15[%get3A_2917] {strides = array<i32>} : memref<256xf32, #tpu.memory_space<vmem>>, vector<16xf32>,
      %div3A_2919 = arith.divf %get3A_2918, %max3A_80 : vector<16xf32>
      %mul3A_2920 = arith.constant 2.621440e+05 : f32
      %mul3A_2921 = vector.broadcast %mul3A_2920 : f32 to vector<16xf32>
      %mul3A_2922 = arith.mulf %div3A_2919, %mul3A_2921 : vector<16xf32>
      %convert_element_type3A_2923 = arith.fptosi %mul3A_2922 : vector<16xf32> to vector<16xi32>
      %convert_element_type3A_2924 = arith.sitofp %convert_element_type3A_2923 : vector<16xi32> to vector<16xf32>
      %jit3A_2925 = arith.constant 0.000000e+00 : f32
      %jit3A_2926 = arith.constant 2.621440e+05 : f32
      %max3A_2927 = vector.broadcast %jit3A_2925 : f32 to vector<16xf32>
      %max3A_2928 = arith.maximumf %max3A_2927, %convert_element_type3A_2924 : vector<16xf32>
      %min3A_2929 = vector.broadcast %jit3A_2926 : f32 to vector<16xf32>
      %min3A_2930 = arith.minimumf %min3A_2929, %max3A_2928 : vector<16xf32>
      %add3A_2931 = arith.constant 240 : i32
      %add3A_2932 = vector.broadcast %add3A_2931 : i32 to vector<16xi32>
      %add3A_2933 = arith.addi %iota3A_4, %add3A_2932 : vector<16xi32>
      %eq3A_2934 = arith.constant 255 : i32
      %eq3A_2935 = vector.broadcast %eq3A_2934 : i32 to vector<16xi32>
      %eq3A_2936 = arith.cmpi eq, %add3A_2933, %eq3A_2935 : vector<16xi32>
      %jit3A_2937 = arith.constant 2.621440e+05 : f32
      %broadcast_in_dim3A_2938 = vector.broadcast %jit3A_2937 : f32 to vector<16xf32>
      %select_n3A_2939 = arith.select %eq3A_2936, %broadcast_in_dim3A_2938, %min3A_2930 : vector<16xi1>, vector<16xf32>
      %broadcast_in_dim3A_2940 = arith.constant 0 : i32
      %broadcast_in_dim3A_2941 = vector.broadcast %broadcast_in_dim3A_2940 : i32 to vector<16xi32>
      %add3A_2942 = arith.constant 1023 : i32
      %add3A_2943 = vector.broadcast %add3A_2942 : i32 to vector<16xi32>
      %add3A_2944 = arith.addi %broadcast_in_dim3A_2941, %add3A_2943 : vector<16xi32>
      %gather3A_2945 = tpu.vector_load_idx %arg13[%add3A_2944] : memref<2048xf32, #tpu.memory_space<vmem>>[vector<16xi32>], vector<16xf32>,
      %lt3A_2946 = arith.cmpf olt, %gather3A_2945, %select_n3A_2939 : vector<16xf32>
      %add3A_2947 = arith.constant 1024 : i32
      %add3A_2948 = vector.broadcast %add3A_2947 : i32 to vector<16xi32>
      %add3A_2949 = arith.addi %broadcast_in_dim3A_2941, %add3A_2948 : vector<16xi32>
      %select_n3A_2950 = arith.select %lt3A_2946, %add3A_2949, %broadcast_in_dim3A_2941 : vector<16xi1>, vector<16xi32>
      %add3A_2951 = arith.constant 511 : i32
      %add3A_2952 = vector.broadcast %add3A_2951 : i32 to vector<16xi32>
      %add3A_2953 = arith.addi %select_n3A_2950, %add3A_2952 : vector<16xi32>
      %gather3A_2954 = tpu.vector_load_idx %arg13[%add3A_2953] : memref<2048xf32, #tpu.memory_space<vmem>>[vector<16xi32>], vector<16xf32>,
      %lt3A_2955 = arith.cmpf olt, %gather3A_2954, %select_n3A_2939 : vector<16xf32>
      %add3A_2956 = arith.constant 512 : i32
      %add3A_2957 = vector.broadcast %add3A_2956 : i32 to vector<16xi32>
      %add3A_2958 = arith.addi %select_n3A_2950, %add3A_2957 : vector<16xi32>
      %select_n3A_2959 = arith.select %lt3A_2955, %add3A_2958, %select_n3A_2950 : vector<16xi1>, vector<16xi32>
      %add3A_2960 = arith.constant 255 : i32
      %add3A_2961 = vector.broadcast %add3A_2960 : i32 to vector<16xi32>
      %add3A_2962 = arith.addi %select_n3A_2959, %add3A_2961 : vector<16xi32>
      %gather3A_2963 = tpu.vector_load_idx %arg13[%add3A_2962] : memref<2048xf32, #tpu.memory_space<vmem>>[vector<16xi32>], vector<16xf32>,
      %lt3A_2964 = arith.cmpf olt, %gather3A_2963, %select_n3A_2939 : vector<16xf32>
      %add3A_2965 = arith.constant 256 : i32
      %add3A_2966 = vector.broadcast %add3A_2965 : i32 to vector<16xi32>
      %add3A_2967 = arith.addi %select_n3A_2959, %add3A_2966 : vector<16xi32>
      %select_n3A_2968 = arith.select %lt3A_2964, %add3A_2967, %select_n3A_2959 : vector<16xi1>, vector<16xi32>
      %add3A_2969 = arith.constant 127 : i32
      %add3A_2970 = vector.broadcast %add3A_2969 : i32 to vector<16xi32>
      %add3A_2971 = arith.addi %select_n3A_2968, %add3A_2970 : vector<16xi32>
      %gather3A_2972 = tpu.vector_load_idx %arg13[%add3A_2971] : memref<2048xf32, #tpu.memory_space<vmem>>[vector<16xi32>], vector<16xf32>,
      %lt3A_2973 = arith.cmpf olt, %gather3A_2972, %select_n3A_2939 : vector<16xf32>
      %add3A_2974 = arith.constant 128 : i32
      %add3A_2975 = vector.broadcast %add3A_2974 : i32 to vector<16xi32>
      %add3A_2976 = arith.addi %select_n3A_2968, %add3A_2975 : vector<16xi32>
      %select_n3A_2977 = arith.select %lt3A_2973, %add3A_2976, %select_n3A_2968 : vector<16xi1>, vector<16xi32>
      %add3A_2978 = arith.constant 63 : i32
      %add3A_2979 = vector.broadcast %add3A_2978 : i32 to vector<16xi32>
      %add3A_2980 = arith.addi %select_n3A_2977, %add3A_2979 : vector<16xi32>
      %gather3A_2981 = tpu.vector_load_idx %arg13[%add3A_2980] : memref<2048xf32, #tpu.memory_space<vmem>>[vector<16xi32>], vector<16xf32>,
      %lt3A_2982 = arith.cmpf olt, %gather3A_2981, %select_n3A_2939 : vector<16xf32>
      %add3A_2983 = arith.constant 64 : i32
      %add3A_2984 = vector.broadcast %add3A_2983 : i32 to vector<16xi32>
      %add3A_2985 = arith.addi %select_n3A_2977, %add3A_2984 : vector<16xi32>
      %select_n3A_2986 = arith.select %lt3A_2982, %add3A_2985, %select_n3A_2977 : vector<16xi1>, vector<16xi32>
      %add3A_2987 = arith.constant 31 : i32
      %add3A_2988 = vector.broadcast %add3A_2987 : i32 to vector<16xi32>
      %add3A_2989 = arith.addi %select_n3A_2986, %add3A_2988 : vector<16xi32>
      %gather3A_2990 = tpu.vector_load_idx %arg13[%add3A_2989] : memref<2048xf32, #tpu.memory_space<vmem>>[vector<16xi32>], vector<16xf32>,
      %lt3A_2991 = arith.cmpf olt, %gather3A_2990, %select_n3A_2939 : vector<16xf32>
      %add3A_2992 = arith.constant 32 : i32
      %add3A_2993 = vector.broadcast %add3A_2992 : i32 to vector<16xi32>
      %add3A_2994 = arith.addi %select_n3A_2986, %add3A_2993 : vector<16xi32>
      %select_n3A_2995 = arith.select %lt3A_2991, %add3A_2994, %select_n3A_2986 : vector<16xi1>, vector<16xi32>
      %add3A_2996 = arith.constant 15 : i32
      %add3A_2997 = vector.broadcast %add3A_2996 : i32 to vector<16xi32>
      %add3A_2998 = arith.addi %select_n3A_2995, %add3A_2997 : vector<16xi32>
      %gather3A_2999 = tpu.vector_load_idx %arg13[%add3A_2998] : memref<2048xf32, #tpu.memory_space<vmem>>[vector<16xi32>], vector<16xf32>,
      %lt3A_3000 = arith.cmpf olt, %gather3A_2999, %select_n3A_2939 : vector<16xf32>
      %add3A_3001 = arith.constant 16 : i32
      %add3A_3002 = vector.broadcast %add3A_3001 : i32 to vector<16xi32>
      %add3A_3003 = arith.addi %select_n3A_2995, %add3A_3002 : vector<16xi32>
      %select_n3A_3004 = arith.select %lt3A_3000, %add3A_3003, %select_n3A_2995 : vector<16xi1>, vector<16xi32>
      %add3A_3005 = arith.constant 7 : i32
      %add3A_3006 = vector.broadcast %add3A_3005 : i32 to vector<16xi32>
      %add3A_3007 = arith.addi %select_n3A_3004, %add3A_3006 : vector<16xi32>
      %gather3A_3008 = tpu.vector_load_idx %arg13[%add3A_3007] : memref<2048xf32, #tpu.memory_space<vmem>>[vector<16xi32>], vector<16xf32>,
      %lt3A_3009 = arith.cmpf olt, %gather3A_3008, %select_n3A_2939 : vector<16xf32>
      %add3A_3010 = arith.constant 8 : i32
      %add3A_3011 = vector.broadcast %add3A_3010 : i32 to vector<16xi32>
      %add3A_3012 = arith.addi %select_n3A_3004, %add3A_3011 : vector<16xi32>
      %select_n3A_3013 = arith.select %lt3A_3009, %add3A_3012, %select_n3A_3004 : vector<16xi1>, vector<16xi32>
      %add3A_3014 = arith.constant 3 : i32
      %add3A_3015 = vector.broadcast %add3A_3014 : i32 to vector<16xi32>
      %add3A_3016 = arith.addi %select_n3A_3013, %add3A_3015 : vector<16xi32>
      %gather3A_3017 = tpu.vector_load_idx %arg13[%add3A_3016] : memref<2048xf32, #tpu.memory_space<vmem>>[vector<16xi32>], vector<16xf32>,
      %lt3A_3018 = arith.cmpf olt, %gather3A_3017, %select_n3A_2939 : vector<16xf32>
      %add3A_3019 = arith.constant 4 : i32
      %add3A_3020 = vector.broadcast %add3A_3019 : i32 to vector<16xi32>
      %add3A_3021 = arith.addi %select_n3A_3013, %add3A_3020 : vector<16xi32>
      %select_n3A_3022 = arith.select %lt3A_3018, %add3A_3021, %select_n3A_3013 : vector<16xi1>, vector<16xi32>
      %add3A_3023 = arith.constant 1 : i32
      %add3A_3024 = vector.broadcast %add3A_3023 : i32 to vector<16xi32>
      %add3A_3025 = arith.addi %select_n3A_3022, %add3A_3024 : vector<16xi32>
      %gather3A_3026 = tpu.vector_load_idx %arg13[%add3A_3025] : memref<2048xf32, #tpu.memory_space<vmem>>[vector<16xi32>], vector<16xf32>,
      %lt3A_3027 = arith.cmpf olt, %gather3A_3026, %select_n3A_2939 : vector<16xf32>
      %add3A_3028 = arith.constant 2 : i32
      %add3A_3029 = vector.broadcast %add3A_3028 : i32 to vector<16xi32>
      %add3A_3030 = arith.addi %select_n3A_3022, %add3A_3029 : vector<16xi32>
      %select_n3A_3031 = arith.select %lt3A_3027, %add3A_3030, %select_n3A_3022 : vector<16xi1>, vector<16xi32>
      %add3A_3032 = arith.constant 0 : i32
      %add3A_3033 = vector.broadcast %add3A_3032 : i32 to vector<16xi32>
      %add3A_3034 = arith.addi %select_n3A_3031, %add3A_3033 : vector<16xi32>
      %gather3A_3035 = tpu.vector_load_idx %arg13[%add3A_3034] : memref<2048xf32, #tpu.memory_space<vmem>>[vector<16xi32>], vector<16xf32>,
      %lt3A_3036 = arith.cmpf olt, %gather3A_3035, %select_n3A_2939 : vector<16xf32>
      %add3A_3037 = arith.constant 1 : i32
      %add3A_3038 = vector.broadcast %add3A_3037 : i32 to vector<16xi32>
      %add3A_3039 = arith.addi %select_n3A_3031, %add3A_3038 : vector<16xi32>
      %select_n3A_3040 = arith.select %lt3A_3036, %add3A_3039, %select_n3A_3031 : vector<16xi1>, vector<16xi32>
      %sub3A_3041 = arith.constant 1 : i32
      %sub3A_3042 = vector.broadcast %sub3A_3041 : i32 to vector<16xi32>
      %sub3A_3043 = arith.subi %select_n3A_3040, %sub3A_3042 : vector<16xi32>
      %max3A_3044 = arith.constant 0 : i32
      %max3A_3045 = vector.broadcast %max3A_3044 : i32 to vector<16xi32>
      %max3A_3046 = arith.maxsi %sub3A_3043, %max3A_3045 : vector<16xi32>
      %eq3A_3047 = arith.constant 0 : i32
      %eq3A_3048 = vector.broadcast %eq3A_3047 : i32 to vector<16xi32>
      %eq3A_3049 = arith.cmpi eq, %select_n3A_3040, %eq3A_3048 : vector<16xi32>
      %gather3A_3050 = tpu.vector_load_idx %arg13[%max3A_3046] : memref<2048xf32, #tpu.memory_space<vmem>>[vector<16xi32>], vector<16xf32>,
      %jit3A_3051 = arith.constant 0.000000e+00 : f32
      %broadcast_in_dim3A_3052 = vector.broadcast %jit3A_3051 : f32 to vector<16xf32>
      %select_n3A_3053 = arith.select %eq3A_3049, %broadcast_in_dim3A_3052, %gather3A_3050 : vector<16xi1>, vector<16xf32>
      %gather3A_3054 = tpu.vector_load_idx %arg14[%max3A_3046] : memref<2048xf32, #tpu.memory_space<vmem>>[vector<16xi32>], vector<16xf32>,
      %jit3A_3055 = arith.constant 0.000000e+00 : f32
      %broadcast_in_dim3A_3056 = vector.broadcast %jit3A_3055 : f32 to vector<16xf32>
      %select_n3A_3057 = arith.select %eq3A_3049, %broadcast_in_dim3A_3056, %gather3A_3054 : vector<16xi1>, vector<16xf32>
      %gather3A_3058 = tpu.vector_load_idx %arg12[%select_n3A_3040] : memref<4096xf32, #tpu.memory_space<vmem>>[vector<16xi32>], vector<16xf32>,
      %add3A_3059 = arith.constant 2048 : i32
      %add3A_3060 = vector.broadcast %add3A_3059 : i32 to vector<16xi32>
      %add3A_3061 = arith.addi %select_n3A_3040, %add3A_3060 : vector<16xi32>
      %gather3A_3062 = tpu.vector_load_idx %arg12[%add3A_3061] : memref<4096xf32, #tpu.memory_space<vmem>>[vector<16xi32>], vector<16xf32>,
      %gather3A_3063 = tpu.vector_load_idx %arg18[%select_n3A_3040] : memref<2048xf32, #tpu.memory_space<vmem>>[vector<16xi32>], vector<16xf32>,
      %sub3A_3064 = arith.subf %select_n3A_2939, %select_n3A_3053 : vector<16xf32>
      %max3A_3065 = arith.constant 1.000000e+00 : f32
      %max3A_3066 = vector.broadcast %max3A_3065 : f32 to vector<16xf32>
      %max3A_3067 = arith.maximumf %gather3A_3058, %max3A_3066 : vector<16xf32>
      %div3A_3068 = arith.divf %gather3A_3062, %max3A_3067 : vector<16xf32>
      %mul3A_3069 = arith.mulf %sub3A_3064, %div3A_3068 : vector<16xf32>
      %add3A_3070 = arith.addf %select_n3A_3057, %mul3A_3069 : vector<16xf32>
      %mul3A_3071 = arith.constant 5.000000e-01 : f32
      %mul3A_3072 = vector.broadcast %mul3A_3071 : f32 to vector<16xf32>
      %mul3A_3073 = arith.mulf %mul3A_3072, %gather3A_3063 : vector<16xf32>
      %mul3A_3074 = arith.mulf %mul3A_3073, %sub3A_3064 : vector<16xf32>
      %div3A_3075 = arith.divf %sub3A_3064, %max3A_3067 : vector<16xf32>
      %sub3A_3076 = arith.constant 1.000000e+00 : f32
      %sub3A_3077 = vector.broadcast %sub3A_3076 : f32 to vector<16xf32>
      %sub3A_3078 = arith.subf %sub3A_3077, %div3A_3075 : vector<16xf32>
      %mul3A_3079 = arith.mulf %mul3A_3074, %sub3A_3078 : vector<16xf32>
      %sub3A_3080 = arith.subf %add3A_3070, %mul3A_3079 : vector<16xf32>
      %convert_element_type3A_3081 = arith.sitofp %add3A_2933 : vector<16xi32> to vector<16xf32>
      %mul3A_3082 = arith.mulf %convert_element_type3A_3081, %div3A_86 : vector<16xf32>
      %add3A_3083 = arith.addf %mul3A_3082, %get3A_81 : vector<16xf32>
      %eq3A_3084 = arith.constant 255 : i32
      %eq3A_3085 = vector.broadcast %eq3A_3084 : i32 to vector<16xi32>
      %eq3A_3086 = arith.cmpi eq, %add3A_2933, %eq3A_3085 : vector<16xi32>
      %add3A_3087 = arith.constant 1.000000e+00 : f32
      %add3A_3088 = vector.broadcast %add3A_3087 : f32 to vector<16xf32>
      %add3A_3089 = arith.addf %convert_element_type3A_3081, %add3A_3088 : vector<16xf32>
      %mul3A_3090 = arith.mulf %add3A_3089, %div3A_86 : vector<16xf32>
      %add3A_3091 = arith.addf %mul3A_3090, %get3A_81 : vector<16xf32>
      %jit3A_3092 = arith.constant 0.000000e+00 : f32
      %broadcast_in_dim3A_3093 = vector.broadcast %jit3A_3092 : f32 to vector<16xf32>
      %select_n3A_3094 = arith.select %eq3A_3086, %broadcast_in_dim3A_3093, %add3A_3091 : vector<16xi1>, vector<16xf32>
      %mul3A_3095 = arith.mulf %select_n3A_3094, %select_n3A_3094 : vector<16xf32>
      %jit3A_3096 = arith.constant 0.000000e+00 : f32
      %broadcast_in_dim3A_3097 = vector.broadcast %jit3A_3096 : f32 to vector<16xf32>
      %select_n3A_3098 = arith.select %eq3A_3086, %broadcast_in_dim3A_3097, %mul3A_3095 : vector<16xi1>, vector<16xf32>
      %sub3A_3099 = arith.subf %add3A_3083, %select_n3A_3094 : vector<16xf32>
      %mul3A_3100 = arith.mulf %sub3A_3080, %sub3A_3099 : vector<16xf32>
      %add3A_3101 = arith.addf %add3A_2912, %mul3A_3100 : vector<16xf32>
      %mul3A_3102 = arith.mulf %add3A_3083, %add3A_3083 : vector<16xf32>
      %sub3A_3103 = arith.subf %mul3A_3102, %select_n3A_3098 : vector<16xf32>
      %mul3A_3104 = arith.mulf %select_n3A_2939, %sub3A_3103 : vector<16xf32>
      %add3A_3105 = arith.addf %add3A_2916, %mul3A_3104 : vector<16xf32>
      %mul3A_3106 = arith.constant 2.000000e+00 : f32
      %mul3A_3107 = vector.broadcast %mul3A_3106 : f32 to vector<16xf32>
      %mul3A_3108 = arith.mulf %mul3A_3107, %add3A_3101 : vector<16xf32>
      %sub3A_3109 = arith.subf %add3A_60, %mul3A_3108 : vector<16xf32>
      %add3A_3110 = arith.addf %sub3A_3109, %add3A_3105 : vector<16xf32>
      %swap3A = arith.constant 0 : index
      %swap3A_3111 = tpu.vector_load %arg19[%swap3A] {strides = array<i32>} : memref<16xf32, #tpu.memory_space<vmem>>, vector<16xf32>,
      tpu.vector_store %arg19[%swap3A], %add3A_3110 {strides = array<i32>} : memref<16xf32, #tpu.memory_space<vmem>>, vector<16xf32>,
      "tpu.region"() ({
        %run_scoped3A = tpu.sem_alloc : memref<!tpu.dma_semaphore, #tpu.memory_space<semaphore_mem>>
        %dma_start3A_3112 = arith.constant 0 : i32
        %dma_start3A_3113 = tpu.memref_slice %arg8[%add3A_20, %dma_start3A_3112] : memref<192x16xf32, #tpu.memory_space<hbm>> -> memref<1x16xf32, #tpu.memory_space<hbm>>
        %dma_start3A_3114 = tpu.memref_squeeze %dma_start3A_3113 : memref<1x16xf32, #tpu.memory_space<hbm>> -> memref<16xf32, #tpu.memory_space<hbm>>
        %dma_start3A_3115 = arith.constant 0 : i32
        %dma_start3A_3116 = tpu.memref_slice %arg8[%add3A_20, %dma_start3A_3115] : memref<192x16xf32, #tpu.memory_space<hbm>> -> memref<1x16xf32, #tpu.memory_space<hbm>>
        %dma_start3A_3117 = tpu.memref_squeeze %dma_start3A_3116 : memref<1x16xf32, #tpu.memory_space<hbm>> -> memref<16xf32, #tpu.memory_space<hbm>>
        tpu.enqueue_dma source(%arg19 : memref<16xf32, #tpu.memory_space<vmem>>) target(%dma_start3A_3117 : memref<16xf32, #tpu.memory_space<hbm>>) target_semaphore(%run_scoped3A : memref<!tpu.dma_semaphore, #tpu.memory_space<semaphore_mem>>)
        %dma_wait3A = arith.constant 0 : i32
        %dma_wait3A_3118 = tpu.memref_slice %arg8[%add3A_20, %dma_wait3A] : memref<192x16xf32, #tpu.memory_space<hbm>> -> memref<1x16xf32, #tpu.memory_space<hbm>>
        %dma_wait3A_3119 = tpu.memref_squeeze %dma_wait3A_3118 : memref<1x16xf32, #tpu.memory_space<hbm>> -> memref<16xf32, #tpu.memory_space<hbm>>
        %dma_wait3A_3120 = arith.constant 0 : i32
        %dma_wait3A_3121 = tpu.memref_slice %arg8[%add3A_20, %dma_wait3A_3120] : memref<192x16xf32, #tpu.memory_space<hbm>> -> memref<1x16xf32, #tpu.memory_space<hbm>>
        %dma_wait3A_3122 = tpu.memref_squeeze %dma_wait3A_3121 : memref<1x16xf32, #tpu.memory_space<hbm>> -> memref<16xf32, #tpu.memory_space<hbm>>
        tpu.wait_dma2 semaphore(%run_scoped3A : memref<!tpu.dma_semaphore, #tpu.memory_space<semaphore_mem>>) src(%arg19 : memref<16xf32, #tpu.memory_space<vmem>>) dst(%dma_wait3A_3122 : memref<16xf32, #tpu.memory_space<hbm>>)
        tpu.yield
      }) : () -> ()
    }
    %scan3A_12 = arith.constant 6 : i32
    return
  }
}

</mosaic_0001>

<sc_bundles>
// kernel: kernel.3.cloned.1.call-start
scs
__scs_entry_jumppad:
0x0: {  	(pc) =	sbr.rel $0x88, $3  }
0x1: {  	(tag) =	ssettag $0x0;
	lr =	simm.s32 $0x1  }
0x2: {  	[smem:$0x3F9C] =	sst lr;
	_ =	strace $0xD0000000  }
0x3: {  	_ = 	snop  }
0x4: {  	_ = 	snop  }
0x5: {  	_ = 	snop  }
0x6: {  	_ = 	snop  }
0x7: {  	_ = 	snop  }
__scs_overlays_trampoline_lowered:
0x8: {  	[smem:$0x3FAB] =	sst s0  }
0x9: {  	[smem:$0x3FAC] =	sst s1  }
0xa: {  	[smem:$0x3FAD] =	sst s2  }
0xb: {  	[smem:$0x3FAE] =	sst s3  }
0xc: {  	[smem:$0x3FAF] =	sst s4  }
0xd: {  	[smem:$0x3FB0] =	sst s5  }
0xe: {  	[smem:$0x3FB1] =	sst s6  }
0xf: {  	[smem:$0x3FB2] =	sst s7  }
0x10: {  	[smem:$0x3FB3] =	sst s8  }
0x11: {  	[smem:$0x3FB4] =	sst s9;
	s0 =	simm.s32 @!p0 $0x0  }
0x12: {  	s1 =	sld [smem:$0x3F9A];
	s0 =	simm.s32 @p0 $0x1  }
0x13: {  	[smem:$0x3FB5] =	sst s0;
	s0 =	simm.s32 @!p1 $0x0  }
0x14: {  	s2 =	sld [smem:$0x3F99];
	s0 =	simm.s32 @p1 $0x1  }
0x15: {  	[smem:$0x3FB6] =	sst s0;
	s0 =	simm.s32 @!p2 $0x0  }
0x16: {  	s3 =	sld [smem:$0x3FDB];
	s0 =	simm.s32 @p2 $0x1  }
0x17: {  	s4 =	simm.s32 $0x1BF5;
	[smem:$0x3FB8] =	sst s0  }
0x18: {  	s0 =	sld [smem:$0x3F9B];
	_ =	swait.ge [sflag:s4], $0x0  }
0x19: {  	s7 =	sld [smem:$0x3F9C]  }
0x1a: {  	s8 =	sadd.s32 $0xFFFFE003, lr  }
0x1b: {  	s9 =	sadd.s32 $0xFFFFFEF7, lr;
	s5 =	simm.s32 $0xFFFFFFFF;
	p2 =	slt.u32 s8, $0xFFFFF086  }
0x1c: {  	p1 =	slt.u32 s9, $0xF7A;
	s5 =	simm.s32 @!p2 $0x0  }
0x1d: {  	s5 =	simm.s32 @p1 $0x1;
	p0 =	seq.s32 s7, s2  }
0x1e: {  	s7 =	smul.u32 @!p0 $0xF7A, s2;
	p2 =	seq.s32 @!p0 s5, $0x0  }
0x1f: {  	s9 =	smul.u32 $0xF7A, s1;
	s8 =	simm.s32 @!p0 $0x1BF5;
	p2 =	por !p2, p0  }
0x20: {  	[sflag:s8] =	ssyncset.s32 @!p0 $0xFFFFF086;
	s6 =	sadd.s32 @!p0 s3, s7;
	s7 =	simm.s32 @!p0 $0x108  }
0x21: {  	s3 =	sadd.s32 s3, s9;
	s6 =	sadd.s32 @!p0 $0x88, s6;
	s7 =	simm.s32 @p2 $0x1082  }
0x22: {  	[simem:s7], [sflag:s8] =	dma.local @!p0 [hbm:s6], $0xF7A  }
0x23: {  	s9 =	sor.u32 $0xD0000000, s2;
	s6 =	simm.s32 $0x108;
	_ =	swait.ge @!p0 [sflag:s8], $0x0  }
0x24: {  	s3 =	sadd.s32 $0x88, s3;
	s6 =	simm.s32 @!p1 $0x1082;
	[sflag:s4] =	ssyncset.s32 $0xFFFFF086  }
0x25: {  	[simem:s6], [sflag:s4] =	dma.local [hbm:s3], $0xF7A  }
0x26: {  	[smem:$0x3F9C] =	sst s1;
	(tag) =	ssettag s2;
	_ =	strace s9  }
0x27: {  	s1 =	sld [smem:$0x3FAC]  }
0x28: {  	s2 =	sld [smem:$0x3FAD]  }
0x29: {  	s4 =	sld [smem:$0x3FAF]  }
0x2a: {  	p0 =	seq.s32 s5, $0x0;
	s5 =	sld [smem:$0x3FB0]  }
0x2b: {  	s6 =	sld [smem:$0x3FB1]  }
0x2c: {  	s7 =	sld [smem:$0x3FB2]  }
0x2d: {  	s3 =	simm.s32 $0x108;
	s8 =	sld [smem:$0x3FB3]  }
0x2e: {  	s3 =	simm.s32 @!p0 $0x1082;
	s9 =	sld [smem:$0x3FB4]  }
0x2f: {  	lr =	sadd.s32 s0, s3;
	s0 =	sld [smem:$0x3FAB]  }
0x30: {  	s3 =	sld [smem:$0x3FAE]  }
0x31: {  	[smem:$0x3FB7] =	sst s10  }
0x32: {  	s10 =	sld [smem:$0x3FB5];
	_ =	sdelay $0x3  }
0x33: {  	p0 =	seq.s32 s10, $0x1;
	s10 =	sld [smem:$0x3FB7];
	_ =	sdelay $0x3  }
0x34: {  	[smem:$0x3FB7] =	sst s10  }
0x35: {  	s10 =	sld [smem:$0x3FB6];
	_ =	sdelay $0x3  }
0x36: {  	p1 =	seq.s32 s10, $0x1;
	s10 =	sld [smem:$0x3FB7];
	_ =	sdelay $0x3  }
0x37: {  	[smem:$0x3FB7] =	sst s10  }
0x38: {  	s10 =	sld [smem:$0x3FB8]  }
0x39: {  	_ = 	snop;
	(pc) =	sbr.ind lr, $3  }
0x3a: {  	_ = 	snop  }
0x3b: {  	_ = 	snop  }
0x3c: {  	p2 =	seq.s32 s10, $0x1;
	s10 =	sld [smem:$0x3FB7]  }
0x3d: {  	_ =	shalt  }
0x3e: {  	_ =	shalt  }
0x3f: {  	_ =	shalt  }
0x40: {  	_ =	shalt  }
0x41: {  	_ =	shalt  }
0x42: {  	_ =	shalt  }
0x43: {  	_ =	shalt  }
0x44: {  	_ =	shalt  }
0x45: {  	_ =	shalt  }
0x46: {  	_ =	shalt  }
0x47: {  	_ =	shalt  }
0x48: {  	_ =	shalt  }
0x49: {  	_ =	shalt  }
0x4a: {  	_ =	shalt  }
0x4b: {  	_ =	shalt  }
0x4c: {  	_ =	shalt  }
0x4d: {  	_ =	shalt  }
0x4e: {  	_ =	shalt  }
0x4f: {  	_ =	shalt  }
0x50: {  	_ =	shalt  }
0x51: {  	_ =	shalt  }
0x52: {  	_ =	shalt  }
0x53: {  	_ =	shalt  }
0x54: {  	_ =	shalt  }
0x55: {  	_ =	shalt  }
0x56: {  	_ =	shalt  }
0x57: {  	_ =	shalt  }
0x58: {  	_ =	shalt  }
0x59: {  	_ =	shalt  }
0x5a: {  	_ =	shalt  }
0x5b: {  	_ =	shalt  }
0x5c: {  	_ =	shalt  }
0x5d: {  	_ =	shalt  }
0x5e: {  	_ =	shalt  }
0x5f: {  	_ =	shalt  }
0x60: {  	_ =	shalt  }
0x61: {  	_ =	shalt  }
0x62: {  	_ =	shalt  }
0x63: {  	_ =	shalt  }
0x64: {  	_ =	shalt  }
0x65: {  	_ =	shalt  }
0x66: {  	_ =	shalt  }
0x67: {  	_ =	shalt  }
0x68: {  	_ =	shalt  }
0x69: {  	_ =	shalt  }
0x6a: {  	_ =	shalt  }
0x6b: {  	_ =	shalt  }
0x6c: {  	_ =	shalt  }
0x6d: {  	_ =	shalt  }
0x6e: {  	_ =	shalt  }
0x6f: {  	_ =	shalt  }
0x70: {  	_ =	shalt  }
0x71: {  	_ =	shalt  }
0x72: {  	_ =	shalt  }
0x73: {  	_ =	shalt  }
0x74: {  	_ =	shalt  }
0x75: {  	_ =	shalt  }
0x76: {  	_ =	shalt  }
0x77: {  	_ =	shalt  }
0x78: {  	_ =	shalt  }
0x79: {  	_ =	shalt  }
0x7a: {  	_ =	shalt  }
0x7b: {  	_ =	shalt  }
0x7c: {  	_ =	shalt  }
0x7d: {  	_ =	shalt  }
0x7e: {  	_ =	shalt  }
0x7f: {  	_ =	shalt  }
0x80: {  	_ =	shalt  }
0x81: {  	_ =	shalt  }
0x82: {  	_ =	shalt  }
0x83: {  	_ =	shalt  }
0x84: {  	_ =	shalt  }
0x85: {  	_ =	shalt  }
0x86: {  	_ =	shalt  }
0x87: {  	_ =	shalt  }
.Lfunc_end0:
.L_simem_size_0:
called_computation.1_lowered:
.L_overlay_start_0:
0x88: {  	s2 =	sld [smem:$0x3FD9]  }
0x89: {  	s3 =	sld [smem:$0x3FFE];
	_ =	sdelay $0x1  }
0x8a: {  	s1 =	srdreg.scid  }
0x8b: {  	s0 =	sand.u32 $0x1, s1  }
0x8c: {  	s17 =	sshll.u32 s0, $0xA;
	s2 =	sadd.s32 s3, s2  }
0x8d: {  	s2 =	sadd.s32 s2, s17  }
0x8e: {  	[smem:$0x3FC3] =	sst s2  }
0x8f: {  	_ = 	snop  }
0x90: {  	s2 =	sld [smem:$0x3FC7];
	(tm) =	ssettm $0x1  }
0x91: {  	s18 =	sld [smem:$0x3FFB];
	_ =	sdelay $0x3  }
0x92: {  	_ =	strace s18  }
0x93: {  	s3 =	sld [smem:$0x3FFC];
	_ =	sdelay $0x3  }
0x94: {  	_ =	strace s3  }
0x95: {  	s3 =	sld [smem:$0x3FFD];
	_ =	sdelay $0x3  }
0x96: {  	_ =	strace s3  }
0x97: {  	_ =	strace $0x8FFFFFFF  }
0x98: {  	s19 =	sld [smem:$0x3FDB];
	_ =	sdelay $0x1  }
0x99: {  	s4 =	simm.s32 $_scs_section_size  }
0x9a: {  	s5 =	simm.s32 $_size__tile_overlayer_lowered;
	s6 =	simm.s32 $_tile_overlayer_lowered  }
0x9b: {  	s22 =	simm.s32 $0x1BFF;
	s21 =	sshll.u32 s6, $0x1;
	s3 =	sadd.s32 s4, s19  }
0x9c: {  	s7 =	simm.s32 $0x0;
	s20 =	sshll.u32 s5, $0x1;
	s5 =	sadd.s32 s21, s3  }
0x9d: {  	[timem:s7], [sflag:s22] =	dma.local [hbm:s5], s20  }
0x9e: {  	_ =	swait.ge [sflag:s22], s20  }
0x9f: {  	s4 =	ssub.s32 $0x0, s20;
	[sflag:s22] =	ssyncset.done $0x0  }
0xa0: {  	[sflag:s22] =	ssyncadd.s32 s4;
	_ =	sdelay $0x1  }
0xa1: {  	s23 =	simm.s32 $0x1B8B  }
0xa2: {  	_ =	swait.ge [sflag:s23], $0x1  }
0xa3: {  	[sflag:s23] =	ssyncset.done $0x0  }
0xa4: {  	s25 =	simm.s32 $0x1B8E;
	s24 =	sld [smem:$0x3FFE];
	[sflag:s23] =	ssyncadd.s32 $0xFFFFFFFF  }
0xa5: {  	s26 =	simm.s32 $execute0_lowered;
	[smem:$0x3FD2] =	sst s25  }
0xa6: {  	s5 =	sshll.u32 s26, $0x1;
	_ =	strace $0x80000049;
	[dreg:$0x1] =	wrdreg $0xFFFFFFFF  }
0xa7: {  	s28 =	simm.s32 $_size_execute0_lowered;
	s3 =	sadd.s32 s3, s5;
	[dreg:$0x0] =	wrdreg $0x0  }
0xa8: {  	s5 =	sshll.u32 s28, $0x1;
	[dreg:$0x2] =	wrdreg s3  }
0xa9: {  	[dreg:$0x3] =	wrdreg s5  }
0xaa: {  	[dreg:$0x4] =	wrdreg $0xC0  }
0xab: {  	_ =	task [dreg:s7], $0x5FFFF  }
0xac: {  	[dreg:$0x1] =	wrdreg $0xFFFFFFFF  }
0xad: {  	[dreg:$0x0] =	wrdreg $0x60  }
0xae: {  	[dreg:$0x2] =	wrdreg s24  }
0xaf: {  	[dreg:$0x3] =	wrdreg s2  }
0xb0: {  	[dreg:$0x4] =	wrdreg $0x9  }
0xb1: {  	_ =	task.clear_ibuf [dreg:s7], $0x5FFFF;
	_ =	strace $0x90000049  }
0xb2: {  	s29 =	simm.s32 $0x9;
	_ =	strace $0x8000004B  }
0xb3: {  	_ =	swait.ge [sflag:s29], $0x1  }
0xb4: {  	[sflag:s29] =	ssyncadd.s32 $0xFFFFFFFF  }
0xb5: {  	_ =	strace $0x9000004B  }
0xb6: {  	_ =	sfence  }
0xb7: {  	s30 =	sld [smem:$0x0];
	_ =	sdelay $0x2  }
0xb8: {  	s31 =	sshll.u32 s1, $0xD;
	s1 =	sshrl.u32 s1, $0x2  }
0xb9: {  	s3 =	sand.u32 $0x4000, s31;
	s1 =	sadd.s32 s1, s30  }
0xba: {  	s0 =	sor.u32 s3, s0;
	s1 =	sshll.u32 s1, $0x11  }
0xbb: {  	s0 =	sor.u32 s1, s0  }
0xbc: {  	s0 =	sadd.s32 $0x8F2B, s0  }
0xbd: {  	[sflag:s0] =	ssyncadd.remote.s32 $0x1  }
0xbe: {  	_ =	sfence.sel $0xFFFF  }
0xbf: {  	[dreg:$0x0] =	wrdreg $0xFFFFFFFF;
	(pc) =	sbr.abs _section_cstart, $3  }
0xc0: {  	[dreg:$0x1] =	wrdreg $0xFFFFFFFF  }
0xc1: {  	_ =	task.clear_ibuf [dreg:s7], $0x2FFFF;
	_ =	strace $0x9FFFFFFF  }
0xc2: {  	(tm) =	ssettm $0x7FFFFFFF  }
0xc3: {  	_ =	shalt  }
tec
execute0_lowered:
.L_overlay_start_1:
0x0: {  	(tag) =	ssettag $0x1  }
0x1: {  	v0 =	vimm.f32 $2.550000000e+02;
	v1 =	vlaneseq.u32  }
0x2: {  	v2 =	vimm.f32 $0.0e+00;
	v4 =	vimm.f32 $1.000000000e+00;
	vm2 =	vcmask $0x300  }
0x3: {  	v6 =	vimm.f32 $1.500000000e+01;
	vm1 =	vcmask $0x704;
	vm15 =	vcmask $0xB08  }
0x4: {  	vm8 =	vcmask $0xF0C;
	vm14 =	vcmask $0x1310;
	vm10 =	vcmask $0x1714  }
0x5: {  	v10 =	vimm.f32 $1.600000000e+01;
	vm6 =	vcmask $0x1B18;
	vm11 =	vcmask $0x1F1C  }
0x6: {  	vm3 =	vcmask $0x2320;
	vm4 =	vcmask $0x2724;
	vm5 =	vcmask $0x2B28  }
0x7: {  	vm7 =	vcmask $0x2F2C;
	v11 =	vimm.f32 $3.100000000e+01;
	vm9 =	vcmask $0x3330  }
0x8: {  	vm0 =	vcmask $0x3734;
	vm12 =	vcmask $0x3B38;
	v12 =	vimm.f32 $3.200000000e+01  }
0x9: {  	v13 =	vimm.f32 $4.700000000e+01;
	v14 =	vimm.f32 $4.800000000e+01;
	v15 =	vimm.f32 $6.300000000e+01  }
0xa: {  	v16 =	vimm.f32 $6.400000000e+01;
	v17 =	vimm.f32 $7.900000000e+01;
	v18 =	vimm.f32 $8.000000000e+01  }
0xb: {  	v19 =	vimm.f32 $9.500000000e+01;
	v20 =	vimm.f32 $9.600000000e+01;
	v21 =	vimm.f32 $1.110000000e+02  }
0xc: {  	v22 =	vimm.f32 $1.120000000e+02;
	v23 =	vimm.f32 $1.270000000e+02;
	v24 =	vimm.f32 $1.280000000e+02  }
0xd: {  	v25 =	vimm.f32 $1.430000000e+02;
	v26 =	vimm.f32 $1.440000000e+02;
	v27 =	vimm.f32 $1.590000000e+02  }
0xe: {  	v28 =	vimm.f32 $1.600000000e+02;
	v29 =	vimm.f32 $1.750000000e+02;
	v30 =	vimm.f32 $1.760000000e+02  }
0xf: {  	v31 =	vimm.f32 $1.910000000e+02;
	v32 =	vimm.f32 $1.920000000e+02;
	v33 =	vimm.f32 $2.070000000e+02  }
0x10: {  	v34 =	vimm.f32 $2.080000000e+02;
	v35 =	vimm.f32 $2.230000000e+02;
	v36 =	vimm.f32 $2.240000000e+02  }
0x11: {  	v37 =	vimm.f32 $2.390000000e+02;
	v38 =	vimm.f32 $2.400000000e+02;
	v63 =	vimm.f32 $2.410000000e+02  }
0x12: {  	v40 =	vimm.f32 $2.490000000e+02;
	v3 =	vmul.u32 $0x800, v1;
	v7 =	vsel vm2, $0x0, v6  }
0x13: {  	v10 =	vsel vm2, $0x3F800000, v10;
	v11 =	vsel vm2, $0x41800000, v11;
	v12 =	vsel vm2, $0x41880000, v12  }
0x14: {  	v13 =	vsel vm2, $0x42000000, v13;
	v14 =	vsel vm2, $0x42040000, v14;
	v15 =	vsel vm2, $0x42400000, v15  }
0x15: {  	v16 =	vsel vm2, $0x42440000, v16;
	v17 =	vsel vm2, $0x42800000, v17;
	v18 =	vsel vm2, $0x42820000, v18  }
0x16: {  	v19 =	vsel vm2, $0x42A00000, v19;
	v20 =	vsel vm2, $0x42A20000, v20;
	v21 =	vsel vm2, $0x42C00000, v21  }
0x17: {  	v22 =	vsel vm2, $0x42C20000, v22;
	v23 =	vsel vm2, $0x42E00000, v23;
	v24 =	vsel vm2, $0x42E20000, v24  }
0x18: {  	v25 =	vsel vm2, $0x43000000, v25;
	v26 =	vsel vm2, $0x43010000, v26;
	v27 =	vsel vm2, $0x43100000, v27  }
0x19: {  	v28 =	vsel vm2, $0x43110000, v28;
	v29 =	vsel vm2, $0x43200000, v29;
	v30 =	vsel vm2, $0x43210000, v30  }
0x1a: {  	v31 =	vsel vm2, $0x43300000, v31;
	v32 =	vsel vm2, $0x43310000, v32;
	v33 =	vsel vm2, $0x43400000, v33  }
0x1b: {  	v34 =	vsel vm2, $0x43410000, v34;
	v35 =	vsel vm2, $0x43500000, v35;
	v36 =	vsel vm2, $0x43510000, v36  }
0x1c: {  	v37 =	vsel vm2, $0x43600000, v37;
	v38 =	vsel vm2, $0x43610000, v38;
	v40 =	vsel vm1, $0x437A0000, v40  }
0x1d: {  	vm13 =	vmmov vm7;
	vm2 =	vmmov vm0;
	v8 =	vsel vm1, $0x3F800000, v7  }
0x1e: {  	v7 =	vimm.s32 $0x0;
	v10 =	vsel vm1, $0x40000000, v10;
	v11 =	vsel vm1, $0x41880000, v11  }
0x1f: {  	v12 =	vsel vm1, $0x41900000, v12;
	v13 =	vsel vm1, $0x42040000, v13;
	v14 =	vsel vm1, $0x42080000, v14  }
0x20: {  	v15 =	vsel vm1, $0x42440000, v15;
	v16 =	vsel vm1, $0x42480000, v16;
	v17 =	vsel vm1, $0x42820000, v17  }
0x21: {  	v18 =	vsel vm1, $0x42840000, v18;
	v19 =	vsel vm1, $0x42A20000, v19;
	v20 =	vsel vm1, $0x42A40000, v20  }
0x22: {  	v21 =	vsel vm1, $0x42C20000, v21;
	v22 =	vsel vm1, $0x42C40000, v22;
	v23 =	vsel vm1, $0x42E20000, v23  }
0x23: {  	v24 =	vsel vm1, $0x42E40000, v24;
	v25 =	vsel vm1, $0x43010000, v25;
	v26 =	vsel vm1, $0x43020000, v26  }
0x24: {  	v27 =	vsel vm1, $0x43110000, v27;
	v28 =	vsel vm1, $0x43120000, v28;
	v29 =	vsel vm1, $0x43210000, v29  }
0x25: {  	s2 =	simm.s32 $0x0;
	v30 =	vsel vm1, $0x43220000, v30;
	v31 =	vsel vm1, $0x43310000, v31;
	v32 =	vsel vm1, $0x43320000, v32  }
0x26: {  	[smem:$0x7FF] =	sst s2;
	v33 =	vsel vm1, $0x43410000, v33;
	v34 =	vsel vm1, $0x43420000, v34;
	v35 =	vsel vm1, $0x43510000, v35  }
0x27: {  	s0 =	rddreg [dreg:$0x0];
	_ =	strace $0x8000004A;
	v36 =	vsel vm1, $0x43520000, v36;
	v37 =	vsel vm1, $0x43610000, v37;
	v38 =	vsel vm1, $0x43620000, v38  }
0x28: {  	v40 =	vsel vm15, $0x437B0000, v40;
	(erf) = vrcp.f32 v0;
	v5 =	vor.u32 $0x8000, v3  }
0x29: {  	v9 =	vsel vm15, $0x40000000, v8;
	v8 =	vimm.s32 $0x1;
	v10 =	vsel vm15, $0x40400000, v10  }
0x2a: {  	v11 =	vsel vm15, $0x41900000, v11;
	v12 =	vsel vm15, $0x41980000, v12;
	v13 =	vsel vm15, $0x42080000, v13  }
0x2b: {  	v14 =	vsel vm15, $0x420C0000, v14;
	v15 =	vsel vm15, $0x42480000, v15;
	v16 =	vsel vm15, $0x424C0000, v16  }
0x2c: {  	v17 =	vsel vm15, $0x42840000, v17;
	v18 =	vsel vm15, $0x42860000, v18;
	v19 =	vsel vm15, $0x42A40000, v19  }
0x2d: {  	v20 =	vsel vm15, $0x42A60000, v20;
	v21 =	vsel vm15, $0x42C40000, v21;
	v22 =	vsel vm15, $0x42C60000, v22  }
0x2e: {  	v23 =	vsel vm15, $0x42E40000, v23;
	v24 =	vsel vm15, $0x42E60000, v24;
	v25 =	vsel vm15, $0x43020000, v25  }
0x2f: {  	v26 =	vsel vm15, $0x43030000, v26;
	v27 =	vsel vm15, $0x43120000, v27;
	v28 =	vsel vm15, $0x43130000, v28  }
0x30: {  	v29 =	vsel vm15, $0x43220000, v29;
	v30 =	vsel vm15, $0x43230000, v30;
	v31 =	vsel vm15, $0x43320000, v31  }
0x31: {  	v32 =	vsel vm15, $0x43330000, v32;
	v33 =	vsel vm15, $0x43420000, v33;
	v34 =	vsel vm15, $0x43430000, v34  }
0x32: {  	v35 =	vsel vm15, $0x43520000, v35;
	v36 =	vsel vm15, $0x43530000, v36;
	v37 =	vsel vm15, $0x43620000, v37  }
0x33: {  	v38 =	vsel vm15, $0x43630000, v38;
	v40 =	vsel vm8, $0x437C0000, v40;
	v9 =	vsel vm8, $0x40400000, v9  }
0x34: {  	v10 =	vsel vm8, $0x40800000, v10;
	v11 =	vsel vm8, $0x41980000, v11;
	v12 =	vsel vm8, $0x41A00000, v12  }
0x35: {  	v13 =	vsel vm8, $0x420C0000, v13;
	v14 =	vsel vm8, $0x42100000, v14;
	v15 =	vsel vm8, $0x424C0000, v15  }
0x36: {  	v16 =	vsel vm8, $0x42500000, v16;
	v17 =	vsel vm8, $0x42860000, v17;
	v18 =	vsel vm8, $0x42880000, v18  }
0x37: {  	v19 =	vsel vm8, $0x42A60000, v19;
	v20 =	vsel vm8, $0x42A80000, v20;
	v21 =	vsel vm8, $0x42C60000, v21  }
0x38: {  	v22 =	vsel vm8, $0x42C80000, v22;
	v23 =	vsel vm8, $0x42E60000, v23;
	v24 =	vsel vm8, $0x42E80000, v24  }
0x39: {  	v25 =	vsel vm8, $0x43030000, v25;
	v26 =	vsel vm8, $0x43040000, v26;
	v27 =	vsel vm8, $0x43130000, v27  }
0x3a: {  	v28 =	vsel vm8, $0x43140000, v28;
	v29 =	vsel vm8, $0x43230000, v29;
	v30 =	vsel vm8, $0x43240000, v30  }
0x3b: {  	v31 =	vsel vm8, $0x43330000, v31;
	v32 =	vsel vm8, $0x43340000, v32;
	v33 =	vsel vm8, $0x43430000, v33  }
0x3c: {  	v34 =	vsel vm8, $0x43440000, v34;
	v35 =	vsel vm8, $0x43530000, v35;
	v36 =	vsel vm8, $0x43540000, v36  }
0x3d: {  	v37 =	vsel vm8, $0x43630000, v37;
	v38 =	vsel vm8, $0x43640000, v38;
	v40 =	vsel vm14, $0x437D0000, v40  }
0x3e: {  	v9 =	vsel vm14, $0x40800000, v9;
	v10 =	vsel vm14, $0x40A00000, v10;
	v11 =	vsel vm14, $0x41A00000, v11  }
0x3f: {  	v12 =	vsel vm14, $0x41A80000, v12;
	v13 =	vsel vm14, $0x42100000, v13;
	v14 =	vsel vm14, $0x42140000, v14  }
0x40: {  	v15 =	vsel vm14, $0x42500000, v15;
	v16 =	vsel vm14, $0x42540000, v16;
	v17 =	vsel vm14, $0x42880000, v17  }
0x41: {  	v18 =	vsel vm14, $0x428A0000, v18;
	v19 =	vsel vm14, $0x42A80000, v19;
	v20 =	vsel vm14, $0x42AA0000, v20  }
0x42: {  	v21 =	vsel vm14, $0x42C80000, v21;
	v22 =	vsel vm14, $0x42CA0000, v22;
	v23 =	vsel vm14, $0x42E80000, v23  }
0x43: {  	v24 =	vsel vm14, $0x42EA0000, v24;
	v25 =	vsel vm14, $0x43040000, v25;
	v26 =	vsel vm14, $0x43050000, v26  }
0x44: {  	v27 =	vsel vm14, $0x43140000, v27;
	v28 =	vsel vm14, $0x43150000, v28;
	v29 =	vsel vm14, $0x43240000, v29  }
0x45: {  	v30 =	vsel vm14, $0x43250000, v30;
	v31 =	vsel vm14, $0x43340000, v31;
	v32 =	vsel vm14, $0x43350000, v32  }
0x46: {  	v33 =	vsel vm14, $0x43440000, v33;
	v34 =	vsel vm14, $0x43450000, v34;
	v35 =	vsel vm14, $0x43540000, v35  }
0x47: {  	v36 =	vsel vm14, $0x43550000, v36;
	v37 =	vsel vm14, $0x43640000, v37;
	v38 =	vsel vm14, $0x43650000, v38  }
0x48: {  	v40 =	vsel vm10, $0x437E0000, v40;
	v9 =	vsel vm10, $0x40A00000, v9;
	v10 =	vsel vm10, $0x40C00000, v10  }
0x49: {  	v11 =	vsel vm10, $0x41A80000, v11;
	v12 =	vsel vm10, $0x41B00000, v12;
	v13 =	vsel vm10, $0x42140000, v13  }
0x4a: {  	v14 =	vsel vm10, $0x42180000, v14;
	v15 =	vsel vm10, $0x42540000, v15;
	v16 =	vsel vm10, $0x42580000, v16  }
0x4b: {  	v17 =	vsel vm10, $0x428A0000, v17;
	v18 =	vsel vm10, $0x428C0000, v18;
	v19 =	vsel vm10, $0x42AA0000, v19  }
0x4c: {  	v20 =	vsel vm10, $0x42AC0000, v20;
	v21 =	vsel vm10, $0x42CA0000, v21;
	v22 =	vsel vm10, $0x42CC0000, v22  }
0x4d: {  	v23 =	vsel vm10, $0x42EA0000, v23;
	v24 =	vsel vm10, $0x42EC0000, v24;
	v25 =	vsel vm10, $0x43050000, v25  }
0x4e: {  	v26 =	vsel vm10, $0x43060000, v26;
	v27 =	vsel vm10, $0x43150000, v27;
	v28 =	vsel vm10, $0x43160000, v28  }
0x4f: {  	v29 =	vsel vm10, $0x43250000, v29;
	v30 =	vsel vm10, $0x43260000, v30;
	v31 =	vsel vm10, $0x43350000, v31  }
0x50: {  	v32 =	vsel vm10, $0x43360000, v32;
	v33 =	vsel vm10, $0x43450000, v33;
	v34 =	vsel vm10, $0x43460000, v34  }
0x51: {  	v35 =	vsel vm10, $0x43550000, v35;
	v36 =	vsel vm10, $0x43560000, v36;
	v37 =	vsel vm10, $0x43650000, v37  }
0x52: {  	v38 =	vsel vm10, $0x43660000, v38;
	v40 =	vsel vm6, $0x437F0000, v40;
	v9 =	vsel vm6, $0x40C00000, v9  }
0x53: {  	v10 =	vsel vm6, $0x40E00000, v10;
	v11 =	vsel vm6, $0x41B00000, v11;
	v12 =	vsel vm6, $0x41B80000, v12  }
0x54: {  	v13 =	vsel vm6, $0x42180000, v13;
	v14 =	vsel vm6, $0x421C0000, v14;
	v15 =	vsel vm6, $0x42580000, v15  }
0x55: {  	v16 =	vsel vm6, $0x425C0000, v16;
	v17 =	vsel vm6, $0x428C0000, v17;
	v18 =	vsel vm6, $0x428E0000, v18  }
0x56: {  	v19 =	vsel vm6, $0x42AC0000, v19;
	v20 =	vsel vm6, $0x42AE0000, v20;
	v21 =	vsel vm6, $0x42CC0000, v21  }
0x57: {  	v22 =	vsel vm6, $0x42CE0000, v22;
	v23 =	vsel vm6, $0x42EC0000, v23;
	v24 =	vsel vm6, $0x42EE0000, v24  }
0x58: {  	v25 =	vsel vm6, $0x43060000, v25;
	v26 =	vsel vm6, $0x43070000, v26;
	v27 =	vsel vm6, $0x43160000, v27  }
0x59: {  	v28 =	vsel vm6, $0x43170000, v28;
	v29 =	vsel vm6, $0x43260000, v29;
	v30 =	vsel vm6, $0x43270000, v30  }
0x5a: {  	v31 =	vsel vm6, $0x43360000, v31;
	v32 =	vsel vm6, $0x43370000, v32;
	v33 =	vsel vm6, $0x43460000, v33  }
0x5b: {  	v34 =	vsel vm6, $0x43470000, v34;
	v35 =	vsel vm6, $0x43560000, v35;
	v36 =	vsel vm6, $0x43570000, v36  }
0x5c: {  	v37 =	vsel vm6, $0x43660000, v37;
	v62 =	vsel vm6, $0x43670000, v38;
	v38 =	vsel vm1, $0x43720000, v63  }
0x5d: {  	v9 =	vsel vm11, $0x40E00000, v9;
	v10 =	vsel vm11, $0x41000000, v10;
	v11 =	vsel vm11, $0x41B80000, v11  }
0x5e: {  	v12 =	vsel vm11, $0x41C00000, v12;
	v13 =	vsel vm11, $0x421C0000, v13;
	v14 =	vsel vm11, $0x42200000, v14  }
0x5f: {  	v15 =	vsel vm11, $0x425C0000, v15;
	v16 =	vsel vm11, $0x42600000, v16;
	v17 =	vsel vm11, $0x428E0000, v17  }
0x60: {  	v18 =	vsel vm11, $0x42900000, v18;
	v19 =	vsel vm11, $0x42AE0000, v19;
	v20 =	vsel vm11, $0x42B00000, v20  }
0x61: {  	v21 =	vsel vm11, $0x42CE0000, v21;
	v22 =	vsel vm11, $0x42D00000, v22;
	v23 =	vsel vm11, $0x42EE0000, v23  }
0x62: {  	v24 =	vsel vm11, $0x42F00000, v24;
	v25 =	vsel vm11, $0x43070000, v25;
	v26 =	vsel vm11, $0x43080000, v26  }
0x63: {  	v27 =	vsel vm11, $0x43170000, v27;
	v28 =	vsel vm11, $0x43180000, v28;
	v29 =	vsel vm11, $0x43270000, v29  }
0x64: {  	v30 =	vsel vm11, $0x43280000, v30;
	v31 =	vsel vm11, $0x43370000, v31;
	v32 =	vsel vm11, $0x43380000, v32  }
0x65: {  	v33 =	vsel vm11, $0x43470000, v33;
	v34 =	vsel vm11, $0x43480000, v34;
	v35 =	vsel vm11, $0x43570000, v35  }
0x66: {  	v36 =	vsel vm11, $0x43580000, v36;
	v37 =	vsel vm11, $0x43670000, v37;
	v38 =	vsel vm15, $0x43730000, v38  }
0x67: {  	v9 =	vsel vm3, $0x41000000, v9;
	v10 =	vsel vm3, $0x41100000, v10;
	v11 =	vsel vm3, $0x41C00000, v11  }
0x68: {  	v12 =	vsel vm3, $0x41C80000, v12;
	v13 =	vsel vm3, $0x42200000, v13;
	v14 =	vsel vm3, $0x42240000, v14  }
0x69: {  	v15 =	vsel vm3, $0x42600000, v15;
	v16 =	vsel vm3, $0x42640000, v16;
	v17 =	vsel vm3, $0x42900000, v17  }
0x6a: {  	v18 =	vsel vm3, $0x42920000, v18;
	v19 =	vsel vm3, $0x42B00000, v19;
	v20 =	vsel vm3, $0x42B20000, v20  }
0x6b: {  	v21 =	vsel vm3, $0x42D00000, v21;
	v22 =	vsel vm3, $0x42D20000, v22;
	v23 =	vsel vm3, $0x42F00000, v23  }
0x6c: {  	v24 =	vsel vm3, $0x42F20000, v24;
	v25 =	vsel vm3, $0x43080000, v25;
	v26 =	vsel vm3, $0x43090000, v26  }
0x6d: {  	v27 =	vsel vm3, $0x43180000, v27;
	v28 =	vsel vm3, $0x43190000, v28;
	v29 =	vsel vm3, $0x43280000, v29  }
0x6e: {  	v30 =	vsel vm3, $0x43290000, v30;
	v31 =	vsel vm3, $0x43380000, v31;
	v32 =	vsel vm3, $0x43390000, v32  }
0x6f: {  	v33 =	vsel vm3, $0x43480000, v33;
	v34 =	vsel vm3, $0x43490000, v34;
	v35 =	vsel vm3, $0x43580000, v35  }
0x70: {  	v36 =	vsel vm3, $0x43590000, v36;
	v37 =	vsel vm3, $0x43680000, v37;
	v38 =	vsel vm8, $0x43740000, v38  }
0x71: {  	v9 =	vsel vm4, $0x41100000, v9;
	v10 =	vsel vm4, $0x41200000, v10;
	v11 =	vsel vm4, $0x41C80000, v11  }
0x72: {  	v12 =	vsel vm4, $0x41D00000, v12;
	v13 =	vsel vm4, $0x42240000, v13;
	v14 =	vsel vm4, $0x42280000, v14  }
0x73: {  	v15 =	vsel vm4, $0x42640000, v15;
	v16 =	vsel vm4, $0x42680000, v16;
	v17 =	vsel vm4, $0x42920000, v17  }
0x74: {  	v18 =	vsel vm4, $0x42940000, v18;
	v19 =	vsel vm4, $0x42B20000, v19;
	v20 =	vsel vm4, $0x42B40000, v20  }
0x75: {  	v21 =	vsel vm4, $0x42D20000, v21;
	v22 =	vsel vm4, $0x42D40000, v22;
	v23 =	vsel vm4, $0x42F20000, v23  }
0x76: {  	v24 =	vsel vm4, $0x42F40000, v24;
	v25 =	vsel vm4, $0x43090000, v25;
	v26 =	vsel vm4, $0x430A0000, v26  }
0x77: {  	v27 =	vsel vm4, $0x43190000, v27;
	v28 =	vsel vm4, $0x431A0000, v28;
	v29 =	vsel vm4, $0x43290000, v29  }
0x78: {  	v30 =	vsel vm4, $0x432A0000, v30;
	v31 =	vsel vm4, $0x43390000, v31;
	v32 =	vsel vm4, $0x433A0000, v32  }
0x79: {  	v33 =	vsel vm4, $0x43490000, v33;
	v34 =	vsel vm4, $0x434A0000, v34;
	v35 =	vsel vm4, $0x43590000, v35  }
0x7a: {  	v36 =	vsel vm4, $0x435A0000, v36;
	v37 =	vsel vm4, $0x43690000, v37;
	v38 =	vsel vm14, $0x43750000, v38  }
0x7b: {  	v9 =	vsel vm5, $0x41200000, v9;
	v10 =	vsel vm5, $0x41300000, v10;
	v11 =	vsel vm5, $0x41D00000, v11  }
0x7c: {  	v12 =	vsel vm5, $0x41D80000, v12;
	v13 =	vsel vm5, $0x42280000, v13;
	v14 =	vsel vm5, $0x422C0000, v14  }
0x7d: {  	v15 =	vsel vm5, $0x42680000, v15;
	v16 =	vsel vm5, $0x426C0000, v16;
	v17 =	vsel vm5, $0x42940000, v17  }
0x7e: {  	v18 =	vsel vm5, $0x42960000, v18;
	v19 =	vsel vm5, $0x42B40000, v19;
	v20 =	vsel vm5, $0x42B60000, v20  }
0x7f: {  	v21 =	vsel vm5, $0x42D40000, v21;
	v22 =	vsel vm5, $0x42D60000, v22;
	v23 =	vsel vm5, $0x42F40000, v23  }
0x80: {  	v24 =	vsel vm5, $0x42F60000, v24;
	v25 =	vsel vm5, $0x430A0000, v25;
	v26 =	vsel vm5, $0x430B0000, v26  }
0x81: {  	v27 =	vsel vm5, $0x431A0000, v27;
	v28 =	vsel vm5, $0x431B0000, v28;
	v29 =	vsel vm5, $0x432A0000, v29  }
0x82: {  	v30 =	vsel vm5, $0x432B0000, v30;
	v31 =	vsel vm5, $0x433A0000, v31;
	v32 =	vsel vm5, $0x433B0000, v32  }
0x83: {  	v33 =	vsel vm5, $0x434A0000, v33;
	v34 =	vsel vm5, $0x434B0000, v34;
	v35 =	vsel vm5, $0x435A0000, v35  }
0x84: {  	v36 =	vsel vm5, $0x435B0000, v36;
	v37 =	vsel vm5, $0x436A0000, v37;
	v38 =	vsel vm10, $0x43760000, v38  }
0x85: {  	v9 =	vsel vm7, $0x41300000, v9;
	v10 =	vsel vm7, $0x41400000, v10;
	v11 =	vsel vm7, $0x41D80000, v11  }
0x86: {  	v12 =	vsel vm7, $0x41E00000, v12;
	v13 =	vsel vm7, $0x422C0000, v13;
	v14 =	vsel vm7, $0x42300000, v14  }
0x87: {  	v15 =	vsel vm7, $0x426C0000, v15;
	v16 =	vsel vm7, $0x42700000, v16;
	v17 =	vsel vm7, $0x42960000, v17  }
0x88: {  	v18 =	vsel vm7, $0x42980000, v18;
	v19 =	vsel vm7, $0x42B60000, v19;
	v20 =	vsel vm7, $0x42B80000, v20  }
0x89: {  	v21 =	vsel vm7, $0x42D60000, v21;
	v22 =	vsel vm7, $0x42D80000, v22;
	v23 =	vsel vm7, $0x42F60000, v23  }
0x8a: {  	v24 =	vsel vm7, $0x42F80000, v24;
	v25 =	vsel vm7, $0x430B0000, v25;
	v26 =	vsel vm7, $0x430C0000, v26  }
0x8b: {  	v27 =	vsel vm7, $0x431B0000, v27;
	v28 =	vsel vm7, $0x431C0000, v28;
	v29 =	vsel vm7, $0x432B0000, v29  }
0x8c: {  	v30 =	vsel vm7, $0x432C0000, v30;
	v31 =	vsel vm7, $0x433B0000, v31;
	v32 =	vsel vm7, $0x433C0000, v32  }
0x8d: {  	v33 =	vsel vm7, $0x434B0000, v33;
	v34 =	vsel vm7, $0x434C0000, v34;
	v35 =	vsel vm7, $0x435B0000, v35  }
0x8e: {  	v36 =	vsel vm7, $0x435C0000, v36;
	v37 =	vsel vm7, $0x436B0000, v37;
	v38 =	vsel vm6, $0x43770000, v38  }
0x8f: {  	v9 =	vsel vm9, $0x41400000, v9;
	v10 =	vsel vm9, $0x41500000, v10;
	v11 =	vsel vm9, $0x41E00000, v11  }
0x90: {  	v12 =	vsel vm9, $0x41E80000, v12;
	v13 =	vsel vm9, $0x42300000, v13;
	v14 =	vsel vm9, $0x42340000, v14  }
0x91: {  	v15 =	vsel vm9, $0x42700000, v15;
	v16 =	vsel vm9, $0x42740000, v16;
	v17 =	vsel vm9, $0x42980000, v17  }
0x92: {  	v18 =	vsel vm9, $0x429A0000, v18;
	v19 =	vsel vm9, $0x42B80000, v19;
	v20 =	vsel vm9, $0x42BA0000, v20  }
0x93: {  	v21 =	vsel vm9, $0x42D80000, v21;
	v22 =	vsel vm9, $0x42DA0000, v22;
	v23 =	vsel vm9, $0x42F80000, v23  }
0x94: {  	v24 =	vsel vm9, $0x42FA0000, v24;
	v25 =	vsel vm9, $0x430C0000, v25;
	v26 =	vsel vm9, $0x430D0000, v26  }
0x95: {  	v27 =	vsel vm9, $0x431C0000, v27;
	v28 =	vsel vm9, $0x431D0000, v28;
	v29 =	vsel vm9, $0x432C0000, v29  }
0x96: {  	v30 =	vsel vm9, $0x432D0000, v30;
	v31 =	vsel vm9, $0x433C0000, v31;
	v32 =	vsel vm9, $0x433D0000, v32  }
0x97: {  	v33 =	vsel vm9, $0x434C0000, v33;
	v34 =	vsel vm9, $0x434D0000, v34;
	v35 =	vsel vm9, $0x435C0000, v35  }
0x98: {  	v36 =	vsel vm9, $0x435D0000, v36;
	v37 =	vsel vm9, $0x436C0000, v37;
	v9 =	vsel vm0, $0x41500000, v9  }
0x99: {  	v10 =	vsel vm0, $0x41600000, v10;
	v11 =	vsel vm0, $0x41E80000, v11;
	v12 =	vsel vm0, $0x41F00000, v12  }
0x9a: {  	v13 =	vsel vm0, $0x42340000, v13;
	v14 =	vsel vm0, $0x42380000, v14;
	v15 =	vsel vm0, $0x42740000, v15  }
0x9b: {  	v16 =	vsel vm0, $0x42780000, v16;
	v17 =	vsel vm0, $0x429A0000, v17;
	v18 =	vsel vm0, $0x429C0000, v18  }
0x9c: {  	v19 =	vsel vm0, $0x42BA0000, v19;
	v20 =	vsel vm0, $0x42BC0000, v20;
	v21 =	vsel vm0, $0x42DA0000, v21  }
0x9d: {  	v22 =	vsel vm0, $0x42DC0000, v22;
	v23 =	vsel vm0, $0x42FA0000, v23;
	v24 =	vsel vm0, $0x42FC0000, v24  }
0x9e: {  	v25 =	vsel vm0, $0x430D0000, v25;
	v26 =	vsel vm0, $0x430E0000, v26;
	v27 =	vsel vm0, $0x431D0000, v27  }
0x9f: {  	v28 =	vsel vm0, $0x431E0000, v28;
	v29 =	vsel vm0, $0x432D0000, v29;
	v30 =	vsel vm0, $0x432E0000, v30  }
0xa0: {  	v31 =	vsel vm0, $0x433D0000, v31;
	v32 =	vsel vm0, $0x433E0000, v32;
	v33 =	vsel vm0, $0x434D0000, v33  }
0xa1: {  	v34 =	vsel vm0, $0x434E0000, v34;
	v35 =	vsel vm0, $0x435D0000, v35;
	v36 =	vsel vm0, $0x435E0000, v36  }
0xa2: {  	v39 =	vsel vm0, $0x436D0000, v37;
	v37 =	vsel vm11, $0x43680000, v62;
	vm11 =	vmmov vm4  }
0xa3: {  	v0 =	vsel vm12, $0x41600000, v9;
	v21 =	vsel vm12, $0x42DC0000, v21;
	v22 =	vsel vm12, $0x42DE0000, v22  }
0xa4: {  	v23 =	vsel vm12, $0x42FC0000, v23;
	v24 =	vsel vm12, $0x42FE0000, v24;
	v25 =	vsel vm12, $0x430E0000, v25  }
0xa5: {  	v26 =	vsel vm12, $0x430F0000, v26;
	v27 =	vsel vm12, $0x431E0000, v27;
	v28 =	vsel vm12, $0x431F0000, v28  }
0xa6: {  	v29 =	vsel vm12, $0x432E0000, v29;
	v30 =	vsel vm12, $0x432F0000, v30;
	v31 =	vsel vm12, $0x433E0000, v31  }
0xa7: {  	v32 =	vsel vm12, $0x433F0000, v32;
	v33 =	vsel vm12, $0x434E0000, v33;
	[tilespmem:$0x1FF40] =	vst v0;
	v0 =	vsel vm12, $0x41700000, v10  }
0xa8: {  	v34 =	vsel vm12, $0x434F0000, v34;
	v37 =	vsel vm3, $0x43690000, v37;
	[tilespmem:$0x1FF50] =	vst v0;
	v0 =	vsel vm12, $0x41F00000, v11  }
0xa9: {  	v35 =	vsel vm12, $0x435E0000, v35;
	v37 =	vsel vm4, $0x436A0000, v37;
	[tilespmem:$0x1FF60] =	vst v0;
	v0 =	vsel vm12, $0x41F80000, v12  }
0xaa: {  	s1 =	srdreg.scid;
	s29 =	stileid.u32;
	v36 =	vsel vm12, $0x435F0000, v36;
	v37 =	vsel vm5, $0x436B0000, v37;
	[tilespmem:$0x1FF70] =	vst v0;
	v0 =	vsel vm12, $0x42380000, v13  }
0xab: {  	s12 =	simm.s32 $0x1A200;
	s13 =	simm.s32 $0x5;
	s19 =	simm.s32 $0x1;
	vm3 =	vmmov vm1;
	v37 =	vsel vm7, $0x436C0000, v37;
	[tilespmem:$0x1FF80] =	vst v0;
	v0 =	vsel vm12, $0x423C0000, v14  }
0xac: {  	s23 =	simm.s32 $0x19000;
	s24 =	simm.s32 $0x19800;
	s25 =	simm.s32 $0x18000;
	vm4 =	vmmov vm15;
	v37 =	vsel vm9, $0x436D0000, v37;
	[tilespmem:$0x1FF90] =	vst v0;
	v0 =	vsel vm12, $0x42780000, v15  }
0xad: {  	s20 =	simm.s32 $0x3;
	s21 =	simm.s32 $0x2;
	s3 =	sadd.s32 $0x300C00, s0;
	v41 =	vsel vm0, $0x436E0000, v37;
	vm0 =	vcmask $0x1F1C;
	[tilespmem:$0x1FFA0] =	vst v0;
	v0 =	vsel vm12, $0x427C0000, v16  }
0xae: {  	s22 =	simm.s32 $0x4;
	s5 =	sadd.s32 $0x311800, s0;
	s1 =	sand.u32 $0x1, s1;
	v42 =	vsel vm0, $0x43780000, v38;
	vm0 =	vcmask $0x3B38;
	[tilespmem:$0x1FFB0] =	vst v0;
	v0 =	vsel vm12, $0x429C0000, v17  }
0xaf: {  	s4 =	sadd.s32 $0xC00, s0;
	s7 =	sadd.s32 $0x310C00, s0;
	s6 =	ssub.s32 $0x2, s1;
	vm7 =	vmmov vm10;
	v38 =	vsel vm0, $0x436E0000, v39;
	[tilespmem:$0x1FFC0] =	vst v0;
	v0 =	vsel vm12, $0x429E0000, v18  }
0xb0: {  	s8 =	sadd.s32 $0x312400, s0;
	s10 =	sshll.u32 s29, $0x1;
	s30 =	sshrl.u32 s6, $0x1;
	vm0 =	vcmask $0x3B38;
	v40 =	vcombine.low v42, v40;
	[tilespmem:$0x1FFD0] =	vst v0;
	v0 =	vsel vm12, $0x42BC0000, v19  }
0xb1: {  	s9 =	sadd.s32 $0x312600, s0;
	[dreg:$0x3] =	wrdreg s5;
	s31 =	ssub.s32 s6, s30;
	vm10 =	vmmov vm0;
	v39 =	vsel vm0, $0x436F0000, v41;
	[tilespmem:$0x1FFE0] =	vst v0;
	v0 =	vsel vm12, $0x42BE0000, v20  }
0xb2: {  	[dreg:$0x4] =	wrdreg s8;
	s1 =	sor.u32 s1, s10;
	s0 =	smax.u32 s31, $0x1;
	vm12 =	vmmov vm5;
	vm5 =	vmmov vm8;
	vm8 =	vmmov vm14  }
0xb3: {  	s10 =	smul.u32 $0x6, s1;
	s1 =	simm.s32 $0x0;
	[dreg:$0x5] =	wrdreg s0;
	v37 =	vpop (erf);
	vm14 =	vmmov vm9;
	vm9 =	vmmov vm6;
	vm6 =	vcmask $0x1F1C;
	[tilespmem:$0x1FFF0] =	vst v0  }
.LBB2_1:
0xb4: {  	[dreg:$0x6] =	wrdreg s1  }
0xb5: {  	s0 =	rddreg [dreg:$0x4]  }
0xb6: {  	[tilespmem:s12], [sflag:$0x5] =	stream.linear.gather [hbm4b:s0+s2], $0x800, $0x38;
	[tilespmem:$0x1AA80] =	vst v63  }
0xb7: {  	_ =	swait.ge [sflag:s13], $0x800  }
0xb8: {  	[sflag:s13] =	ssyncset.done $0x0  }
0xb9: {  	s29 =	simm.s32 $0x0;
	[sflag:s13] =	ssyncadd.s32 $0xFFFFF800  }
.LBB2_2:
0xba: {  	s0 =	sadd.s32 s10, s29  }
0xbb: {  	s6 =	sshrl.u32 s0, $0x3;
	s1 =	sshll.u32 s0, $0x7  }
0xbc: {  	s8 =	sshll.u32 s6, $0xB;
	s1 =	sand.u32 $0x380, s1  }
0xbd: {  	s5 =	rddreg [dreg:$0x1];
	s8 =	sor.u32 s1, s8  }
0xbe: {  	s17 =	simm.s32 $0x80;
	s11 =	simm.s32 $0x400;
	s8 =	sshrl.u32 s8, $0x3  }
0xbf: {  	s14 =	simm.s32 $0x1A000;
	s6 =	sshll.u32 s6, $0xA;
	s8 =	sadd.s32 s5, s8  }
0xc0: {  	[tilespmem:s14], [sflag:$0x5] =	stream.strided.gather [hbm4b:s8+s17], $0x100, s11, s17, $0x38;
	[tilespmem:$0x1AA80] =	vst v63  }
0xc1: {  	s6 =	sor.u32 s1, s6;
	_ =	swait.ge [sflag:s13], $0x100  }
0xc2: {  	s30 =	sshrl.u32 s6, $0x3;
	[sflag:s13] =	ssyncset.done $0x0;
	s18 =	rddreg [dreg:$0x3]  }
0xc3: {  	s26 =	simm.s32 $0x1A100;
	[sflag:s13] =	ssyncadd.s32 $0xFFFFFF00;
	s6 =	sadd.s32 s18, s30  }
0xc4: {  	[tilespmem:s26], [sflag:$0x5] =	stream.linear.gather [hbm4b:s6+s2], $0x80, $0x38;
	[tilespmem:$0x1AA80] =	vst v63  }
0xc5: {  	_ =	swait.ge [sflag:s13], $0x80  }
0xc6: {  	[sflag:s13] =	ssyncset.done $0x0  }
0xc7: {  	s31 =	simm.s32 $0x1A180;
	s28 =	sadd.s32 s7, s30;
	[sflag:s13] =	ssyncadd.s32 $0xFFFFFF80  }
0xc8: {  	[tilespmem:s31], [sflag:$0x5] =	stream.linear.gather [hbm4b:s28+s2], $0x80, $0x38;
	[tilespmem:$0x1AA80] =	vst v63  }
0xc9: {  	_ =	swait.ge [sflag:s13], $0x80  }
0xca: {  	[sflag:s13] =	ssyncset.done $0x0  }
0xcb: {  	s6 =	simm.s32 $0x40;
	[sflag:s13] =	ssyncadd.s32 $0xFFFFFF80  }
0xcc: {  	[tilespmem:s6+$0xFFFFFFC0] =	vst v2  }
0xcd: {  	[tilespmem:s6+$0x30] =	vst v2  }
0xce: {  	[tilespmem:s6+$0x20] =	vst v2  }
0xcf: {  	[tilespmem:s6+$0x10] =	vst v2  }
0xd0: {  	[tilespmem:s6+$0x0] =	vst v2  }
0xd1: {  	[tilespmem:s6+$0xFFFFFFF0] =	vst v2  }
0xd2: {  	s8 =	simm.s32 $0x0;
	[tilespmem:s6+$0xFFFFFFE0] =	vst v2  }
.LBB2_3:
0xd3: {  	s8 =	sadd.s32 $0x8, s8;
	[tilespmem:s6+$0xFFFFFFD0] =	vst v2;
	s6 =	sadd.s32 $0x80, s6  }
0xd4: {  	[tilespmem:s6+$0xFFFFFFC0] =	vst v2;
	p0 =	slt.u32 s8, $0xFF8  }
0xd5: {  	[tilespmem:s6+$0x30] =	vst v2  }
.Ltmp0:
0xd6: {  	[tilespmem:s6+$0x20] =	vst v2;
	(pc) =	sbr.rel @p0 .LBB2_3-.Ltmp0, $4  }
0xd7: {  	[tilespmem:s6+$0x10] =	vst v2  }
0xd8: {  	[tilespmem:s6+$0x0] =	vst v2  }
0xd9: {  	[tilespmem:s6+$0xFFFFFFF0] =	vst v2  }
0xda: {  	[tilespmem:s6+$0xFFFFFFE0] =	vst v2  }
0xdb: {  	p0 =	sgt.u32 s0, $0x5F;
	s8 =	simm.s32 $0x3FA0  }
0xdc: {  	s8 =	simm.s32 @!p0 $0x0  }
0xdd: {  	s28 =	sadd.s32 s0, s8  }
0xde: {  	s0 =	sshll.u32 s28, $0x12  }
0xdf: {  	s0 =	sand.u32 $0xFFE00000, s0  }
0xe0: {  	s31 =	sor.u32 s1, s0  }
0xe1: {  	s0 =	sshrl.u32 s31, $0x3  }
0xe2: {  	[tilespmem:s6+$0xFFFFFFD0] =	vst v2;
	s6 =	simm.s32 $0x80;
	s0 =	sadd.s32 s4, s0  }
0xe3: {  	s8 =	simm.s32 $0x10100;
	s1 =	simm.s32 $0x10000;
	s11 =	sadd.s32 $0x0, s0  }
.LBB2_5:
0xe4: {  	[tilespmem:s1], [sflag:$0x1] =	stream.linear.gather [hbm4b:s11+s2], $0x80, $0x38;
	[tilespmem:$0x1AA80] =	vst v63  }
0xe5: {  	s11 =	smov.u32 s6;
	s1 =	smov.u32 s8;
	p1 =	sne.s32 s6, $0x1F80  }
.Ltmp1:
0xe6: {  	s6 =	sadd.s32 $0x80, s6;
	(pc) =	sbr.rel @p1 .LBB2_5-.Ltmp1, $2  }
0xe7: {  	_ =	sdelay $0x2  }
0xe8: {  	s8 =	sadd.s32 $0x100, s8;
	s11 =	sadd.s32 s11, s0  }
0xe9: {  	[tilespmem:s1], [sflag:$0x1] =	stream.linear.gather [hbm4b:s11+s2], $0x80, $0x38;
	[tilespmem:$0x1AA80] =	vst v63  }
0xea: {  	s0 =	simm.s32 $0x80  }
0xeb: {  	s0 =	simm.s32 @!p0 $0x0  }
0xec: {  	s6 =	simm.s32 $0x0;
	s28 =	sshrl.u32 s0, $0x3  }
0xed: {  	s8 =	simm.s32 $0x14000;
	s11 =	simm.s32 $0x0;
	s1 =	sadd.s32 s3, s28  }
.LBB2_7:
0xee: {  	p0 =	sne.s32 s11, $0x7E0  }
.Ltmp2:
0xef: {  	_ = 	snop;
	(pc) =	sbr.rel @p0 .LBB2_7-.Ltmp2, $4  }
0xf0: {  	_ = 	snop  }
0xf1: {  	s14 =	sadd.s32 s11, s1  }
0xf2: {  	[tilespmem:s8], [sflag:$0x3] =	stream.linear.gather [hbm4b:s14+s6], $0x80, $0x38;
	[tilespmem:$0x1AA80] =	vst v63  }
0xf3: {  	s11 =	sadd.s32 $0x20, s11;
	s8 =	sadd.s32 $0x100, s8  }
0xf4: {  	v41 =	vimm.f32 $0.0e+00  }
0xf5: {  	v42 =	vimm.f32 $0.0e+00;
	v43 =	vimm.f32 $0.0e+00;
	v44 =	vimm.f32 $0.0e+00  }
.LBB2_9:
0xf6: {  	s1 =	sshll.u32 s6, $0x7  }
0xf7: {  	s1 =	sor.u32 $0x40, s1  }
0xf8: {  	s8 =	sshll.u32 s1, $0xA  }
0xf9: {  	s8 =	sadd.s32 s31, s8  }
0xfa: {  	s8 =	sshrl.u32 s8, $0x3  }
0xfb: {  	s11 =	simm.s32 $0x10080;
	s8 =	sadd.s32 s4, s8  }
0xfc: {  	s14 =	simm.s32 $0x80;
	s15 =	simm.s32 $0x10180;
	s16 =	sadd.s32 $0x0, s8  }
.LBB2_10:
0xfd: {  	[tilespmem:s11], [sflag:$0x2] =	stream.linear.gather [hbm4b:s16+s2], $0x80, $0x38;
	[tilespmem:$0x1AA80] =	vst v63  }
0xfe: {  	s16 =	smov.u32 s14;
	s11 =	smov.u32 s15;
	p0 =	sne.s32 s14, $0x1F80  }
.Ltmp3:
0xff: {  	s14 =	sadd.s32 $0x80, s14;
	(pc) =	sbr.rel @p0 .LBB2_10-.Ltmp3, $2  }
0x100: {  	_ =	sdelay $0x2  }
0x101: {  	s15 =	sadd.s32 $0x100, s15;
	s16 =	sadd.s32 s16, s8  }
0x102: {  	[tilespmem:s11], [sflag:$0x2] =	stream.linear.gather [hbm4b:s16+s2], $0x80, $0x38;
	[tilespmem:$0x1AA80] =	vst v63  }
0x103: {  	s1 =	sshll.u32 s1, $0x8  }
0x104: {  	s1 =	sor.u32 s0, s1  }
0x105: {  	s1 =	sshrl.u32 s1, $0x3  }
0x106: {  	s8 =	simm.s32 $0x14080;
	s1 =	sadd.s32 s3, s1  }
0x107: {  	s11 =	simm.s32 $0x20;
	s14 =	simm.s32 $0x14180;
	s15 =	sadd.s32 $0x0, s1  }
.LBB2_12:
0x108: {  	[tilespmem:s8], [sflag:$0x4] =	stream.linear.gather [hbm4b:s15+s2], $0x80, $0x38;
	[tilespmem:$0x1AA80] =	vst v63  }
0x109: {  	s15 =	smov.u32 s11;
	s8 =	smov.u32 s14;
	p0 =	sne.s32 s11, $0x7E0  }
.Ltmp4:
0x10a: {  	s11 =	sadd.s32 $0x20, s11;
	(pc) =	sbr.rel @p0 .LBB2_12-.Ltmp4, $2  }
0x10b: {  	_ =	sdelay $0x2  }
0x10c: {  	s14 =	sadd.s32 $0x100, s14;
	s15 =	sadd.s32 s15, s1  }
0x10d: {  	[tilespmem:s8], [sflag:$0x4] =	stream.linear.gather [hbm4b:s15+s2], $0x80, $0x38;
	[tilespmem:$0x1AA80] =	vst v63  }
0x10e: {  	_ =	swait.ge [sflag:s19], $0x2000  }
0x10f: {  	[sflag:s19] =	ssyncset.done $0x0  }
0x110: {  	[sflag:s19] =	ssyncadd.s32 $0xFFFFE000  }
0x111: {  	s1 =	simm.s32 $0x0;
	_ =	swait.ge [sflag:s20], $0x2000  }
0x112: {  	s5 =	sand.u32 $0x40, s1;
	s1 =	sand.u32 $0x3F00, s1;
	[sflag:s20] =	ssyncset.done $0x0  }
0x113: {  	s16 =	sor.u32 s5, s1;
	[sflag:s20] =	ssyncadd.s32 $0xFFFFE000  }
0x114: {  	v45 =	vld [tilespmem:s16+$0x10000]  }
0x115: {  	v46 =	vld [tilespmem:s16+$0x14000];
	_ =	sdelay $0x1  }
0x116: {  	s11 =	simm.s32 $0x40;
	s14 =	simm.s32 $0x80  }
0x117: {  	s8 =	sand.u32 $0x3F00, s14;
	s1 =	sand.u32 $0x40, s11  }
0x118: {  	s14 =	sor.u32 s1, s8  }
0x119: {  	v47 =	vld [tilespmem:s14+$0x10000];
	v45 =	vmul.f32 v46, v45  }
0x11a: {  	v48 =	vld [tilespmem:s14+$0x14000]  }
0x11b: {  	v46 =	vshra.s32 v45, $0x1F  }
0x11c: {  	v46 =	vor.u32 $0x80000000, v46  }
0x11d: {  	v46 =	vxor.u32 v45, v46  }
0x11e: {  	v46 =	vshrl.u32 v46, $0x15  }
0x11f: {  	s15 =	simm.s32 $0x80;
	s17 =	simm.s32 $0x100;
	v47 =	vmul.f32 v48, v47;
	v49 =	vand.u32 $0x780, v46  }
0x120: {  	s1 =	sand.u32 $0x40, s15;
	s8 =	sand.u32 $0x3F00, s17;
	v50 =	vor.u32 v3, v46;
	v46 =	vand.u32 $0x7F, v46;
	v49 =	vor.u32 v5, v49  }
0x121: {  	s8 =	sor.u32 s1, s8;
	v46 =	vor.u32 v46, v49  }
0x122: {  	v62 =	vld [tilespmem:s8+$0x10000];
	v48 =	vshra.s32 v47, $0x1F  }
0x123: {  	v51 =	vld [tilespmem:s8+$0x14000];
	v48 =	vor.u32 $0x80000000, v48  }
0x124: {  	v48 =	vxor.u32 v47, v48  }
0x125: {  	v63 =	vshrl.u32 v48, $0x15;
	[tilespmem:v50+s2+$0x0] =	vst.idx.add.f32.msk $0xffff, v4  }
0x126: {  	v13 =	vand.u32 $0x780, v63;
	[tilespmem:v46+s2+$0x0] =	vst.idx.add.f32.msk $0xffff, v45  }
0x127: {  	s18 =	simm.s32 $0xC0;
	s11 =	simm.s32 $0x180;
	v53 =	vor.u32 v3, v63;
	v50 =	vor.u32 v5, v13;
	v46 =	vand.u32 $0x7F, v63;
	v12 =	vld [tilespmem:s16+$0x14010]  }
0x128: {  	s11 =	sand.u32 $0x3F00, s11;
	s1 =	sand.u32 $0x40, s18;
	v49 =	vmul.f32 v51, v62;
	v52 =	vld [tilespmem:s16+$0x10010];
	v46 =	vor.u32 v46, v50  }
0x129: {  	s11 =	sor.u32 s1, s11  }
0x12a: {  	v54 =	vld [tilespmem:s11+$0x10000];
	v14 =	vshra.s32 v49, $0x1F  }
0x12b: {  	v56 =	vld [tilespmem:s11+$0x14000];
	v50 =	vor.u32 $0x80000000, v14  }
0x12c: {  	[tilespmem:v53+s2+$0x0] =	vst.idx.add.f32.msk $0xffff, v4;
	v50 =	vxor.u32 v49, v50  }
0x12d: {  	v50 =	vshrl.u32 v50, $0x15;
	v48 =	vmul.f32 v12, v52;
	[tilespmem:v46+s2+$0x0] =	vst.idx.add.f32.msk $0xffff, v47  }
0x12e: {  	v18 =	vand.u32 $0x780, v50;
	v55 =	vor.u32 v3, v50;
	v16 =	vld [tilespmem:s14+$0x14010]  }
0x12f: {  	v50 =	vand.u32 $0x7F, v50;
	v53 =	vor.u32 v5, v18;
	v17 =	vld [tilespmem:s14+$0x10010];
	v15 =	vshra.s32 v48, $0x1F  }
0x130: {  	s26 =	simm.s32 $0x100;
	s5 =	simm.s32 $0x200;
	v45 =	vmul.f32 v45, v45;
	v50 =	vor.u32 v50, v53;
	v46 =	vor.u32 $0x80000000, v15  }
0x131: {  	s15 =	sand.u32 $0x3F00, s5;
	s1 =	sand.u32 $0x40, s26;
	v46 =	vxor.u32 v48, v46  }
0x132: {  	s28 =	sor.u32 s1, s15;
	v44 =	vadd.f32 v45, v44;
	v46 =	vshrl.u32 v46, $0x15  }
0x133: {  	v58 =	vld [tilespmem:s28+$0x10000];
	v52 =	vmul.f32 v56, v54;
	v19 =	vor.u32 v3, v46;
	v57 =	vand.u32 $0x780, v46  }
0x134: {  	[tilespmem:v55+s2+$0x0] =	vst.idx.add.f32.msk $0xffff, v4;
	v46 =	vand.u32 $0x7F, v46;
	v51 =	vmul.f32 v16, v17;
	v57 =	vor.u32 v5, v57  }
0x135: {  	v47 =	vmul.f32 v47, v47;
	v12 =	vshra.s32 v52, $0x1F;
	[tilespmem:v50+s2+$0x0] =	vst.idx.add.f32.msk $0xffff, v49;
	v46 =	vor.u32 v46, v57  }
0x136: {  	v14 =	vor.u32 $0x80000000, v12;
	v63 =	vld [tilespmem:s8+$0x14010];
	v60 =	vshra.s32 v51, $0x1F  }
0x137: {  	v44 =	vadd.f32 v47, v44;
	v47 =	vxor.u32 v52, v14;
	v13 =	vld [tilespmem:s8+$0x10010];
	v62 =	vor.u32 $0x80000000, v60  }
0x138: {  	v59 =	vld [tilespmem:s28+$0x14000];
	v47 =	vshrl.u32 v47, $0x15;
	v50 =	vxor.u32 v51, v62  }
0x139: {  	v61 =	vmul.f32 v48, v48;
	v18 =	vor.u32 v3, v47;
	[tilespmem:v19+s2+$0x0] =	vst.idx.add.f32.msk $0xffff, v4;
	v50 =	vshrl.u32 v50, $0x15  }
0x13a: {  	s17 =	simm.s32 $0x140;
	s18 =	simm.s32 $0x280;
	v17 =	vand.u32 $0x780, v47;
	v15 =	vor.u32 v3, v50;
	v16 =	vand.u32 $0x780, v50;
	[tilespmem:v46+s2+$0x0] =	vst.idx.add.f32.msk $0xffff, v48  }
0x13b: {  	s1 =	sand.u32 $0x40, s17;
	s15 =	sand.u32 $0x3F00, s18;
	v47 =	vand.u32 $0x7F, v47;
	v50 =	vand.u32 $0x7F, v50;
	v45 =	vor.u32 v5, v16;
	v48 =	vld [tilespmem:s16+$0x10020]  }
0x13c: {  	s1 =	sor.u32 s1, s15;
	v54 =	vmul.f32 v63, v13;
	v53 =	vld [tilespmem:s16+$0x14020];
	v45 =	vor.u32 v50, v45;
	v50 =	vor.u32 v5, v17  }
0x13d: {  	v58 =	vmul.f32 v59, v58;
	v60 =	vld [tilespmem:s1+$0x14000];
	v46 =	vor.u32 v47, v50  }
0x13e: {  	v49 =	vmul.f32 v49, v49;
	[tilespmem:v18+s2+$0x0] =	vst.idx.add.f32.msk $0xffff, v4;
	v12 =	vshra.s32 v54, $0x1F  }
0x13f: {  	v55 =	vmul.f32 v58, v58;
	v47 =	vor.u32 $0x80000000, v12;
	[tilespmem:v15+s2+$0x0] =	vst.idx.add.f32.msk $0xffff, v4  }
0x140: {  	v43 =	vadd.f32 v61, v43;
	v44 =	vadd.f32 v49, v44;
	v47 =	vxor.u32 v54, v47;
	v15 =	vld [tilespmem:s1+$0x10000]  }
0x141: {  	v13 =	vmul.f32 v52, v52;
	v16 =	vshrl.u32 v47, $0x15;
	v48 =	vmul.f32 v53, v48;
	[tilespmem:v45+s2+$0x0] =	vst.idx.add.f32.msk $0xffff, v51  }
0x142: {  	v14 =	vshra.s32 v58, $0x1F;
	v19 =	vmul.f32 v51, v51;
	v18 =	vor.u32 v3, v16;
	[tilespmem:v46+s2+$0x0] =	vst.idx.add.f32.msk $0xffff, v52  }
0x143: {  	v63 =	vand.u32 $0x780, v16;
	v52 =	vadd.f32 v13, v44;
	v13 =	vld [tilespmem:s14+$0x10020];
	v17 =	vshra.s32 v48, $0x1F  }
0x144: {  	s26 =	simm.s32 $0x180;
	s17 =	simm.s32 $0x300;
	v45 =	vand.u32 $0x7F, v16;
	v44 =	vor.u32 v5, v63;
	v61 =	vld [tilespmem:s14+$0x14020];
	v62 =	vor.u32 $0x80000000, v17  }
0x145: {  	s15 =	sand.u32 $0x40, s26;
	s17 =	sand.u32 $0x3F00, s17;
	v57 =	vor.u32 $0x80000000, v14;
	v50 =	vld [tilespmem:s11+$0x14010];
	v44 =	vor.u32 v45, v44;
	v46 =	vxor.u32 v48, v62  }
0x146: {  	s15 =	sor.u32 s15, s17;
	v49 =	vxor.u32 v58, v57;
	v43 =	vadd.f32 v19, v43;
	v12 =	vld [tilespmem:s11+$0x10010];
	v46 =	vshrl.u32 v46, $0x15  }
0x147: {  	v19 =	vmul.f32 v54, v54;
	v63 =	vld [tilespmem:s15+$0x14000];
	v47 =	vmul.f32 v60, v15;
	v14 =	vand.u32 $0x780, v46  }
0x148: {  	[tilespmem:v18+s2+$0x0] =	vst.idx.add.f32.msk $0xffff, v4;
	v15 =	vor.u32 v3, v46;
	v46 =	vand.u32 $0x7F, v46;
	v45 =	vor.u32 v5, v14  }
0x149: {  	v16 =	vmul.f32 v48, v48;
	v18 =	vld [tilespmem:s15+$0x10000];
	v59 =	vshra.s32 v47, $0x1F;
	v62 =	vor.u32 v46, v45  }
0x14a: {  	v17 =	vor.u32 $0x80000000, v59;
	[tilespmem:v44+s2+$0x0] =	vst.idx.add.f32.msk $0xffff, v54;
	v46 =	vadd.f32 v19, v43;
	v19 =	vshrl.u32 v49, $0x15  }
0x14b: {  	v44 =	vmul.f32 v47, v47;
	v49 =	vmul.f32 v50, v12;
	v0 =	vor.u32 v3, v19  }
0x14c: {  	v50 =	vxor.u32 v47, v17;
	v45 =	vadd.f32 v16, v42;
	v56 =	vand.u32 $0x780, v19  }
0x14d: {  	v43 =	vand.u32 $0x7F, v19;
	v53 =	vor.u32 v5, v56;
	v12 =	vshra.s32 v49, $0x1F;
	[tilespmem:v15+s2+$0x0] =	vst.idx.add.f32.msk $0xffff, v4  }
0x14e: {  	v60 =	vor.u32 v43, v53;
	v42 =	vor.u32 $0x80000000, v12;
	[tilespmem:v62+s2+$0x0] =	vst.idx.add.f32.msk $0xffff, v48;
	v48 =	vmul.f32 v61, v13  }
0x14f: {  	v54 =	vmul.f32 v49, v49;
	v13 =	vxor.u32 v49, v42;
	v42 =	vmul.f32 v63, v18;
	v53 =	vld [tilespmem:s16+$0x14030]  }
0x150: {  	v43 =	vadd.f32 v55, v52;
	[tilespmem:v0+s2+$0x0] =	vst.idx.add.f32.msk $0xffff, v4;
	v0 =	vshrl.u32 v13, $0x15;
	v14 =	vshra.s32 v48, $0x1F  }
0x151: {  	v55 =	vld [tilespmem:s16+$0x10030];
	v57 =	vor.u32 v3, v0;
	v15 =	vand.u32 $0x780, v0;
	v17 =	vshra.s32 v42, $0x1F  }
0x152: {  	v52 =	vld [tilespmem:s8+$0x10020];
	v51 =	vmul.f32 v48, v48;
	v0 =	vand.u32 $0x7F, v0;
	v16 =	vor.u32 $0x80000000, v14  }
0x153: {  	[tilespmem:v60+s2+$0x0] =	vst.idx.add.f32.msk $0xffff, v58;
	v18 =	vor.u32 v5, v15;
	v56 =	vor.u32 $0x80000000, v17;
	v19 =	vxor.u32 v48, v16  }
0x154: {  	s17 =	simm.s32 $0x1C0;
	s16 =	simm.s32 $0x380;
	v59 =	vxor.u32 v42, v56;
	v56 =	vld [tilespmem:s28+$0x14010];
	v58 =	vor.u32 v0, v18;
	v60 =	vshrl.u32 v19, $0x15  }
.LBB2_14:
0x155: {  	s26 =	smov.u32 s17  }
0x156: {  	s18 =	sand.u32 $0x40, s17;
	s5 =	sand.u32 $0x3F00, s16;
	v0 =	vld [tilespmem:s28+$0x10010];
	v46 =	vadd.f32 v54, v46;
	v54 =	vand.u32 $0x780, v60;
	v61 =	vmul.f32 v53, v55;
	s26 =	sadd.s32 $0x40, s17  }
0x157: {  	p0 =	sne.s32 s17, $0x1FC0;
	v53 =	vor.u32 v3, v60;
	v55 =	vand.u32 $0x7F, v60;
	s18 =	sor.u32 s18, s5;
	v54 =	vor.u32 v5, v54;
	[tilespmem:v57+s2+$0x0] =	vst.idx.add.f32.msk $0xffff, v4  }
0x158: {  	v54 =	vor.u32 v55, v54;
	v55 =	vshra.s32 v61, $0x1F;
	v60 =	vmul.f32 v61, v61;
	v57 =	vld [tilespmem:s8+$0x14020]  }
0x159: {  	v63 =	vshrl.u32 v50, $0x15;
	v45 =	vadd.f32 v51, v45;
	v50 =	vmovc v59;
	v51 =	vor.u32 $0x80000000, v55;
	v62 =	vld [tilespmem:s18+$0x10000]  }
0x15a: {  	v1 =	vand.u32 $0x780, v63;
	v55 =	vor.u32 v3, v63;
	v51 =	vxor.u32 v61, v51;
	v59 =	vld [tilespmem:s18+$0x14000]  }
0x15b: {  	v1 =	vor.u32 v5, v1;
	v63 =	vand.u32 $0x7F, v63;
	v51 =	vshrl.u32 v51, $0x15;
	[tilespmem:v58+s2+$0x0] =	vst.idx.add.f32.msk $0xffff, v49  }
0x15c: {  	v1 =	vor.u32 v63, v1;
	v49 =	vmul.f32 v56, v0;
	v0 =	vand.u32 $0x780, v51;
	[tilespmem:v53+s2+$0x0] =	vst.idx.add.f32.msk $0xffff, v4  }
0x15d: {  	v56 =	vor.u32 v3, v51;
	v0 =	vor.u32 v5, v0;
	[tilespmem:v54+s2+$0x0] =	vst.idx.add.f32.msk $0xffff, v48;
	v48 =	vand.u32 $0x7F, v51  }
0x15e: {  	v41 =	vadd.f32 v60, v41;
	v51 =	vshra.s32 v49, $0x1F;
	v53 =	vld [tilespmem:s14+$0x14030];
	v0 =	vor.u32 v48, v0  }
0x15f: {  	v54 =	vmul.f32 v49, v49;
	v51 =	vor.u32 $0x80000000, v51;
	v48 =	vmul.f32 v57, v52;
	[tilespmem:v55+s2+$0x0] =	vst.idx.add.f32.msk $0xffff, v4  }
0x160: {  	v43 =	vadd.f32 v44, v43;
	v44 =	vmul.f32 v42, v42;
	v51 =	vxor.u32 v49, v51;
	v55 =	vld [tilespmem:s14+$0x10030];
	s14 =	smov.u32 s8;
	s8 =	smov.u32 s11;
	s11 =	smov.u32 s28  }
.Ltmp5:
0x161: {  	s28 =	smov.u32 s1;
	s1 =	smov.u32 s15;
	[tilespmem:v1+s2+$0x0] =	vst.idx.add.f32.msk $0xffff, v47;
	v1 =	vshrl.u32 v51, $0x15;
	v51 =	vshra.s32 v48, $0x1F;
	v47 =	vmovc v42;
	v42 =	vmul.f32 v59, v62;
	(pc) =	sbr.rel @p0 .LBB2_14-.Ltmp5, $4  }
0x162: {  	s15 =	smov.u32 s18;
	v57 =	vor.u32 v3, v1;
	v52 =	vand.u32 $0x780, v1;
	v58 =	vor.u32 $0x80000000, v51;
	[tilespmem:v56+s2+$0x0] =	vst.idx.add.f32.msk $0xffff, v4  }
0x163: {  	v51 =	vmul.f32 v48, v48;
	v56 =	vshra.s32 v42, $0x1F;
	v60 =	vor.u32 v5, v52;
	[tilespmem:v0+s2+$0x0] =	vst.idx.add.f32.msk $0xffff, v61  }
0x164: {  	v1 =	vand.u32 $0x7F, v1;
	v61 =	vxor.u32 v48, v58;
	v0 =	vor.u32 $0x80000000, v56;
	v52 =	vld [tilespmem:s8+$0x10020]  }
0x165: {  	s16 =	sadd.s32 $0x80, s16;
	s17 =	smov.u32 s26;
	v58 =	vor.u32 v1, v60;
	v60 =	vshrl.u32 v61, $0x15;
	v59 =	vxor.u32 v42, v0;
	v56 =	vld [tilespmem:s28+$0x14010]  }
0x166: {  	_ = 	snop  }
0x167: {  	v0 =	vshrl.u32 v50, $0x15  }
0x168: {  	v1 =	vor.u32 v3, v60;
	v50 =	vand.u32 $0x780, v0  }
0x169: {  	v61 =	vld [tilespmem:s28+$0x10010];
	v62 =	vor.u32 v3, v0;
	v0 =	vand.u32 $0x7F, v0;
	v50 =	vor.u32 v5, v50  }
0x16a: {  	[tilespmem:v57+s2+$0x0] =	vst.idx.add.f32.msk $0xffff, v4;
	v0 =	vor.u32 v0, v50  }
0x16b: {  	v13 =	vld [tilespmem:s8+$0x14020];
	v14 =	vshrl.u32 v59, $0x15  }
0x16c: {  	[tilespmem:v58+s2+$0x0] =	vst.idx.add.f32.msk $0xffff, v49;
	v15 =	vand.u32 $0x780, v14  }
0x16d: {  	v57 =	vand.u32 $0x7F, v14;
	v49 =	vor.u32 v5, v15;
	[tilespmem:v1+s2+$0x0] =	vst.idx.add.f32.msk $0xffff, v4;
	v1 =	vor.u32 v3, v14  }
0x16e: {  	v49 =	vor.u32 v57, v49;
	[tilespmem:v62+s2+$0x0] =	vst.idx.add.f32.msk $0xffff, v4  }
0x16f: {  	v54 =	vadd.f32 v54, v46;
	v16 =	vand.u32 $0x780, v60;
	v56 =	vmul.f32 v56, v61;
	[tilespmem:v0+s2+$0x0] =	vst.idx.add.f32.msk $0xffff, v47  }
0x170: {  	v17 =	vor.u32 v5, v16;
	v50 =	vmul.f32 v13, v52;
	v0 =	vand.u32 $0x7F, v60;
	v19 =	vld [tilespmem:s1+$0x14010]  }
0x171: {  	v46 =	vmul.f32 v53, v55;
	v18 =	vshra.s32 v56, $0x1F;
	v0 =	vor.u32 v0, v17;
	v12 =	vld [tilespmem:s1+$0x10010]  }
0x172: {  	v14 =	vshra.s32 v50, $0x1F;
	v63 =	vor.u32 $0x80000000, v18;
	[tilespmem:v1+s2+$0x0] =	vst.idx.add.f32.msk $0xffff, v4  }
0x173: {  	v13 =	vshra.s32 v46, $0x1F;
	v53 =	vor.u32 $0x80000000, v14;
	v47 =	vxor.u32 v56, v63;
	[tilespmem:v49+s2+$0x0] =	vst.idx.add.f32.msk $0xffff, v42  }
0x174: {  	v53 =	vxor.u32 v50, v53;
	v1 =	vor.u32 $0x80000000, v13;
	v47 =	vshrl.u32 v47, $0x15;
	v58 =	vld [tilespmem:s15+$0x14010]  }
0x175: {  	v18 =	vshrl.u32 v53, $0x15;
	v15 =	vand.u32 $0x780, v47;
	v16 =	vor.u32 v3, v47;
	v17 =	vld [tilespmem:s15+$0x10010]  }
0x176: {  	v1 =	vxor.u32 v46, v1;
	v49 =	vor.u32 v5, v15;
	[tilespmem:v0+s2+$0x0] =	vst.idx.add.f32.msk $0xffff, v48;
	v0 =	vand.u32 $0x7F, v47  }
0x177: {  	v52 =	vmul.f32 v19, v12;
	v19 =	vand.u32 $0x780, v18;
	v12 =	vor.u32 v3, v18;
	v53 =	vld [tilespmem:s14+$0x14030]  }
0x178: {  	v47 =	vand.u32 $0x7F, v18;
	v0 =	vor.u32 v0, v49;
	v61 =	vld [tilespmem:s14+$0x10030];
	v48 =	vor.u32 v5, v19  }
0x179: {  	v49 =	vshrl.u32 v1, $0x15;
	v1 =	vld [tilespmem:s11+$0x10020];
	v13 =	vshra.s32 v52, $0x1F;
	v48 =	vor.u32 v47, v48  }
0x17a: {  	v51 =	vadd.f32 v51, v45;
	v57 =	vmul.f32 v46, v46;
	[tilespmem:v16+s2+$0x0] =	vst.idx.add.f32.msk $0xffff, v4;
	v14 =	vor.u32 $0x80000000, v13  }
0x17b: {  	v15 =	vand.u32 $0x780, v49;
	v47 =	vmul.f32 v58, v17;
	v58 =	vld [tilespmem:s11+$0x14020];
	v16 =	vxor.u32 v52, v14  }
0x17c: {  	v17 =	vor.u32 v5, v15;
	v14 =	vand.u32 $0x7F, v49;
	v59 =	vshrl.u32 v16, $0x15;
	[tilespmem:v12+s2+$0x0] =	vst.idx.add.f32.msk $0xffff, v4  }
0x17d: {  	v19 =	vshra.s32 v47, $0x1F;
	[tilespmem:v0+s2+$0x0] =	vst.idx.add.f32.msk $0xffff, v56;
	v0 =	vor.u32 v3, v59;
	v18 =	vand.u32 $0x780, v59  }
0x17e: {  	v59 =	vand.u32 $0x7F, v59;
	v13 =	vor.u32 $0x80000000, v19;
	v12 =	vor.u32 v5, v18;
	[tilespmem:v48+s2+$0x0] =	vst.idx.add.f32.msk $0xffff, v50  }
0x17f: {  	v15 =	vxor.u32 v47, v13;
	v48 =	vor.u32 v14, v17;
	v17 =	vld [tilespmem:s28+$0x10020];
	v55 =	vor.u32 v59, v12  }
0x180: {  	v57 =	vadd.f32 v57, v41;
	v56 =	vmul.f32 v56, v56;
	v18 =	vld [tilespmem:s28+$0x14020];
	v16 =	vshrl.u32 v15, $0x15  }
0x181: {  	v45 =	vmul.f32 v53, v61;
	v60 =	vld [tilespmem:s8+$0x14030];
	v1 =	vmul.f32 v58, v1;
	v59 =	vand.u32 $0x780, v16  }
0x182: {  	v10 =	vld [tilespmem:s8+$0x10030];
	v19 =	vor.u32 v3, v16;
	v41 =	vand.u32 $0x7F, v16;
	v59 =	vor.u32 v5, v59  }
0x183: {  	v12 =	vmul.f32 v50, v50;
	[tilespmem:v0+s2+$0x0] =	vst.idx.add.f32.msk $0xffff, v4;
	v0 =	vor.u32 v41, v59  }
0x184: {  	v63 =	vshra.s32 v45, $0x1F;
	v50 =	vadd.f32 v56, v54;
	v56 =	vmul.f32 v45, v45;
	[tilespmem:v55+s2+$0x0] =	vst.idx.add.f32.msk $0xffff, v52  }
0x185: {  	v13 =	vor.u32 $0x80000000, v63;
	v14 =	vshra.s32 v1, $0x1F;
	v41 =	vadd.f32 v44, v43;
	v55 =	vld [tilespmem:s1+$0x10020]  }
0x186: {  	v44 =	vxor.u32 v45, v13;
	v54 =	vor.u32 $0x80000000, v14;
	v43 =	vadd.f32 v12, v51;
	v15 =	vld [tilespmem:s1+$0x14020]  }
0x187: {  	v44 =	vshrl.u32 v44, $0x15;
	v54 =	vxor.u32 v1, v54;
	v53 =	vmul.f32 v18, v17;
	[tilespmem:v19+s2+$0x0] =	vst.idx.add.f32.msk $0xffff, v4  }
0x188: {  	v16 =	vand.u32 $0x780, v44;
	v17 =	vand.u32 $0x7F, v44;
	v54 =	vshrl.u32 v54, $0x15;
	[tilespmem:v0+s2+$0x0] =	vst.idx.add.f32.msk $0xffff, v47  }
0x189: {  	v18 =	vor.u32 v3, v54;
	v19 =	vshra.s32 v53, $0x1F;
	v0 =	vand.u32 $0x780, v54;
	v6 =	vld [tilespmem:s15+$0x10020]  }
0x18a: {  	v63 =	vor.u32 $0x80000000, v19;
	v54 =	vand.u32 $0x7F, v54;
	v0 =	vor.u32 v5, v0;
	v9 =	vld [tilespmem:s15+$0x14020]  }
0x18b: {  	v63 =	vxor.u32 v53, v63;
	v0 =	vor.u32 v54, v0;
	v55 =	vmul.f32 v15, v55  }
0x18c: {  	v10 =	vmul.f32 v60, v10;
	v59 =	vor.u32 v5, v16;
	v54 =	vshrl.u32 v63, $0x15  }
0x18d: {  	v12 =	vand.u32 $0x780, v54;
	v13 =	vor.u32 v3, v54;
	v14 =	vshra.s32 v55, $0x1F  }
0x18e: {  	[tilespmem:v18+s2+$0x0] =	vst.idx.add.f32.msk $0xffff, v4;
	v54 =	vand.u32 $0x7F, v54;
	v58 =	vor.u32 v5, v12;
	v61 =	vor.u32 $0x80000000, v14  }
0x18f: {  	v54 =	vor.u32 v54, v58;
	v6 =	vmul.f32 v9, v6;
	v15 =	vxor.u32 v55, v61  }
0x190: {  	v51 =	vor.u32 v17, v59;
	v9 =	vadd.f32 v56, v57;
	[tilespmem:v0+s2+$0x0] =	vst.idx.add.f32.msk $0xffff, v1;
	v0 =	vshrl.u32 v15, $0x15  }
0x191: {  	v56 =	vld [tilespmem:s11+$0x14030];
	v17 =	vshra.s32 v6, $0x1F;
	v16 =	vand.u32 $0x780, v0;
	v58 =	vor.u32 v3, v0  }
0x192: {  	v18 =	vld [tilespmem:s11+$0x10030];
	v0 =	vand.u32 $0x7F, v0;
	v60 =	vor.u32 $0x80000000, v17;
	v57 =	vor.u32 v5, v16  }
0x193: {  	[tilespmem:v13+s2+$0x0] =	vst.idx.add.f32.msk $0xffff, v4;
	v60 =	vxor.u32 v6, v60;
	v0 =	vor.u32 v0, v57  }
0x194: {  	v42 =	vmul.f32 v42, v42;
	v49 =	vor.u32 v3, v49;
	[tilespmem:v54+s2+$0x0] =	vst.idx.add.f32.msk $0xffff, v53;
	v12 =	vshrl.u32 v60, $0x15  }
0x195: {  	v52 =	vmul.f32 v52, v52;
	v44 =	vor.u32 v3, v44;
	v59 =	vld [tilespmem:s28+$0x14030];
	v14 =	vand.u32 $0x780, v12  }
0x196: {  	v15 =	vld [tilespmem:s28+$0x10030];
	v16 =	vor.u32 v3, v12;
	v54 =	vand.u32 $0x7F, v12;
	v60 =	vor.u32 v5, v14  }
0x197: {  	v19 =	vshra.s32 v10, $0x1F;
	v1 =	vmul.f32 v1, v1;
	[tilespmem:v58+s2+$0x0] =	vst.idx.add.f32.msk $0xffff, v4;
	v54 =	vor.u32 v54, v60  }
0x198: {  	v50 =	vadd.f32 v52, v50;
	v63 =	vor.u32 $0x80000000, v19;
	v19 =	vmul.f32 v10, v10;
	[tilespmem:v0+s2+$0x0] =	vst.idx.add.f32.msk $0xffff, v55  }
0x199: {  	v13 =	vxor.u32 v10, v63;
	v1 =	vadd.f32 v1, v43;
	v53 =	vmul.f32 v53, v53;
	v58 =	vld [tilespmem:s1+$0x14030]  }
0x19a: {  	v47 =	vmul.f32 v47, v47;
	v57 =	vshrl.u32 v13, $0x15;
	v56 =	vmul.f32 v56, v18;
	v12 =	vld [tilespmem:s1+$0x10030]  }
0x19b: {  	v9 =	vadd.f32 v19, v9;
	v17 =	vand.u32 $0x780, v57;
	v1 =	vadd.f32 v53, v1;
	[tilespmem:v16+s2+$0x0] =	vst.idx.add.f32.msk $0xffff, v4  }
0x19c: {  	v43 =	vor.u32 v5, v17;
	v18 =	vshra.s32 v56, $0x1F;
	v13 =	vmul.f32 v56, v56;
	[tilespmem:v54+s2+$0x0] =	vst.idx.add.f32.msk $0xffff, v6  }
0x19d: {  	v0 =	vand.u32 $0x7F, v57;
	v61 =	vor.u32 $0x80000000, v18;
	v59 =	vmul.f32 v59, v15;
	v15 =	vld [tilespmem:s15+$0x14030]  }
0x19e: {  	v57 =	vor.u32 v3, v57;
	v0 =	vor.u32 v0, v43;
	v43 =	vxor.u32 v56, v61;
	v17 =	vld [tilespmem:s15+$0x10030]  }
0x19f: {  	v9 =	vadd.f32 v13, v9;
	v43 =	vshrl.u32 v43, $0x15;
	v18 =	vshra.s32 v59, $0x1F  }
0x1a0: {  	v14 =	vand.u32 $0x780, v43;
	v16 =	vand.u32 $0x7F, v43;
	v54 =	vor.u32 $0x80000000, v18  }
0x1a1: {  	v60 =	vor.u32 v5, v14;
	v54 =	vxor.u32 v59, v54;
	v52 =	vmul.f32 v58, v12  }
0x1a2: {  	v43 =	vor.u32 v3, v43;
	v53 =	vor.u32 v16, v60;
	v54 =	vshrl.u32 v54, $0x15  }
0x1a3: {  	[tilespmem:v49+s2+$0x0] =	vst.idx.add.f32.msk $0xffff, v4;
	v19 =	vand.u32 $0x780, v54;
	v12 =	vshra.s32 v52, $0x1F;
	v58 =	vmul.f32 v15, v17  }
0x1a4: {  	[tilespmem:v48+s2+$0x0] =	vst.idx.add.f32.msk $0xffff, v46;
	v13 =	vor.u32 v3, v54;
	v14 =	vand.u32 $0x7F, v54;
	v15 =	vor.u32 $0x80000000, v12  }
0x1a5: {  	[tilespmem:v44+s2+$0x0] =	vst.idx.add.f32.msk $0xffff, v4;
	v16 =	vor.u32 v5, v19;
	v17 =	vxor.u32 v52, v15;
	v18 =	vshra.s32 v58, $0x1F  }
0x1a6: {  	[tilespmem:v51+s2+$0x0] =	vst.idx.add.f32.msk $0xffff, v45;
	v44 =	vor.u32 v14, v16;
	v19 =	vshrl.u32 v17, $0x15;
	v54 =	vor.u32 $0x80000000, v18  }
0x1a7: {  	[tilespmem:v57+s2+$0x0] =	vst.idx.add.f32.msk $0xffff, v4;
	v49 =	vand.u32 $0x780, v19;
	v57 =	vor.u32 v3, v19;
	v48 =	vxor.u32 v58, v54  }
0x1a8: {  	[tilespmem:v0+s2+$0x0] =	vst.idx.add.f32.msk $0xffff, v10;
	v0 =	vand.u32 $0x7F, v19;
	v10 =	vor.u32 v5, v49;
	v60 =	vshrl.u32 v48, $0x15  }
0x1a9: {  	v61 =	vmul.f32 v59, v59;
	[tilespmem:v43+s2+$0x0] =	vst.idx.add.f32.msk $0xffff, v4;
	v0 =	vor.u32 v0, v10;
	v10 =	vand.u32 $0x780, v60  }
0x1aa: {  	[tilespmem:v53+s2+$0x0] =	vst.idx.add.f32.msk $0xffff, v56;
	v48 =	vor.u32 v3, v60;
	v45 =	vand.u32 $0x7F, v60;
	v10 =	vor.u32 v5, v10  }
0x1ab: {  	p0 =	seq.s32 s6, $0xF;
	v62 =	vmul.f32 v55, v55;
	[tilespmem:v13+s2+$0x0] =	vst.idx.add.f32.msk $0xffff, v4;
	v10 =	vor.u32 v45, v10  }
.Ltmp6:
0x1ac: {  	v9 =	vadd.f32 v61, v9;
	v63 =	vmul.f32 v52, v52;
	[tilespmem:v44+s2+$0x0] =	vst.idx.add.f32.msk $0xffff, v59;
	(pc) =	sbr.rel @p0 .LBB2_21-.Ltmp6, $4  }
0x1ad: {  	v1 =	vadd.f32 v62, v1;
	v6 =	vmul.f32 v6, v6;
	[tilespmem:v57+s2+$0x0] =	vst.idx.add.f32.msk $0xffff, v4  }
0x1ae: {  	v9 =	vadd.f32 v63, v9;
	[tilespmem:v0+s2+$0x0] =	vst.idx.add.f32.msk $0xffff, v52;
	v0 =	vmul.f32 v58, v58  }
0x1af: {  	v43 =	vadd.f32 v47, v50;
	v44 =	vadd.f32 v42, v41;
	[tilespmem:v48+s2+$0x0] =	vst.idx.add.f32.msk $0xffff, v4  }
0x1b0: {  	v42 =	vadd.f32 v6, v1;
	v41 =	vadd.f32 v0, v9;
	[tilespmem:v10+s2+$0x0] =	vst.idx.add.f32.msk $0xffff, v58  }
0x1b1: {  	s1 =	sshll.u32 s6, $0x1  }
0x1b2: {  	s1 =	sadd.s32 $0x2, s1  }
0x1b3: {  	s5 =	sshll.u32 s1, $0x10  }
0x1b4: {  	s5 =	sadd.s32 s31, s5  }
0x1b5: {  	s5 =	sshrl.u32 s5, $0x3  }
0x1b6: {  	s11 =	simm.s32 $0x10000;
	s8 =	sadd.s32 s4, s5  }
0x1b7: {  	s14 =	simm.s32 $0x80;
	s15 =	simm.s32 $0x10100;
	s16 =	sadd.s32 $0x0, s8  }
.LBB2_17:
0x1b8: {  	[tilespmem:s11], [sflag:$0x1] =	stream.linear.gather [hbm4b:s16+s2], $0x80, $0x38;
	[tilespmem:$0x1AA80] =	vst v63  }
0x1b9: {  	s5 =	smov.u32 s14;
	s11 =	smov.u32 s15;
	p0 =	sne.s32 s14, $0x1F80  }
.Ltmp7:
0x1ba: {  	s14 =	sadd.s32 $0x80, s14;
	(pc) =	sbr.rel @p0 .LBB2_17-.Ltmp7, $2  }
0x1bb: {  	_ =	sdelay $0x2  }
0x1bc: {  	s15 =	sadd.s32 $0x100, s15;
	s16 =	sadd.s32 s5, s8  }
0x1bd: {  	[tilespmem:s11], [sflag:$0x1] =	stream.linear.gather [hbm4b:s16+s2], $0x80, $0x38;
	[tilespmem:$0x1AA80] =	vst v63  }
0x1be: {  	s1 =	sshll.u32 s1, $0xE  }
0x1bf: {  	s1 =	sor.u32 s0, s1  }
0x1c0: {  	s1 =	sshrl.u32 s1, $0x3  }
0x1c1: {  	s8 =	simm.s32 $0x14000;
	s1 =	sadd.s32 s3, s1  }
0x1c2: {  	s11 =	simm.s32 $0x20;
	s14 =	simm.s32 $0x14100;
	s15 =	sadd.s32 $0x0, s1  }
.LBB2_19:
0x1c3: {  	[tilespmem:s8], [sflag:$0x3] =	stream.linear.gather [hbm4b:s15+s2], $0x80, $0x38;
	[tilespmem:$0x1AA80] =	vst v63  }
0x1c4: {  	s5 =	smov.u32 s11;
	s8 =	smov.u32 s14;
	p0 =	sne.s32 s11, $0x7E0  }
.Ltmp8:
0x1c5: {  	s11 =	sadd.s32 $0x20, s11;
	(pc) =	sbr.rel @p0 .LBB2_19-.Ltmp8, $2  }
0x1c6: {  	_ =	sdelay $0x2  }
0x1c7: {  	s14 =	sadd.s32 $0x100, s14;
	s15 =	sadd.s32 s5, s1  }
0x1c8: {  	[tilespmem:s8], [sflag:$0x3] =	stream.linear.gather [hbm4b:s15+s2], $0x80, $0x38;
	[tilespmem:$0x1AA80] =	vst v63  }
.LBB2_21:
0x1c9: {  	_ =	swait.ge [sflag:s21], $0x2000  }
0x1ca: {  	p0 =	por $0x0, $0x0;
	s1 =	simm.s32 $0x1;
	[sflag:s21] =	ssyncset.done $0x0  }
0x1cb: {  	s1 =	simm.s32 @!p0 $0x0;
	[sflag:s21] =	ssyncadd.s32 $0xFFFFE000  }
0x1cc: {  	s1 =	sshll.u32 s1, $0x6;
	_ =	swait.ge [sflag:s22], $0x2000  }
0x1cd: {  	s15 =	sadd.s32 $0x0, s1;
	[sflag:s22] =	ssyncset.done $0x0  }
0x1ce: {  	s1 =	sor.u32 $0x80, s15;
	[sflag:s22] =	ssyncadd.s32 $0xFFFFE000  }
0x1cf: {  	v0 =	vld [tilespmem:s1+$0x14000]  }
0x1d0: {  	v1 =	vld [tilespmem:s1+$0x10000];
	_ =	sdelay $0x4  }
0x1d1: {  	v0 =	vmul.f32 v0, v1;
	_ =	sdelay $0x1  }
0x1d2: {  	v1 =	vshra.s32 v0, $0x1F  }
0x1d3: {  	v1 =	vor.u32 $0x80000000, v1  }
0x1d4: {  	p0 =	por !p0, !p0;
	s1 =	simm.s32 $0x1;
	v1 =	vxor.u32 v0, v1  }
0x1d5: {  	s1 =	simm.s32 @!p0 $0x0;
	v1 =	vshrl.u32 v1, $0x15  }
0x1d6: {  	s1 =	sshll.u32 s1, $0x6;
	v6 =	vand.u32 $0x780, v1  }
0x1d7: {  	s1 =	sadd.s32 $0x80, s1;
	v9 =	vor.u32 v3, v1;
	v1 =	vand.u32 $0x7F, v1;
	v6 =	vor.u32 v5, v6  }
0x1d8: {  	s5 =	sor.u32 $0x80, s1;
	v1 =	vor.u32 v1, v6  }
0x1d9: {  	v10 =	vld [tilespmem:s5+$0x10000]  }
0x1da: {  	v6 =	vld [tilespmem:s5+$0x14000];
	_ =	sdelay $0x1  }
0x1db: {  	[tilespmem:v9+s2+$0x0] =	vst.idx.add.f32.msk $0xffff, v4  }
0x1dc: {  	s8 =	sor.u32 $0x90, s15;
	[tilespmem:v1+s2+$0x0] =	vst.idx.add.f32.msk $0xffff, v0  }
0x1dd: {  	v1 =	vld [tilespmem:s8+$0x10000]  }
0x1de: {  	v6 =	vmul.f32 v6, v10;
	v9 =	vld [tilespmem:s8+$0x14000];
	_ =	sdelay $0x1  }
0x1df: {  	v10 =	vshra.s32 v6, $0x1F  }
0x1e0: {  	v10 =	vor.u32 $0x80000000, v10  }
0x1e1: {  	v10 =	vxor.u32 v6, v10  }
0x1e2: {  	p0 =	por !p0, !p0;
	s5 =	simm.s32 $0x1;
	v1 =	vmul.f32 v9, v1;
	v9 =	vshrl.u32 v10, $0x15  }
0x1e3: {  	s5 =	simm.s32 @!p0 $0x0;
	v10 =	vor.u32 v3, v9;
	v45 =	vand.u32 $0x780, v9  }
0x1e4: {  	s5 =	sshll.u32 s5, $0x6;
	v9 =	vand.u32 $0x7F, v9;
	v46 =	vshra.s32 v1, $0x1F;
	v45 =	vor.u32 v5, v45  }
0x1e5: {  	s8 =	sadd.s32 $0x100, s5;
	v46 =	vor.u32 $0x80000000, v46;
	v9 =	vor.u32 v9, v45  }
0x1e6: {  	s5 =	sor.u32 $0x80, s8;
	v14 =	vxor.u32 v1, v46  }
0x1e7: {  	v15 =	vld [tilespmem:s5+$0x14000];
	v45 =	vshrl.u32 v14, $0x15  }
0x1e8: {  	v48 =	vld [tilespmem:s5+$0x10000];
	v47 =	vand.u32 $0x780, v45  }
0x1e9: {  	v49 =	vor.u32 v3, v45;
	v45 =	vand.u32 $0x7F, v45;
	[tilespmem:v10+s2+$0x0] =	vst.idx.add.f32.msk $0xffff, v4;
	v47 =	vor.u32 v5, v47  }
0x1ea: {  	s11 =	sor.u32 $0x90, s1;
	v10 =	vor.u32 v45, v47;
	[tilespmem:v9+s2+$0x0] =	vst.idx.add.f32.msk $0xffff, v6  }
0x1eb: {  	v9 =	vld [tilespmem:s11+$0x10000]  }
0x1ec: {  	v16 =	vld [tilespmem:s11+$0x14000]  }
0x1ed: {  	v46 =	vmul.f32 v15, v48  }
0x1ee: {  	[tilespmem:v49+s2+$0x0] =	vst.idx.add.f32.msk $0xffff, v4  }
0x1ef: {  	s14 =	sor.u32 $0xA0, s15;
	[tilespmem:v10+s2+$0x0] =	vst.idx.add.f32.msk $0xffff, v1;
	v10 =	vshra.s32 v46, $0x1F  }
0x1f0: {  	v17 =	vld [tilespmem:s14+$0x10000];
	v10 =	vor.u32 $0x80000000, v10  }
0x1f1: {  	p0 =	por !p0, !p0;
	s5 =	simm.s32 $0x1;
	v18 =	vld [tilespmem:s14+$0x14000];
	v9 =	vmul.f32 v16, v9;
	v10 =	vxor.u32 v46, v10  }
0x1f2: {  	s5 =	simm.s32 @!p0 $0x0;
	v10 =	vshrl.u32 v10, $0x15  }
0x1f3: {  	p0 =	por !p0, !p0;
	s5 =	sshll.u32 s5, $0x6;
	s14 =	simm.s32 $0x1;
	v50 =	vshra.s32 v9, $0x1F;
	v19 =	vor.u32 v3, v10;
	v56 =	vand.u32 $0x780, v10  }
0x1f4: {  	s11 =	sadd.s32 $0x180, s5;
	s14 =	simm.s32 @!p0 $0x0;
	v10 =	vand.u32 $0x7F, v10;
	v50 =	vor.u32 $0x80000000, v50;
	v49 =	vor.u32 v5, v56  }
0x1f5: {  	v0 =	vmul.f32 v0, v0;
	s5 =	sor.u32 $0x80, s11;
	s14 =	sshll.u32 s14, $0x6;
	v57 =	vxor.u32 v9, v50;
	v10 =	vor.u32 v10, v49  }
0x1f6: {  	v59 =	vld [tilespmem:s5+$0x14000];
	s14 =	sadd.s32 $0x200, s14;
	v47 =	vmul.f32 v18, v17;
	v58 =	vshrl.u32 v57, $0x15  }
0x1f7: {  	v0 =	vadd.f32 v0, v44;
	v53 =	vld [tilespmem:s5+$0x10000];
	s26 =	sor.u32 $0x80, s14;
	v60 =	vor.u32 v3, v58;
	v51 =	vand.u32 $0x780, v58  }
0x1f8: {  	v57 =	vld [tilespmem:s26+$0x14000];
	v48 =	vand.u32 $0x7F, v58;
	v52 =	vshra.s32 v47, $0x1F;
	v51 =	vor.u32 v5, v51  }
0x1f9: {  	v6 =	vmul.f32 v6, v6;
	v52 =	vor.u32 $0x80000000, v52;
	[tilespmem:v19+s2+$0x0] =	vst.idx.add.f32.msk $0xffff, v4;
	v61 =	vor.u32 v48, v51  }
0x1fa: {  	s16 =	sor.u32 $0x90, s8;
	v62 =	vxor.u32 v47, v52;
	[tilespmem:v10+s2+$0x0] =	vst.idx.add.f32.msk $0xffff, v46  }
0x1fb: {  	v0 =	vadd.f32 v6, v0;
	v10 =	vshrl.u32 v62, $0x15;
	v63 =	vld [tilespmem:s16+$0x10000]  }
0x1fc: {  	v1 =	vmul.f32 v1, v1;
	v49 =	vmul.f32 v59, v53;
	v13 =	vand.u32 $0x780, v10;
	v15 =	vld [tilespmem:s16+$0x14000]  }
0x1fd: {  	v12 =	vor.u32 v3, v10;
	[tilespmem:v60+s2+$0x0] =	vst.idx.add.f32.msk $0xffff, v4;
	v10 =	vand.u32 $0x7F, v10;
	v14 =	vor.u32 v5, v13  }
0x1fe: {  	s17 =	sor.u32 $0xA0, s1;
	v6 =	vmul.f32 v46, v46;
	v16 =	vshra.s32 v49, $0x1F;
	v10 =	vor.u32 v10, v14;
	[tilespmem:v61+s2+$0x0] =	vst.idx.add.f32.msk $0xffff, v9  }
0x1ff: {  	v1 =	vadd.f32 v1, v43;
	v18 =	vor.u32 $0x80000000, v16;
	v9 =	vmul.f32 v9, v9;
	v17 =	vld [tilespmem:s17+$0x10000]  }
0x200: {  	v0 =	vadd.f32 v6, v0;
	v6 =	vmul.f32 v47, v47;
	v43 =	vxor.u32 v49, v18;
	v19 =	vld [tilespmem:s17+$0x14000]  }
0x201: {  	v60 =	vld [tilespmem:s26+$0x10000];
	v1 =	vadd.f32 v9, v1;
	v9 =	vshrl.u32 v43, $0x15;
	v48 =	vmul.f32 v15, v63  }
0x202: {  	v56 =	vmul.f32 v49, v49;
	v45 =	vadd.f32 v6, v42;
	[tilespmem:v12+s2+$0x0] =	vst.idx.add.f32.msk $0xffff, v4;
	v43 =	vand.u32 $0x780, v9  }
0x203: {  	s18 =	sor.u32 $0xB0, s15;
	v43 =	vor.u32 v5, v43;
	[tilespmem:v10+s2+$0x0] =	vst.idx.add.f32.msk $0xffff, v47;
	v10 =	vor.u32 v3, v9;
	v58 =	vshra.s32 v48, $0x1F  }
0x204: {  	v59 =	vmul.f32 v48, v48;
	v9 =	vand.u32 $0x7F, v9;
	v6 =	vld [tilespmem:s18+$0x10000];
	v47 =	vor.u32 $0x80000000, v58  }
0x205: {  	v9 =	vor.u32 v9, v43;
	v62 =	vld [tilespmem:s18+$0x14000];
	v61 =	vxor.u32 v48, v47;
	v47 =	vmul.f32 v19, v17  }
0x206: {  	v42 =	vadd.f32 v56, v0;
	v44 =	vadd.f32 v59, v1;
	v0 =	vshrl.u32 v61, $0x15  }
0x207: {  	v1 =	vor.u32 v3, v0;
	v43 =	vand.u32 $0x780, v0;
	v46 =	vshra.s32 v47, $0x1F  }
0x208: {  	v0 =	vand.u32 $0x7F, v0;
	[tilespmem:v10+s2+$0x0] =	vst.idx.add.f32.msk $0xffff, v4;
	v10 =	vor.u32 v5, v43;
	v63 =	vor.u32 $0x80000000, v46  }
0x209: {  	v46 =	vmul.f32 v57, v60;
	v0 =	vor.u32 v0, v10;
	v10 =	vxor.u32 v47, v63  }
0x20a: {  	s28 =	sor.u32 $0x90, s11;
	[tilespmem:v9+s2+$0x0] =	vst.idx.add.f32.msk $0xffff, v49;
	v49 =	vmul.f32 v47, v47;
	v43 =	vmul.f32 v62, v6;
	v9 =	vshrl.u32 v10, $0x15  }
0x20b: {  	v6 =	vshra.s32 v46, $0x1F;
	v55 =	vld [tilespmem:s28+$0x10000];
	v52 =	vor.u32 v3, v9;
	v10 =	vand.u32 $0x780, v9  }
0x20c: {  	v6 =	vor.u32 $0x80000000, v6;
	[tilespmem:v1+s2+$0x0] =	vst.idx.add.f32.msk $0xffff, v4;
	v1 =	vand.u32 $0x7F, v9;
	v9 =	vor.u32 v5, v10  }
0x20d: {  	v58 =	vld [tilespmem:s28+$0x14000];
	v6 =	vxor.u32 v46, v6;
	v51 =	vor.u32 v1, v9;
	v1 =	vshra.s32 v43, $0x1F  }
0x20e: {  	s17 =	sor.u32 $0xA0, s8;
	v50 =	vmul.f32 v43, v43;
	v57 =	vshrl.u32 v6, $0x15;
	[tilespmem:v0+s2+$0x0] =	vst.idx.add.f32.msk $0xffff, v48;
	v0 =	vor.u32 $0x80000000, v1  }
0x20f: {  	s15 =	simm.s32 $0x140;
	p0 =	por !p0, !p0;
	s16 =	simm.s32 $0x200;
	v56 =	vor.u32 v3, v57;
	v59 =	vand.u32 $0x780, v57;
	v48 =	vmovc v46;
	v54 =	vld [tilespmem:s17+$0x10000];
	v53 =	vxor.u32 v43, v0  }
.LBB2_22:
0x210: {  	s5 =	simm.s32 $0x1  }
0x211: {  	p1 =	sne.s32 s15, $0x1FC0;
	s15 =	sadd.s32 $0x40, s15;
	[tilespmem:v52+s2+$0x0] =	vst.idx.add.f32.msk $0xffff, v4;
	v45 =	vadd.f32 v49, v45;
	v0 =	vshrl.u32 v53, $0x15;
	v41 =	vadd.f32 v50, v41;
	s5 =	simm.s32 @!p0 $0x0  }
0x212: {  	s16 =	sadd.s32 $0x80, s16;
	v6 =	vor.u32 v3, v0;
	v9 =	vand.u32 $0x780, v0;
	v0 =	vand.u32 $0x7F, v0;
	s5 =	sshll.u32 s5, $0x6;
	v1 =	vld [tilespmem:s17+$0x14000]  }
0x213: {  	v10 =	vmul.f32 v58, v55;
	s17 =	sor.u32 $0xB0, s1;
	v9 =	vor.u32 v5, v9;
	s1 =	smov.u32 s8;
	s5 =	sadd.s32 s5, s16;
	[tilespmem:v51+s2+$0x0] =	vst.idx.add.f32.msk $0xffff, v47  }
0x214: {  	v48 =	vmul.f32 v48, v46;
	s8 =	smov.u32 s11;
	s11 =	smov.u32 s14;
	v0 =	vor.u32 v0, v9;
	s18 =	sor.u32 $0x80, s5;
	v50 =	vld [tilespmem:s17+$0x10000]  }
0x215: {  	v47 =	vshra.s32 v10, $0x1F;
	v49 =	vmul.f32 v10, v10;
	s14 =	smov.u32 s5;
	v9 =	vld [tilespmem:s18+$0x14000]  }
0x216: {  	v52 =	vand.u32 $0x7F, v57;
	v53 =	vor.u32 v5, v59;
	v47 =	vor.u32 $0x80000000, v47;
	v51 =	vld [tilespmem:s18+$0x10000]  }
0x217: {  	v52 =	vor.u32 v52, v53;
	v53 =	vxor.u32 v10, v47;
	v47 =	vmul.f32 v1, v54;
	v1 =	vld [tilespmem:s17+$0x14000]  }
0x218: {  	v42 =	vadd.f32 v48, v42;
	v44 =	vadd.f32 v49, v44;
	v48 =	vshrl.u32 v53, $0x15;
	[tilespmem:v6+s2+$0x0] =	vst.idx.add.f32.msk $0xffff, v4  }
0x219: {  	v6 =	vor.u32 v3, v48;
	v49 =	vand.u32 $0x780, v48;
	v53 =	vshra.s32 v47, $0x1F;
	[tilespmem:v0+s2+$0x0] =	vst.idx.add.f32.msk $0xffff, v43  }
0x21a: {  	v0 =	vand.u32 $0x7F, v48;
	v43 =	vor.u32 v5, v49;
	[tilespmem:v56+s2+$0x0] =	vst.idx.add.f32.msk $0xffff, v4;
	v49 =	vor.u32 $0x80000000, v53  }
0x21b: {  	v0 =	vor.u32 v0, v43;
	v48 =	vmul.f32 v9, v51;
	v9 =	vxor.u32 v47, v49  }
0x21c: {  	s5 =	sor.u32 $0x90, s11;
	v49 =	vmul.f32 v47, v47;
	[tilespmem:v52+s2+$0x0] =	vst.idx.add.f32.msk $0xffff, v46;
	v9 =	vshrl.u32 v9, $0x15;
	v43 =	vmul.f32 v1, v50  }
.Ltmp9:
0x21d: {  	v1 =	vshra.s32 v48, $0x1F;
	v55 =	vld [tilespmem:s5+$0x10000];
	v52 =	vor.u32 v3, v9;
	v50 =	vand.u32 $0x780, v9;
	v46 =	vmovc v48;
	(pc) =	sbr.rel @p1 .LBB2_22-.Ltmp9, $4  }
0x21e: {  	v1 =	vor.u32 $0x80000000, v1;
	[tilespmem:v6+s2+$0x0] =	vst.idx.add.f32.msk $0xffff, v4;
	v6 =	vand.u32 $0x7F, v9;
	v9 =	vor.u32 v5, v50  }
0x21f: {  	v1 =	vxor.u32 v46, v1;
	v58 =	vld [tilespmem:s5+$0x14000];
	v51 =	vor.u32 v6, v9;
	v6 =	vshra.s32 v43, $0x1F  }
0x220: {  	s17 =	sor.u32 $0xA0, s8;
	v50 =	vmul.f32 v43, v43;
	v57 =	vshrl.u32 v1, $0x15;
	[tilespmem:v0+s2+$0x0] =	vst.idx.add.f32.msk $0xffff, v10;
	v0 =	vor.u32 $0x80000000, v6  }
0x221: {  	p0 =	por !p0, !p0;
	v56 =	vor.u32 v3, v57;
	v59 =	vand.u32 $0x780, v57;
	v54 =	vld [tilespmem:s17+$0x10000];
	v53 =	vxor.u32 v43, v0  }
0x222: {  	v0 =	vand.u32 $0x7F, v57;
	v1 =	vor.u32 v5, v59  }
0x223: {  	v0 =	vor.u32 v0, v1;
	_ =	sdelay $0x3  }
0x224: {  	[tilespmem:v56+s2+$0x0] =	vst.idx.add.f32.msk $0xffff, v4  }
0x225: {  	s5 =	sor.u32 $0x90, s14;
	[tilespmem:v0+s2+$0x0] =	vst.idx.add.f32.msk $0xffff, v46  }
0x226: {  	v0 =	vld [tilespmem:s5+$0x10000]  }
0x227: {  	v1 =	vld [tilespmem:s5+$0x14000]  }
0x228: {  	v6 =	vmul.f32 v58, v55;
	_ =	sdelay $0x1  }
0x229: {  	v9 =	vshra.s32 v6, $0x1F  }
0x22a: {  	v9 =	vor.u32 $0x80000000, v9  }
0x22b: {  	v9 =	vxor.u32 v6, v9;
	v0 =	vmul.f32 v1, v0  }
0x22c: {  	v1 =	vshrl.u32 v9, $0x15  }
0x22d: {  	v9 =	vor.u32 v3, v1;
	v10 =	vand.u32 $0x780, v1;
	v17 =	vshra.s32 v0, $0x1F  }
0x22e: {  	v1 =	vand.u32 $0x7F, v1;
	v10 =	vor.u32 v5, v10;
	v55 =	vor.u32 $0x80000000, v17  }
0x22f: {  	v1 =	vor.u32 v1, v10;
	v10 =	vxor.u32 v0, v55  }
0x230: {  	v10 =	vshrl.u32 v10, $0x15  }
0x231: {  	v18 =	vand.u32 $0x780, v10  }
0x232: {  	v19 =	vld [tilespmem:s17+$0x14000];
	v60 =	vor.u32 v3, v10;
	v10 =	vand.u32 $0x7F, v10;
	v55 =	vor.u32 v5, v18  }
0x233: {  	[tilespmem:v9+s2+$0x0] =	vst.idx.add.f32.msk $0xffff, v4;
	v9 =	vor.u32 v10, v55  }
0x234: {  	s16 =	sor.u32 $0xA0, s11;
	[tilespmem:v1+s2+$0x0] =	vst.idx.add.f32.msk $0xffff, v6  }
0x235: {  	v1 =	vld [tilespmem:s16+$0x10000]  }
0x236: {  	v10 =	vld [tilespmem:s16+$0x14000]  }
0x237: {  	v54 =	vmul.f32 v19, v54;
	[tilespmem:v60+s2+$0x0] =	vst.idx.add.f32.msk $0xffff, v4  }
0x238: {  	s17 =	sor.u32 $0xA0, s14;
	[tilespmem:v9+s2+$0x0] =	vst.idx.add.f32.msk $0xffff, v0  }
0x239: {  	v9 =	vshra.s32 v54, $0x1F;
	v61 =	vld [tilespmem:s17+$0x10000]  }
0x23a: {  	v9 =	vor.u32 $0x80000000, v9;
	v62 =	vld [tilespmem:s17+$0x14000]  }
0x23b: {  	v1 =	vmul.f32 v10, v1;
	v9 =	vxor.u32 v54, v9  }
0x23c: {  	v9 =	vshrl.u32 v9, $0x15  }
0x23d: {  	v12 =	vshra.s32 v1, $0x1F;
	v10 =	vor.u32 v3, v9;
	v63 =	vand.u32 $0x780, v9  }
0x23e: {  	[tilespmem:v52+s2+$0x0] =	vst.idx.add.f32.msk $0xffff, v4;
	v9 =	vand.u32 $0x7F, v9;
	v14 =	vor.u32 $0x80000000, v12;
	v13 =	vor.u32 v5, v63  }
0x23f: {  	v15 =	vxor.u32 v1, v14;
	v9 =	vor.u32 v9, v13;
	v55 =	vmul.f32 v62, v61  }
0x240: {  	s1 =	sor.u32 $0xB0, s1;
	[tilespmem:v51+s2+$0x0] =	vst.idx.add.f32.msk $0xffff, v47;
	v16 =	vshrl.u32 v15, $0x15  }
0x241: {  	v51 =	vld [tilespmem:s1+$0x10000];
	v52 =	vor.u32 v3, v16;
	v17 =	vand.u32 $0x780, v16;
	v18 =	vshra.s32 v55, $0x1F  }
0x242: {  	v19 =	vor.u32 v5, v17;
	[tilespmem:v10+s2+$0x0] =	vst.idx.add.f32.msk $0xffff, v4;
	v10 =	vand.u32 $0x7F, v16;
	v60 =	vor.u32 $0x80000000, v18  }
0x243: {  	v61 =	vld [tilespmem:s1+$0x14000];
	v10 =	vor.u32 v10, v19;
	v62 =	vxor.u32 v55, v60  }
0x244: {  	s18 =	sor.u32 $0xB0, s8;
	[tilespmem:v9+s2+$0x0] =	vst.idx.add.f32.msk $0xffff, v54;
	v9 =	vshrl.u32 v62, $0x15  }
0x245: {  	v45 =	vadd.f32 v49, v45;
	v63 =	vld [tilespmem:s18+$0x10000];
	v12 =	vand.u32 $0x780, v9  }
0x246: {  	[tilespmem:v52+s2+$0x0] =	vst.idx.add.f32.msk $0xffff, v4;
	v13 =	vor.u32 v3, v9;
	v9 =	vand.u32 $0x7F, v9;
	v56 =	vor.u32 v5, v12  }
0x247: {  	v58 =	vmul.f32 v54, v54;
	v6 =	vmul.f32 v6, v6;
	v14 =	vld [tilespmem:s18+$0x14000];
	v9 =	vor.u32 v9, v56  }
0x248: {  	s26 =	sor.u32 $0xB0, s11;
	[tilespmem:v10+s2+$0x0] =	vst.idx.add.f32.msk $0xffff, v1  }
0x249: {  	v46 =	vmul.f32 v48, v46;
	v6 =	vadd.f32 v6, v44;
	v44 =	vadd.f32 v58, v45;
	v17 =	vld [tilespmem:s26+$0x10000]  }
0x24a: {  	v15 =	vshrl.u32 v53, $0x15;
	v10 =	vadd.f32 v50, v41;
	v50 =	vmul.f32 v61, v51;
	v18 =	vld [tilespmem:s26+$0x14000]  }
0x24b: {  	v0 =	vmul.f32 v0, v0;
	v53 =	vor.u32 v3, v15;
	[tilespmem:v13+s2+$0x0] =	vst.idx.add.f32.msk $0xffff, v4  }
0x24c: {  	s28 =	sor.u32 $0xB0, s14;
	v16 =	vand.u32 $0x780, v15;
	v19 =	vshra.s32 v50, $0x1F;
	v47 =	vmul.f32 v14, v63;
	[tilespmem:v9+s2+$0x0] =	vst.idx.add.f32.msk $0xffff, v55  }
0x24d: {  	v49 =	vand.u32 $0x7F, v15;
	v41 =	vor.u32 v5, v16;
	v48 =	vor.u32 $0x80000000, v19;
	v52 =	vld [tilespmem:s28+$0x10000]  }
0x24e: {  	v9 =	vmul.f32 v50, v50;
	v48 =	vxor.u32 v50, v48;
	v61 =	vshra.s32 v47, $0x1F;
	v60 =	vld [tilespmem:s28+$0x14000]  }
0x24f: {  	v41 =	vor.u32 v49, v41;
	v59 =	vshrl.u32 v48, $0x15;
	v49 =	vor.u32 $0x80000000, v61  }
0x250: {  	v9 =	vadd.f32 v9, v10;
	v62 =	vand.u32 $0x780, v59;
	v45 =	vand.u32 $0x7F, v59  }
0x251: {  	v49 =	vxor.u32 v47, v49;
	v51 =	vmul.f32 v18, v17;
	v54 =	vor.u32 v5, v62  }
0x252: {  	v10 =	vor.u32 v3, v59;
	v49 =	vshrl.u32 v49, $0x15;
	v45 =	vor.u32 v45, v54  }
0x253: {  	v63 =	vor.u32 v3, v49;
	v12 =	vshra.s32 v51, $0x1F;
	v48 =	vmul.f32 v60, v52  }
0x254: {  	v13 =	vand.u32 $0x780, v49;
	v49 =	vand.u32 $0x7F, v49;
	v56 =	vor.u32 $0x80000000, v12  }
0x255: {  	v52 =	vor.u32 v5, v13;
	v56 =	vxor.u32 v51, v56;
	v14 =	vshra.s32 v48, $0x1F  }
0x256: {  	v49 =	vor.u32 v49, v52;
	v15 =	vshrl.u32 v56, $0x15;
	v16 =	vor.u32 $0x80000000, v14  }
0x257: {  	[tilespmem:v53+s2+$0x0] =	vst.idx.add.f32.msk $0xffff, v4;
	v17 =	vor.u32 v3, v15;
	v18 =	vand.u32 $0x780, v15;
	v56 =	vxor.u32 v48, v16  }
0x258: {  	[tilespmem:v41+s2+$0x0] =	vst.idx.add.f32.msk $0xffff, v43;
	v19 =	vand.u32 $0x7F, v15;
	v58 =	vor.u32 v5, v18;
	v59 =	vshrl.u32 v56, $0x15  }
0x259: {  	[tilespmem:v10+s2+$0x0] =	vst.idx.add.f32.msk $0xffff, v4;
	v10 =	vmul.f32 v47, v47;
	v41 =	vor.u32 v19, v58;
	v60 =	vand.u32 $0x780, v59  }
0x25a: {  	s6 =	sadd.s32 $0x1, s6;
	[tilespmem:v45+s2+$0x0] =	vst.idx.add.f32.msk $0xffff, v50;
	v61 =	vor.u32 v3, v59;
	v62 =	vand.u32 $0x7F, v59;
	v43 =	vor.u32 v5, v60  }
0x25b: {  	p0 =	sne.s32 s6, $0x10;
	v1 =	vmul.f32 v1, v1;
	[tilespmem:v63+s2+$0x0] =	vst.idx.add.f32.msk $0xffff, v4;
	v50 =	vor.u32 v62, v43  }
.Ltmp10:
0x25c: {  	v9 =	vadd.f32 v10, v9;
	v10 =	vmul.f32 v51, v51;
	[tilespmem:v49+s2+$0x0] =	vst.idx.add.f32.msk $0xffff, v47;
	(pc) =	sbr.rel @p0 .LBB2_9-.Ltmp10, $4  }
0x25d: {  	v1 =	vadd.f32 v1, v44;
	v63 =	vmul.f32 v55, v55;
	[tilespmem:v17+s2+$0x0] =	vst.idx.add.f32.msk $0xffff, v4  }
0x25e: {  	v9 =	vadd.f32 v10, v9;
	v10 =	vmul.f32 v48, v48;
	[tilespmem:v41+s2+$0x0] =	vst.idx.add.f32.msk $0xffff, v51  }
0x25f: {  	v44 =	vadd.f32 v46, v42;
	v42 =	vadd.f32 v63, v1;
	[tilespmem:v61+s2+$0x0] =	vst.idx.add.f32.msk $0xffff, v4  }
0x260: {  	v43 =	vadd.f32 v0, v6;
	v41 =	vadd.f32 v10, v9;
	[tilespmem:v50+s2+$0x0] =	vst.idx.add.f32.msk $0xffff, v48  }
0x261: {  	s0 =	simm.s32 $0x0  }
0x262: {  	s1 =	simm.s32 $0x10;
	v0 =	vld [tilespmem:s0+$0x0]  }
0x263: {  	s5 =	simm.s32 $0x20;
	v50 =	vld [tilespmem:s1+$0x0]  }
0x264: {  	s0 =	sand.u32 $0x7F0, s0;
	v18 =	vld [tilespmem:s5+$0x0]  }
0x265: {  	v1 =	vld [tilespmem:s0+$0x800]  }
0x266: {  	v6 =	vld [tilespmem:s0+$0x1000]  }
0x267: {  	v9 =	vld [tilespmem:s0+$0x1800]  }
0x268: {  	v10 =	vld [tilespmem:s0+$0x2000]  }
0x269: {  	v45 =	vld [tilespmem:s0+$0x2800]  }
0x26a: {  	v46 =	vld [tilespmem:s0+$0x3000]  }
0x26b: {  	v47 =	vld [tilespmem:s0+$0x3800]  }
0x26c: {  	s1 =	sand.u32 $0x7F0, s1;
	v48 =	vld [tilespmem:s0+$0x4800]  }
0x26d: {  	v0 =	vadd.f32 v1, v0;
	v1 =	vld [tilespmem:s1+$0x800]  }
0x26e: {  	v49 =	vld [tilespmem:s0+$0x4000]  }
0x26f: {  	v0 =	vadd.f32 v6, v0;
	v6 =	vld [tilespmem:s1+$0x1000]  }
0x270: {  	v51 =	vld [tilespmem:s0+$0x5000]  }
0x271: {  	v0 =	vadd.f32 v9, v0;
	v9 =	vld [tilespmem:s1+$0x1800]  }
0x272: {  	v52 =	vld [tilespmem:s0+$0x5800];
	v1 =	vadd.f32 v1, v50  }
0x273: {  	v0 =	vadd.f32 v10, v0;
	v10 =	vld [tilespmem:s1+$0x2000]  }
0x274: {  	v12 =	vld [tilespmem:s0+$0x6000];
	v1 =	vadd.f32 v6, v1  }
0x275: {  	v13 =	vld [tilespmem:s1+$0x2800];
	v0 =	vadd.f32 v45, v0  }
0x276: {  	v14 =	vld [tilespmem:s1+$0x3000];
	v1 =	vadd.f32 v9, v1  }
0x277: {  	v15 =	vld [tilespmem:s1+$0x3800];
	v0 =	vadd.f32 v46, v0  }
0x278: {  	v16 =	vld [tilespmem:s1+$0x4800];
	v1 =	vadd.f32 v10, v1  }
0x279: {  	s6 =	sand.u32 $0x7F0, s5;
	v17 =	vld [tilespmem:s1+$0x4000];
	v0 =	vadd.f32 v47, v0  }
0x27a: {  	v19 =	vld [tilespmem:s6+$0x800];
	v1 =	vadd.f32 v13, v1  }
0x27b: {  	v56 =	vld [tilespmem:s1+$0x5000];
	v0 =	vadd.f32 v49, v0  }
0x27c: {  	v57 =	vld [tilespmem:s6+$0x1000];
	v1 =	vadd.f32 v14, v1  }
0x27d: {  	v58 =	vld [tilespmem:s1+$0x5800];
	v0 =	vadd.f32 v48, v0  }
0x27e: {  	v59 =	vld [tilespmem:s6+$0x1800];
	v1 =	vadd.f32 v15, v1  }
0x27f: {  	v60 =	vld [tilespmem:s1+$0x6000];
	v0 =	vadd.f32 v51, v0  }
0x280: {  	v6 =	vld [tilespmem:s0+$0x6800];
	v1 =	vadd.f32 v17, v1  }
0x281: {  	v61 =	vld [tilespmem:s6+$0x2000];
	v0 =	vadd.f32 v52, v0  }
0x282: {  	v9 =	vld [tilespmem:s0+$0x7000];
	v46 =	vadd.f32 v19, v18;
	v1 =	vadd.f32 v16, v1  }
0x283: {  	v62 =	vld [tilespmem:s1+$0x6800];
	v0 =	vadd.f32 v12, v0  }
0x284: {  	v10 =	vld [tilespmem:s0+$0x7800];
	v46 =	vadd.f32 v57, v46;
	v1 =	vadd.f32 v56, v1  }
0x285: {  	v0 =	vadd.f32 v6, v0;
	v6 =	vld [tilespmem:s6+$0x2800]  }
0x286: {  	v63 =	vld [tilespmem:s1+$0x7000];
	v46 =	vadd.f32 v59, v46;
	v1 =	vadd.f32 v58, v1  }
0x287: {  	v0 =	vadd.f32 v9, v0;
	v9 =	vld [tilespmem:s6+$0x3000]  }
0x288: {  	v45 =	vld [tilespmem:s1+$0x7800];
	v46 =	vadd.f32 v61, v46;
	v1 =	vadd.f32 v60, v1  }
0x289: {  	s15 =	simm.s32 $0x30;
	v48 =	vld [tilespmem:s6+$0x3800];
	v0 =	vadd.f32 v10, v0  }
0x28a: {  	v50 =	vld [tilespmem:s15+$0x0];
	v6 =	vadd.f32 v6, v46;
	v1 =	vadd.f32 v62, v1  }
0x28b: {  	s8 =	simm.s32 $0x18000;
	v49 =	vld [tilespmem:s6+$0x4000]  }
0x28c: {  	s16 =	simm.s32 $0x40;
	s14 =	sand.u32 $0x7F0, s15;
	s11 =	smov.u32 s6;
	v46 =	vld [tilespmem:s6+$0x4800];
	[tilespmem:s8+$0x0] =	vst v0;
	v51 =	vadd.f32 v9, v6;
	v47 =	vadd.f32 v63, v1  }
.LBB2_25:
0x28d: {  	p0 =	sne.s32 s16, $0x7F0;
	v0 =	vld [tilespmem:s14+$0x800]  }
0x28e: {  	v1 =	vadd.f32 v48, v51;
	v6 =	vld [tilespmem:s11+$0x5000];
	v9 =	vadd.f32 v45, v47  }
0x28f: {  	s8 =	sadd.s32 $0x10, s8;
	v10 =	vld [tilespmem:s14+$0x1000]  }
0x290: {  	v1 =	vadd.f32 v49, v1;
	v45 =	vld [tilespmem:s11+$0x5800];
	[tilespmem:s8+$0x0] =	vst v9  }
0x291: {  	v9 =	vld [tilespmem:s14+$0x1800]  }
0x292: {  	v0 =	vadd.f32 v0, v50;
	v1 =	vadd.f32 v46, v1;
	v46 =	vld [tilespmem:s11+$0x6000]  }
0x293: {  	v47 =	vld [tilespmem:s14+$0x2000]  }
0x294: {  	v0 =	vadd.f32 v10, v0;
	v1 =	vadd.f32 v6, v1;
	v6 =	vld [tilespmem:s11+$0x6800]  }
0x295: {  	v10 =	vld [tilespmem:s14+$0x2800]  }
0x296: {  	v0 =	vadd.f32 v9, v0;
	v1 =	vadd.f32 v45, v1;
	v9 =	vld [tilespmem:s11+$0x7000]  }
0x297: {  	v51 =	vld [tilespmem:s14+$0x3000]  }
.Ltmp11:
0x298: {  	v0 =	vadd.f32 v47, v0;
	v1 =	vadd.f32 v46, v1;
	v45 =	vld [tilespmem:s11+$0x7800];
	s11 =	smov.u32 s14;
	(pc) =	sbr.rel @p0 .LBB2_25-.Ltmp11, $4  }
0x299: {  	v48 =	vld [tilespmem:s11+$0x3800]  }
0x29a: {  	v0 =	vadd.f32 v10, v0;
	v46 =	vld [tilespmem:s11+$0x4800];
	v1 =	vadd.f32 v6, v1  }
0x29b: {  	s15 =	sadd.s32 $0x10, s15;
	v49 =	vld [tilespmem:s11+$0x4000]  }
0x29c: {  	s14 =	sand.u32 $0x7F0, s16;
	s16 =	sadd.s32 $0x10, s16;
	v50 =	vld [tilespmem:s15+$0x0];
	v51 =	vadd.f32 v51, v0;
	v47 =	vadd.f32 v9, v1  }
0x29d: {  	v0 =	vld [tilespmem:s14+$0x800];
	_ =	sdelay $0x1  }
0x29e: {  	v1 =	vld [tilespmem:s14+$0x1000];
	_ =	sdelay $0x1  }
0x29f: {  	v6 =	vld [tilespmem:s14+$0x1800]  }
0x2a0: {  	v0 =	vadd.f32 v0, v50  }
0x2a1: {  	v9 =	vld [tilespmem:s14+$0x2000]  }
0x2a2: {  	v0 =	vadd.f32 v1, v0  }
0x2a3: {  	v1 =	vld [tilespmem:s14+$0x2800]  }
0x2a4: {  	v0 =	vadd.f32 v6, v0  }
0x2a5: {  	v6 =	vld [tilespmem:s14+$0x3000]  }
0x2a6: {  	v0 =	vadd.f32 v9, v0  }
0x2a7: {  	v9 =	vld [tilespmem:s14+$0x3800]  }
0x2a8: {  	v0 =	vadd.f32 v1, v0  }
0x2a9: {  	v1 =	vld [tilespmem:s14+$0x4000]  }
0x2aa: {  	v0 =	vadd.f32 v6, v0  }
0x2ab: {  	v10 =	vld [tilespmem:s14+$0x4800];
	v6 =	vadd.f32 v48, v51  }
0x2ac: {  	v0 =	vadd.f32 v9, v0;
	v9 =	vld [tilespmem:s11+$0x5000]  }
0x2ad: {  	v53 =	vld [tilespmem:s14+$0x5000];
	v6 =	vadd.f32 v49, v6  }
0x2ae: {  	v0 =	vadd.f32 v1, v0;
	v1 =	vld [tilespmem:s11+$0x5800]  }
0x2af: {  	v54 =	vld [tilespmem:s14+$0x5800];
	v6 =	vadd.f32 v46, v6  }
0x2b0: {  	v0 =	vadd.f32 v10, v0;
	v10 =	vld [tilespmem:s11+$0x6000]  }
0x2b1: {  	v6 =	vadd.f32 v9, v6;
	v9 =	vld [tilespmem:s14+$0x6000]  }
0x2b2: {  	v55 =	vld [tilespmem:s11+$0x6800];
	v0 =	vadd.f32 v53, v0  }
0x2b3: {  	v1 =	vadd.f32 v1, v6;
	v6 =	vld [tilespmem:s14+$0x6800]  }
0x2b4: {  	v56 =	vld [tilespmem:s11+$0x7000];
	v0 =	vadd.f32 v54, v0  }
0x2b5: {  	v1 =	vadd.f32 v10, v1;
	v10 =	vld [tilespmem:s14+$0x7000]  }
0x2b6: {  	v0 =	vadd.f32 v9, v0;
	v9 =	vld [tilespmem:s11+$0x7800]  }
0x2b7: {  	v57 =	vld [tilespmem:s14+$0x7800];
	v1 =	vadd.f32 v55, v1  }
0x2b8: {  	v0 =	vadd.f32 v6, v0  }
0x2b9: {  	v1 =	vadd.f32 v56, v1  }
0x2ba: {  	v6 =	vadd.f32 v45, v47;
	v0 =	vadd.f32 v10, v0  }
0x2bb: {  	s5 =	sadd.s32 $0x10, s8;
	v1 =	vadd.f32 v9, v1  }
0x2bc: {  	[tilespmem:s5+$0x0] =	vst v6;
	s5 =	sadd.s32 $0x10, s5;
	v0 =	vadd.f32 v57, v0  }
0x2bd: {  	[tilespmem:s5+$0x0] =	vst v1;
	s5 =	sadd.s32 $0x10, s5  }
0x2be: {  	[tilespmem:s5+$0x0] =	vst v0  }
0x2bf: {  	v0 =	vld [tilespmem:s0+$0x8000]  }
0x2c0: {  	v1 =	vld [tilespmem:s0+$0x8800];
	_ =	sdelay $0x1  }
0x2c1: {  	v6 =	vld [tilespmem:s0+$0x9000];
	_ =	sdelay $0x1  }
0x2c2: {  	v9 =	vld [tilespmem:s0+$0x9800]  }
0x2c3: {  	v0 =	vadd.f32 v1, v0  }
0x2c4: {  	v1 =	vld [tilespmem:s0+$0xA000]  }
0x2c5: {  	v0 =	vadd.f32 v6, v0  }
0x2c6: {  	v6 =	vld [tilespmem:s0+$0xA800]  }
0x2c7: {  	v0 =	vadd.f32 v9, v0  }
0x2c8: {  	v9 =	vld [tilespmem:s0+$0xB000]  }
0x2c9: {  	v0 =	vadd.f32 v1, v0  }
0x2ca: {  	v1 =	vld [tilespmem:s0+$0xB800]  }
0x2cb: {  	v10 =	vld [tilespmem:s0+$0xC000];
	v0 =	vadd.f32 v6, v0  }
0x2cc: {  	v58 =	vld [tilespmem:s1+$0x8000]  }
0x2cd: {  	v6 =	vld [tilespmem:s0+$0xC800];
	v0 =	vadd.f32 v9, v0  }
0x2ce: {  	v9 =	vld [tilespmem:s1+$0x8800]  }
0x2cf: {  	v59 =	vld [tilespmem:s1+$0x9000];
	v0 =	vadd.f32 v1, v0  }
0x2d0: {  	v1 =	vld [tilespmem:s0+$0xD000]  }
0x2d1: {  	v60 =	vld [tilespmem:s1+$0x9800];
	v0 =	vadd.f32 v10, v0  }
0x2d2: {  	v10 =	vld [tilespmem:s0+$0xD800]  }
0x2d3: {  	v61 =	vld [tilespmem:s1+$0xA000];
	v9 =	vadd.f32 v9, v58;
	v0 =	vadd.f32 v6, v0  }
0x2d4: {  	v6 =	vld [tilespmem:s0+$0xE000]  }
0x2d5: {  	v62 =	vld [tilespmem:s1+$0xA800];
	v9 =	vadd.f32 v59, v9;
	v0 =	vadd.f32 v1, v0  }
0x2d6: {  	v1 =	vld [tilespmem:s0+$0xE800]  }
0x2d7: {  	v63 =	vld [tilespmem:s1+$0xB000];
	v9 =	vadd.f32 v60, v9;
	v0 =	vadd.f32 v10, v0  }
0x2d8: {  	v10 =	vld [tilespmem:s0+$0xF000]  }
0x2d9: {  	v45 =	vld [tilespmem:s0+$0xF800];
	v9 =	vadd.f32 v61, v9;
	v0 =	vadd.f32 v6, v0  }
0x2da: {  	v48 =	vld [tilespmem:s1+$0xB800]  }
0x2db: {  	v46 =	vld [tilespmem:s1+$0xC800];
	v6 =	vadd.f32 v62, v9;
	v0 =	vadd.f32 v1, v0  }
0x2dc: {  	v49 =	vld [tilespmem:s1+$0xC000]  }
0x2dd: {  	s8 =	simm.s32 $0x30;
	v50 =	vld [tilespmem:s6+$0x8000];
	v51 =	vadd.f32 v63, v6;
	v47 =	vadd.f32 v10, v0  }
.LBB2_27:
0x2de: {  	p0 =	sne.s32 s8, $0x7F0;
	v0 =	vld [tilespmem:s6+$0x8800]  }
0x2df: {  	v1 =	vadd.f32 v48, v51;
	v6 =	vld [tilespmem:s1+$0xD000];
	v9 =	vadd.f32 v45, v47  }
0x2e0: {  	v10 =	vld [tilespmem:s6+$0x9000]  }
0x2e1: {  	v1 =	vadd.f32 v49, v1;
	v45 =	vld [tilespmem:s1+$0xD800];
	[tilespmem:s0+$0x18800] =	vst v9;
	s0 =	smov.u32 s1;
	s1 =	smov.u32 s6  }
0x2e2: {  	v9 =	vld [tilespmem:s1+$0x9800]  }
0x2e3: {  	v0 =	vadd.f32 v0, v50;
	v1 =	vadd.f32 v46, v1;
	v46 =	vld [tilespmem:s0+$0xE000]  }
0x2e4: {  	v47 =	vld [tilespmem:s1+$0xA000]  }
0x2e5: {  	v0 =	vadd.f32 v10, v0;
	v1 =	vadd.f32 v6, v1;
	v6 =	vld [tilespmem:s0+$0xE800]  }
0x2e6: {  	v10 =	vld [tilespmem:s1+$0xA800]  }
0x2e7: {  	v0 =	vadd.f32 v9, v0;
	v1 =	vadd.f32 v45, v1;
	v9 =	vld [tilespmem:s0+$0xF000]  }
0x2e8: {  	v51 =	vld [tilespmem:s1+$0xB000]  }
.Ltmp12:
0x2e9: {  	v0 =	vadd.f32 v47, v0;
	v1 =	vadd.f32 v46, v1;
	v45 =	vld [tilespmem:s0+$0xF800];
	(pc) =	sbr.rel @p0 .LBB2_27-.Ltmp12, $4  }
0x2ea: {  	v48 =	vld [tilespmem:s1+$0xB800]  }
0x2eb: {  	v0 =	vadd.f32 v10, v0;
	v46 =	vld [tilespmem:s1+$0xC800];
	v1 =	vadd.f32 v6, v1  }
0x2ec: {  	s6 =	sand.u32 $0x7F0, s8;
	v49 =	vld [tilespmem:s1+$0xC000]  }
0x2ed: {  	s8 =	sadd.s32 $0x10, s8;
	v50 =	vld [tilespmem:s6+$0x8000];
	v51 =	vadd.f32 v51, v0;
	v47 =	vadd.f32 v9, v1  }
0x2ee: {  	v0 =	vld [tilespmem:s6+$0x8800];
	_ =	sdelay $0x1  }
0x2ef: {  	v1 =	vld [tilespmem:s6+$0x9000];
	_ =	sdelay $0x1  }
0x2f0: {  	v6 =	vld [tilespmem:s6+$0x9800]  }
0x2f1: {  	v0 =	vadd.f32 v0, v50  }
0x2f2: {  	v9 =	vld [tilespmem:s6+$0xA000]  }
0x2f3: {  	v0 =	vadd.f32 v1, v0  }
0x2f4: {  	v1 =	vld [tilespmem:s6+$0xA800]  }
0x2f5: {  	v0 =	vadd.f32 v6, v0  }
0x2f6: {  	v6 =	vld [tilespmem:s6+$0xB000]  }
0x2f7: {  	v0 =	vadd.f32 v9, v0  }
0x2f8: {  	v9 =	vld [tilespmem:s6+$0xB800]  }
0x2f9: {  	v0 =	vadd.f32 v1, v0  }
0x2fa: {  	v1 =	vld [tilespmem:s6+$0xC000]  }
0x2fb: {  	v0 =	vadd.f32 v6, v0  }
0x2fc: {  	v10 =	vld [tilespmem:s6+$0xC800];
	v6 =	vadd.f32 v48, v51  }
0x2fd: {  	v0 =	vadd.f32 v9, v0;
	v9 =	vld [tilespmem:s1+$0xD000]  }
0x2fe: {  	v59 =	vld [tilespmem:s6+$0xD000];
	v6 =	vadd.f32 v49, v6  }
0x2ff: {  	v0 =	vadd.f32 v1, v0;
	v1 =	vld [tilespmem:s1+$0xD800]  }
0x300: {  	v60 =	vld [tilespmem:s6+$0xD800];
	v6 =	vadd.f32 v46, v6  }
0x301: {  	v0 =	vadd.f32 v10, v0;
	v10 =	vld [tilespmem:s1+$0xE000]  }
0x302: {  	v6 =	vadd.f32 v9, v6;
	v9 =	vld [tilespmem:s6+$0xE000]  }
0x303: {  	v61 =	vld [tilespmem:s1+$0xE800];
	v0 =	vadd.f32 v59, v0  }
0x304: {  	v1 =	vadd.f32 v1, v6;
	v6 =	vld [tilespmem:s6+$0xE800]  }
0x305: {  	v62 =	vld [tilespmem:s1+$0xF000];
	v0 =	vadd.f32 v60, v0  }
0x306: {  	v1 =	vadd.f32 v10, v1;
	v10 =	vld [tilespmem:s6+$0xF000]  }
0x307: {  	v0 =	vadd.f32 v9, v0;
	v9 =	vld [tilespmem:s1+$0xF800]  }
0x308: {  	v63 =	vld [tilespmem:s6+$0xF800];
	v1 =	vadd.f32 v61, v1  }
0x309: {  	v0 =	vadd.f32 v6, v0  }
0x30a: {  	v1 =	vadd.f32 v62, v1  }
0x30b: {  	v6 =	vadd.f32 v45, v47;
	v0 =	vadd.f32 v10, v0  }
0x30c: {  	v1 =	vadd.f32 v9, v1  }
0x30d: {  	[tilespmem:s0+$0x18800] =	vst v6;
	v0 =	vadd.f32 v63, v0  }
0x30e: {  	[tilespmem:s1+$0x18800] =	vst v1  }
0x30f: {  	s0 =	simm.s32 $0x18000;
	[tilespmem:s6+$0x18800] =	vst v0  }
0x310: {  	v0 =	vld [tilespmem:s0+$0x0];
	_ =	sdelay $0x2  }
0x311: {  	s31 =	simm.s32 $0x0  }
0x312: {  	s1 =	sand.u32 $0x7F0, s31  }
0x313: {  	v1 =	vld [tilespmem:s1+$0x18800];
	(xrf2) =	vadd.scan.msk.f32 $0xffff, v0;
	_ =	sdelay $0x4  }
0x314: {  	(xrf2) =	vadd.scan.msk.f32 $0xffff, v1;
	_ =	sdelay $0x4  }
0x315: {  	v0, _, _ =	vpop (xrf2)  }
0x316: {  	v1 =	vbroadcast v0, $0xF;
	_ =	sdelay $0x1  }
0x317: {  	v45 =	vimm.f32 $0.0e+00  }
0x318: {  	v0 =	vadd.f32 v0, v45  }
0x319: {  	s1 =	simm.s32 $0x19000;
	v46 =	vadd.f32 v1, v45;
	v1, _, _ =	vpop (xrf2)  }
0x31a: {  	s8 =	simm.s32 $0x10;
	v47 =	vimm.f32 $0.0e+00;
	s6 =	simm.s32 $0x19800;
	[tilespmem:s1+$0x0] =	vst v0;
	v48 =	vadd.f32 v1, v45;
	v49 =	vbroadcast v1, $0xF  }
.LBB2_29:
0x31b: {  	_ = 	snop  }
0x31c: {  	s0 =	sadd.s32 $0x10, s0;
	s1 =	sadd.s32 $0x10, s1;
	[tilespmem:s6+$0x0] =	vst v48;
	v47 =	vadd.f32 v49, v47;
	s6 =	sadd.s32 $0x10, s6  }
0x31d: {  	p0 =	sne.s32 s8, $0x7F0;
	s5 =	smov.u32 s8;
	s8 =	sadd.s32 $0x10, s8;
	v0 =	vld [tilespmem:s0+$0x0]  }
0x31e: {  	_ = 	snop  }
0x31f: {  	s5 =	sand.u32 $0x7F0, s5  }
0x320: {  	v1 =	vld [tilespmem:s5+$0x18800];
	_ =	sdelay $0x1  }
0x321: {  	(xrf2) =	vadd.scan.msk.f32 $0xffff, v0;
	_ =	sdelay $0x2  }
0x322: {  	(xrf2) =	vadd.scan.msk.f32 $0xffff, v1;
	_ =	sdelay $0x6  }
.Ltmp13:
0x323: {  	v0, _, _ =	vpop (xrf2);
	(pc) =	sbr.rel @p0 .LBB2_29-.Ltmp13, $3  }
0x324: {  	v1 =	vadd.f32 v0, v46;
	v6 =	vbroadcast v0, $0xF;
	_ =	sdelay $0x1  }
0x325: {  	[tilespmem:s1+$0x0] =	vst v1;
	v46 =	vadd.f32 v6, v46;
	v0, _, _ =	vpop (xrf2)  }
0x326: {  	v48 =	vadd.f32 v0, v47;
	v49 =	vbroadcast v0, $0xF  }
0x327: {  	_ = 	snop  }
0x328: {  	s0 =	simm.s32 $0x0;
	s1 =	simm.s32 $0x40;
	[tilespmem:s6+$0x0] =	vst v48  }
.LBB2_31:
0x329: {  	p0 =	sne.s32 s1, $0x3C0;
	v0 =	vld [tilespmem:s0+$0x1A000];
	_ =	sdelay $0x4  }
0x32a: {  	(xrf2) =	vadd.scan.msk.f32 $0xffff, v0;
	_ =	sdelay $0x8  }
.Ltmp14:
0x32b: {  	(pc) =	sbr.rel @p0 .LBB2_31-.Ltmp14, $3  }
0x32c: {  	v0, _, _ =	vpop (xrf2)  }
0x32d: {  	v1 =	vadd.f32 v0, v45;
	v0 =	vbroadcast v0, $0xF;
	_ =	sdelay $0x1  }
0x32e: {  	[tilespmem:s0+$0x1A000] =	vst v1;
	s0 =	sshra.s32 s1, $0x2;
	s1 =	sadd.s32 $0x40, s1;
	v45 =	vadd.f32 v0, v45  }
0x32f: {  	v0 =	vld [tilespmem:s0+$0x1A000];
	_ =	sdelay $0x4  }
0x330: {  	(xrf2) =	vadd.scan.msk.f32 $0xffff, v0;
	_ =	sdelay $0x9  }
0x331: {  	v0, _, _ =	vpop (xrf2)  }
0x332: {  	v1 =	vbroadcast v0, $0xF;
	_ =	sdelay $0x1  }
0x333: {  	v1 =	vadd.f32 v1, v45;
	_ =	sdelay $0x1  }
0x334: {  	v1 =	vmax.f32 v1, $9.999999960e-13  }
0x335: {  	(erf) = vrcp.f32 v1;
	_ =	sdelay $0x1  }
0x336: {  	v0 =	vadd.f32 v0, v45;
	_ =	sdelay $0x1  }
0x337: {  	[tilespmem:s0+$0x1A000] =	vst v0  }
0x338: {  	v0 =	vld [tilespmem:$0x1A000];
	_ =	sdelay $0x3  }
0x339: {  	v48 =	vpop (erf)  }
0x33a: {  	v0 =	vmul.f32 v0, v48  }
0x33b: {  	v1 =	vimm.s32 $0x3FF  }
0x33c: {  	v0 =	vmul.f32 $2.621440000e+05, v0;
	_ =	sdelay $0x1  }
0x33d: {  	v0 =	vtrunc.f32 v0  }
0x33e: {  	v0 =	vcvt.f32.s32 v0  }
0x33f: {  	v47 =	vld.idx.msk [tilespmem:v1+s23+$0x0], $0xffff  }
0x340: {  	v0 =	vcvt.s32.f32 v0;
	_ =	sdelay $0x1  }
0x341: {  	v0 =	vmax.f32 v0, $0.0e+00  }
0x342: {  	v56 =	vmin.f32 v0, $2.621440000e+05  }
0x343: {  	vm0 =	vlt.f32 v47, v56  }
0x344: {  	v0 =	vsel vm0, $0x400, v7  }
0x345: {  	v1 =	vor.u32 $0x1FF, v0;
	_ =	sdelay $0x4  }
0x346: {  	v1 =	vld.idx.msk [tilespmem:v1+s23+$0x0], $0xffff;
	_ =	sdelay $0x4  }
0x347: {  	vm0 =	vlt.f32 v1, v56;
	v1 =	vor.u32 $0x200, v0  }
0x348: {  	v0 =	vsel vm0, v1, v0  }
0x349: {  	v1 =	vor.u32 $0xFF, v0;
	_ =	sdelay $0x4  }
0x34a: {  	v1 =	vld.idx.msk [tilespmem:v1+s23+$0x0], $0xffff;
	_ =	sdelay $0x2  }
0x34b: {  	v6 =	vld [tilespmem:$0x1A010];
	_ =	sdelay $0x1  }
0x34c: {  	vm0 =	vlt.f32 v1, v56;
	v1 =	vor.u32 $0x100, v0  }
0x34d: {  	v0 =	vsel vm0, v1, v0  }
0x34e: {  	v1 =	vor.u32 $0x7F, v0  }
0x34f: {  	v6 =	vmul.f32 v6, v48;
	_ =	sdelay $0x1  }
0x350: {  	v6 =	vmul.f32 $2.621440000e+05, v6;
	_ =	sdelay $0x1  }
0x351: {  	v6 =	vtrunc.f32 v6;
	v1 =	vld.idx.msk [tilespmem:v1+s23+$0x0], $0xffff  }
0x352: {  	v6 =	vcvt.f32.s32 v6;
	_ =	sdelay $0x1  }
0x353: {  	v6 =	vcvt.s32.f32 v6;
	_ =	sdelay $0x1  }
0x354: {  	v6 =	vmax.f32 v6, $0.0e+00;
	vm0 =	vlt.f32 v1, v56;
	v1 =	vor.u32 $0x80, v0  }
0x355: {  	v50 =	vmin.f32 v6, $2.621440000e+05;
	v0 =	vsel vm0, v1, v0  }
0x356: {  	v1 =	vld [tilespmem:$0x1A020];
	vm0 =	vlt.f32 v47, v50;
	v6 =	vadd.s32 $0x3F, v0  }
0x357: {  	v9 =	vsel vm0, $0x400, v7  }
0x358: {  	v10 =	vor.u32 $0x1FF, v9;
	_ =	sdelay $0x2  }
0x359: {  	v1 =	vmul.f32 v1, v48;
	v6 =	vld.idx.msk [tilespmem:v6+s23+$0x0], $0xffff;
	_ =	sdelay $0x1  }
0x35a: {  	v1 =	vmul.f32 $2.621440000e+05, v1;
	v10 =	vld.idx.msk [tilespmem:v10+s23+$0x0], $0xffff;
	_ =	sdelay $0x1  }
0x35b: {  	v1 =	vtrunc.f32 v1  }
0x35c: {  	v1 =	vcvt.f32.s32 v1;
	vm0 =	vlt.f32 v6, v56;
	v6 =	vadd.s32 $0x40, v0  }
0x35d: {  	v0 =	vsel vm0, v6, v0  }
0x35e: {  	v1 =	vcvt.s32.f32 v1;
	vm0 =	vlt.f32 v10, v50;
	v10 =	vor.u32 $0x200, v9  }
0x35f: {  	v49 =	vld [tilespmem:$0x1A030];
	v6 =	vadd.s32 $0x1F, v0;
	v9 =	vsel vm0, v10, v9  }
0x360: {  	v1 =	vmax.f32 v1, $0.0e+00;
	v10 =	vor.u32 $0xFF, v9  }
0x361: {  	v53 =	vmin.f32 v1, $2.621440000e+05  }
0x362: {  	vm0 =	vlt.f32 v47, v53  }
0x363: {  	v1 =	vsel vm0, $0x400, v7  }
0x364: {  	v45 =	vmul.f32 v49, v48;
	v6 =	vld.idx.msk [tilespmem:v6+s23+$0x0], $0xffff;
	v46 =	vor.u32 $0x1FF, v1  }
0x365: {  	v10 =	vld.idx.msk [tilespmem:v10+s23+$0x0], $0xffff  }
0x366: {  	v45 =	vmul.f32 $2.621440000e+05, v45;
	_ =	sdelay $0x1  }
0x367: {  	v45 =	vtrunc.f32 v45  }
0x368: {  	v45 =	vcvt.f32.s32 v45;
	vm0 =	vlt.f32 v6, v56;
	v6 =	vadd.s32 $0x20, v0;
	v46 =	vld.idx.msk [tilespmem:v46+s23+$0x0], $0xffff  }
0x369: {  	v0 =	vsel vm0, v6, v0;
	vm0 =	vlt.f32 v10, v50;
	v6 =	vor.u32 $0x100, v9  }
0x36a: {  	v10 =	vcvt.s32.f32 v45;
	v57 =	vadd.s32 $0xF, v0;
	v6 =	vsel vm0, v6, v9  }
0x36b: {  	v9 =	vor.u32 $0x7F, v6  }
0x36c: {  	v10 =	vmax.f32 v10, $0.0e+00  }
0x36d: {  	v58 =	vor.u32 $0x200, v1;
	v52 =	vmin.f32 v10, $2.621440000e+05;
	vm0 =	vlt.f32 v46, v53  }
0x36e: {  	v1 =	vsel vm0, v58, v1;
	vm0 =	vlt.f32 v47, v52  }
0x36f: {  	v10 =	vor.u32 $0xFF, v1;
	v59 =	vsel vm0, $0x400, v7;
	v45 =	vld.idx.msk [tilespmem:v57+s23+$0x0], $0xffff  }
0x370: {  	v49 =	vor.u32 $0x1FF, v59;
	v9 =	vld.idx.msk [tilespmem:v9+s23+$0x0], $0xffff;
	_ =	sdelay $0x3  }
0x371: {  	v60 =	vadd.s32 $0x10, v0;
	v10 =	vld.idx.msk [tilespmem:v10+s23+$0x0], $0xffff;
	vm0 =	vlt.f32 v45, v56  }
0x372: {  	v49 =	vld.idx.msk [tilespmem:v49+s23+$0x0], $0xffff;
	v0 =	vsel vm0, v60, v0;
	vm0 =	vlt.f32 v9, v50;
	v9 =	vor.u32 $0x80, v6  }
0x373: {  	v45 =	vadd.s32 $0x7, v0;
	v6 =	vsel vm0, v9, v6  }
0x374: {  	v51 =	vld [tilespmem:$0x1A040];
	v9 =	vadd.s32 $0x3F, v6;
	_ =	sdelay $0x1  }
0x375: {  	vm0 =	vlt.f32 v10, v53;
	v10 =	vor.u32 $0x100, v1  }
0x376: {  	v1 =	vsel vm0, v10, v1;
	vm0 =	vlt.f32 v49, v52;
	v10 =	vor.u32 $0x200, v59  }
0x377: {  	v61 =	vor.u32 $0x7F, v1;
	v10 =	vsel vm0, v10, v59;
	v45 =	vld.idx.msk [tilespmem:v45+s23+$0x0], $0xffff  }
0x378: {  	v51 =	vmul.f32 v51, v48;
	v46 =	vor.u32 $0xFF, v10;
	v9 =	vld.idx.msk [tilespmem:v9+s23+$0x0], $0xffff;
	_ =	sdelay $0x1  }
0x379: {  	v51 =	vmul.f32 $2.621440000e+05, v51;
	_ =	sdelay $0x1  }
0x37a: {  	v51 =	vtrunc.f32 v51;
	v62 =	vadd.s32 $0x8, v0;
	v49 =	vld.idx.msk [tilespmem:v61+s23+$0x0], $0xffff  }
0x37b: {  	vm0 =	vlt.f32 v45, v56;
	v46 =	vld.idx.msk [tilespmem:v46+s23+$0x0], $0xffff;
	vm15 =	vlt.f32 v9, v50;
	v9 =	vadd.s32 $0x40, v6  }
0x37c: {  	v0 =	vsel vm0, v62, v0;
	v6 =	vsel vm15, v9, v6;
	v9 =	vcvt.f32.s32 v51  }
0x37d: {  	v45 =	vadd.s32 $0x3, v0  }
0x37e: {  	v54 =	vadd.s32 $0x1F, v6;
	v9 =	vcvt.s32.f32 v9  }
0x37f: {  	v63 =	vor.u32 $0x80, v1;
	v12 =	vor.u32 $0x100, v10;
	vm0 =	vlt.f32 v49, v53  }
0x380: {  	v1 =	vsel vm0, v63, v1;
	vm0 =	vlt.f32 v46, v52;
	v9 =	vmax.f32 v9, $0.0e+00  }
0x381: {  	v49 =	vadd.s32 $0x3F, v1;
	v10 =	vsel vm0, v12, v10;
	v51 =	vmin.f32 v9, $2.621440000e+05  }
0x382: {  	v45 =	vld.idx.msk [tilespmem:v45+s23+$0x0], $0xffff;
	v46 =	vor.u32 $0x7F, v10;
	vm0 =	vlt.f32 v47, v51  }
0x383: {  	v9 =	vld.idx.msk [tilespmem:v54+s23+$0x0], $0xffff;
	v13 =	vsel vm0, $0x400, v7  }
0x384: {  	v55 =	vor.u32 $0x1FF, v13;
	_ =	sdelay $0x1  }
0x385: {  	v49 =	vld.idx.msk [tilespmem:v49+s23+$0x0], $0xffff  }
0x386: {  	v14 =	vadd.s32 $0x4, v0;
	vm15 =	vlt.f32 v45, v56;
	v46 =	vld.idx.msk [tilespmem:v46+s23+$0x0], $0xffff  }
0x387: {  	vm0 =	vlt.f32 v9, v50;
	v9 =	vadd.s32 $0x20, v6;
	v0 =	vsel vm15, v14, v0  }
0x388: {  	v6 =	vsel vm0, v9, v6;
	v16 =	vadd.s32 $0x1, v0;
	v15 =	vld.idx.msk [tilespmem:v55+s23+$0x0], $0xffff  }
0x389: {  	v19 =	vld [tilespmem:$0x1A050];
	v9 =	vadd.s32 $0xF, v6  }
0x38a: {  	v17 =	vadd.s32 $0x40, v1;
	vm0 =	vlt.f32 v49, v53  }
0x38b: {  	v18 =	vor.u32 $0x80, v10;
	v1 =	vsel vm0, v17, v1;
	vm0 =	vlt.f32 v46, v52  }
0x38c: {  	v49 =	vadd.s32 $0x1F, v1;
	v10 =	vsel vm0, v18, v10  }
0x38d: {  	v60 =	vor.u32 $0x200, v13;
	v55 =	vld.idx.msk [tilespmem:v16+s23+$0x0], $0xffff;
	v57 =	vadd.s32 $0x3F, v10;
	vm0 =	vlt.f32 v15, v51  }
0x38e: {  	v46 =	vmul.f32 v19, v48;
	v9 =	vld.idx.msk [tilespmem:v9+s23+$0x0], $0xffff;
	v45 =	vsel vm0, v60, v13  }
0x38f: {  	v54 =	vor.u32 $0xFF, v45  }
0x390: {  	v46 =	vmul.f32 $2.621440000e+05, v46  }
0x391: {  	v49 =	vld.idx.msk [tilespmem:v49+s23+$0x0], $0xffff  }
0x392: {  	v61 =	vadd.s32 $0x2, v0;
	v46 =	vtrunc.f32 v46;
	v57 =	vld.idx.msk [tilespmem:v57+s23+$0x0], $0xffff  }
0x393: {  	vm15 =	vlt.f32 v55, v56;
	vm0 =	vlt.f32 v9, v50;
	v9 =	vadd.s32 $0x10, v6  }
0x394: {  	v46 =	vcvt.f32.s32 v46;
	v0 =	vsel vm15, v61, v0;
	v6 =	vsel vm0, v9, v6;
	v54 =	vld.idx.msk [tilespmem:v54+s23+$0x0], $0xffff  }
0x395: {  	v62 =	vadd.s32 $0x20, v1;
	v9 =	vadd.s32 $0x7, v6  }
0x396: {  	v63 =	vadd.s32 $0x40, v10;
	v46 =	vcvt.s32.f32 v46;
	vm0 =	vlt.f32 v49, v53  }
0x397: {  	v14 =	vor.u32 $0x100, v45;
	v1 =	vsel vm0, v62, v1;
	vm0 =	vlt.f32 v57, v52  }
0x398: {  	v46 =	vmax.f32 v46, $0.0e+00;
	v12 =	vadd.s32 $0xF, v1;
	v10 =	vsel vm0, v63, v10  }
0x399: {  	v13 =	vld.idx.msk [tilespmem:v0+s23+$0x0], $0xffff;
	v49 =	vadd.s32 $0x1F, v10;
	vm0 =	vlt.f32 v54, v51;
	v54 =	vmin.f32 v46, $2.621440000e+05  }
0x39a: {  	v9 =	vld.idx.msk [tilespmem:v9+s23+$0x0], $0xffff;
	v45 =	vsel vm0, v14, v45;
	vm0 =	vlt.f32 v47, v54  }
0x39b: {  	v15 =	vor.u32 $0x7F, v45;
	v58 =	vsel vm0, $0x400, v7  }
0x39c: {  	v59 =	vor.u32 $0x1FF, v58  }
0x39d: {  	v55 =	vld.idx.msk [tilespmem:v12+s23+$0x0], $0xffff  }
0x39e: {  	vm0 =	vlt.f32 v13, v56;
	v49 =	vld.idx.msk [tilespmem:v49+s23+$0x0], $0xffff  }
0x39f: {  	v57 =	vsel vm0, $0x1, v7;
	vm0 =	vlt.f32 v9, v50;
	v9 =	vadd.s32 $0x8, v6  }
0x3a0: {  	v6 =	vsel vm0, v9, v6;
	v9 =	vld.idx.msk [tilespmem:v15+s23+$0x0], $0xffff  }
0x3a1: {  	v16 =	vadd.s32 $0x3, v6;
	v19 =	vld.idx.msk [tilespmem:v59+s23+$0x0], $0xffff  }
0x3a2: {  	v17 =	vadd.s32 $0x10, v1;
	v18 =	vadd.s32 $0x20, v10;
	vm0 =	vlt.f32 v55, v53  }
0x3a3: {  	v13 =	vld [tilespmem:$0x1A060];
	v0 =	vadd.s32 v57, v0;
	v1 =	vsel vm0, v17, v1;
	vm0 =	vlt.f32 v49, v52  }
0x3a4: {  	v12 =	vadd.s32 $0x7, v1;
	v10 =	vsel vm0, v18, v10  }
0x3a5: {  	v49 =	vadd.s32 $0xF, v10;
	vm0 =	vlt.f32 v9, v51;
	v9 =	vor.u32 $0x80, v45  }
0x3a6: {  	v15 =	vor.u32 $0x200, v58;
	v46 =	vld.idx.msk [tilespmem:v16+s23+$0x0], $0xffff;
	v9 =	vsel vm0, v9, v45;
	vm0 =	vlt.f32 v19, v54  }
0x3a7: {  	v60 =	vadd.s32 $0x3F, v9;
	v55 =	vsel vm0, v15, v58  }
0x3a8: {  	v59 =	vmul.f32 v13, v48;
	v14 =	vld.idx.msk [tilespmem:v0+s25+$0x0], $0xffff;
	v61 =	vor.u32 $0xFF, v55  }
0x3a9: {  	v57 =	vld.idx.msk [tilespmem:v12+s23+$0x0], $0xffff  }
0x3aa: {  	v62 =	vadd.s32 $0x800, v0;
	v17 =	vadd.s32 $0x4, v6;
	v59 =	vmul.f32 $2.621440000e+05, v59;
	v49 =	vld.idx.msk [tilespmem:v49+s23+$0x0], $0xffff  }
0x3ab: {  	v16 =	vmax.u32 v0, $0x1;
	v63 =	vadd.s32 $0x10, v10;
	vm0 =	vlt.f32 v46, v50  }
0x3ac: {  	v13 =	vtrunc.f32 v59;
	v58 =	vsub.s32 v16, v8;
	v6 =	vsel vm0, v17, v6;
	v18 =	vld.idx.msk [tilespmem:v60+s23+$0x0], $0xffff  }
0x3ad: {  	v16 =	vadd.s32 $0x40, v9;
	v45 =	vmax.f32 v14, $1.000000000e+00;
	v19 =	vadd.s32 $0x1, v6;
	v12 =	vld.idx.msk [tilespmem:v61+s23+$0x0], $0xffff  }
0x3ae: {  	v14 =	vadd.s32 $0x8, v1;
	vm0 =	vlt.f32 v57, v53;
	v57 =	vcvt.f32.s32 v13  }
0x3af: {  	v62 =	vld.idx.msk [tilespmem:v62+s25+$0x0], $0xffff;
	(erf) = vrcp.f32 v45;
	vm15 =	vlt.f32 v49, v52;
	v1 =	vsel vm0, v14, v1  }
0x3b0: {  	v45 =	vld [tilespmem:$0x1A100];
	v10 =	vsel vm15, v63, v10;
	v57 =	vcvt.s32.f32 v57;
	v63 =	vadd.s32 $0x3, v1  }
0x3b1: {  	v17 =	vor.u32 $0x100, v55;
	v46 =	vld.idx.msk [tilespmem:v58+s23+$0x0], $0xffff;
	v15 =	vadd.s32 $0x7, v10;
	vm0 =	vlt.f32 v18, v51  }
0x3b2: {  	v60 =	vld.idx.msk [tilespmem:v19+s23+$0x0], $0xffff;
	v9 =	vsel vm0, v16, v9;
	vm0 =	vlt.f32 v12, v54;
	v57 =	vmax.f32 v57, $0.0e+00  }
0x3b3: {  	v61 =	vld [tilespmem:$0x1A180];
	v11 =	vadd.s32 $0x1F, v9;
	v49 =	vsel vm0, v17, v55;
	v55 =	vmin.f32 v57, $2.621440000e+05  }
0x3b4: {  	v18 =	vld.idx.msk [tilespmem:v58+s24+$0x0], $0xffff;
	vm0 =	vlt.f32 v47, v55  }
0x3b5: {  	v19 =	vor.u32 $0x7F, v49;
	v12 =	vsel vm0, $0x400, v7;
	v63 =	vld.idx.msk [tilespmem:v63+s23+$0x0], $0xffff  }
0x3b6: {  	v59 =	vld.idx.msk [tilespmem:v15+s23+$0x0], $0xffff;
	v13 =	vor.u32 $0x1FF, v12  }
0x3b7: {  	vm15 =	veq.s32 v0, $0x0;
	v16 =	vadd.s32 $0x2, v6;
	vm0 =	vlt.f32 v60, v50  }
0x3b8: {  	v46 =	vsel vm15, $0x0, v46;
	v61 =	vsub.f32 v61, v45;
	v14 =	vpop (erf);
	v6 =	vsel vm0, v16, v6;
	v11 =	vld.idx.msk [tilespmem:v11+s23+$0x0], $0xffff  }
0x3b9: {  	v0 =	vld.idx.msk [tilespmem:v0+s12+$0x0], $0xffff;
	v62 =	vmul.f32 v14, v62;
	v17 =	vadd.s32 $0x8, v10;
	v60 =	vsub.f32 v56, v46  }
0x3ba: {  	v57 =	vsel vm15, $0x0, v18;
	v18 =	vadd.s32 $0x4, v1;
	v58 =	vld.idx.msk [tilespmem:v19+s23+$0x0], $0xffff;
	vm15 =	vlt.f32 v63, v53  }
0x3bb: {  	v46 =	vmul.f32 v61, v37;
	vm0 =	vlt.f32 v59, v52;
	v13 =	vld.idx.msk [tilespmem:v13+s23+$0x0], $0xffff;
	v1 =	vsel vm15, v18, v1  }
0x3bc: {  	v61 =	vmul.f32 v60, v62;
	v10 =	vsel vm0, v17, v10;
	v19 =	vadd.s32 $0x1, v1  }
0x3bd: {  	v59 =	vld.idx.msk [tilespmem:v6+s23+$0x0], $0xffff;
	v62 =	vadd.s32 $0x3, v10;
	vm0 =	vlt.f32 v11, v51;
	v11 =	vadd.s32 $0x20, v9  }
0x3be: {  	v0 =	vmul.f32 $5.000000000e-01, v0;
	v16 =	vld [tilespmem:$0x1FF40];
	v14 =	vmul.f32 v60, v14;
	v9 =	vsel vm0, v11, v9  }
0x3bf: {  	v63 =	vld [tilespmem:$0x1FF50];
	vm0 =	vlt.f32 v58, v54;
	v11 =	vor.u32 $0x80, v49;
	v58 =	vadd.s32 $0xF, v9  }
0x3c0: {  	v18 =	vor.u32 $0x200, v12;
	v11 =	vsel vm0, v11, v49;
	v49 =	vld [tilespmem:$0x1A070];
	vm0 =	vlt.f32 v13, v55  }
0x3c1: {  	v0 =	vmul.f32 v60, v0;
	v15 =	vadd.s32 $0x3F, v11;
	v12 =	vsel vm0, v18, v12;
	v60 =	vld.idx.msk [tilespmem:v19+s23+$0x0], $0xffff  }
0x3c2: {  	v57 =	vadd.f32 v61, v57;
	vm15 =	vlt.f32 v59, v50;
	v59 =	vld.idx.msk [tilespmem:v62+s23+$0x0], $0xffff;
	v62 =	vor.u32 $0xFF, v12  }
0x3c3: {  	v17 =	vadd.s32 $0x4, v10;
	v13 =	vsub.f32 $1.000000000e+00, v14;
	v14 =	vsel vm15, $0x1, v7  }
0x3c4: {  	v61 =	vmul.f32 v63, v46;
	v19 =	vmul.f32 v16, v46;
	v6 =	vadd.s32 v14, v6;
	v14 =	vld.idx.msk [tilespmem:v58+s23+$0x0], $0xffff  }
0x3c5: {  	v63 =	vadd.s32 $0x40, v11;
	v18 =	vadd.s32 $0x2, v1;
	v49 =	vmul.f32 v49, v48  }
0x3c6: {  	v0 =	vmul.f32 v13, v0;
	v13 =	vmax.u32 v6, $0x1;
	v58 =	vadd.f32 v19, v45;
	v15 =	vld.idx.msk [tilespmem:v15+s23+$0x0], $0xffff  }
0x3c7: {  	v49 =	vmul.f32 $2.621440000e+05, v49;
	vm15 =	vlt.f32 v60, v53;
	vm0 =	vlt.f32 v59, v52;
	v59 =	vld.idx.msk [tilespmem:v62+s23+$0x0], $0xffff  }
0x3c8: {  	v19 =	vadd.s32 $0x10, v9;
	v13 =	vsub.s32 v13, v8;
	v1 =	vsel vm15, v18, v1  }
0x3c9: {  	v10 =	vsel vm0, v17, v10;
	v49 =	vtrunc.f32 v49;
	v62 =	vld.idx.msk [tilespmem:v6+s25+$0x0], $0xffff;
	vm0 =	vlt.f32 v14, v51  }
0x3ca: {  	v60 =	vadd.s32 $0x1, v10;
	v49 =	vcvt.f32.s32 v49;
	v9 =	vsel vm0, v19, v9  }
0x3cb: {  	vm0 =	vlt.f32 v15, v54;
	v19 =	vor.u32 $0x100, v12;
	v15 =	vadd.s32 $0x7, v9  }
0x3cc: {  	v11 =	vsel vm0, v63, v11;
	v18 =	vcvt.s32.f32 v49;
	vm0 =	vlt.f32 v59, v55  }
0x3cd: {  	v63 =	vadd.s32 $0x1F, v11;
	v59 =	vadd.f32 v61, v45;
	v61 =	vld.idx.msk [tilespmem:v1+s23+$0x0], $0xffff;
	v12 =	vsel vm0, v19, v12  }
0x3ce: {  	v16 =	vld.idx.msk [tilespmem:v13+s23+$0x0], $0xffff;
	v14 =	vmax.f32 v18, $0.0e+00;
	v62 =	vmax.f32 v62, $1.000000000e+00;
	v17 =	vor.u32 $0x7F, v12  }
0x3cf: {  	v49 =	vmin.f32 v14, $2.621440000e+05;
	v14 =	vadd.s32 $0x800, v6;
	(erf) = vrcp.f32 v62;
	v60 =	vld.idx.msk [tilespmem:v60+s23+$0x0], $0xffff  }
0x3d0: {  	vm0 =	vlt.f32 v47, v49;
	v15 =	vld.idx.msk [tilespmem:v15+s23+$0x0], $0xffff  }
0x3d1: {  	v0 =	vsub.f32 v57, v0;
	v62 =	vsel vm0, $0x400, v7;
	vm0 =	veq.s32 v6, $0x0;
	v6 =	vld.idx.msk [tilespmem:v6+s12+$0x0], $0xffff  }
0x3d2: {  	v19 =	vadd.s32 $0x2, v10;
	v63 =	vld.idx.msk [tilespmem:v63+s23+$0x0], $0xffff;
	v18 =	vor.u32 $0x1FF, v62;
	vm15 =	vlt.f32 v61, v53  }
0x3d3: {  	v57 =	vsub.f32 v58, v59;
	v59 =	vmul.f32 v59, v59;
	v61 =	vsel vm15, $0x1, v7;
	v17 =	vld.idx.msk [tilespmem:v17+s23+$0x0], $0xffff  }
0x3d4: {  	v16 =	vsel vm0, $0x0, v16;
	v14 =	vld.idx.msk [tilespmem:v14+s25+$0x0], $0xffff;
	v1 =	vadd.s32 v61, v1;
	vm15 =	vlt.f32 v60, v52  }
0x3d5: {  	v60 =	vadd.s32 $0x8, v9;
	v10 =	vsel vm15, v19, v10;
	vm15 =	vlt.f32 v15, v51  }
0x3d6: {  	v13 =	vld.idx.msk [tilespmem:v13+s24+$0x0], $0xffff;
	v0 =	vmul.f32 v0, v57;
	v16 =	vsub.f32 v50, v16;
	v9 =	vsel vm15, v60, v9  }
0x3d7: {  	v61 =	vadd.s32 $0x20, v11;
	vm15 =	vlt.f32 v63, v54;
	v18 =	vld.idx.msk [tilespmem:v18+s23+$0x0], $0xffff;
	v57 =	vadd.s32 $0x3, v9  }
0x3d8: {  	v19 =	vld [tilespmem:$0x1FF60];
	v6 =	vmul.f32 $5.000000000e-01, v6;
	v63 =	vor.u32 $0x80, v12;
	v11 =	vsel vm15, v61, v11;
	v15 =	vpop (erf)  }
0x3d9: {  	v60 =	vadd.s32 $0xF, v11;
	vm15 =	vlt.f32 v17, v55;
	v14 =	vmul.f32 v15, v14;
	v17 =	vld.idx.msk [tilespmem:v1+s25+$0x0], $0xffff  }
0x3da: {  	v58 =	vmul.f32 v58, v58;
	v15 =	vmul.f32 v16, v15;
	v12 =	vsel vm15, v63, v12;
	v63 =	vld.idx.msk [tilespmem:v10+s23+$0x0], $0xffff  }
0x3db: {  	v6 =	vmul.f32 v16, v6;
	v61 =	vadd.s32 $0x3F, v12;
	v14 =	vmul.f32 v16, v14  }
0x3dc: {  	v15 =	vsub.f32 $1.000000000e+00, v15;
	vm15 =	vlt.f32 v18, v49;
	v18 =	vor.u32 $0x200, v62;
	v16 =	vld.idx.msk [tilespmem:v57+s23+$0x0], $0xffff  }
0x3dd: {  	v13 =	vsel vm0, $0x0, v13;
	v19 =	vmul.f32 v19, v46;
	v18 =	vsel vm15, v18, v62;
	v57 =	vld [tilespmem:$0x1FF70]  }
0x3de: {  	v13 =	vadd.f32 v14, v13;
	v6 =	vmul.f32 v15, v6;
	v60 =	vld.idx.msk [tilespmem:v60+s23+$0x0], $0xffff;
	v62 =	vor.u32 $0xFF, v18  }
0x3df: {  	v14 =	vmax.u32 v1, $0x1;
	v17 =	vmax.f32 v17, $1.000000000e+00;
	vm0 =	vlt.f32 v63, v52  }
0x3e0: {  	v15 =	vadd.f32 v19, v45;
	(erf) = vrcp.f32 v17;
	v61 =	vld.idx.msk [tilespmem:v61+s23+$0x0], $0xffff;
	v17 =	vsel vm0, $0x1, v7  }
0x3e1: {  	v19 =	vadd.s32 $0x800, v1;
	v14 =	vsub.s32 v14, v8;
	v10 =	vadd.s32 v17, v10  }
0x3e2: {  	v57 =	vmul.f32 v57, v46;
	vm0 =	vlt.f32 v16, v51;
	v16 =	vadd.s32 $0x4, v9  }
0x3e3: {  	vm15 =	vlt.f32 v60, v54;
	v60 =	vadd.s32 $0x10, v11;
	v62 =	vld.idx.msk [tilespmem:v62+s23+$0x0], $0xffff;
	v9 =	vsel vm0, v16, v9  }
0x3e4: {  	v0 =	vadd.f32 $0.0e+00, v0;
	v11 =	vsel vm15, v60, v11;
	v60 =	vadd.s32 $0x1, v9  }
0x3e5: {  	v17 =	vadd.s32 $0x40, v12;
	v57 =	vadd.f32 v57, v45;
	vm0 =	vlt.f32 v61, v55  }
0x3e6: {  	v6 =	vsub.f32 v13, v6;
	v13 =	vld.idx.msk [tilespmem:v14+s23+$0x0], $0xffff;
	v16 =	vadd.s32 $0x7, v11;
	v12 =	vsel vm0, v17, v12  }
0x3e7: {  	v19 =	vld.idx.msk [tilespmem:v19+s25+$0x0], $0xffff;
	v17 =	vsub.f32 v58, v59;
	v59 =	vsub.f32 v15, v57;
	v58 =	vadd.s32 $0x1F, v12  }
0x3e8: {  	v61 =	vor.u32 $0x100, v18;
	v15 =	vmul.f32 v15, v15;
	vm0 =	vlt.f32 v62, v49;
	v62 =	vld.idx.msk [tilespmem:v10+s25+$0x0], $0xffff  }
0x3e9: {  	v17 =	vmul.f32 v56, v17;
	v6 =	vmul.f32 v6, v59;
	v18 =	vsel vm0, v61, v18;
	v60 =	vld.idx.msk [tilespmem:v60+s23+$0x0], $0xffff  }
0x3ea: {  	v61 =	vmul.f32 v57, v57;
	vm0 =	veq.s32 v1, $0x0;
	v1 =	vld.idx.msk [tilespmem:v1+s12+$0x0], $0xffff;
	v59 =	vor.u32 $0x7F, v18  }
0x3eb: {  	v16 =	vld.idx.msk [tilespmem:v16+s23+$0x0], $0xffff;
	v57 =	vadd.f32 $0.0e+00, v17;
	v56 =	vadd.f32 v6, v0;
	v0 =	vsel vm0, $0x0, v13  }
0x3ec: {  	v13 =	vsub.f32 v15, v61;
	v0 =	vsub.f32 v53, v0;
	v15 =	vpop (erf);
	v6 =	vld.idx.msk [tilespmem:v58+s23+$0x0], $0xffff;
	v58 =	vmax.u32 v10, $0x1  }
0x3ed: {  	v19 =	vmul.f32 v15, v19;
	v17 =	vsub.s32 v58, v8;
	v58 =	vadd.s32 $0x800, v10  }
0x3ee: {  	v14 =	vld.idx.msk [tilespmem:v14+s24+$0x0], $0xffff;
	v61 =	vmax.f32 v62, $1.000000000e+00;
	v15 =	vmul.f32 v0, v15;
	vm1 =	vlt.f32 v60, v51  }
0x3ef: {  	v63 =	vld [tilespmem:$0x1FF80];
	v60 =	vadd.s32 $0x2, v9;
	(erf) = vrcp.f32 v61;
	v19 =	vmul.f32 v0, v19  }
0x3f0: {  	vm15 =	vlt.f32 v16, v54;
	v16 =	vadd.s32 $0x8, v11;
	v59 =	vld.idx.msk [tilespmem:v59+s23+$0x0], $0xffff;
	v9 =	vsel vm1, v60, v9  }
0x3f1: {  	v62 =	vld [tilespmem:$0x1A080];
	v61 =	vor.u32 $0x80, v18;
	v1 =	vmul.f32 $5.000000000e-01, v1;
	v11 =	vsel vm15, v16, v11  }
0x3f2: {  	v20 =	vld [tilespmem:$0x1FF90];
	v16 =	vadd.s32 $0x3, v11;
	vm15 =	vlt.f32 v6, v55;
	v6 =	vadd.s32 $0x20, v12  }
0x3f3: {  	v60 =	vsel vm0, $0x0, v14;
	v6 =	vsel vm15, v6, v12;
	v12 =	vmul.f32 v50, v13;
	v50 =	vld.idx.msk [tilespmem:v17+s23+$0x0], $0xffff  }
0x3f4: {  	v0 =	vmul.f32 v0, v1;
	v1 =	vsub.f32 $1.000000000e+00, v15;
	v15 =	vmul.f32 v63, v46;
	v17 =	vld.idx.msk [tilespmem:v17+s24+$0x0], $0xffff  }
0x3f5: {  	v13 =	vadd.f32 v19, v60;
	v14 =	vadd.s32 $0xF, v6;
	vm0 =	vlt.f32 v59, v49;
	v60 =	vld.idx.msk [tilespmem:v9+s23+$0x0], $0xffff  }
0x3f6: {  	v59 =	vmul.f32 v62, v48;
	v18 =	vsel vm0, v61, v18;
	vm0 =	veq.s32 v10, $0x0;
	v10 =	vld.idx.msk [tilespmem:v10+s12+$0x0], $0xffff  }
0x3f7: {  	v0 =	vmul.f32 v1, v0;
	v61 =	vmul.f32 v20, v46;
	v16 =	vld.idx.msk [tilespmem:v16+s23+$0x0], $0xffff;
	v19 =	vadd.s32 $0x3F, v18  }
0x3f8: {  	v58 =	vld.idx.msk [tilespmem:v58+s25+$0x0], $0xffff;
	v1 =	vadd.f32 v15, v45;
	v62 =	vadd.s32 $0x4, v11;
	v59 =	vmul.f32 $2.621440000e+05, v59  }
0x3f9: {  	v0 =	vsub.f32 v13, v0;
	v50 =	vsel vm0, $0x0, v50;
	v61 =	vadd.f32 v61, v45  }
0x3fa: {  	v17 =	vsel vm0, $0x0, v17;
	v14 =	vld.idx.msk [tilespmem:v14+s23+$0x0], $0xffff;
	v15 =	vsub.f32 v52, v50;
	v63 =	vtrunc.f32 v59  }
0x3fb: {  	v50 =	vcvt.f32.s32 v63;
	vm15 =	vlt.f32 v60, v51;
	v63 =	vadd.s32 $0x40, v18  }
0x3fc: {  	v13 =	vsub.f32 v1, v61;
	v59 =	vpop (erf);
	v10 =	vmul.f32 $5.000000000e-01, v10;
	vm1 =	vlt.f32 v16, v54;
	v19 =	vld.idx.msk [tilespmem:v19+s23+$0x0], $0xffff  }
0x3fd: {  	v58 =	vmul.f32 v59, v58;
	v16 =	vcvt.s32.f32 v50;
	v50 =	vsel vm15, $0x1, v7  }
0x3fe: {  	v0 =	vmul.f32 v0, v13;
	v11 =	vsel vm1, v62, v11;
	v9 =	vadd.s32 v50, v9  }
0x3ff: {  	vm1 =	vlt.f32 v14, v55;
	v14 =	vadd.s32 $0x10, v6;
	v60 =	vadd.s32 $0x1, v11  }
0x400: {  	v16 =	vmax.f32 v16, $0.0e+00;
	v58 =	vmul.f32 v15, v58;
	v6 =	vsel vm1, v14, v6  }
0x401: {  	v50 =	vmin.f32 v16, $2.621440000e+05;
	v14 =	vadd.s32 $0x7, v6;
	vm1 =	vlt.f32 v19, v49  }
0x402: {  	v13 =	vadd.f32 v58, v17;
	v58 =	vld [tilespmem:$0x1FFB0];
	v16 =	vsel vm1, v63, v18;
	vm1 =	vlt.f32 v47, v50  }
0x403: {  	v18 =	vmul.f32 v15, v59;
	v63 =	vld [tilespmem:$0x1FFA0];
	v19 =	vadd.s32 $0x1F, v16;
	v59 =	vsel vm1, $0x400, v7  }
0x404: {  	v60 =	vld.idx.msk [tilespmem:v60+s23+$0x0], $0xffff;
	v62 =	vor.u32 $0x1FF, v59  }
0x405: {  	v10 =	vmul.f32 v15, v10;
	v15 =	vsub.f32 $1.000000000e+00, v18;
	v18 =	vld.idx.msk [tilespmem:v9+s25+$0x0], $0xffff  }
0x406: {  	v61 =	vmul.f32 v61, v61;
	v14 =	vld.idx.msk [tilespmem:v14+s23+$0x0], $0xffff  }
0x407: {  	v1 =	vmul.f32 v1, v1;
	v17 =	vmul.f32 v58, v46  }
0x408: {  	v10 =	vmul.f32 v15, v10;
	v15 =	vmul.f32 v63, v46;
	v63 =	vmax.u32 v9, $0x1;
	v19 =	vld.idx.msk [tilespmem:v19+s23+$0x0], $0xffff  }
0x409: {  	v58 =	vsub.s32 v63, v8;
	vm0 =	vlt.f32 v60, v54;
	v60 =	vadd.s32 $0x2, v11;
	v62 =	vld.idx.msk [tilespmem:v62+s23+$0x0], $0xffff  }
0x40a: {  	v17 =	vadd.f32 v17, v45;
	v63 =	vadd.s32 $0x20, v16;
	v11 =	vsel vm0, v60, v11  }
0x40b: {  	v18 =	vmax.f32 v18, $1.000000000e+00;
	vm0 =	vlt.f32 v14, v55;
	v14 =	vadd.s32 $0x8, v6  }
0x40c: {  	v60 =	vadd.s32 $0x800, v9;
	(erf) = vrcp.f32 v18;
	v6 =	vsel vm0, v14, v6  }
0x40d: {  	v15 =	vadd.f32 v15, v45;
	v14 =	vadd.s32 $0x3, v6;
	vm0 =	vlt.f32 v19, v49  }
0x40e: {  	v18 =	vor.u32 $0x200, v59;
	v19 =	vld.idx.msk [tilespmem:v58+s23+$0x0], $0xffff;
	v16 =	vsel vm0, v63, v16;
	vm0 =	vlt.f32 v62, v50  }
0x40f: {  	v1 =	vsub.f32 v1, v61;
	v58 =	vld.idx.msk [tilespmem:v58+s24+$0x0], $0xffff;
	v62 =	vadd.s32 $0xF, v16;
	v18 =	vsel vm0, v18, v59  }
0x410: {  	v10 =	vsub.f32 v13, v10;
	v61 =	vld.idx.msk [tilespmem:v11+s23+$0x0], $0xffff;
	v63 =	vsub.f32 v15, v17;
	v59 =	vor.u32 $0xFF, v18  }
0x411: {  	v12 =	vadd.f32 v12, v57;
	v1 =	vmul.f32 v53, v1;
	v53 =	vld.idx.msk [tilespmem:v60+s25+$0x0], $0xffff  }
0x412: {  	v0 =	vadd.f32 v0, v56;
	v10 =	vmul.f32 v10, v63;
	v60 =	vld.idx.msk [tilespmem:v14+s23+$0x0], $0xffff  }
0x413: {  	v1 =	vadd.f32 v1, v12;
	vm0 =	veq.s32 v9, $0x0;
	v14 =	vld.idx.msk [tilespmem:v9+s12+$0x0], $0xffff  }
0x414: {  	v12 =	vmul.f32 v17, v17;
	v56 =	vadd.f32 v10, v0;
	v10 =	vsel vm0, $0x0, v19;
	v0 =	vld.idx.msk [tilespmem:v62+s23+$0x0], $0xffff  }
0x415: {  	v9 =	vmul.f32 v15, v15;
	vm1 =	vlt.f32 v61, v54;
	v10 =	vsub.f32 v51, v10;
	v63 =	vpop (erf);
	v17 =	vld.idx.msk [tilespmem:v59+s23+$0x0], $0xffff  }
0x416: {  	v19 =	vsel vm0, $0x0, v58;
	v62 =	vsel vm1, $0x1, v7;
	v15 =	vmul.f32 v63, v53  }
0x417: {  	v11 =	vadd.s32 v62, v11;
	v61 =	vmul.f32 v10, v63;
	v63 =	vor.u32 $0x100, v18  }
0x418: {  	vm0 =	vlt.f32 v60, v55;
	v60 =	vadd.s32 $0x4, v6;
	v14 =	vmul.f32 $5.000000000e-01, v14  }
0x419: {  	v62 =	vld [tilespmem:$0x1A090];
	v6 =	vsel vm0, v60, v6;
	vm0 =	vlt.f32 v0, v49;
	v0 =	vadd.s32 $0x10, v16  }
0x41a: {  	v20 =	vld [tilespmem:$0x1FFD0];
	v13 =	vadd.s32 $0x1, v6;
	v0 =	vsel vm0, v0, v16;
	vm0 =	vlt.f32 v17, v50  }
0x41b: {  	v53 =	vsub.f32 $1.000000000e+00, v61;
	v61 =	vld [tilespmem:$0x1FFC0];
	v58 =	vadd.s32 $0x7, v0;
	v16 =	vsel vm0, v63, v18  }
0x41c: {  	v9 =	vsub.f32 v9, v12;
	v17 =	vld.idx.msk [tilespmem:v11+s25+$0x0], $0xffff;
	v18 =	vor.u32 $0x7F, v16  }
0x41d: {  	v15 =	vmul.f32 v10, v15;
	v59 =	vmax.u32 v11, $0x1;
	v10 =	vmul.f32 v10, v14  }
0x41e: {  	v9 =	vmul.f32 v52, v9;
	v14 =	vsub.s32 v59, v8;
	v60 =	vmul.f32 v62, v48  }
0x41f: {  	v12 =	vadd.f32 v15, v19;
	v59 =	vadd.s32 $0x2, v6;
	v10 =	vmul.f32 v53, v10;
	v13 =	vld.idx.msk [tilespmem:v13+s23+$0x0], $0xffff  }
0x420: {  	v62 =	vmul.f32 v20, v46;
	v63 =	vadd.s32 $0x800, v11;
	v15 =	vmul.f32 $2.621440000e+05, v60;
	v58 =	vld.idx.msk [tilespmem:v58+s23+$0x0], $0xffff  }
0x421: {  	v19 =	vmul.f32 v61, v46;
	v10 =	vsub.f32 v12, v10;
	v17 =	vmax.f32 v17, $1.000000000e+00;
	v12 =	vld.idx.msk [tilespmem:v18+s23+$0x0], $0xffff  }
0x422: {  	v53 =	vadd.f32 v62, v45;
	v15 =	vtrunc.f32 v15;
	(erf) = vrcp.f32 v17  }
0x423: {  	v62 =	vadd.s32 $0x8, v0;
	v52 =	vor.u32 $0x80, v16;
	v60 =	vld.idx.msk [tilespmem:v14+s23+$0x0], $0xffff;
	v15 =	vcvt.f32.s32 v15  }
0x424: {  	v17 =	vadd.f32 v19, v45;
	v19 =	vmul.f32 v53, v53;
	vm0 =	vlt.f32 v13, v55  }
0x425: {  	v61 =	vld.idx.msk [tilespmem:v63+s25+$0x0], $0xffff;
	v15 =	vcvt.s32.f32 v15;
	v6 =	vsel vm0, v59, v6;
	vm0 =	vlt.f32 v58, v49  }
0x426: {  	v63 =	vld.idx.msk [tilespmem:v11+s12+$0x0], $0xffff;
	v18 =	vsub.f32 v17, v53;
	v0 =	vsel vm0, v62, v0;
	vm0 =	vlt.f32 v12, v50  }
0x427: {  	v15 =	vmax.f32 v15, $0.0e+00;
	v12 =	vsel vm0, v52, v16;
	vm0 =	veq.s32 v11, $0x0  }
0x428: {  	v58 =	vadd.s32 $0x3, v0;
	v16 =	vld [tilespmem:$0x1A0A0];
	v52 =	vmin.f32 v15, $2.621440000e+05;
	v53 =	vsel vm0, $0x0, v60  }
0x429: {  	vm1 =	vlt.f32 v47, v52  }
0x42a: {  	v11 =	vld.idx.msk [tilespmem:v14+s24+$0x0], $0xffff;
	v14 =	vadd.s32 $0x3F, v12;
	v15 =	vsub.f32 v54, v53;
	v59 =	vsel vm1, $0x400, v7  }
0x42b: {  	v10 =	vmul.f32 v10, v18;
	v57 =	vmul.f32 $5.000000000e-01, v63;
	v18 =	vld.idx.msk [tilespmem:v6+s23+$0x0], $0xffff;
	v60 =	vor.u32 $0x1FF, v59;
	v53 =	vpop (erf)  }
0x42c: {  	v1 =	vadd.f32 v9, v1;
	v13 =	vmul.f32 v53, v61;
	v9 =	vmul.f32 v15, v53  }
0x42d: {  	v58 =	vld.idx.msk [tilespmem:v58+s23+$0x0], $0xffff;
	v16 =	vmul.f32 v16, v48  }
0x42e: {  	v61 =	vld [tilespmem:$0x1FFE0];
	v13 =	vmul.f32 v15, v13;
	v15 =	vmul.f32 v15, v57;
	v9 =	vsub.f32 $1.000000000e+00, v9  }
0x42f: {  	v17 =	vmul.f32 v17, v17;
	v11 =	vsel vm0, $0x0, v11;
	v14 =	vld.idx.msk [tilespmem:v14+s23+$0x0], $0xffff  }
0x430: {  	vm0 =	vlt.f32 v18, v55;
	v16 =	vmul.f32 $2.621440000e+05, v16;
	v9 =	vmul.f32 v9, v15;
	v15 =	vld.idx.msk [tilespmem:v60+s23+$0x0], $0xffff  }
0x431: {  	v17 =	vsub.f32 v17, v19;
	v62 =	vadd.s32 $0x4, v0;
	v18 =	vsel vm0, $0x1, v7;
	v60 =	vld [tilespmem:$0x1FFF0]  }
0x432: {  	v63 =	vadd.s32 $0x40, v12;
	v6 =	vadd.s32 v18, v6;
	v16 =	vtrunc.f32 v16  }
0x433: {  	v11 =	vadd.f32 v13, v11;
	vm0 =	vlt.f32 v58, v49;
	v16 =	vcvt.f32.s32 v16  }
0x434: {  	v13 =	vmul.f32 v61, v46;
	vm1 =	vlt.f32 v14, v50;
	v0 =	vsel vm0, v62, v0  }
0x435: {  	v12 =	vsel vm1, v63, v12;
	v53 =	vcvt.s32.f32 v16;
	v18 =	vadd.s32 $0x1, v0  }
0x436: {  	v62 =	vor.u32 $0x200, v59;
	v63 =	vld [tilespmem:$0x1A0B0];
	v61 =	vadd.s32 $0x1F, v12;
	v16 =	vmul.f32 v60, v46  }
0x437: {  	v13 =	vadd.f32 v13, v45;
	v58 =	vld.idx.msk [tilespmem:v6+s25+$0x0], $0xffff;
	vm0 =	vlt.f32 v15, v52;
	v14 =	vmax.f32 v53, $0.0e+00  }
0x438: {  	v15 =	vsel vm0, v62, v59;
	v53 =	vmin.f32 v14, $2.621440000e+05;
	v16 =	vadd.f32 v16, v45  }
0x439: {  	v10 =	vadd.f32 v10, v56;
	v19 =	vor.u32 $0xFF, v15;
	vm0 =	vlt.f32 v47, v53  }
0x43a: {  	v9 =	vsub.f32 v11, v9;
	v59 =	vsel vm0, $0x400, v7;
	v18 =	vld.idx.msk [tilespmem:v18+s23+$0x0], $0xffff;
	v11 =	vsub.f32 v13, v16  }
0x43b: {  	v14 =	vmul.f32 v63, v48;
	v63 =	vadd.s32 $0x800, v6;
	v60 =	vld.idx.msk [tilespmem:v61+s23+$0x0], $0xffff;
	v61 =	vor.u32 $0x1FF, v59  }
0x43c: {  	v62 =	vmax.f32 v58, $1.000000000e+00;
	v9 =	vmul.f32 v9, v11;
	v11 =	vmax.u32 v6, $0x1  }
0x43d: {  	v17 =	vmul.f32 v51, v17;
	(erf) = vrcp.f32 v62;
	v11 =	vsub.s32 v11, v8  }
0x43e: {  	v16 =	vmul.f32 v16, v16;
	v13 =	vmul.f32 v13, v13;
	v19 =	vld.idx.msk [tilespmem:v19+s23+$0x0], $0xffff  }
0x43f: {  	v62 =	vadd.s32 $0x2, v0;
	v9 =	vadd.f32 v9, v10;
	v10 =	vmul.f32 $2.621440000e+05, v14  }
0x440: {  	vm1 =	vlt.f32 v18, v49;
	vm0 =	vlt.f32 v60, v50;
	v60 =	vadd.s32 $0x20, v12;
	v61 =	vld.idx.msk [tilespmem:v61+s23+$0x0], $0xffff  }
0x441: {  	v63 =	vld.idx.msk [tilespmem:v63+s25+$0x0], $0xffff;
	v0 =	vsel vm1, v62, v0;
	v12 =	vsel vm0, v60, v12;
	v10 =	vtrunc.f32 v10  }
0x442: {  	v13 =	vsub.f32 v13, v16;
	v51 =	vadd.s32 $0xF, v12;
	v10 =	vcvt.f32.s32 v10;
	v14 =	vld.idx.msk [tilespmem:v11+s23+$0x0], $0xffff  }
0x443: {  	v1 =	vadd.f32 v17, v1;
	v58 =	vor.u32 $0x100, v15;
	vm0 =	vlt.f32 v19, v52;
	v19 =	vld.idx.msk [tilespmem:v6+s12+$0x0], $0xffff  }
0x444: {  	v13 =	vmul.f32 v54, v13;
	vm1 =	veq.s32 v6, $0x0;
	v11 =	vld.idx.msk [tilespmem:v11+s24+$0x0], $0xffff;
	v10 =	vcvt.s32.f32 v10  }
0x445: {  	v60 =	vor.u32 $0x200, v59;
	v15 =	vsel vm0, v58, v15;
	vm0 =	vlt.f32 v61, v53;
	v61 =	vld [tilespmem:$0x1A0C0]  }
0x446: {  	v1 =	vadd.f32 v13, v1;
	v17 =	vor.u32 $0x7F, v15;
	v62 =	vpop (erf);
	v56 =	vld.idx.msk [tilespmem:v0+s23+$0x0], $0xffff;
	v10 =	vmax.f32 v10, $0.0e+00  }
0x447: {  	v6 =	vsel vm0, v60, v59;
	v63 =	vmul.f32 v62, v63;
	v18 =	vld.idx.msk [tilespmem:v51+s23+$0x0], $0xffff;
	v51 =	vmin.f32 v10, $2.621440000e+05  }
0x448: {  	v57 =	vor.u32 $0xFF, v6;
	v14 =	vsel vm1, $0x0, v14;
	vm0 =	vlt.f32 v47, v51  }
0x449: {  	v60 =	vmul.f32 $5.000000000e-01, v19;
	v10 =	vsub.f32 v55, v14;
	v19 =	vsel vm0, $0x400, v7  }
0x44a: {  	v59 =	vmul.f32 v22, v46;
	v11 =	vsel vm1, $0x0, v11;
	v58 =	vor.u32 $0x1FF, v19  }
0x44b: {  	v17 =	vld.idx.msk [tilespmem:v17+s23+$0x0], $0xffff;
	v61 =	vmul.f32 v61, v48;
	vm1 =	vlt.f32 v56, v49;
	v14 =	vmul.f32 v10, v63  }
0x44c: {  	v54 =	vmul.f32 v10, v62;
	v10 =	vmul.f32 v10, v60;
	v62 =	vadd.s32 $0x10, v12  }
0x44d: {  	v56 =	vsel vm1, $0x1, v7;
	v60 =	vor.u32 $0x80, v15;
	vm0 =	vlt.f32 v18, v50;
	v63 =	vld.idx.msk [tilespmem:v57+s23+$0x0], $0xffff  }
0x44e: {  	v13 =	vmul.f32 $2.621440000e+05, v61;
	v18 =	vmul.f32 v21, v46;
	v0 =	vadd.s32 v56, v0  }
0x44f: {  	v61 =	vor.u32 $0x100, v6;
	v16 =	vsub.f32 $1.000000000e+00, v54;
	v12 =	vsel vm0, v62, v12  }
0x450: {  	v57 =	vadd.s32 $0x7, v12;
	v13 =	vtrunc.f32 v13;
	vm0 =	vlt.f32 v17, v52;
	v58 =	vld.idx.msk [tilespmem:v58+s23+$0x0], $0xffff  }
0x451: {  	v56 =	vmax.u32 v0, $0x1;
	v13 =	vcvt.f32.s32 v13;
	v15 =	vsel vm0, v60, v15  }
0x452: {  	v62 =	vor.u32 $0x200, v19;
	v17 =	vadd.s32 $0x3F, v15;
	vm0 =	vlt.f32 v63, v53  }
0x453: {  	v11 =	vadd.f32 v14, v11;
	v13 =	vcvt.s32.f32 v13;
	v6 =	vsel vm0, v61, v6  }
0x454: {  	v56 =	vsub.s32 v56, v8;
	v18 =	vadd.f32 v18, v45;
	v60 =	vor.u32 $0x7F, v6  }
0x455: {  	v10 =	vmul.f32 v16, v10;
	v57 =	vld.idx.msk [tilespmem:v57+s23+$0x0], $0xffff;
	v13 =	vmax.f32 v13, $0.0e+00;
	vm0 =	vlt.f32 v58, v51  }
0x456: {  	v54 =	vmin.f32 v13, $2.621440000e+05;
	v13 =	vadd.f32 v59, v45;
	v19 =	vsel vm0, v62, v19  }
0x457: {  	v59 =	vmul.f32 v18, v18;
	vm0 =	vlt.f32 v47, v54;
	v17 =	vld.idx.msk [tilespmem:v17+s23+$0x0], $0xffff;
	v58 =	vor.u32 $0xFF, v19  }
0x458: {  	v14 =	vsel vm0, $0x400, v7;
	v16 =	vmul.f32 v13, v13;
	v13 =	vsub.f32 v18, v13;
	v18 =	vld [tilespmem:$0x1A0D0]  }
0x459: {  	v10 =	vsub.f32 v11, v10;
	v61 =	vor.u32 $0x1FF, v14;
	v60 =	vld.idx.msk [tilespmem:v60+s23+$0x0], $0xffff  }
0x45a: {  	v63 =	vadd.s32 $0x8, v12;
	vm0 =	vlt.f32 v57, v50;
	v16 =	vsub.f32 v59, v16  }
0x45b: {  	vm15 =	veq.s32 v0, $0x0;
	v11 =	vld.idx.msk [tilespmem:v56+s23+$0x0], $0xffff;
	v10 =	vmul.f32 v10, v13;
	v12 =	vsel vm0, v63, v12  }
0x45c: {  	v57 =	vadd.s32 $0x40, v15;
	v59 =	vadd.s32 $0x3, v12;
	v13 =	vmul.f32 v55, v16;
	v62 =	vld.idx.msk [tilespmem:v58+s23+$0x0], $0xffff  }
0x45d: {  	vm0 =	vlt.f32 v17, v52;
	v58 =	vadd.f32 v10, v9;
	v10 =	vmul.f32 v18, v48  }
0x45e: {  	v15 =	vsel vm0, v57, v15;
	v63 =	vld.idx.msk [tilespmem:v61+s23+$0x0], $0xffff;
	vm0 =	vlt.f32 v60, v53;
	v60 =	vor.u32 $0x80, v6  }
0x45f: {  	v57 =	vadd.f32 v13, v1;
	v61 =	vld [tilespmem:$0x1A0E0];
	v16 =	vadd.s32 $0x1F, v15;
	v1 =	vsel vm0, v60, v6  }
0x460: {  	v11 =	vsel vm15, $0x0, v11;
	v10 =	vmul.f32 $2.621440000e+05, v10;
	v6 =	vld.idx.msk [tilespmem:v0+s25+$0x0], $0xffff;
	v9 =	vadd.s32 $0x3F, v1  }
0x461: {  	v11 =	vsub.f32 v49, v11;
	v60 =	vor.u32 $0x100, v19;
	v13 =	vld.idx.msk [tilespmem:v59+s23+$0x0], $0xffff;
	vm0 =	vlt.f32 v62, v51  }
0x462: {  	v18 =	vadd.s32 $0x800, v0;
	v10 =	vtrunc.f32 v10;
	v17 =	vsel vm0, v60, v19  }
0x463: {  	v0 =	vld.idx.msk [tilespmem:v0+s12+$0x0], $0xffff;
	vm0 =	vlt.f32 v63, v54;
	v63 =	vor.u32 $0x200, v14;
	v62 =	vor.u32 $0x7F, v17  }
0x464: {  	v10 =	vcvt.f32.s32 v10;
	v60 =	vmul.f32 v61, v48;
	v16 =	vld.idx.msk [tilespmem:v16+s23+$0x0], $0xffff;
	v14 =	vsel vm0, v63, v14  }
0x465: {  	v61 =	vadd.s32 $0x20, v15;
	v6 =	vmax.f32 v6, $1.000000000e+00;
	v55 =	vor.u32 $0xFF, v14;
	v9 =	vld.idx.msk [tilespmem:v9+s23+$0x0], $0xffff  }
0x466: {  	(erf) = vrcp.f32 v6;
	vm0 =	vlt.f32 v13, v50;
	v6 =	vadd.s32 $0x4, v12  }
0x467: {  	v59 =	vld.idx.msk [tilespmem:v56+s24+$0x0], $0xffff;
	v10 =	vcvt.s32.f32 v10;
	v6 =	vsel vm0, v6, v12;
	v12 =	vmul.f32 $2.621440000e+05, v60  }
0x468: {  	v63 =	vadd.s32 $0x40, v1;
	v56 =	vor.u32 $0x80, v17;
	v0 =	vmul.f32 $5.000000000e-01, v0;
	v62 =	vld.idx.msk [tilespmem:v62+s23+$0x0], $0xffff  }
0x469: {  	v10 =	vmax.f32 v10, $0.0e+00;
	vm0 =	vlt.f32 v16, v52;
	v12 =	vtrunc.f32 v12  }
0x46a: {  	v15 =	vsel vm0, v61, v15;
	vm0 =	vlt.f32 v9, v53;
	v9 =	vld.idx.msk [tilespmem:v55+s23+$0x0], $0xffff;
	v55 =	vmin.f32 v10, $2.621440000e+05  }
0x46b: {  	v12 =	vcvt.f32.s32 v12;
	v16 =	vadd.s32 $0xF, v15;
	v10 =	vld.idx.msk [tilespmem:v18+s25+$0x0], $0xffff;
	vm1 =	vlt.f32 v47, v55  }
0x46c: {  	v13 =	vadd.s32 $0x1, v6;
	v1 =	vsel vm0, v63, v1;
	v18 =	vsel vm1, $0x400, v7  }
0x46d: {  	v12 =	vcvt.s32.f32 v12;
	vm0 =	vlt.f32 v62, v51;
	v60 =	vor.u32 $0x1FF, v18  }
0x46e: {  	v19 =	vld [tilespmem:$0x1A0F0];
	v61 =	vadd.s32 $0x1F, v1;
	v17 =	vsel vm0, v56, v17  }
0x46f: {  	v0 =	vmul.f32 v11, v0;
	v12 =	vmax.f32 v12, $0.0e+00;
	v62 =	vpop (erf);
	v63 =	vadd.s32 $0x3F, v17  }
0x470: {  	v16 =	vld.idx.msk [tilespmem:v16+s23+$0x0], $0xffff;
	vm0 =	vlt.f32 v9, v54;
	v9 =	vor.u32 $0x100, v14;
	v10 =	vmul.f32 v62, v10  }
0x471: {  	v13 =	vld.idx.msk [tilespmem:v13+s23+$0x0], $0xffff;
	v56 =	vmin.f32 v12, $2.621440000e+05;
	v12 =	vsel vm15, $0x0, v59;
	v9 =	vsel vm0, v9, v14  }
0x472: {  	v14 =	vor.u32 $0x7F, v9;
	v10 =	vmul.f32 v11, v10;
	v11 =	vmul.f32 v11, v62;
	v59 =	vld.idx.msk [tilespmem:v60+s23+$0x0], $0xffff  }
0x473: {  	v20 =	vlaneseq.u32;
	v19 =	vmul.f32 v19, v48;
	vm0 =	vlt.f32 v47, v56;
	v60 =	vld.idx.msk [tilespmem:v61+s23+$0x0], $0xffff  }
0x474: {  	v62 =	vor.u32 $0x200, v18;
	v61 =	vsel vm0, $0x400, v7;
	v11 =	vsub.f32 $1.000000000e+00, v11  }
0x475: {  	vm0 =	vlt.f32 v16, v52;
	v16 =	vadd.s32 $0x10, v15;
	v48 =	vld.idx.msk [tilespmem:v63+s23+$0x0], $0xffff;
	v63 =	vor.u32 $0x1FF, v61  }
0x476: {  	v10 =	vadd.f32 v10, v12;
	v15 =	vsel vm0, v16, v15;
	v16 =	vmul.f32 $2.621440000e+05, v19  }
0x477: {  	vm0 =	vlt.f32 v13, v50;
	v13 =	vadd.s32 $0x2, v6;
	v19 =	vadd.s32 $0x7, v15;
	v14 =	vld.idx.msk [tilespmem:v14+s23+$0x0], $0xffff  }
0x478: {  	vm1 =	vlt.f32 v59, v55;
	v16 =	vtrunc.f32 v16;
	vm15 =	vlt.f32 v60, v53  }
0x479: {  	v18 =	vsel vm1, v62, v18;
	v16 =	vcvt.f32.s32 v16;
	v62 =	vadd.s32 $0x20, v1  }
0x47a: {  	vm1 =	vlt.f32 v48, v51;
	v48 =	vadd.s32 $0x40, v17;
	v59 =	vor.u32 $0xFF, v18;
	v60 =	vld.idx.msk [tilespmem:v63+s23+$0x0], $0xffff  }
0x47b: {  	v1 =	vsel vm15, v62, v1;
	v17 =	vsel vm1, v48, v17;
	v16 =	vcvt.s32.f32 v16  }
0x47c: {  	v48 =	vor.u32 $0x80, v9;
	v63 =	vadd.s32 $0x1F, v17;
	vm1 =	vlt.f32 v14, v54  }
0x47d: {  	vm15 =	veq.s32 v20, $0xF;
	v19 =	vld.idx.msk [tilespmem:v19+s23+$0x0], $0xffff;
	v9 =	vsel vm1, v48, v9;
	v48 =	vmax.f32 v16, $0.0e+00  }
0x47e: {  	v16 =	vadd.s32 $0xF, v1;
	v62 =	vadd.s32 $0x3F, v9;
	v14 =	vmin.f32 v48, $2.621440000e+05  }
0x47f: {  	v59 =	vld.idx.msk [tilespmem:v59+s23+$0x0], $0xffff;
	vm1 =	vlt.f32 v60, v56;
	v60 =	vor.u32 $0x200, v61;
	v48 =	vsel vm15, $0x48800000, v14  }
0x480: {  	v6 =	vsel vm0, v13, v6;
	v13 =	vsel vm1, v60, v61;
	vm0 =	vlt.f32 v47, v48  }
0x481: {  	v0 =	vmul.f32 v11, v0;
	v14 =	vld.idx.msk [tilespmem:v63+s23+$0x0], $0xffff;
	v47 =	vor.u32 $0xFF, v13;
	v60 =	vsel vm0, $0x400, v7  }
0x482: {  	vm0 =	vlt.f32 v19, v52;
	v19 =	vadd.s32 $0x8, v15;
	v61 =	vor.u32 $0x1FF, v60  }
0x483: {  	v0 =	vsub.f32 v10, v0;
	v10 =	vmul.f32 v23, v46;
	v11 =	vsel vm0, v19, v15;
	v12 =	vld.idx.msk [tilespmem:v16+s23+$0x0], $0xffff  }
0x484: {  	v15 =	vadd.s32 $0x3, v11;
	v16 =	vld.idx.msk [tilespmem:v62+s23+$0x0], $0xffff;
	v62 =	vor.u32 $0x100, v18;
	vm0 =	vlt.f32 v59, v55  }
0x485: {  	v10 =	vadd.f32 v10, v45;
	v59 =	vld.idx.msk [tilespmem:v6+s23+$0x0], $0xffff;
	v18 =	vsel vm0, v62, v18  }
0x486: {  	vm0 =	vlt.f32 v14, v51;
	v14 =	vadd.s32 $0x20, v17;
	v19 =	vor.u32 $0x7F, v18;
	v47 =	vld.idx.msk [tilespmem:v47+s23+$0x0], $0xffff  }
0x487: {  	v63 =	vadd.s32 $0x40, v9;
	v62 =	vmul.f32 v24, v46;
	v14 =	vsel vm0, v14, v17;
	v17 =	vld.idx.msk [tilespmem:v61+s23+$0x0], $0xffff  }
0x488: {  	vm0 =	vlt.f32 v12, v53;
	v12 =	vadd.s32 $0x10, v1;
	v61 =	vadd.s32 $0xF, v14  }
0x489: {  	v62 =	vadd.f32 v62, v45;
	v15 =	vld.idx.msk [tilespmem:v15+s23+$0x0], $0xffff;
	v1 =	vsel vm0, v12, v1;
	vm0 =	vlt.f32 v16, v54  }
0x48a: {  	vm1 =	vlt.f32 v59, v50;
	v16 =	vadd.s32 $0x7, v1;
	v9 =	vsel vm0, v63, v9  }
0x48b: {  	v63 =	vor.u32 $0x100, v13;
	v12 =	vadd.s32 $0x1F, v9;
	v19 =	vld.idx.msk [tilespmem:v19+s23+$0x0], $0xffff;
	vm0 =	vlt.f32 v47, v56  }
0x48c: {  	v13 =	vsel vm0, v63, v13;
	vm0 =	vlt.f32 v17, v48;
	v17 =	vor.u32 $0x200, v60  }
0x48d: {  	v47 =	vsel vm1, $0x1, v7;
	v59 =	vld.idx.msk [tilespmem:v61+s23+$0x0], $0xffff;
	v61 =	vor.u32 $0x7F, v13;
	v17 =	vsel vm0, v17, v60  }
0x48e: {  	vm0 =	vlt.f32 v15, v52;
	v15 =	vadd.s32 $0x4, v11;
	v60 =	vor.u32 $0xFF, v17  }
0x48f: {  	v6 =	vadd.s32 v47, v6;
	v47 =	vsub.f32 v10, v62;
	v11 =	vsel vm0, v15, v11;
	v15 =	vld.idx.msk [tilespmem:v16+s23+$0x0], $0xffff  }
0x490: {  	v16 =	vadd.s32 $0x1, v11;
	v12 =	vld.idx.msk [tilespmem:v12+s23+$0x0], $0xffff;
	vm0 =	vlt.f32 v19, v55;
	v19 =	vor.u32 $0x80, v18  }
0x491: {  	v10 =	vmul.f32 v10, v10;
	v63 =	vmax.u32 v6, $0x1;
	v18 =	vsel vm0, v19, v18  }
0x492: {  	v19 =	vadd.s32 $0x10, v14;
	vm0 =	vlt.f32 v59, v51;
	v59 =	vadd.s32 $0x3F, v18;
	v61 =	vld.idx.msk [tilespmem:v61+s23+$0x0], $0xffff  }
0x493: {  	v0 =	vmul.f32 v0, v47;
	v63 =	vsub.s32 v63, v8;
	v14 =	vsel vm0, v19, v14;
	v19 =	vld.idx.msk [tilespmem:v60+s23+$0x0], $0xffff  }
0x494: {  	v47 =	vadd.s32 $0x8, v1;
	v60 =	vld.idx.msk [tilespmem:v6+s25+$0x0], $0xffff;
	vm0 =	vlt.f32 v15, v53;
	v20 =	vadd.s32 $0x7, v14  }
0x495: {  	v16 =	vld.idx.msk [tilespmem:v16+s23+$0x0], $0xffff;
	v1 =	vsel vm0, v47, v1;
	vm0 =	vlt.f32 v12, v54;
	v12 =	vadd.s32 $0x20, v9  }
0x496: {  	v47 =	vadd.f32 v0, v58;
	v0 =	vadd.s32 $0x3, v1;
	v9 =	vsel vm0, v12, v9  }
0x497: {  	v12 =	vadd.s32 $0xF, v9;
	v15 =	vld.idx.msk [tilespmem:v59+s23+$0x0], $0xffff;
	vm0 =	vlt.f32 v61, v56;
	v61 =	vor.u32 $0x80, v13  }
0x498: {  	v13 =	vsel vm0, v61, v13;
	vm0 =	vlt.f32 v19, v48;
	v61 =	vor.u32 $0x100, v17  }
0x499: {  	v58 =	vmax.f32 v60, $1.000000000e+00;
	v20 =	vld.idx.msk [tilespmem:v20+s23+$0x0], $0xffff;
	v59 =	vadd.s32 $0x3F, v13;
	v17 =	vsel vm0, v61, v17  }
0x49a: {  	v19 =	vld.idx.msk [tilespmem:v63+s23+$0x0], $0xffff;
	vm0 =	vlt.f32 v16, v52;
	v16 =	vadd.s32 $0x2, v11;
	(erf) = vrcp.f32 v58  }
0x49b: {  	v58 =	vmul.f32 v62, v62;
	v61 =	vadd.s32 $0x40, v18;
	v60 =	vor.u32 $0x7F, v17;
	v0 =	vld.idx.msk [tilespmem:v0+s23+$0x0], $0xffff  }
0x49c: {  	v62 =	vadd.s32 $0x8, v14;
	v11 =	vsel vm0, v16, v11;
	v12 =	vld.idx.msk [tilespmem:v12+s23+$0x0], $0xffff;
	vm1 =	vlt.f32 v15, v55  }
0x49d: {  	v16 =	vadd.s32 $0x800, v6;
	vm0 =	veq.s32 v6, $0x0;
	v15 =	vsel vm1, v61, v18  }
0x49e: {  	v10 =	vsub.f32 v10, v58;
	vm1 =	vlt.f32 v20, v51;
	v20 =	vadd.s32 $0x1F, v15;
	v59 =	vld.idx.msk [tilespmem:v59+s23+$0x0], $0xffff  }
0x49f: {  	v6 =	vld.idx.msk [tilespmem:v6+s12+$0x0], $0xffff;
	v19 =	vsel vm0, $0x0, v19;
	v61 =	vadd.s32 $0x40, v13;
	v14 =	vsel vm1, v62, v14  }
0x4a0: {  	v18 =	vld.idx.msk [tilespmem:v60+s23+$0x0], $0xffff;
	vm1 =	vlt.f32 v0, v53;
	v0 =	vadd.s32 $0x4, v1;
	v58 =	vadd.s32 $0x3, v14  }
0x4a1: {  	v60 =	vld.idx.msk [tilespmem:v11+s23+$0x0], $0xffff;
	v0 =	vsel vm1, v0, v1;
	vm1 =	vlt.f32 v12, v54;
	v1 =	vadd.s32 $0x10, v9  }
0x4a2: {  	v16 =	vld.idx.msk [tilespmem:v16+s25+$0x0], $0xffff;
	v12 =	vsub.f32 v50, v19;
	v19 =	vadd.s32 $0x1, v0;
	v1 =	vsel vm1, v1, v9  }
0x4a3: {  	v10 =	vmul.f32 v49, v10;
	v9 =	vadd.s32 $0x7, v1;
	v20 =	vld.idx.msk [tilespmem:v20+s23+$0x0], $0xffff;
	vm1 =	vlt.f32 v59, v56  }
0x4a4: {  	v62 =	vor.u32 $0x80, v17;
	v6 =	vmul.f32 $5.000000000e-01, v6;
	v13 =	vsel vm1, v61, v13  }
0x4a5: {  	v10 =	vadd.f32 v10, v57;
	vm1 =	vlt.f32 v18, v48;
	v58 =	vld.idx.msk [tilespmem:v58+s23+$0x0], $0xffff;
	v18 =	vadd.s32 $0x1F, v13  }
0x4a6: {  	v6 =	vmul.f32 v12, v6;
	v59 =	vpop (erf);
	v17 =	vsel vm1, v62, v17;
	vm1 =	vlt.f32 v60, v52  }
0x4a7: {  	v16 =	vmul.f32 v59, v16;
	v49 =	vadd.s32 $0x3F, v17;
	v60 =	vsel vm1, $0x1, v7;
	v19 =	vld.idx.msk [tilespmem:v19+s23+$0x0], $0xffff  }
0x4a8: {  	v11 =	vadd.s32 v60, v11;
	v9 =	vld.idx.msk [tilespmem:v9+s23+$0x0], $0xffff;
	vm1 =	vlt.f32 v20, v55;
	v20 =	vadd.s32 $0x20, v15  }
0x4a9: {  	v16 =	vmul.f32 v12, v16;
	v12 =	vmul.f32 v12, v59;
	v60 =	vld.idx.msk [tilespmem:v63+s24+$0x0], $0xffff;
	v15 =	vsel vm1, v20, v15  }
0x4aa: {  	v20 =	vadd.s32 $0x4, v14;
	vm1 =	vlt.f32 v58, v51;
	v58 =	vadd.s32 $0xF, v15;
	v18 =	vld.idx.msk [tilespmem:v18+s23+$0x0], $0xffff  }
0x4ab: {  	v62 =	vadd.s32 $0x20, v13;
	v63 =	vadd.s32 $0x40, v17;
	v14 =	vsel vm1, v20, v14  }
0x4ac: {  	v61 =	vmax.u32 v11, $0x1;
	v12 =	vsub.f32 $1.000000000e+00, v12;
	v20 =	vld.idx.msk [tilespmem:v49+s23+$0x0], $0xffff;
	v49 =	vadd.s32 $0x1, v14  }
0x4ad: {  	v59 =	vsub.s32 v61, v8;
	v61 =	vadd.s32 $0x2, v0;
	vm1 =	vlt.f32 v19, v53;
	v19 =	vld.idx.msk [tilespmem:v11+s25+$0x0], $0xffff  }
0x4ae: {  	v0 =	vsel vm1, v61, v0;
	vm1 =	vlt.f32 v9, v54;
	v9 =	vadd.s32 $0x8, v1  }
0x4af: {  	v60 =	vsel vm0, $0x0, v60;
	v1 =	vsel vm1, v9, v1;
	v58 =	vld.idx.msk [tilespmem:v58+s23+$0x0], $0xffff;
	vm0 =	vlt.f32 v18, v56  }
0x4b0: {  	v57 =	vadd.s32 $0x800, v11;
	v9 =	vadd.s32 $0x3, v1;
	v13 =	vsel vm0, v62, v13  }
0x4b1: {  	v6 =	vmul.f32 v12, v6;
	vm0 =	vlt.f32 v20, v48;
	v20 =	vld.idx.msk [tilespmem:v49+s23+$0x0], $0xffff;
	v49 =	vadd.s32 $0xF, v13  }
0x4b2: {  	v16 =	vadd.f32 v16, v60;
	v17 =	vsel vm0, v63, v17;
	v61 =	vmax.f32 v19, $1.000000000e+00  }
0x4b3: {  	v18 =	vld.idx.msk [tilespmem:v0+s23+$0x0], $0xffff;
	v19 =	vadd.s32 $0x1F, v17;
	(erf) = vrcp.f32 v61  }
0x4b4: {  	v12 =	vld.idx.msk [tilespmem:v59+s23+$0x0], $0xffff;
	v6 =	vsub.f32 v16, v6;
	v16 =	vadd.s32 $0x10, v15;
	vm0 =	vlt.f32 v58, v55  }
0x4b5: {  	v60 =	vmul.f32 v26, v46;
	v9 =	vld.idx.msk [tilespmem:v9+s23+$0x0], $0xffff;
	v15 =	vsel vm0, v16, v15  }
0x4b6: {  	vm0 =	vlt.f32 v20, v51;
	v20 =	vadd.s32 $0x7, v15;
	v49 =	vld.idx.msk [tilespmem:v49+s23+$0x0], $0xffff  }
0x4b7: {  	v57 =	vld.idx.msk [tilespmem:v57+s25+$0x0], $0xffff;
	v60 =	vadd.f32 v60, v45;
	v58 =	vmul.f32 v25, v46;
	v16 =	vadd.s32 $0x2, v14  }
0x4b8: {  	vm1 =	vlt.f32 v18, v53;
	v14 =	vsel vm0, v16, v14;
	vm0 =	veq.s32 v11, $0x0;
	v62 =	vld.idx.msk [tilespmem:v19+s23+$0x0], $0xffff  }
0x4b9: {  	v18 =	vmul.f32 v60, v60;
	v11 =	vld.idx.msk [tilespmem:v11+s12+$0x0], $0xffff;
	v63 =	vsel vm1, $0x1, v7;
	v12 =	vsel vm0, $0x0, v12  }
0x4ba: {  	v0 =	vadd.s32 v63, v0;
	vm1 =	vlt.f32 v9, v54;
	v9 =	vadd.s32 $0x4, v1  }
0x4bb: {  	v1 =	vsel vm1, v9, v1;
	v9 =	vld.idx.msk [tilespmem:v20+s23+$0x0], $0xffff;
	vm1 =	vlt.f32 v49, v56;
	v20 =	vadd.s32 $0x10, v13  }
0x4bc: {  	v19 =	vadd.f32 v58, v45;
	v12 =	vsub.f32 v52, v12;
	v61 =	vpop (erf);
	v13 =	vsel vm1, v20, v13  }
0x4bd: {  	vm1 =	vlt.f32 v62, v48;
	v62 =	vadd.s32 $0x20, v17;
	v57 =	vmul.f32 v61, v57  }
0x4be: {  	v20 =	vld.idx.msk [tilespmem:v59+s24+$0x0], $0xffff;
	v11 =	vmul.f32 $5.000000000e-01, v11;
	v58 =	vadd.s32 $0x7, v13;
	v16 =	vsel vm1, v62, v17  }
0x4bf: {  	v49 =	vmul.f32 v12, v61;
	v17 =	vmul.f32 v19, v19;
	v59 =	vadd.s32 $0xF, v16  }
0x4c0: {  	v19 =	vsub.f32 v19, v60;
	v60 =	vld.idx.msk [tilespmem:v0+s25+$0x0], $0xffff;
	v62 =	vmax.u32 v0, $0x1;
	v57 =	vmul.f32 v12, v57  }
0x4c1: {  	v11 =	vmul.f32 v12, v11;
	vm1 =	vlt.f32 v9, v55;
	v9 =	vadd.s32 $0x8, v15  }
0x4c2: {  	v63 =	vsub.f32 $1.000000000e+00, v49;
	v9 =	vsel vm1, v9, v15;
	v15 =	vadd.s32 $0x1, v1  }
0x4c3: {  	v12 =	vsub.s32 v62, v8;
	v17 =	vsub.f32 v17, v18;
	v61 =	vsel vm0, $0x0, v20;
	v49 =	vld.idx.msk [tilespmem:v58+s23+$0x0], $0xffff  }
0x4c4: {  	v6 =	vmul.f32 v6, v19;
	v20 =	vadd.s32 $0x3, v9;
	v18 =	vadd.f32 v57, v61;
	v57 =	vld.idx.msk [tilespmem:v59+s23+$0x0], $0xffff  }
0x4c5: {  	v11 =	vmul.f32 v63, v11;
	v63 =	vmul.f32 v28, v46;
	v59 =	vmax.f32 v60, $1.000000000e+00;
	v60 =	vld.idx.msk [tilespmem:v14+s23+$0x0], $0xffff  }
0x4c6: {  	v19 =	vadd.s32 $0x800, v0;
	v17 =	vmul.f32 v50, v17;
	(erf) = vrcp.f32 v59  }
0x4c7: {  	v6 =	vadd.f32 v6, v47;
	v58 =	vmul.f32 v27, v46;
	v62 =	vadd.f32 v63, v45;
	v15 =	vld.idx.msk [tilespmem:v15+s23+$0x0], $0xffff  }
0x4c8: {  	v50 =	vld.idx.msk [tilespmem:v0+s12+$0x0], $0xffff;
	v61 =	vadd.s32 $0x10, v16;
	v10 =	vadd.f32 v17, v10;
	v11 =	vsub.f32 v18, v11  }
0x4c9: {  	v18 =	vadd.f32 v58, v45;
	v59 =	vadd.s32 $0x8, v13;
	v20 =	vld.idx.msk [tilespmem:v20+s23+$0x0], $0xffff;
	vm0 =	vlt.f32 v49, v56  }
0x4ca: {  	v13 =	vsel vm0, v59, v13;
	vm0 =	vlt.f32 v57, v48;
	v57 =	vld.idx.msk [tilespmem:v12+s23+$0x0], $0xffff;
	vm1 =	vlt.f32 v60, v51  }
0x4cb: {  	v19 =	vld.idx.msk [tilespmem:v19+s25+$0x0], $0xffff;
	v60 =	vadd.s32 $0x2, v1;
	v58 =	vadd.s32 $0x3, v13;
	v16 =	vsel vm0, v61, v16  }
0x4cc: {  	v12 =	vld.idx.msk [tilespmem:v12+s24+$0x0], $0xffff;
	v63 =	vsel vm1, $0x1, v7;
	v61 =	vadd.s32 $0x4, v9;
	vm0 =	vlt.f32 v15, v54  }
0x4cd: {  	v59 =	vadd.s32 $0x7, v16;
	v14 =	vadd.s32 v63, v14;
	v1 =	vsel vm0, v60, v1  }
0x4ce: {  	vm1 =	vlt.f32 v20, v55;
	v20 =	vmul.f32 v62, v62;
	vm0 =	veq.s32 v0, $0x0  }
0x4cf: {  	v0 =	vsel vm1, v61, v9;
	v9 =	vsub.f32 v18, v62;
	v62 =	vsel vm0, $0x0, v57;
	v63 =	vpop (erf)  }
0x4d0: {  	v18 =	vmul.f32 v18, v18;
	v15 =	vsub.f32 v53, v62;
	v19 =	vmul.f32 v63, v19  }
0x4d1: {  	v61 =	vmul.f32 $5.000000000e-01, v50;
	v12 =	vsel vm0, $0x0, v12;
	v60 =	vadd.s32 $0x1, v0;
	v58 =	vld.idx.msk [tilespmem:v58+s23+$0x0], $0xffff  }
0x4d2: {  	v59 =	vld.idx.msk [tilespmem:v59+s23+$0x0], $0xffff;
	v9 =	vmul.f32 v11, v9;
	v11 =	vsub.f32 v18, v20;
	v18 =	vmul.f32 v15, v19  }
0x4d3: {  	v20 =	vmax.u32 v14, $0x1;
	v17 =	vmul.f32 v15, v61;
	v15 =	vmul.f32 v15, v63  }
0x4d4: {  	v62 =	vadd.s32 $0x4, v13;
	v19 =	vld.idx.msk [tilespmem:v14+s25+$0x0], $0xffff;
	v20 =	vsub.s32 v20, v8;
	v61 =	vmul.f32 v30, v46  }
0x4d5: {  	v63 =	vadd.s32 $0x8, v16;
	v47 =	vld.idx.msk [tilespmem:v1+s23+$0x0], $0xffff;
	v11 =	vmul.f32 v52, v11;
	v15 =	vsub.f32 $1.000000000e+00, v15  }
0x4d6: {  	v50 =	vadd.f32 v61, v45;
	v12 =	vadd.f32 v18, v12;
	vm1 =	vlt.f32 v58, v56  }
0x4d7: {  	v49 =	vld.idx.msk [tilespmem:v60+s23+$0x0], $0xffff;
	v60 =	vmul.f32 v29, v46;
	v13 =	vsel vm1, v62, v13;
	vm1 =	vlt.f32 v59, v48  }
0x4d8: {  	v10 =	vadd.f32 v11, v10;
	v58 =	vadd.s32 $0x1, v13;
	v16 =	vsel vm1, v63, v16  }
0x4d9: {  	v15 =	vmul.f32 v15, v17;
	v19 =	vmax.f32 v19, $1.000000000e+00;
	v62 =	vadd.s32 $0x3, v16  }
0x4da: {  	v60 =	vadd.f32 v60, v45;
	(erf) = vrcp.f32 v19;
	vm1 =	vlt.f32 v47, v54  }
0x4db: {  	v19 =	vadd.s32 $0x800, v14;
	v11 =	vsub.f32 v12, v15;
	v12 =	vld.idx.msk [tilespmem:v14+s12+$0x0], $0xffff;
	v47 =	vsel vm1, $0x1, v7  }
0x4dc: {  	vm0 =	veq.s32 v14, $0x0;
	v6 =	vadd.f32 v9, v6;
	v1 =	vadd.s32 v47, v1;
	v47 =	vld.idx.msk [tilespmem:v20+s23+$0x0], $0xffff  }
0x4dd: {  	v63 =	vadd.s32 $0x2, v0;
	v14 =	vsub.f32 v60, v50;
	vm1 =	vlt.f32 v49, v55;
	v61 =	vld.idx.msk [tilespmem:v58+s23+$0x0], $0xffff  }
0x4de: {  	v9 =	vmul.f32 v50, v50;
	v0 =	vsel vm1, v63, v0;
	v63 =	vmul.f32 v60, v60;
	v62 =	vld.idx.msk [tilespmem:v62+s23+$0x0], $0xffff  }
0x4df: {  	v43 =	vadd.f32 v43, v44;
	v11 =	vmul.f32 v11, v14  }
0x4e0: {  	v60 =	vadd.s32 $0x2, v13;
	v58 =	vmax.u32 v1, $0x1;
	v19 =	vld.idx.msk [tilespmem:v19+s25+$0x0], $0xffff;
	v9 =	vsub.f32 v63, v9  }
0x4e1: {  	v20 =	vld.idx.msk [tilespmem:v20+s24+$0x0], $0xffff;
	v12 =	vmul.f32 $5.000000000e-01, v12;
	v6 =	vadd.f32 v11, v6;
	v11 =	vmul.f32 v31, v46  }
0x4e2: {  	v52 =	vsel vm0, $0x0, v47;
	v18 =	vld.idx.msk [tilespmem:v1+s25+$0x0], $0xffff;
	v47 =	vsub.s32 v58, v8;
	vm1 =	vlt.f32 v61, v56  }
0x4e3: {  	v59 =	vld.idx.msk [tilespmem:v0+s23+$0x0], $0xffff;
	v61 =	vadd.s32 $0x4, v16;
	v13 =	vsel vm1, v60, v13;
	vm1 =	vlt.f32 v62, v48  }
0x4e4: {  	v58 =	vadd.s32 $0x800, v1;
	v15 =	vsub.f32 v51, v52;
	v62 =	vpop (erf);
	v16 =	vsel vm1, v61, v16  }
0x4e5: {  	v9 =	vmul.f32 v53, v9;
	v63 =	vmul.f32 v62, v19;
	v57 =	vadd.s32 $0x1, v16  }
0x4e6: {  	v53 =	vld.idx.msk [tilespmem:v1+s12+$0x0], $0xffff;
	v11 =	vadd.f32 v11, v45;
	v12 =	vmul.f32 v15, v12;
	v50 =	vmul.f32 v15, v62  }
0x4e7: {  	v62 =	vsel vm0, $0x0, v20;
	vm0 =	veq.s32 v1, $0x0;
	v17 =	vmul.f32 v15, v63;
	v63 =	vld.idx.msk [tilespmem:v47+s23+$0x0], $0xffff  }
0x4e8: {  	v18 =	vmax.f32 v18, $1.000000000e+00;
	vm1 =	vlt.f32 v59, v55;
	v59 =	vsub.f32 $1.000000000e+00, v50;
	v61 =	vld.idx.msk [tilespmem:v13+s23+$0x0], $0xffff  }
0x4e9: {  	v1 =	vmul.f32 v32, v46;
	(erf) = vrcp.f32 v18;
	v60 =	vsel vm1, $0x1, v7  }
0x4ea: {  	v0 =	vadd.s32 v60, v0;
	v14 =	vadd.f32 v17, v62;
	v12 =	vmul.f32 v59, v12;
	v50 =	vld.idx.msk [tilespmem:v57+s23+$0x0], $0xffff  }
0x4eb: {  	v9 =	vadd.f32 v9, v10;
	v1 =	vadd.f32 v1, v45;
	v60 =	vadd.s32 $0x2, v16  }
0x4ec: {  	v20 =	vmax.u32 v0, $0x1;
	v10 =	vsub.f32 v14, v12;
	v12 =	vmul.f32 $5.000000000e-01, v53  }
0x4ed: {  	v52 =	vld.idx.msk [tilespmem:v58+s25+$0x0], $0xffff;
	v20 =	vsub.s32 v20, v8;
	v57 =	vsel vm0, $0x0, v63;
	vm1 =	vlt.f32 v61, v56  }
0x4ee: {  	v63 =	vmul.f32 v1, v1;
	v1 =	vsub.f32 v11, v1;
	v61 =	vld.idx.msk [tilespmem:v47+s24+$0x0], $0xffff;
	v59 =	vsel vm1, $0x1, v7  }
0x4ef: {  	v11 =	vmul.f32 v11, v11;
	v58 =	vld.idx.msk [tilespmem:v0+s25+$0x0], $0xffff;
	v13 =	vadd.s32 v59, v13;
	vm1 =	vlt.f32 v50, v48  }
0x4f0: {  	v14 =	vsub.f32 v54, v57;
	v57 =	vmul.f32 v33, v46;
	v15 =	vsel vm1, v60, v16  }
0x4f1: {  	v1 =	vmul.f32 v10, v1;
	v10 =	vsub.f32 v11, v63;
	v11 =	vmul.f32 v34, v46  }
0x4f2: {  	v12 =	vmul.f32 v14, v12;
	v62 =	vpop (erf);
	v50 =	vadd.s32 $0x800, v0;
	v59 =	vadd.f32 v57, v45  }
0x4f3: {  	v17 =	vmul.f32 v62, v52;
	v19 =	vmul.f32 v14, v62;
	v16 =	vsel vm0, $0x0, v61;
	v61 =	vld.idx.msk [tilespmem:v0+s12+$0x0], $0xffff  }
0x4f4: {  	v11 =	vadd.f32 v11, v45;
	v1 =	vadd.f32 v1, v6;
	v47 =	vmax.f32 v58, $1.000000000e+00;
	v52 =	vld.idx.msk [tilespmem:v13+s25+$0x0], $0xffff  }
0x4f5: {  	v17 =	vmul.f32 v14, v17;
	v49 =	vsub.f32 $1.000000000e+00, v19;
	(erf) = vrcp.f32 v47;
	v53 =	vld.idx.msk [tilespmem:v15+s23+$0x0], $0xffff  }
0x4f6: {  	v6 =	vmul.f32 v51, v10;
	v60 =	vmax.u32 v13, $0x1;
	v62 =	vadd.s32 $0x800, v13  }
0x4f7: {  	v16 =	vadd.f32 v17, v16;
	v12 =	vmul.f32 v49, v12;
	v17 =	vsub.s32 v60, v8  }
0x4f8: {  	v57 =	vmul.f32 v36, v46;
	vm1 =	vcmask $0x300;
	v6 =	vadd.f32 v6, v9;
	v58 =	vld.idx.msk [tilespmem:v20+s23+$0x0], $0xffff  }
0x4f9: {  	v20 =	vld.idx.msk [tilespmem:v20+s24+$0x0], $0xffff;
	v49 =	vmul.f32 v59, v59;
	v12 =	vsub.f32 v16, v12;
	v14 =	vmax.f32 v52, $1.000000000e+00  }
0x4fa: {  	v19 =	vld.idx.msk [tilespmem:v50+s25+$0x0], $0xffff;
	v9 =	vmul.f32 $5.000000000e-01, v61;
	(erf) = vrcp.f32 v14;
	vm0 =	vlt.f32 v53, v48  }
0x4fb: {  	v14 =	vld.idx.msk [tilespmem:v62+s25+$0x0], $0xffff;
	v53 =	vmul.f32 v35, v46;
	v62 =	vimm.f32 $2.550000000e+02;
	v47 =	vsel vm0, $0x1, v7  }
0x4fc: {  	v51 =	vld.idx.msk [tilespmem:v17+s23+$0x0], $0xffff;
	vm0 =	veq.s32 v0, $0x0;
	v0 =	vsub.f32 v59, v11;
	v11 =	vmul.f32 v11, v11  }
0x4fd: {  	v44 =	vsel vm1, $0x43700000, v62;
	v10 =	vsel vm0, $0x0, v58;
	v15 =	vadd.s32 v47, v15  }
0x4fe: {  	v63 =	vpop (erf);
	v52 =	vsel vm0, $0x0, v20;
	vm0 =	veq.s32 v13, $0x0;
	v44 =	vsel vm3, $0x43710000, v44  }
0x4ff: {  	v0 =	vmul.f32 v12, v0;
	v10 =	vsub.f32 v55, v10;
	v50 =	vmul.f32 v63, v19  }
0x500: {  	v13 =	vld.idx.msk [tilespmem:v13+s12+$0x0], $0xffff;
	v11 =	vsub.f32 v49, v11;
	v61 =	vmax.u32 v15, $0x1;
	v44 =	vsel vm4, $0x43720000, v44  }
0x501: {  	v60 =	vld.idx.msk [tilespmem:v17+s24+$0x0], $0xffff;
	v58 =	vsel vm0, $0x0, v51;
	v17 =	vsub.s32 v61, v8;
	v51 =	vmul.f32 v38, v46  }
0x502: {  	v44 =	vsel vm5, $0x43730000, v44;
	v18 =	vmul.f32 v10, v63;
	v16 =	vmul.f32 v10, v50  }
0x503: {  	v9 =	vmul.f32 v10, v9;
	v0 =	vadd.f32 v0, v1;
	v1 =	vmul.f32 v54, v11;
	v20 =	vld.idx.msk [tilespmem:v15+s25+$0x0], $0xffff  }
0x504: {  	v47 =	vsel vm8, $0x43740000, v44;
	v10 =	vsub.f32 $1.000000000e+00, v18;
	v12 =	vadd.f32 v16, v52  }
0x505: {  	v18 =	vsub.f32 v56, v58;
	v13 =	vmul.f32 $5.000000000e-01, v13;
	v52 =	vmul.f32 v39, v46  }
0x506: {  	v16 =	vadd.f32 v57, v45;
	v57 =	vmul.f32 v40, v46;
	v9 =	vmul.f32 v10, v9;
	v59 =	vpop (erf)  }
0x507: {  	v10 =	vadd.f32 v53, v45;
	v13 =	vmul.f32 v18, v13;
	v14 =	vmul.f32 v59, v14  }
0x508: {  	v19 =	vmul.f32 v18, v59;
	v9 =	vsub.f32 v12, v9;
	v20 =	vmax.f32 v20, $1.000000000e+00  }
0x509: {  	v11 =	vsub.f32 v10, v16;
	(erf) = vrcp.f32 v20;
	v20 =	vadd.s32 $0x800, v15  }
0x50a: {  	v1 =	vadd.f32 v1, v6;
	v16 =	vmul.f32 v16, v16;
	v10 =	vmul.f32 v10, v10  }
0x50b: {  	v49 =	vld.idx.msk [tilespmem:v17+s23+$0x0], $0xffff;
	v12 =	vsel vm7, $0x43750000, v47;
	v14 =	vmul.f32 v18, v14;
	v9 =	vmul.f32 v9, v11  }
0x50c: {  	v50 =	vld.idx.msk [tilespmem:v15+s12+$0x0], $0xffff;
	v63 =	vsub.f32 $1.000000000e+00, v19;
	v12 =	vsel vm9, $0x43760000, v12;
	v11 =	vsel vm0, $0x0, v60  }
0x50d: {  	vm0 =	vcmask $0x2320;
	v0 =	vadd.f32 v9, v0;
	v9 =	vsel vm6, $0x43770000, v12  }
0x50e: {  	v18 =	vadd.f32 v57, v45;
	v10 =	vsub.f32 v10, v16;
	v9 =	vsel vm0, $0x43780000, v9;
	v6 =	vld.idx.msk [tilespmem:v20+s25+$0x0], $0xffff  }
0x50f: {  	v11 =	vadd.f32 v14, v11;
	vm0 =	veq.s32 v15, $0x0;
	v9 =	vsel vm11, $0x43790000, v9  }
0x510: {  	v13 =	vmul.f32 v63, v13;
	v14 =	vsel vm0, $0x0, v49;
	v9 =	vsel vm12, $0x437A0000, v9  }
0x511: {  	v53 =	vld.idx.msk [tilespmem:v17+s24+$0x0], $0xffff;
	v12 =	vmul.f32 $5.000000000e-01, v50;
	v14 =	vsub.f32 v48, v14;
	v9 =	vsel vm13, $0x437B0000, v9  }
0x512: {  	v11 =	vsub.f32 v11, v13;
	v13 =	vadd.f32 v51, v45;
	v9 =	vsel vm14, $0x437C0000, v9;
	v54 =	vpop (erf)  }
0x513: {  	v9 =	vsel vm2, $0x437D0000, v9;
	v6 =	vmul.f32 v54, v6;
	v17 =	vmul.f32 v14, v54  }
0x514: {  	v15 =	vadd.f32 v52, v45;
	v12 =	vmul.f32 v14, v12;
	v9 =	vsel vm10, $0x437E0000, v9  }
0x515: {  	v9 =	vmul.f32 v9, v46;
	v6 =	vmul.f32 v14, v6;
	v58 =	vsub.f32 $1.000000000e+00, v17  }
0x516: {  	v16 =	vsel vm0, $0x0, v53;
	v59 =	vsub.f32 v13, v15;
	v60 =	vmul.f32 v15, v15  }
0x517: {  	v9 =	vadd.f32 v9, v45;
	v6 =	vadd.f32 v6, v16;
	v12 =	vmul.f32 v58, v12  }
0x518: {  	v61 =	vsel vm15, $0x0, v18;
	v13 =	vmul.f32 v13, v13;
	v11 =	vmul.f32 v11, v59  }
0x519: {  	v10 =	vmul.f32 v55, v10;
	v62 =	vsub.f32 v9, v61;
	v6 =	vsub.f32 v6, v12  }
0x51a: {  	v13 =	vsub.f32 v13, v60;
	v0 =	vadd.f32 v11, v0;
	v11 =	vmul.f32 v61, v61  }
0x51b: {  	v63 =	vadd.f32 v41, v42;
	v9 =	vmul.f32 v9, v9;
	v6 =	vmul.f32 v6, v62  }
0x51c: {  	v1 =	vadd.f32 v10, v1;
	v10 =	vmul.f32 v56, v13;
	v11 =	vsel vm15, $0x0, v11  }
0x51d: {  	v0 =	vadd.f32 v6, v0;
	v6 =	vsub.f32 v9, v11  }
0x51e: {  	v1 =	vadd.f32 v10, v1  }
0x51f: {  	v9 =	vadd.f32 v63, v43;
	v6 =	vmul.f32 v48, v6;
	v0 =	vadd.f32 v0, v0;
	_ =	sdelay $0x1  }
0x520: {  	v1 =	vadd.f32 v6, v1;
	v0 =	vsub.f32 v9, v0;
	_ =	sdelay $0x1  }
0x521: {  	s29 =	sadd.s32 $0x1, s29;
	v0 =	vadd.f32 v0, v1  }
0x522: {  	p0 =	sne.s32 s29, $0x6  }
.Ltmp15:
0x523: {  	s31 =	sadd.s32 s9, s30;
	s1 =	simm.s32 $0x1AA00;
	[tilespmem:$0x1AA00] =	vst v0;
	(pc) =	sbr.rel @p0 .LBB2_2-.Ltmp15, $4  }
0x524: {  	[hbm4b:s31+s2] =	stream.linear.scatter [tilespmem:s1], [sflag:$0x5], $0x80, $0x38;
	[tilespmem:$0x1AA80] =	vst v63  }
0x525: {  	_ =	swait.ge [sflag:s13], $0x80  }
0x526: {  	[sflag:s13] =	ssyncset.done $0x0  }
0x527: {  	[sflag:s13] =	ssyncadd.s32 $0xFFFFFF80  }
0x528: {  	s1 =	rddreg [dreg:$0x6]  }
0x529: {  	s0 =	rddreg [dreg:$0x5];
	s1 =	sadd.s32 $0x1, s1  }
0x52a: {  	p0 =	sne.s32 s1, s0  }
.Ltmp16:
0x52b: {  	_ = 	snop;
	(pc) =	sbr.rel @p0 .LBB2_1-.Ltmp16, $1  }
0x52c: {  	_ =	sdelay $0x3  }
0x52d: {  	_ =	sfence.sel $0x180000  }
0x52e: {  	[bflag:$0x0] =	sbarrier.arrive $0xFFFF  }
0x52f: {  	_ =	strace $0x9000004A  }
0x530: {  	s0 =	stileid.u32;
	[bflag:$0x2] =	sbarrier.arrive $0xFFFF  }
0x531: {  	p0 =	sne.s32 s0, $0x0;
	s0 =	rddreg [dreg:$0x2]  }
0x532: {  	s0 =	sadd.s32 @!p0 $0x100000, s0  }
0x533: {  	[sflag:s0] =	ssyncadd.tile.s32 @!p0 $0x1;
	_ =	shalt  }
.Lfunc_end2:
_tile_overlayer_lowered:
.L_overlay_start_2:
0x534: {  	(tag) =	ssettag $0x2  }
0x535: {  	s0 =	rddreg [dreg:$0x0];
	s2 =	stileid.u32  }
0x536: {  	s1 =	rddreg [dreg:$0x1];
	p0 =	sne.s32 s2, $0x0  }
0x537: {  	s3 =	rddreg [dreg:$0x2];
	[bflag:$0x3] =	sbarrier.arrive $0xFFFF;
	s2 =	simm.s32 @!p0 $0x1C05  }
0x538: {  	[timem:s3], [sflag:s2] =	dma.local @!p0 [hbm:s0], s1  }
0x539: {  	s0 =	simm.s32 @!p0 $0x5  }
0x53a: {  	_ =	swait.ge @!p0 [sflag:s0], s1  }
0x53b: {  	s1 =	ssub.s32 @!p0 $0x0, s1;
	[sflag:s0] =	ssyncset.done @!p0 $0x0  }
0x53c: {  	[sflag:s0] =	ssyncadd.s32 @!p0 s1  }
0x53d: {  	[bflag:$0x3] =	sbarrier.arrive $0xFFFF  }
0x53e: {  	_ =	shalt  }

// kernel: sparse-core-data-format-call.cloned.1.call-start
scs
called_computation_lowered:
.L_overlay_start_0:
0x0: {  	s2 =	sld [smem:$0x3FD9]  }
0x1: {  	s3 =	sld [smem:$0x3FFE];
	_ =	sdelay $0x1  }
0x2: {  	s1 =	srdreg.scid  }
0x3: {  	s0 =	sand.u32 $0x1, s1  }
0x4: {  	s18 =	sshll.u32 s0, $0xA;
	s2 =	sadd.s32 s3, s2  }
0x5: {  	s2 =	sadd.s32 s2, s18  }
0x6: {  	[smem:$0x3FC3] =	sst s2  }
0x7: {  	_ = 	snop  }
0x8: {  	s2 =	sld [smem:$0x3FC9];
	(tm) =	ssettm $0x1  }
0x9: {  	s19 =	sld [smem:$0x3FFB];
	_ =	sdelay $0x3  }
0xa: {  	_ =	strace s19  }
0xb: {  	s3 =	sld [smem:$0x3FFC];
	_ =	sdelay $0x3  }
0xc: {  	_ =	strace s3  }
0xd: {  	s3 =	sld [smem:$0x3FFD];
	_ =	sdelay $0x3  }
0xe: {  	_ =	strace s3  }
0xf: {  	_ =	strace $0x8FFFFFFF  }
0x10: {  	s20 =	sld [smem:$0x3FDB];
	_ =	sdelay $0x1  }
0x11: {  	s4 =	simm.s32 $_scs_section_size  }
0x12: {  	s5 =	simm.s32 $_size__tile_overlayer_lowered;
	s6 =	simm.s32 $_tile_overlayer_lowered  }
0x13: {  	s23 =	simm.s32 $0x1BFF;
	s22 =	sshll.u32 s6, $0x1;
	s3 =	sadd.s32 s4, s20  }
0x14: {  	s7 =	simm.s32 $0x0;
	s21 =	sshll.u32 s5, $0x1;
	s5 =	sadd.s32 s22, s3  }
0x15: {  	[timem:s7], [sflag:s23] =	dma.local [hbm:s5], s21  }
0x16: {  	_ =	swait.ge [sflag:s23], s21  }
0x17: {  	s4 =	ssub.s32 $0x0, s21;
	[sflag:s23] =	ssyncset.done $0x0  }
0x18: {  	[sflag:s23] =	ssyncadd.s32 s4;
	_ =	sdelay $0x1  }
0x19: {  	s24 =	simm.s32 $0x1B8B  }
0x1a: {  	_ =	swait.ge [sflag:s24], $0x1  }
0x1b: {  	[sflag:s24] =	ssyncset.done $0x0  }
0x1c: {  	s26 =	simm.s32 $0x1B8E;
	s25 =	sld [smem:$0x3FFE];
	[sflag:s24] =	ssyncadd.s32 $0xFFFFFFFF  }
0x1d: {  	s27 =	simm.s32 $execute0_lowered;
	[smem:$0x3FD2] =	sst s26  }
0x1e: {  	s5 =	sshll.u32 s27, $0x1;
	_ =	strace $0x80000046;
	[dreg:$0x1] =	wrdreg $0xFFFFFFFF  }
0x1f: {  	s28 =	simm.s32 $_size_execute0_lowered;
	s3 =	sadd.s32 s3, s5;
	[dreg:$0x0] =	wrdreg $0x0  }
0x20: {  	s5 =	sshll.u32 s28, $0x1;
	[dreg:$0x2] =	wrdreg s3  }
0x21: {  	[dreg:$0x3] =	wrdreg s5  }
0x22: {  	[dreg:$0x4] =	wrdreg $0xC0  }
0x23: {  	_ =	task [dreg:s7], $0x5FFFF  }
0x24: {  	[dreg:$0x1] =	wrdreg $0xFFFFFFFF  }
0x25: {  	[dreg:$0x0] =	wrdreg $0x60  }
0x26: {  	[dreg:$0x2] =	wrdreg s2  }
0x27: {  	[dreg:$0x3] =	wrdreg s25  }
0x28: {  	[dreg:$0x4] =	wrdreg $0x9  }
0x29: {  	_ =	task.clear_ibuf [dreg:s7], $0x5FFFF;
	_ =	strace $0x90000046  }
0x2a: {  	s29 =	simm.s32 $0x9;
	_ =	strace $0x80000048  }
0x2b: {  	_ =	swait.ge [sflag:s29], $0x1  }
0x2c: {  	[sflag:s29] =	ssyncadd.s32 $0xFFFFFFFF  }
0x2d: {  	_ =	strace $0x90000048  }
0x2e: {  	_ =	sfence  }
0x2f: {  	s30 =	sld [smem:$0x0];
	_ =	sdelay $0x2  }
0x30: {  	s31 =	sshll.u32 s1, $0xD;
	s1 =	sshrl.u32 s1, $0x2  }
0x31: {  	s3 =	sand.u32 $0x4000, s31;
	s1 =	sadd.s32 s1, s30  }
0x32: {  	s0 =	sor.u32 s3, s0;
	s1 =	sshll.u32 s1, $0x11  }
0x33: {  	s0 =	sor.u32 s1, s0  }
0x34: {  	s0 =	sadd.s32 $0x8F2B, s0  }
0x35: {  	[sflag:s0] =	ssyncadd.remote.s32 $0x1  }
0x36: {  	_ =	sfence.sel $0xFFFF  }
0x37: {  	[dreg:$0x0] =	wrdreg $0xFFFFFFFF;
	(pc) =	sbr.abs _section_cstart, $3  }
0x38: {  	[dreg:$0x1] =	wrdreg $0xFFFFFFFF  }
0x39: {  	_ =	task.clear_ibuf [dreg:s7], $0x2FFFF;
	_ =	strace $0x9FFFFFFF  }
0x3a: {  	(tm) =	ssettm $0x7FFFFFFF  }
0x3b: {  	_ =	shalt  }
tec
execute0_lowered:
.L_overlay_start_1:
0x0: {  	(tag) =	ssettag $0x1  }
0x1: {  	s0 =	stileid.u32;
	s3 =	rddreg [dreg:$0x0]  }
0x2: {  	s1 =	srdreg.scid;
	s6 =	rddreg [dreg:$0x1]  }
0x3: {  	s8 =	simm.s32 $0x2;
	s2 =	sshll.u32 s0, $0x4;
	s1 =	sshll.u32 s1, $0x8  }
0x4: {  	s16 =	simm.s32 $0x0;
	s9 =	simm.s32 $0x1000;
	s1 =	sor.u32 s2, s1  }
0x5: {  	s10 =	simm.s32 $0x0;
	s17 =	simm.s32 $0x0;
	s2 =	sand.u32 $0x180, s1  }
0x6: {  	s19 =	simm.s32 $0x0;
	s18 =	simm.s32 $0x0;
	s1 =	ssub.s32 $0x200, s2  }
0x7: {  	s11 =	simm.s32 $0x0;
	s14 =	simm.s32 $0x0;
	s4 =	sand.u32 $0x180, s1  }
0x8: {  	s15 =	simm.s32 $0x0;
	p0 =	sne.s32 s4, $0x0;
	s4 =	simm.s32 $0x1  }
.Ltmp0:
0x9: {  	s5 =	sshrl.u32 s1, $0x9;
	s4 =	simm.s32 @!p0 $0x0;
	(pc) =	sbr.rel .LBB1_1-.Ltmp0, $4  }
0xa: {  	s7 =	sand.u32 $0x7, s0;
	s1 =	rddreg [dreg:$0x2];
	s5 =	sadd.s32 s4, s5  }
0xb: {  	_ =	strace $0x80000047;
	s4 =	simm.s32 $0x1;
	s5 =	smul.u32 $0x30, s5  }
0xc: {  	s6 =	sadd.s32 $0xC00, s6;
	s13 =	smov.u32 s7;
	[sflag:s4] =	ssyncpa.u1 $0x0  }
0xd: {  	s12 =	smov.u32 s2;
	[sflag:s8] =	ssyncpa.u1 $0x0;
	s8 =	sor.u32 $0x1, s5  }
.LBB1_4:
0xe: {  	_ =	sdelay $0x3  }
0xf: {  	[tilespmem:v0+s22+$0xFFFFFFA0 ss:$0x1] =	vst.idx.msk $0xffff, v6  }
0x10: {  	v56 =	vld.idx.msk [tilespmem:v1+s21+$0x30 ss:$0x1], $0xffff;
	[tilespmem:v0+s22+$0xFFFFFFB0 ss:$0x1] =	vst.idx.msk $0xffff, v4  }
0x11: {  	v57 =	vld.idx.msk [tilespmem:v1+s21+$0xFFFFFFC0 ss:$0x1], $0xffff;
	[tilespmem:v0+s22+$0xFFFFFFC0 ss:$0x1] =	vst.idx.msk $0xffff, v2  }
0x12: {  	v58 =	vld.idx.msk [tilespmem:v1+s21+$0xFFFFFFD0 ss:$0x1], $0xffff;
	[tilespmem:v0+s22+$0xFFFFFFD0 ss:$0x1] =	vst.idx.msk $0xffff, v3  }
0x13: {  	v59 =	vld.idx.msk [tilespmem:v1+s21+$0xFFFFFFE0 ss:$0x1], $0xffff;
	[tilespmem:v0+s22+$0xFFFFFFE0 ss:$0x1] =	vst.idx.msk $0xffff, v5  }
0x14: {  	v60 =	vld.idx.msk [tilespmem:v1+s21+$0xFFFFFFF0 ss:$0x1], $0xffff;
	[tilespmem:v0+s22+$0xFFFFFFF0 ss:$0x1] =	vst.idx.msk $0xffff, v7  }
0x15: {  	v61 =	vld.idx.msk [tilespmem:v1+s21+$0x0 ss:$0x1], $0xffff;
	[tilespmem:v0+s21+$0x0 ss:$0x1] =	vst.idx.msk $0xffff, v56  }
0x16: {  	v62 =	vld.idx.msk [tilespmem:v1+s21+$0x10 ss:$0x1], $0xffff;
	[tilespmem:v0+s21+$0xFFFFFF90 ss:$0x1] =	vst.idx.msk $0xffff, v57  }
0x17: {  	s19 =	sshll.u32 s19, $0x7;
	v63 =	vld.idx.msk [tilespmem:v1+s21+$0x20 ss:$0x1], $0xffff;
	s29 =	sand.u32 $0x78, s16;
	[tilespmem:v0+s21+$0xFFFFFFA0 ss:$0x1] =	vst.idx.msk $0xffff, v58  }
0x18: {  	s30 =	sshll.u32 s16, $0x3;
	s18 =	sshll.u32 s18, $0x12;
	s19 =	sand.u32 $0x380, s19;
	[tilespmem:v0+s21+$0xFFFFFFB0 ss:$0x1] =	vst.idx.msk $0xffff, v59  }
0x19: {  	s17 =	sshll.u32 s17, $0x9;
	s22 =	sand.u32 $0xC00, s30;
	s19 =	sor.u32 s29, s19;
	[tilespmem:v0+s21+$0xFFFFFFC0 ss:$0x1] =	vst.idx.msk $0xffff, v60  }
0x1a: {  	s31 =	sand.u32 $0x7, s16;
	s18 =	sadd.s32 s6, s18;
	s19 =	sor.u32 s22, s19;
	[tilespmem:v0+s21+$0xFFFFFFD0 ss:$0x1] =	vst.idx.msk $0xffff, v61  }
0x1b: {  	s16 =	sshll.u32 s31, $0x12;
	s17 =	sadd.s32 s17, s18;
	s19 =	sshrl.u32 s19, $0x3;
	[tilespmem:v0+s21+$0xFFFFFFE0 ss:$0x1] =	vst.idx.msk $0xffff, v62  }
0x1c: {  	s16 =	sor.u32 $0x80, s16;
	[tilespmem:v0+s21+$0xFFFFFFF0 ss:$0x1] =	vst.idx.msk $0xffff, v63;
	s17 =	sadd.s32 s19, s17  }
0x1d: {  	[hbm4b:s17+s16] =	stream.strided.scatter [tilespmem:s20], [sflag:$0x2], $0x4000, s9, s16, $0x38;
	[tilespmem:$0x10000] =	vst v63  }
.LBB1_5:
0x1e: {  	s20 =	sadd.s32 $0x80, s11  }
0x1f: {  	s16 =	sadd.s32 $0x200, s12;
	s21 =	smov.u32 s12;
	p1 =	sgt.s32 s20, $0x1FF  }
0x20: {  	s21 =	smov.u32 @p1 s16  }
0x21: {  	s22 =	smov.u32 s13;
	s16 =	sadd.s32 $0x8, s13;
	p2 =	sgt.s32 s21, $0x1FF  }
0x22: {  	s22 =	smov.u32 @p2 s16  }
0x23: {  	s16 =	simm.s32 $0x1;
	p3 =	sgt.s32 s22, $0x7  }
0x24: {  	s16 =	simm.s32 @!p3 $0x0  }
0x25: {  	p0 =	slt.u32 s15, $0x2;
	s24 =	sadd.s32 s16, s14  }
0x26: {  	s17 =	smov.u32 s12;
	s20 =	simm.s32 @p1 $0x0;
	p1 =	sgt.s32 s24, $0xB  }
0x27: {  	s23 =	simm.s32 @!p0 $0x2;
	s24 =	simm.s32 @p1 $0x0;
	p1 =	sne.s32 s15, s8  }
.Ltmp1:
0x28: {  	s19 =	smov.u32 s13;
	_ =	swait.ge @!p0 [sflag:s23], $0x4000;
	(pc) =	sbr.rel @!p1 .LBB1_6-.Ltmp1, $4  }
0x29: {  	s18 =	smov.u32 s14;
	[sflag:s23] =	ssyncset.done @!p0 $0x0;
	s21 =	smov.u32 @p2 s2  }
0x2a: {  	s10 =	sadd.s32 $0x4000, s10;
	[sflag:s23] =	ssyncadd.s32 @!p0 $0xFFFFC000;
	s12 =	smov.u32 s21  }
0x2b: {  	s22 =	smov.u32 @p3 s7;
	s16 =	smov.u32 s11;
	s11 =	smov.u32 s20  }
0x2c: {  	s13 =	smov.u32 s22;
	s15 =	sadd.s32 $0x1, s15;
	s14 =	smov.u32 s24  }
.LBB1_1:
0x2d: {  	p0 =	sge.u32 s15, s5;
	s31 =	sadd.s32 $0xFFFFFFFF, s15  }
0x2e: {  	s20 =	sxor.u32 @!p0 $0xFFFFFFFF, s15;
	s21 =	sand.u32 @!p0 $0x78, s11;
	s22 =	sshll.u32 @!p0 s12, $0x9  }
0x2f: {  	s23 =	sshll.u32 @!p0 s11, $0x3;
	s24 =	sshll.u32 @!p0 s12, $0x7;
	s20 =	sshll.u32 @!p0 s20, $0xE  }
0x30: {  	s22 =	sand.u32 @!p0 $0x3F000, s22;
	s23 =	sand.u32 @!p0 $0x3FC00, s23;
	s20 =	sand.u32 @!p0 $0x4000, s20  }
0x31: {  	s22 =	sadd.s32 @!p0 s22, s23;
	s23 =	sand.u32 @!p0 $0x200, s24;
	s24 =	sand.u32 @!p0 $0x180, s24  }
0x32: {  	s22 =	sor.u32 @!p0 s23, s22;
	s21 =	sor.u32 @!p0 s21, s24;
	s23 =	sshll.u32 @!p0 s14, $0x12  }
0x33: {  	s24 =	sshll.u32 @!p0 s13, $0xF;
	s22 =	sshrl.u32 @!p0 s22, $0x3;
	s23 =	sadd.s32 @!p0 s3, s23  }
0x34: {  	s21 =	sshrl.u32 @!p0 s21, $0x3;
	s23 =	sadd.s32 @!p0 s24, s23;
	s24 =	sand.u32 @!p0 $0x7, s11  }
0x35: {  	s22 =	sand.u32 @!p0 $0x7FC0, s22;
	s21 =	sadd.s32 @!p0 s21, s23;
	s23 =	sshll.u32 @!p0 s24, $0x12  }
0x36: {  	s21 =	sadd.s32 @!p0 s22, s21;
	s22 =	sor.u32 @!p0 $0x400, s23;
	s23 =	simm.s32 @!p0 $0x1000  }
0x37: {  	[tilespmem:s20], [sflag:$0x1] =	stream.strided.gather @!p0 [hbm4b:s21+s22], $0x4000, s23, s22, $0x38;
	[tilespmem:$0x10000] =	vst v63  }
0x38: {  	p0 =	sge.u32 s31, s5  }
.Ltmp2:
0x39: {  	_ = 	snop;
	(pc) =	sbr.rel @p0 .LBB1_5-.Ltmp2, $1  }
0x3a: {  	_ =	sdelay $0x3  }
0x3b: {  	s20 =	sand.u32 $0x4000, s10  }
0x3c: {  	s21 =	sor.u32 $0x40, s20  }
0x3d: {  	v1 =	vmov s21;
	_ =	sdelay $0x1  }
0x3e: {  	_ =	swait.ge [sflag:s4], $0x4000  }
0x3f: {  	[sflag:s4] =	ssyncset.done $0x0  }
0x40: {  	s22 =	simm.s32 $0x0;
	[sflag:s4] =	ssyncadd.s32 $0xFFFFC000  }
0x41: {  	s20 =	sor.u32 $0x8070, s20;
	v7 =	vld.idx.msk [tilespmem:v1+s22+$0x30 ss:$0x1], $0xffff  }
0x42: {  	v0 =	vmov s20;
	v8 =	vld.idx.msk [tilespmem:v1+s22+$0xFFFFFFC0 ss:$0x1], $0xffff  }
0x43: {  	v6 =	vld.idx.msk [tilespmem:v1+s22+$0xFFFFFFD0 ss:$0x1], $0xffff  }
0x44: {  	v4 =	vld.idx.msk [tilespmem:v1+s22+$0xFFFFFFE0 ss:$0x1], $0xffff  }
0x45: {  	v2 =	vld.idx.msk [tilespmem:v1+s22+$0xFFFFFFF0 ss:$0x1], $0xffff  }
0x46: {  	s31 =	sshll.u32 s15, $0xE;
	v3 =	vld.idx.msk [tilespmem:v1+s22+$0x0 ss:$0x1], $0xffff  }
0x47: {  	s20 =	sand.u32 $0x4000, s31;
	v5 =	vld.idx.msk [tilespmem:v1+s22+$0x10 ss:$0x1], $0xffff;
	[tilespmem:v0+s22+$0x0 ss:$0x1] =	vst.idx.msk $0xffff, v7  }
0x48: {  	s23 =	simm.s32 $0x400;
	s21 =	simm.s32 $0x80;
	s20 =	sor.u32 $0x8000, s20;
	[tilespmem:v0+s22+$0xFFFFFF90 ss:$0x1] =	vst.idx.msk $0xffff, v8;
	v7 =	vld.idx.msk [tilespmem:v1+s22+$0x20 ss:$0x1], $0xffff  }
.LBB1_3:
0x49: {  	p0 =	sne.s32 s23, $0xFE00;
	v8 =	vld.idx.msk [tilespmem:v1+s21+$0x30 ss:$0x1], $0xffff;
	[tilespmem:v0+s22+$0xFFFFFFA0 ss:$0x1] =	vst.idx.msk $0xffff, v6  }
0x4a: {  	v9 =	vld.idx.msk [tilespmem:v1+s21+$0xFFFFFFC0 ss:$0x1], $0xffff;
	[tilespmem:v0+s22+$0xFFFFFFB0 ss:$0x1] =	vst.idx.msk $0xffff, v4  }
0x4b: {  	v6 =	vld.idx.msk [tilespmem:v1+s21+$0xFFFFFFD0 ss:$0x1], $0xffff;
	[tilespmem:v0+s22+$0xFFFFFFC0 ss:$0x1] =	vst.idx.msk $0xffff, v2  }
.Ltmp3:
0x4c: {  	v4 =	vld.idx.msk [tilespmem:v1+s21+$0xFFFFFFE0 ss:$0x1], $0xffff;
	[tilespmem:v0+s22+$0xFFFFFFD0 ss:$0x1] =	vst.idx.msk $0xffff, v3;
	(pc) =	sbr.rel @p0 .LBB1_3-.Ltmp3, $4  }
0x4d: {  	v2 =	vld.idx.msk [tilespmem:v1+s21+$0xFFFFFFF0 ss:$0x1], $0xffff;
	[tilespmem:v0+s22+$0xFFFFFFE0 ss:$0x1] =	vst.idx.msk $0xffff, v5  }
0x4e: {  	v3 =	vld.idx.msk [tilespmem:v1+s21+$0x0 ss:$0x1], $0xffff;
	[tilespmem:v0+s22+$0xFFFFFFF0 ss:$0x1] =	vst.idx.msk $0xffff, v7;
	s22 =	smov.u32 s21  }
0x4f: {  	v5 =	vld.idx.msk [tilespmem:v1+s22+$0x10 ss:$0x1], $0xffff;
	[tilespmem:v0+s22+$0x0 ss:$0x1] =	vst.idx.msk $0xffff, v8  }
0x50: {  	s21 =	sshra.s32 s23, $0x2;
	s23 =	sadd.s32 $0x200, s23;
	[tilespmem:v0+s22+$0xFFFFFF90 ss:$0x1] =	vst.idx.msk $0xffff, v9;
	v7 =	vld.idx.msk [tilespmem:v1+s22+$0x20 ss:$0x1], $0xffff  }
.Ltmp4:
0x51: {  	_ = 	snop;
	(pc) =	sbr.rel .LBB1_4-.Ltmp4, $1  }
0x52: {  	_ =	sdelay $0x3  }
.LBB1_6:
0x53: {  	_ =	sfence.sel $0x180000  }
0x54: {  	s2 =	simm.s32 $0x1;
	[bflag:$0x0] =	sbarrier.arrive $0xFFFF  }
0x55: {  	s31 =	simm.s32 $0x2;
	[sflag:s2] =	ssyncpa.u1 $0x1  }
0x56: {  	[sflag:s31] =	ssyncpa.u1 $0x1  }
0x57: {  	p0 =	sne.s32 s0, $0x0;
	_ =	strace $0x90000047  }
0x58: {  	s0 =	sadd.s32 @!p0 $0x100000, s1;
	[bflag:$0x2] =	sbarrier.arrive $0xFFFF  }
0x59: {  	[sflag:s0] =	ssyncadd.tile.s32 @!p0 $0x1;
	_ =	shalt  }
.Lfunc_end1:
_tile_overlayer_lowered:
.L_overlay_start_2:
0x5a: {  	(tag) =	ssettag $0x2  }
0x5b: {  	s0 =	rddreg [dreg:$0x0];
	s2 =	stileid.u32  }
0x5c: {  	s1 =	rddreg [dreg:$0x1];
	p0 =	sne.s32 s2, $0x0  }
0x5d: {  	s3 =	rddreg [dreg:$0x2];
	[bflag:$0x3] =	sbarrier.arrive $0xFFFF;
	s2 =	simm.s32 @!p0 $0x1C01  }
0x5e: {  	[timem:s3], [sflag:s2] =	dma.local @!p0 [hbm:s0], s1  }
0x5f: {  	s0 =	simm.s32 @!p0 $0x1  }
0x60: {  	_ =	swait.ge @!p0 [sflag:s0], s1  }
0x61: {  	s1 =	ssub.s32 @!p0 $0x0, s1;
	[sflag:s0] =	ssyncset.done @!p0 $0x0  }
0x62: {  	[sflag:s0] =	ssyncadd.s32 @!p0 s1  }
0x63: {  	[bflag:$0x3] =	sbarrier.arrive $0xFFFF  }
0x64: {  	_ =	shalt  }

</sc_bundles>
